<compile_context>
chip_gen: v7x
topology: tpu7x:2x2x1
jax: 0.10.2.dev20260603
libtpu: 0.0.44.dev20260713+nightly
codegen_flags: <defaults>
</compile_context>

<pallas_src>
import functools

import jax
import jax.numpy as jnp
from jax import lax
from jax.experimental import pallas as pl
from jax.experimental.pallas import tpu as pltpu
from jax.experimental.pallas import tpu_sc as plsc

N_CORES = 2
N_SUBCORES = 16
NW = N_CORES * N_SUBCORES
LANES = 16
K = 64
KD = 128
NBUF = 4
NIDX = 8
BR = 1024


def _sc_mesh():
    return plsc.VectorSubcoreMesh(core_axis_name="c", subcore_axis_name="s")


def _make_deg_kernel(e_pad, n_pad):
    cpt = e_pad // (NW * KD)
    rows_per_tile = n_pad // N_SUBCORES

    @functools.partial(
        pl.kernel,
        out_type=jax.ShapeDtypeStruct((N_CORES, n_pad), jnp.float32),
        mesh=_sc_mesh(),
        compiler_params=pltpu.CompilerParams(needs_layout_passes=False),
        scratch_types=(
            [pltpu.VMEM((KD,), jnp.int32) for _ in range(NBUF)]
            + [pltpu.VMEM((KD,), jnp.float32) for _ in range(NBUF)]
            + [pltpu.VMEM((rows_per_tile,), jnp.float32)]
            + [pltpu.SemaphoreType.DMA for _ in range(2 * NBUF)]
            + [pltpu.VMEM_SHARED((n_pad,), jnp.float32)]
        ),
    )
    def deg_kernel(col_hbm, ew_hbm, deg_hbm, *refs):
        colb = refs[0:NBUF]
        ewb = refs[NBUF:2 * NBUF]
        zbuf = refs[2 * NBUF]
        isem = refs[2 * NBUF + 1:2 * NBUF + 1 + NBUF]
        ssem = refs[2 * NBUF + 1 + NBUF:2 * NBUF + 1 + 2 * NBUF]
        acc = refs[2 * NBUF + 1 + 2 * NBUF]

        c_ax = lax.axis_index("c")
        s_ax = lax.axis_index("s")
        wid = c_ax * N_SUBCORES + s_ax
        tile_base = wid * cpt * KD

        @pl.loop(0, rows_per_tile // LANES)
        def _zero(i):
            zbuf[pl.ds(i * LANES, LANES)] = jnp.zeros((LANES,), jnp.float32)

        pltpu.sync_copy(zbuf, acc.at[pl.ds(s_ax * rows_per_tile, rows_per_tile)])
        plsc.subcore_barrier()

        def issue_idx(ch, b):
            base = tile_base + ch * KD
            pltpu.async_copy(col_hbm.at[pl.ds(base, KD)], colb[b], isem[b])
            pltpu.async_copy(ew_hbm.at[pl.ds(base, KD)], ewb[b], isem[b])

        def wait_idx(b):
            pltpu.make_async_copy(col_hbm.at[pl.ds(0, KD)], colb[b], isem[b]).wait()
            pltpu.make_async_copy(ew_hbm.at[pl.ds(0, KD)], ewb[b], isem[b]).wait()

        def wait_scat(b):
            pltpu.make_async_copy(ewb[b], acc.at[colb[b]], ssem[b]).wait()

        issue_idx(0, 0)
        issue_idx(1, 1)

        @pl.loop(0, cpt, step=NBUF)
        def _main(g):
            for b in range(NBUF):
                ch = g + b
                t = (b + 2) % NBUF

                @pl.when(ch + 2 < cpt)
                def _prep():
                    @pl.when(ch >= 2)
                    def _drain():
                        wait_scat(t)
                    issue_idx(ch + 2, t)

                wait_idx(b)
                pltpu.async_copy(ewb[b], acc.at[colb[b]], ssem[b], add=True)

        for b in range(NBUF):
            wait_scat(b)

        plsc.subcore_barrier()
        pltpu.sync_copy(
            acc.at[pl.ds(s_ax * rows_per_tile, rows_per_tile)],
            deg_hbm.at[c_ax, pl.ds(s_ax * rows_per_tile, rows_per_tile)],
        )

    return deg_kernel


def _make_agg_kernel(e_pad, n_pad, d):
    total_pt = e_pad // (N_SUBCORES * K)
    cpt0 = (total_pt // 2) // NIDX * NIDX
    cpt1 = total_pt - cpt0
    assert cpt1 % NIDX == 0 and cpt1 > 0
    rows_per_tile = n_pad // N_SUBCORES
    groups = d // LANES

    @functools.partial(
        pl.kernel,
        out_type=jax.ShapeDtypeStruct((N_CORES, n_pad, d), jnp.float32),
        mesh=_sc_mesh(),
        compiler_params=pltpu.CompilerParams(needs_layout_passes=False),
        scratch_types=(
            [pltpu.VMEM((K,), jnp.int32) for _ in range(NIDX)]
            + [pltpu.VMEM((K,), jnp.int32) for _ in range(NIDX)]
            + [pltpu.VMEM((K,), jnp.float32) for _ in range(NIDX)]
            + [pltpu.VMEM((K, d), jnp.float32) for _ in range(NBUF)]
            + [pltpu.SemaphoreType.DMA for _ in range(NIDX + 2 * NBUF)]
            + [pltpu.VMEM_SHARED((n_pad, d), jnp.float32)]
        ),
    )
    def agg_kernel(row_hbm, col_hbm, ew_hbm, y_hbm, agg_hbm, *refs):
        rowb = refs[0:NIDX]
        colb = refs[NIDX:2 * NIDX]
        ewb = refs[2 * NIDX:3 * NIDX]
        rows = refs[3 * NIDX:3 * NIDX + NBUF]
        isem = refs[3 * NIDX + NBUF:3 * NIDX + NBUF + NIDX]
        gsem = refs[3 * NIDX + NBUF + NIDX:3 * NIDX + NBUF + NIDX + NBUF]
        ssem = refs[3 * NIDX + NBUF + NIDX + NBUF:
                    3 * NIDX + NBUF + NIDX + 2 * NBUF]
        acc = refs[3 * NIDX + NBUF + NIDX + 2 * NBUF]

        c_ax = lax.axis_index("c")
        s_ax = lax.axis_index("s")
        cpt = jnp.where(c_ax == 0, cpt0, cpt1)
        tile_base = jnp.where(
            c_ax == 0,
            s_ax * (cpt0 * K),
            N_SUBCORES * cpt0 * K + s_ax * (cpt1 * K),
        )

        @pl.loop(0, K)
        def _zero(i):
            for f in range(groups):
                rows[0][i, pl.ds(f * LANES, LANES)] = jnp.zeros(
                    (LANES,), jnp.float32)

        @pl.loop(0, rows_per_tile // K)
        def _zacc(t):
            pltpu.sync_copy(rows[0], acc.at[pl.ds(s_ax * rows_per_tile + t * K, K)])

        plsc.subcore_barrier()

        def issue_idx(ch, b):
            base = tile_base + ch * K
            pltpu.async_copy(row_hbm.at[pl.ds(base, K)], rowb[b], isem[b])
            pltpu.async_copy(col_hbm.at[pl.ds(base, K)], colb[b], isem[b])
            pltpu.async_copy(ew_hbm.at[pl.ds(base, K)], ewb[b], isem[b])

        def wait_idx(b):
            pltpu.make_async_copy(row_hbm.at[pl.ds(0, K)], rowb[b], isem[b]).wait()
            pltpu.make_async_copy(col_hbm.at[pl.ds(0, K)], colb[b], isem[b]).wait()
            pltpu.make_async_copy(ew_hbm.at[pl.ds(0, K)], ewb[b], isem[b]).wait()

        def issue_gather(b8, b4):
            pltpu.async_copy(y_hbm.at[rowb[b8]], rows[b4], gsem[b4])

        def wait_gather(b4):
            pltpu.make_async_copy(
                y_hbm.at[rowb[0]], rows[b4], gsem[b4]).wait()

        def wait_scat(b8, b4):
            pltpu.make_async_copy(rows[b4], acc.at[colb[b8]], ssem[b4]).wait()

        for ch in range(4):
            issue_idx(ch, ch)
        for ch in range(2):
            wait_idx(ch)
            issue_gather(ch, ch)

        @pl.loop(0, cpt, step=NIDX)
        def _main(g):
            for b in range(NIDX):
                ch = g + b
                b4 = b % NBUF
                tg8, tg4 = (b + 2) % NIDX, (b + 2) % NBUF
                ti = (b + 4) % NIDX

                wait_gather(b4)

                @pl.when(ch + 2 < cpt)
                def _prep_gather():
                    @pl.when(ch >= 2)
                    def _drain():
                        wait_scat(tg8, tg4)
                    wait_idx(tg8)
                    issue_gather(tg8, tg4)

                @pl.when(ch + 4 < cpt)
                def _prep_idx():
                    issue_idx(ch + 4, ti)

                @pl.loop(0, K, unroll=2)
                def _scale(j):
                    jv = jnp.broadcast_to(j, (LANES,)).astype(jnp.int32)
                    sv = plsc.load_gather(ewb[b], [jv])
                    for f in range(groups):
                        rows[b4][j, pl.ds(f * LANES, LANES)] = (
                            rows[b4][j, pl.ds(f * LANES, LANES)] * sv
                        )

                pltpu.async_copy(rows[b4], acc.at[colb[b]], ssem[b4], add=True)

        for b in range(NBUF):
            wait_scat(NBUF + b, b)

        plsc.subcore_barrier()
        pltpu.sync_copy(
            acc.at[pl.ds(s_ax * rows_per_tile, rows_per_tile)],
            agg_hbm.at[c_ax, pl.ds(s_ax * rows_per_tile, rows_per_tile)],
        )

    return agg_kernel


def _tc_mm(x_p, W, n_pad, d):
    nb = n_pad // BR

    def body(xb, wb, ob):
        ob[...] = jnp.dot(xb[...], wb[...], preferred_element_type=jnp.float32)

    return pl.pallas_call(
        body,
        grid=(nb,),
        in_specs=[
            pl.BlockSpec((BR, d), lambda i: (i, 0)),
            pl.BlockSpec((d, d), lambda i: (0, 0)),
        ],
        out_specs=pl.BlockSpec((BR, d), lambda i: (i, 0)),
        out_shape=jax.ShapeDtypeStruct((n_pad, d), jnp.float32),
    )(x_p, W)


def _tc_scale(xw, deg_p, n_pad, d):
    nb = n_pad // BR

    def body(xwb, degb, yb, disb):
        dlane = degb[0] + degb[1] + 1.0
        dis = jnp.where(dlane > 0, lax.rsqrt(dlane), 0.0)
        dcol = dis.reshape(BR, 1)
        yb[...] = xwb[...] * dcol
        disb[...] = dcol

    return pl.pallas_call(
        body,
        grid=(nb,),
        in_specs=[
            pl.BlockSpec((BR, d), lambda i: (i, 0)),
            pl.BlockSpec((N_CORES, BR), lambda i: (0, i)),
        ],
        out_specs=[
            pl.BlockSpec((BR, d), lambda i: (i, 0)),
            pl.BlockSpec((BR, 1), lambda i: (i, 0)),
        ],
        out_shape=[
            jax.ShapeDtypeStruct((n_pad, d), jnp.float32),
            jax.ShapeDtypeStruct((n_pad, 1), jnp.float32),
        ],
    )(xw, deg_p)


def _tc_final(agg, y, dis, b2, n, n_pad, d):
    nb = n_pad // BR

    def body(aggb, yb, disb, bb, ob):
        s = (aggb[0] + aggb[1] + yb[...]) * disb[...] + bb[...]
        ob[...] = jnp.maximum(s, 0.0)

    return pl.pallas_call(
        body,
        grid=(nb,),
        in_specs=[
            pl.BlockSpec((N_CORES, BR, d), lambda i: (0, i, 0)),
            pl.BlockSpec((BR, d), lambda i: (i, 0)),
            pl.BlockSpec((BR, 1), lambda i: (i, 0)),
            pl.BlockSpec((1, d), lambda i: (0, 0)),
        ],
        out_specs=pl.BlockSpec((BR, d), lambda i: (i, 0)),
        out_shape=jax.ShapeDtypeStruct((n, d), jnp.float32),
    )(agg, y, dis, b2)


def kernel(x, edge_index, edge_weight, W, b):
    n, d = x.shape
    e = edge_index.shape[1]

    n_pad = ((n + NW * LANES - 1) // (NW * LANES)) * (NW * LANES)
    step = NW * K * NIDX
    e_pad = ((e + step - 1) // step) * step

    row = edge_index[0].astype(jnp.int32)
    col = edge_index[1].astype(jnp.int32)
    ew = edge_weight.astype(jnp.float32)
    if e_pad != e:
        pad = e_pad - e
        spread = (jnp.arange(pad, dtype=jnp.int32) * LANES) % n
        row = jnp.concatenate([row, spread])
        col = jnp.concatenate([col, spread])
        ew = jnp.concatenate([ew, jnp.zeros((pad,), jnp.float32)])

    deg_p = _make_deg_kernel(e_pad, n_pad)(col, ew)
    xw = _tc_mm(x, W, n_pad, d)
    y, dis = _tc_scale(xw, deg_p, n_pad, d)
    agg = _make_agg_kernel(e_pad, n_pad, d)(row, col, ew, y)
    return _tc_final(agg, y, dis, b.reshape(1, d), n, n_pad, d)

# --- scband reference (transcript-rebuilt; emitter-appended) ---
"""Pipeline reference for scband-train-model-18528488914975 (READ-ONLY COPY).

The authoritative reference and input builder live on the scoring server;
editing this copy changes nothing except your own understanding.
"""

import jax, jax.numpy as jnp
import numpy as np

N_NODES = 10000
N_EDGES = 320000
D_FEAT = 128


def setup_inputs(seed: int = 0) -> dict:
    key = jax.random.key(seed)
    k1, k2, k3, k4 = jax.random.split(key, 4)
    x = jax.random.normal(k1, (N_NODES, D_FEAT), dtype=jnp.float32)
    edge_index = jax.random.randint(k2, (2, N_EDGES), 0, N_NODES)
    edge_weight = jax.random.uniform(k3, (N_EDGES,), dtype=jnp.float32)
    # GCNConv parameters (in_channels=128 -> out_channels=128, num_layers=1)
    W = jax.random.normal(k4, (D_FEAT, D_FEAT), dtype=jnp.float32) * 0.05
    b = jnp.zeros((D_FEAT,), dtype=jnp.float32)
    return {"x": x, "edge_index": edge_index, "edge_weight": edge_weight, "W": W, "b": b}


def _gcn_conv(x, edge_index, edge_weight, W, b):
    # Faithful GCNConv: add self-loops (weight 1), symmetric deg-normalization,
    # linear transform, scatter-add aggregation, bias.
    n = x.shape[0]
    row = edge_index[0]
    col = edge_index[1]
    loop = jnp.arange(n, dtype=row.dtype)
    row = jnp.concatenate([row, loop])
    col = jnp.concatenate([col, loop])
    ew = jnp.concatenate([edge_weight, jnp.ones((n,), dtype=x.dtype)])
    deg = jax.ops.segment_sum(ew, col, num_segments=n)
    deg_inv_sqrt = jnp.where(deg > 0, deg ** -0.5, 0.0)
    norm = deg_inv_sqrt[row] * ew * deg_inv_sqrt[col]
    xw = x @ W
    msgs = norm[:, None] * jnp.take(xw, row, axis=0)
    out = jax.ops.segment_sum(msgs, col, num_segments=n)
    return out + b


def reference(x, edge_index, edge_weight, W, b):
    # Encoder with num_layers=1, drop_p=0.0 (identity), activation=relu
    h = _gcn_conv(x, edge_index, edge_weight, W, b)
    h = jax.nn.relu(h)
    return h

if __name__ == "__main__":
    import jax
    _d = setup_inputs()
    print(jax.jit(kernel)(*tuple(_d.values())))

</pallas_src>

<mosaic_0001>
#map = affine_map<(d0, d1) -> (0)>
#map1 = affine_map<(d0, d1) -> (0, 0)>
#map2 = affine_map<(d0, d1) -> (0, 0, 0)>
module attributes {stable_mosaic.version = 14 : i64} {
  func.func @agg_kernel(%arg0: i32, %arg1: i32, %arg2: memref<327680xi32, #tpu.memory_space<hbm>>, %arg3: memref<327680xi32, #tpu.memory_space<hbm>>, %arg4: memref<327680xf32, #tpu.memory_space<hbm>>, %arg5: memref<10240x128xf32, #tpu.memory_space<hbm>>, %arg6: memref<2x10240x128xf32, #tpu.memory_space<hbm>>, %arg7: memref<64xi32, #tpu.memory_space<vmem>>, %arg8: memref<64xi32, #tpu.memory_space<vmem>>, %arg9: memref<64xi32, #tpu.memory_space<vmem>>, %arg10: memref<64xi32, #tpu.memory_space<vmem>>, %arg11: memref<64xi32, #tpu.memory_space<vmem>>, %arg12: memref<64xi32, #tpu.memory_space<vmem>>, %arg13: memref<64xi32, #tpu.memory_space<vmem>>, %arg14: memref<64xi32, #tpu.memory_space<vmem>>, %arg15: memref<64xi32, #tpu.memory_space<vmem>>, %arg16: memref<64xi32, #tpu.memory_space<vmem>>, %arg17: memref<64xi32, #tpu.memory_space<vmem>>, %arg18: memref<64xi32, #tpu.memory_space<vmem>>, %arg19: memref<64xi32, #tpu.memory_space<vmem>>, %arg20: memref<64xi32, #tpu.memory_space<vmem>>, %arg21: memref<64xi32, #tpu.memory_space<vmem>>, %arg22: memref<64xi32, #tpu.memory_space<vmem>>, %arg23: memref<64xf32, #tpu.memory_space<vmem>>, %arg24: memref<64xf32, #tpu.memory_space<vmem>>, %arg25: memref<64xf32, #tpu.memory_space<vmem>>, %arg26: memref<64xf32, #tpu.memory_space<vmem>>, %arg27: memref<64xf32, #tpu.memory_space<vmem>>, %arg28: memref<64xf32, #tpu.memory_space<vmem>>, %arg29: memref<64xf32, #tpu.memory_space<vmem>>, %arg30: memref<64xf32, #tpu.memory_space<vmem>>, %arg31: memref<64x128xf32, #tpu.memory_space<vmem>>, %arg32: memref<64x128xf32, #tpu.memory_space<vmem>>, %arg33: memref<64x128xf32, #tpu.memory_space<vmem>>, %arg34: memref<64x128xf32, #tpu.memory_space<vmem>>, %arg35: memref<!tpu.dma_semaphore, #tpu.memory_space<semaphore_mem>>, %arg36: memref<!tpu.dma_semaphore, #tpu.memory_space<semaphore_mem>>, %arg37: memref<!tpu.dma_semaphore, #tpu.memory_space<semaphore_mem>>, %arg38: memref<!tpu.dma_semaphore, #tpu.memory_space<semaphore_mem>>, %arg39: memref<!tpu.dma_semaphore, #tpu.memory_space<semaphore_mem>>, %arg40: memref<!tpu.dma_semaphore, #tpu.memory_space<semaphore_mem>>, %arg41: memref<!tpu.dma_semaphore, #tpu.memory_space<semaphore_mem>>, %arg42: memref<!tpu.dma_semaphore, #tpu.memory_space<semaphore_mem>>, %arg43: memref<!tpu.dma_semaphore, #tpu.memory_space<semaphore_mem>>, %arg44: memref<!tpu.dma_semaphore, #tpu.memory_space<semaphore_mem>>, %arg45: memref<!tpu.dma_semaphore, #tpu.memory_space<semaphore_mem>>, %arg46: memref<!tpu.dma_semaphore, #tpu.memory_space<semaphore_mem>>, %arg47: memref<!tpu.dma_semaphore, #tpu.memory_space<semaphore_mem>>, %arg48: memref<!tpu.dma_semaphore, #tpu.memory_space<semaphore_mem>>, %arg49: memref<!tpu.dma_semaphore, #tpu.memory_space<semaphore_mem>>, %arg50: memref<!tpu.dma_semaphore, #tpu.memory_space<semaphore_mem>>, %arg51: memref<10240x128xf32, #tpu.memory_space<vmem_shared>>) attributes {dimension_semantics = [#tpu.dimension_semantics<core_parallel>, #tpu.dimension_semantics<subcore_parallel>], iteration_bounds = array<i64: 2, 16>, scalar_prefetch = 0 : i64, scratch_operands = 45 : i64, tpu.core_type = #tpu.core_type<sc_vector_subcore>, window_params = [{transform_indices = #map}, {transform_indices = #map}, {transform_indices = #map}, {transform_indices = #map1}, {transform_indices = #map2}]} {
    %eq3A = arith.constant 0 : i32
    %eq3A_0 = arith.cmpi eq, %arg0, %eq3A : i32
    %jit3A = arith.constant 160 : i32
    %jit3A_1 = arith.constant 160 : i32
    %select_n3A = arith.select %eq3A_0, %jit3A, %jit3A_1 : i32
    %eq3A_2 = arith.constant 0 : i32
    %eq3A_3 = arith.cmpi eq, %arg0, %eq3A_2 : i32
    %mul3A = arith.constant 10240 : i32
    %mul3A_4 = arith.muli %arg1, %mul3A : i32
    %mul3A_5 = arith.constant 10240 : i32
    %mul3A_6 = arith.muli %arg1, %mul3A_5 : i32
    %add3A = arith.constant 163840 : i32
    %add3A_7 = arith.addi %add3A, %mul3A_6 : i32
    %select_n3A_8 = arith.select %eq3A_3, %mul3A_4, %add3A_7 : i32
    %scan3A = arith.constant 0 : i32
    %scan3A_9 = arith.constant 64 : i32
    %scan3A_10 = arith.addi %scan3A, %scan3A_9 : i32
    %scan3A_11 = arith.constant 1 : i32
    scf.for %scan3A_111 = %scan3A to %scan3A_10 step %scan3A_11  : i32 {
      %mul3A_112 = arith.constant 1 : i32
      %mul3A_113 = arith.muli %scan3A_111, %mul3A_112 : i32
      %add3A_114 = arith.constant 0 : i32
      %add3A_115 = arith.addi %add3A_114, %mul3A_113 : i32
      %broadcast_in_dim3A = arith.constant 0.000000e+00 : f32
      %broadcast_in_dim3A_116 = vector.broadcast %broadcast_in_dim3A : f32 to vector<16xf32>
      %swap3A = arith.index_cast %add3A_115 : i32 to index
      %swap3A_117 = arith.constant 0 : index
      %swap3A_118 = tpu.vector_load %arg31[%swap3A, %swap3A_117] {strides = array<i32>} : memref<64x128xf32, #tpu.memory_space<vmem>>, vector<16xf32>,
      tpu.vector_store %arg31[%swap3A, %swap3A_117], %broadcast_in_dim3A_116 {strides = array<i32>} : memref<64x128xf32, #tpu.memory_space<vmem>>, vector<16xf32>,
      %broadcast_in_dim3A_119 = arith.constant 0.000000e+00 : f32
      %broadcast_in_dim3A_120 = vector.broadcast %broadcast_in_dim3A_119 : f32 to vector<16xf32>
      %swap3A_121 = arith.index_cast %add3A_115 : i32 to index
      %swap3A_122 = arith.constant 16 : index
      %swap3A_123 = tpu.vector_load %arg31[%swap3A_121, %swap3A_122] {strides = array<i32>} : memref<64x128xf32, #tpu.memory_space<vmem>>, vector<16xf32>,
      tpu.vector_store %arg31[%swap3A_121, %swap3A_122], %broadcast_in_dim3A_120 {strides = array<i32>} : memref<64x128xf32, #tpu.memory_space<vmem>>, vector<16xf32>,
      %broadcast_in_dim3A_124 = arith.constant 0.000000e+00 : f32
      %broadcast_in_dim3A_125 = vector.broadcast %broadcast_in_dim3A_124 : f32 to vector<16xf32>
      %swap3A_126 = arith.index_cast %add3A_115 : i32 to index
      %swap3A_127 = arith.constant 32 : index
      %swap3A_128 = tpu.vector_load %arg31[%swap3A_126, %swap3A_127] {strides = array<i32>} : memref<64x128xf32, #tpu.memory_space<vmem>>, vector<16xf32>,
      tpu.vector_store %arg31[%swap3A_126, %swap3A_127], %broadcast_in_dim3A_125 {strides = array<i32>} : memref<64x128xf32, #tpu.memory_space<vmem>>, vector<16xf32>,
      %broadcast_in_dim3A_129 = arith.constant 0.000000e+00 : f32
      %broadcast_in_dim3A_130 = vector.broadcast %broadcast_in_dim3A_129 : f32 to vector<16xf32>
      %swap3A_131 = arith.index_cast %add3A_115 : i32 to index
      %swap3A_132 = arith.constant 48 : index
      %swap3A_133 = tpu.vector_load %arg31[%swap3A_131, %swap3A_132] {strides = array<i32>} : memref<64x128xf32, #tpu.memory_space<vmem>>, vector<16xf32>,
      tpu.vector_store %arg31[%swap3A_131, %swap3A_132], %broadcast_in_dim3A_130 {strides = array<i32>} : memref<64x128xf32, #tpu.memory_space<vmem>>, vector<16xf32>,
      %broadcast_in_dim3A_134 = arith.constant 0.000000e+00 : f32
      %broadcast_in_dim3A_135 = vector.broadcast %broadcast_in_dim3A_134 : f32 to vector<16xf32>
      %swap3A_136 = arith.index_cast %add3A_115 : i32 to index
      %swap3A_137 = arith.constant 64 : index
      %swap3A_138 = tpu.vector_load %arg31[%swap3A_136, %swap3A_137] {strides = array<i32>} : memref<64x128xf32, #tpu.memory_space<vmem>>, vector<16xf32>,
      tpu.vector_store %arg31[%swap3A_136, %swap3A_137], %broadcast_in_dim3A_135 {strides = array<i32>} : memref<64x128xf32, #tpu.memory_space<vmem>>, vector<16xf32>,
      %broadcast_in_dim3A_139 = arith.constant 0.000000e+00 : f32
      %broadcast_in_dim3A_140 = vector.broadcast %broadcast_in_dim3A_139 : f32 to vector<16xf32>
      %swap3A_141 = arith.index_cast %add3A_115 : i32 to index
      %swap3A_142 = arith.constant 80 : index
      %swap3A_143 = tpu.vector_load %arg31[%swap3A_141, %swap3A_142] {strides = array<i32>} : memref<64x128xf32, #tpu.memory_space<vmem>>, vector<16xf32>,
      tpu.vector_store %arg31[%swap3A_141, %swap3A_142], %broadcast_in_dim3A_140 {strides = array<i32>} : memref<64x128xf32, #tpu.memory_space<vmem>>, vector<16xf32>,
      %broadcast_in_dim3A_144 = arith.constant 0.000000e+00 : f32
      %broadcast_in_dim3A_145 = vector.broadcast %broadcast_in_dim3A_144 : f32 to vector<16xf32>
      %swap3A_146 = arith.index_cast %add3A_115 : i32 to index
      %swap3A_147 = arith.constant 96 : index
      %swap3A_148 = tpu.vector_load %arg31[%swap3A_146, %swap3A_147] {strides = array<i32>} : memref<64x128xf32, #tpu.memory_space<vmem>>, vector<16xf32>,
      tpu.vector_store %arg31[%swap3A_146, %swap3A_147], %broadcast_in_dim3A_145 {strides = array<i32>} : memref<64x128xf32, #tpu.memory_space<vmem>>, vector<16xf32>,
      %broadcast_in_dim3A_149 = arith.constant 0.000000e+00 : f32
      %broadcast_in_dim3A_150 = vector.broadcast %broadcast_in_dim3A_149 : f32 to vector<16xf32>
      %swap3A_151 = arith.index_cast %add3A_115 : i32 to index
      %swap3A_152 = arith.constant 112 : index
      %swap3A_153 = tpu.vector_load %arg31[%swap3A_151, %swap3A_152] {strides = array<i32>} : memref<64x128xf32, #tpu.memory_space<vmem>>, vector<16xf32>,
      tpu.vector_store %arg31[%swap3A_151, %swap3A_152], %broadcast_in_dim3A_150 {strides = array<i32>} : memref<64x128xf32, #tpu.memory_space<vmem>>, vector<16xf32>,
    }
    %scan3A_12 = arith.constant 64 : i32
    %scan3A_13 = arith.constant 0 : i32
    %scan3A_14 = arith.constant 10 : i32
    %scan3A_15 = arith.addi %scan3A_13, %scan3A_14 : i32
    %scan3A_16 = arith.constant 1 : i32
    scf.for %scan3A_111 = %scan3A_13 to %scan3A_15 step %scan3A_16  : i32 {
      %mul3A_112 = arith.constant 1 : i32
      %mul3A_113 = arith.muli %scan3A_111, %mul3A_112 : i32
      %add3A_114 = arith.constant 0 : i32
      %add3A_115 = arith.addi %add3A_114, %mul3A_113 : i32
      %mul3A_116 = arith.constant 640 : i32
      %mul3A_117 = arith.muli %arg1, %mul3A_116 : i32
      %mul3A_118 = arith.constant 64 : i32
      %mul3A_119 = arith.muli %add3A_115, %mul3A_118 : i32
      %add3A_120 = arith.addi %mul3A_117, %mul3A_119 : i32
      "tpu.region"() ({
        %run_scoped3A = tpu.sem_alloc : memref<!tpu.dma_semaphore, #tpu.memory_space<semaphore_mem>>
        %dma_start3A_121 = arith.constant 0 : i32
        %dma_start3A_122 = tpu.memref_slice %arg51[%add3A_120, %dma_start3A_121] : memref<10240x128xf32, #tpu.memory_space<vmem_shared>> -> memref<64x128xf32, #tpu.memory_space<vmem_shared>>
        %dma_start3A_123 = arith.constant 0 : i32
        %dma_start3A_124 = tpu.memref_slice %arg51[%add3A_120, %dma_start3A_123] : memref<10240x128xf32, #tpu.memory_space<vmem_shared>> -> memref<64x128xf32, #tpu.memory_space<vmem_shared>>
        tpu.enqueue_dma source(%arg31 : memref<64x128xf32, #tpu.memory_space<vmem>>) target(%dma_start3A_124 : memref<64x128xf32, #tpu.memory_space<vmem_shared>>) target_semaphore(%run_scoped3A : memref<!tpu.dma_semaphore, #tpu.memory_space<semaphore_mem>>)
        %dma_wait3A_125 = arith.constant 0 : i32
        %dma_wait3A_126 = tpu.memref_slice %arg51[%add3A_120, %dma_wait3A_125] : memref<10240x128xf32, #tpu.memory_space<vmem_shared>> -> memref<64x128xf32, #tpu.memory_space<vmem_shared>>
        %dma_wait3A_127 = arith.constant 0 : i32
        %dma_wait3A_128 = tpu.memref_slice %arg51[%add3A_120, %dma_wait3A_127] : memref<10240x128xf32, #tpu.memory_space<vmem_shared>> -> memref<64x128xf32, #tpu.memory_space<vmem_shared>>
        tpu.wait_dma2 semaphore(%run_scoped3A : memref<!tpu.dma_semaphore, #tpu.memory_space<semaphore_mem>>) src(%arg31 : memref<64x128xf32, #tpu.memory_space<vmem>>) dst(%dma_wait3A_128 : memref<64x128xf32, #tpu.memory_space<vmem_shared>>)
        tpu.yield
      }) : () -> ()
    }
    %scan3A_17 = arith.constant 10 : i32
    %barrier3A = arith.constant 0 : index
    tpu.barrier barrier_id(%barrier3A)
    %add3A_18 = arith.constant 0 : i32
    %add3A_19 = arith.addi %select_n3A_8, %add3A_18 : i32
    %dma_start3A = tpu.memref_slice %arg2[%add3A_19] : memref<327680xi32, #tpu.memory_space<hbm>> -> memref<64xi32, #tpu.memory_space<hbm>>
    %dma_start3A_20 = tpu.memref_slice %arg2[%add3A_19] : memref<327680xi32, #tpu.memory_space<hbm>> -> memref<64xi32, #tpu.memory_space<hbm>>
    tpu.enqueue_dma source(%dma_start3A_20 : memref<64xi32, #tpu.memory_space<hbm>>) target(%arg7 : memref<64xi32, #tpu.memory_space<vmem>>) target_semaphore(%arg35 : memref<!tpu.dma_semaphore, #tpu.memory_space<semaphore_mem>>)
    %dma_start3A_21 = tpu.memref_slice %arg3[%add3A_19] : memref<327680xi32, #tpu.memory_space<hbm>> -> memref<64xi32, #tpu.memory_space<hbm>>
    %dma_start3A_22 = tpu.memref_slice %arg3[%add3A_19] : memref<327680xi32, #tpu.memory_space<hbm>> -> memref<64xi32, #tpu.memory_space<hbm>>
    tpu.enqueue_dma source(%dma_start3A_22 : memref<64xi32, #tpu.memory_space<hbm>>) target(%arg15 : memref<64xi32, #tpu.memory_space<vmem>>) target_semaphore(%arg35 : memref<!tpu.dma_semaphore, #tpu.memory_space<semaphore_mem>>)
    %dma_start3A_23 = tpu.memref_slice %arg4[%add3A_19] : memref<327680xf32, #tpu.memory_space<hbm>> -> memref<64xf32, #tpu.memory_space<hbm>>
    %dma_start3A_24 = tpu.memref_slice %arg4[%add3A_19] : memref<327680xf32, #tpu.memory_space<hbm>> -> memref<64xf32, #tpu.memory_space<hbm>>
    tpu.enqueue_dma source(%dma_start3A_24 : memref<64xf32, #tpu.memory_space<hbm>>) target(%arg23 : memref<64xf32, #tpu.memory_space<vmem>>) target_semaphore(%arg35 : memref<!tpu.dma_semaphore, #tpu.memory_space<semaphore_mem>>)
    %add3A_25 = arith.constant 64 : i32
    %add3A_26 = arith.addi %select_n3A_8, %add3A_25 : i32
    %dma_start3A_27 = tpu.memref_slice %arg2[%add3A_26] : memref<327680xi32, #tpu.memory_space<hbm>> -> memref<64xi32, #tpu.memory_space<hbm>>
    %dma_start3A_28 = tpu.memref_slice %arg2[%add3A_26] : memref<327680xi32, #tpu.memory_space<hbm>> -> memref<64xi32, #tpu.memory_space<hbm>>
    tpu.enqueue_dma source(%dma_start3A_28 : memref<64xi32, #tpu.memory_space<hbm>>) target(%arg8 : memref<64xi32, #tpu.memory_space<vmem>>) target_semaphore(%arg36 : memref<!tpu.dma_semaphore, #tpu.memory_space<semaphore_mem>>)
    %dma_start3A_29 = tpu.memref_slice %arg3[%add3A_26] : memref<327680xi32, #tpu.memory_space<hbm>> -> memref<64xi32, #tpu.memory_space<hbm>>
    %dma_start3A_30 = tpu.memref_slice %arg3[%add3A_26] : memref<327680xi32, #tpu.memory_space<hbm>> -> memref<64xi32, #tpu.memory_space<hbm>>
    tpu.enqueue_dma source(%dma_start3A_30 : memref<64xi32, #tpu.memory_space<hbm>>) target(%arg16 : memref<64xi32, #tpu.memory_space<vmem>>) target_semaphore(%arg36 : memref<!tpu.dma_semaphore, #tpu.memory_space<semaphore_mem>>)
    %dma_start3A_31 = tpu.memref_slice %arg4[%add3A_26] : memref<327680xf32, #tpu.memory_space<hbm>> -> memref<64xf32, #tpu.memory_space<hbm>>
    %dma_start3A_32 = tpu.memref_slice %arg4[%add3A_26] : memref<327680xf32, #tpu.memory_space<hbm>> -> memref<64xf32, #tpu.memory_space<hbm>>
    tpu.enqueue_dma source(%dma_start3A_32 : memref<64xf32, #tpu.memory_space<hbm>>) target(%arg24 : memref<64xf32, #tpu.memory_space<vmem>>) target_semaphore(%arg36 : memref<!tpu.dma_semaphore, #tpu.memory_space<semaphore_mem>>)
    %add3A_33 = arith.constant 128 : i32
    %add3A_34 = arith.addi %select_n3A_8, %add3A_33 : i32
    %dma_start3A_35 = tpu.memref_slice %arg2[%add3A_34] : memref<327680xi32, #tpu.memory_space<hbm>> -> memref<64xi32, #tpu.memory_space<hbm>>
    %dma_start3A_36 = tpu.memref_slice %arg2[%add3A_34] : memref<327680xi32, #tpu.memory_space<hbm>> -> memref<64xi32, #tpu.memory_space<hbm>>
    tpu.enqueue_dma source(%dma_start3A_36 : memref<64xi32, #tpu.memory_space<hbm>>) target(%arg9 : memref<64xi32, #tpu.memory_space<vmem>>) target_semaphore(%arg37 : memref<!tpu.dma_semaphore, #tpu.memory_space<semaphore_mem>>)
    %dma_start3A_37 = tpu.memref_slice %arg3[%add3A_34] : memref<327680xi32, #tpu.memory_space<hbm>> -> memref<64xi32, #tpu.memory_space<hbm>>
    %dma_start3A_38 = tpu.memref_slice %arg3[%add3A_34] : memref<327680xi32, #tpu.memory_space<hbm>> -> memref<64xi32, #tpu.memory_space<hbm>>
    tpu.enqueue_dma source(%dma_start3A_38 : memref<64xi32, #tpu.memory_space<hbm>>) target(%arg17 : memref<64xi32, #tpu.memory_space<vmem>>) target_semaphore(%arg37 : memref<!tpu.dma_semaphore, #tpu.memory_space<semaphore_mem>>)
    %dma_start3A_39 = tpu.memref_slice %arg4[%add3A_34] : memref<327680xf32, #tpu.memory_space<hbm>> -> memref<64xf32, #tpu.memory_space<hbm>>
    %dma_start3A_40 = tpu.memref_slice %arg4[%add3A_34] : memref<327680xf32, #tpu.memory_space<hbm>> -> memref<64xf32, #tpu.memory_space<hbm>>
    tpu.enqueue_dma source(%dma_start3A_40 : memref<64xf32, #tpu.memory_space<hbm>>) target(%arg25 : memref<64xf32, #tpu.memory_space<vmem>>) target_semaphore(%arg37 : memref<!tpu.dma_semaphore, #tpu.memory_space<semaphore_mem>>)
    %add3A_41 = arith.constant 192 : i32
    %add3A_42 = arith.addi %select_n3A_8, %add3A_41 : i32
    %dma_start3A_43 = tpu.memref_slice %arg2[%add3A_42] : memref<327680xi32, #tpu.memory_space<hbm>> -> memref<64xi32, #tpu.memory_space<hbm>>
    %dma_start3A_44 = tpu.memref_slice %arg2[%add3A_42] : memref<327680xi32, #tpu.memory_space<hbm>> -> memref<64xi32, #tpu.memory_space<hbm>>
    tpu.enqueue_dma source(%dma_start3A_44 : memref<64xi32, #tpu.memory_space<hbm>>) target(%arg10 : memref<64xi32, #tpu.memory_space<vmem>>) target_semaphore(%arg38 : memref<!tpu.dma_semaphore, #tpu.memory_space<semaphore_mem>>)
    %dma_start3A_45 = tpu.memref_slice %arg3[%add3A_42] : memref<327680xi32, #tpu.memory_space<hbm>> -> memref<64xi32, #tpu.memory_space<hbm>>
    %dma_start3A_46 = tpu.memref_slice %arg3[%add3A_42] : memref<327680xi32, #tpu.memory_space<hbm>> -> memref<64xi32, #tpu.memory_space<hbm>>
    tpu.enqueue_dma source(%dma_start3A_46 : memref<64xi32, #tpu.memory_space<hbm>>) target(%arg18 : memref<64xi32, #tpu.memory_space<vmem>>) target_semaphore(%arg38 : memref<!tpu.dma_semaphore, #tpu.memory_space<semaphore_mem>>)
    %dma_start3A_47 = tpu.memref_slice %arg4[%add3A_42] : memref<327680xf32, #tpu.memory_space<hbm>> -> memref<64xf32, #tpu.memory_space<hbm>>
    %dma_start3A_48 = tpu.memref_slice %arg4[%add3A_42] : memref<327680xf32, #tpu.memory_space<hbm>> -> memref<64xf32, #tpu.memory_space<hbm>>
    tpu.enqueue_dma source(%dma_start3A_48 : memref<64xf32, #tpu.memory_space<hbm>>) target(%arg26 : memref<64xf32, #tpu.memory_space<vmem>>) target_semaphore(%arg38 : memref<!tpu.dma_semaphore, #tpu.memory_space<semaphore_mem>>)
    %dma_wait3A = arith.constant 0 : i32
    %dma_wait3A_49 = tpu.memref_slice %arg2[%dma_wait3A] : memref<327680xi32, #tpu.memory_space<hbm>> -> memref<64xi32, #tpu.memory_space<hbm>>
    %dma_wait3A_50 = arith.constant 0 : i32
    %dma_wait3A_51 = tpu.memref_slice %arg2[%dma_wait3A_50] : memref<327680xi32, #tpu.memory_space<hbm>> -> memref<64xi32, #tpu.memory_space<hbm>>
    tpu.wait_dma2 semaphore(%arg35 : memref<!tpu.dma_semaphore, #tpu.memory_space<semaphore_mem>>) src(%dma_wait3A_51 : memref<64xi32, #tpu.memory_space<hbm>>) dst(%arg7 : memref<64xi32, #tpu.memory_space<vmem>>)
    %dma_wait3A_52 = arith.constant 0 : i32
    %dma_wait3A_53 = tpu.memref_slice %arg3[%dma_wait3A_52] : memref<327680xi32, #tpu.memory_space<hbm>> -> memref<64xi32, #tpu.memory_space<hbm>>
    %dma_wait3A_54 = arith.constant 0 : i32
    %dma_wait3A_55 = tpu.memref_slice %arg3[%dma_wait3A_54] : memref<327680xi32, #tpu.memory_space<hbm>> -> memref<64xi32, #tpu.memory_space<hbm>>
    tpu.wait_dma2 semaphore(%arg35 : memref<!tpu.dma_semaphore, #tpu.memory_space<semaphore_mem>>) src(%dma_wait3A_55 : memref<64xi32, #tpu.memory_space<hbm>>) dst(%arg15 : memref<64xi32, #tpu.memory_space<vmem>>)
    %dma_wait3A_56 = arith.constant 0 : i32
    %dma_wait3A_57 = tpu.memref_slice %arg4[%dma_wait3A_56] : memref<327680xf32, #tpu.memory_space<hbm>> -> memref<64xf32, #tpu.memory_space<hbm>>
    %dma_wait3A_58 = arith.constant 0 : i32
    %dma_wait3A_59 = tpu.memref_slice %arg4[%dma_wait3A_58] : memref<327680xf32, #tpu.memory_space<hbm>> -> memref<64xf32, #tpu.memory_space<hbm>>
    tpu.wait_dma2 semaphore(%arg35 : memref<!tpu.dma_semaphore, #tpu.memory_space<semaphore_mem>>) src(%dma_wait3A_59 : memref<64xf32, #tpu.memory_space<hbm>>) dst(%arg23 : memref<64xf32, #tpu.memory_space<vmem>>)
    %dma_start3A_60 = arith.constant 0 : i32
    %dma_start3A_61 = arith.constant 0 : i32
    %dma_start3A_62 = tpu.memref_slice %arg5[%dma_start3A_60, %dma_start3A_61] : memref<10240x128xf32, #tpu.memory_space<hbm>> -> memref<10240x128xf32, #tpu.memory_space<hbm>>
    tpu.enqueue_indirect_dma source(%dma_start3A_62 : memref<10240x128xf32, #tpu.memory_space<hbm>>) target(%arg31 : memref<64x128xf32, #tpu.memory_space<vmem>>) offsets(%arg7 : memref<64xi32, #tpu.memory_space<vmem>>) semaphore(%arg43 : memref<!tpu.dma_semaphore, #tpu.memory_space<semaphore_mem>>)
    %dma_wait3A_63 = arith.constant 0 : i32
    %dma_wait3A_64 = tpu.memref_slice %arg2[%dma_wait3A_63] : memref<327680xi32, #tpu.memory_space<hbm>> -> memref<64xi32, #tpu.memory_space<hbm>>
    %dma_wait3A_65 = arith.constant 0 : i32
    %dma_wait3A_66 = tpu.memref_slice %arg2[%dma_wait3A_65] : memref<327680xi32, #tpu.memory_space<hbm>> -> memref<64xi32, #tpu.memory_space<hbm>>
    tpu.wait_dma2 semaphore(%arg36 : memref<!tpu.dma_semaphore, #tpu.memory_space<semaphore_mem>>) src(%dma_wait3A_66 : memref<64xi32, #tpu.memory_space<hbm>>) dst(%arg8 : memref<64xi32, #tpu.memory_space<vmem>>)
    %dma_wait3A_67 = arith.constant 0 : i32
    %dma_wait3A_68 = tpu.memref_slice %arg3[%dma_wait3A_67] : memref<327680xi32, #tpu.memory_space<hbm>> -> memref<64xi32, #tpu.memory_space<hbm>>
    %dma_wait3A_69 = arith.constant 0 : i32
    %dma_wait3A_70 = tpu.memref_slice %arg3[%dma_wait3A_69] : memref<327680xi32, #tpu.memory_space<hbm>> -> memref<64xi32, #tpu.memory_space<hbm>>
    tpu.wait_dma2 semaphore(%arg36 : memref<!tpu.dma_semaphore, #tpu.memory_space<semaphore_mem>>) src(%dma_wait3A_70 : memref<64xi32, #tpu.memory_space<hbm>>) dst(%arg16 : memref<64xi32, #tpu.memory_space<vmem>>)
    %dma_wait3A_71 = arith.constant 0 : i32
    %dma_wait3A_72 = tpu.memref_slice %arg4[%dma_wait3A_71] : memref<327680xf32, #tpu.memory_space<hbm>> -> memref<64xf32, #tpu.memory_space<hbm>>
    %dma_wait3A_73 = arith.constant 0 : i32
    %dma_wait3A_74 = tpu.memref_slice %arg4[%dma_wait3A_73] : memref<327680xf32, #tpu.memory_space<hbm>> -> memref<64xf32, #tpu.memory_space<hbm>>
    tpu.wait_dma2 semaphore(%arg36 : memref<!tpu.dma_semaphore, #tpu.memory_space<semaphore_mem>>) src(%dma_wait3A_74 : memref<64xf32, #tpu.memory_space<hbm>>) dst(%arg24 : memref<64xf32, #tpu.memory_space<vmem>>)
    %dma_start3A_75 = arith.constant 0 : i32
    %dma_start3A_76 = arith.constant 0 : i32
    %dma_start3A_77 = tpu.memref_slice %arg5[%dma_start3A_75, %dma_start3A_76] : memref<10240x128xf32, #tpu.memory_space<hbm>> -> memref<10240x128xf32, #tpu.memory_space<hbm>>
    tpu.enqueue_indirect_dma source(%dma_start3A_77 : memref<10240x128xf32, #tpu.memory_space<hbm>>) target(%arg32 : memref<64x128xf32, #tpu.memory_space<vmem>>) offsets(%arg8 : memref<64xi32, #tpu.memory_space<vmem>>) semaphore(%arg44 : memref<!tpu.dma_semaphore, #tpu.memory_space<semaphore_mem>>)
    %sub3A = arith.constant 0 : i32
    %sub3A_78 = arith.subi %select_n3A, %sub3A : i32
    %sub3A_79 = arith.constant 8 : i32
    %sub3A_80 = arith.constant 1 : i32
    %sub3A_81 = arith.subi %sub3A_79, %sub3A_80 : i32
    %add3A_82 = arith.addi %sub3A_78, %sub3A_81 : i32
    %div3A = arith.constant 8 : i32
    %div3A_83 = arith.divsi %add3A_82, %div3A : i32
    %while3A = arith.constant 8 : i32
    %while3A_84 = arith.constant 0 : i32
    %while3A_85 = arith.constant 0 : i32
    %while3A_86 = arith.subi %div3A_83, %while3A_85 : i32
    %while3A_87 = arith.addi %while3A_85, %while3A_86 : i32
    %while3A_88 = arith.constant 1 : i32
    %while3A_89 = arith.divsi %while3A_86, %while3A_88 : i32
    %while3A_90 = arith.muli %while3A_89, %while3A_88 : i32
    %while3A_91 = arith.addi %while3A_85, %while3A_90 : i32
    %while3A_92 = arith.constant 1 : i32
    scf.for %while3A_111 = %while3A_85 to %while3A_91 step %while3A_92  : i32 {
      %mul3A_112 = arith.muli %while3A_111, %while3A : i32
      %add3A_113 = arith.addi %while3A_84, %mul3A_112 : i32
      %add3A_114 = arith.constant 0 : i32
      %add3A_115 = arith.addi %add3A_113, %add3A_114 : i32
      %dma_wait3A_116 = arith.constant 0 : i32
      %dma_wait3A_117 = arith.constant 0 : i32
      %dma_wait3A_118 = tpu.memref_slice %arg5[%dma_wait3A_116, %dma_wait3A_117] : memref<10240x128xf32, #tpu.memory_space<hbm>> -> memref<10240x128xf32, #tpu.memory_space<hbm>>
      tpu.wait_indirect_dma semaphore(%arg43 : memref<!tpu.dma_semaphore, #tpu.memory_space<semaphore_mem>>) src(%dma_wait3A_118 : memref<10240x128xf32, #tpu.memory_space<hbm>>) dst(%arg31 : memref<64x128xf32, #tpu.memory_space<vmem>>)
      %add3A_119 = arith.constant 2 : i32
      %add3A_120 = arith.addi %add3A_115, %add3A_119 : i32
      %lt3A = arith.cmpi slt, %add3A_120, %select_n3A : i32
      %convert_element_type3A = arith.extui %lt3A : i1 to i32
      %cond3A = arith.constant 0 : i32
      %cond3A_121 = arith.cmpi ne, %convert_element_type3A, %cond3A : i32
      scf.if %cond3A_121 {
        %ge3A = arith.constant 2 : i32
        %ge3A_311 = arith.cmpi sge, %add3A_115, %ge3A : i32
        %convert_element_type3A_312 = arith.extui %ge3A_311 : i1 to i32
        %cond3A_313 = arith.constant 0 : i32
        %cond3A_314 = arith.cmpi ne, %convert_element_type3A_312, %cond3A_313 : i32
        scf.if %cond3A_314 {
          %dma_wait3A_330 = arith.constant 0 : i32
          %dma_wait3A_331 = arith.constant 0 : i32
          %dma_wait3A_332 = tpu.memref_slice %arg51[%dma_wait3A_330, %dma_wait3A_331] : memref<10240x128xf32, #tpu.memory_space<vmem_shared>> -> memref<10240x128xf32, #tpu.memory_space<vmem_shared>>
          tpu.wait_indirect_dma semaphore(%arg49 : memref<!tpu.dma_semaphore, #tpu.memory_space<semaphore_mem>>) src(%arg33 : memref<64x128xf32, #tpu.memory_space<vmem>>) dst(%dma_wait3A_332 : memref<10240x128xf32, #tpu.memory_space<vmem_shared>>)
        } else {
        }
        %dma_wait3A_315 = arith.constant 0 : i32
        %dma_wait3A_316 = tpu.memref_slice %arg2[%dma_wait3A_315] : memref<327680xi32, #tpu.memory_space<hbm>> -> memref<64xi32, #tpu.memory_space<hbm>>
        %dma_wait3A_317 = arith.constant 0 : i32
        %dma_wait3A_318 = tpu.memref_slice %arg2[%dma_wait3A_317] : memref<327680xi32, #tpu.memory_space<hbm>> -> memref<64xi32, #tpu.memory_space<hbm>>
        tpu.wait_dma2 semaphore(%arg37 : memref<!tpu.dma_semaphore, #tpu.memory_space<semaphore_mem>>) src(%dma_wait3A_318 : memref<64xi32, #tpu.memory_space<hbm>>) dst(%arg9 : memref<64xi32, #tpu.memory_space<vmem>>)
        %dma_wait3A_319 = arith.constant 0 : i32
        %dma_wait3A_320 = tpu.memref_slice %arg3[%dma_wait3A_319] : memref<327680xi32, #tpu.memory_space<hbm>> -> memref<64xi32, #tpu.memory_space<hbm>>
        %dma_wait3A_321 = arith.constant 0 : i32
        %dma_wait3A_322 = tpu.memref_slice %arg3[%dma_wait3A_321] : memref<327680xi32, #tpu.memory_space<hbm>> -> memref<64xi32, #tpu.memory_space<hbm>>
        tpu.wait_dma2 semaphore(%arg37 : memref<!tpu.dma_semaphore, #tpu.memory_space<semaphore_mem>>) src(%dma_wait3A_322 : memref<64xi32, #tpu.memory_space<hbm>>) dst(%arg17 : memref<64xi32, #tpu.memory_space<vmem>>)
        %dma_wait3A_323 = arith.constant 0 : i32
        %dma_wait3A_324 = tpu.memref_slice %arg4[%dma_wait3A_323] : memref<327680xf32, #tpu.memory_space<hbm>> -> memref<64xf32, #tpu.memory_space<hbm>>
        %dma_wait3A_325 = arith.constant 0 : i32
        %dma_wait3A_326 = tpu.memref_slice %arg4[%dma_wait3A_325] : memref<327680xf32, #tpu.memory_space<hbm>> -> memref<64xf32, #tpu.memory_space<hbm>>
        tpu.wait_dma2 semaphore(%arg37 : memref<!tpu.dma_semaphore, #tpu.memory_space<semaphore_mem>>) src(%dma_wait3A_326 : memref<64xf32, #tpu.memory_space<hbm>>) dst(%arg25 : memref<64xf32, #tpu.memory_space<vmem>>)
        %dma_start3A_327 = arith.constant 0 : i32
        %dma_start3A_328 = arith.constant 0 : i32
        %dma_start3A_329 = tpu.memref_slice %arg5[%dma_start3A_327, %dma_start3A_328] : memref<10240x128xf32, #tpu.memory_space<hbm>> -> memref<10240x128xf32, #tpu.memory_space<hbm>>
        tpu.enqueue_indirect_dma source(%dma_start3A_329 : memref<10240x128xf32, #tpu.memory_space<hbm>>) target(%arg33 : memref<64x128xf32, #tpu.memory_space<vmem>>) offsets(%arg9 : memref<64xi32, #tpu.memory_space<vmem>>) semaphore(%arg45 : memref<!tpu.dma_semaphore, #tpu.memory_space<semaphore_mem>>)
      } else {
      }
      %add3A_122 = arith.constant 4 : i32
      %add3A_123 = arith.addi %add3A_115, %add3A_122 : i32
      %lt3A_124 = arith.cmpi slt, %add3A_123, %select_n3A : i32
      %convert_element_type3A_125 = arith.extui %lt3A_124 : i1 to i32
      %cond3A_126 = arith.constant 0 : i32
      %cond3A_127 = arith.cmpi ne, %convert_element_type3A_125, %cond3A_126 : i32
      scf.if %cond3A_127 {
        %add3A_311 = arith.constant 4 : i32
        %add3A_312 = arith.addi %add3A_115, %add3A_311 : i32
        %mul3A_313 = arith.constant 64 : i32
        %mul3A_314 = arith.muli %add3A_312, %mul3A_313 : i32
        %add3A_315 = arith.addi %select_n3A_8, %mul3A_314 : i32
        %dma_start3A_316 = tpu.memref_slice %arg2[%add3A_315] : memref<327680xi32, #tpu.memory_space<hbm>> -> memref<64xi32, #tpu.memory_space<hbm>>
        %dma_start3A_317 = tpu.memref_slice %arg2[%add3A_315] : memref<327680xi32, #tpu.memory_space<hbm>> -> memref<64xi32, #tpu.memory_space<hbm>>
        tpu.enqueue_dma source(%dma_start3A_317 : memref<64xi32, #tpu.memory_space<hbm>>) target(%arg11 : memref<64xi32, #tpu.memory_space<vmem>>) target_semaphore(%arg39 : memref<!tpu.dma_semaphore, #tpu.memory_space<semaphore_mem>>)
        %dma_start3A_318 = tpu.memref_slice %arg3[%add3A_315] : memref<327680xi32, #tpu.memory_space<hbm>> -> memref<64xi32, #tpu.memory_space<hbm>>
        %dma_start3A_319 = tpu.memref_slice %arg3[%add3A_315] : memref<327680xi32, #tpu.memory_space<hbm>> -> memref<64xi32, #tpu.memory_space<hbm>>
        tpu.enqueue_dma source(%dma_start3A_319 : memref<64xi32, #tpu.memory_space<hbm>>) target(%arg19 : memref<64xi32, #tpu.memory_space<vmem>>) target_semaphore(%arg39 : memref<!tpu.dma_semaphore, #tpu.memory_space<semaphore_mem>>)
        %dma_start3A_320 = tpu.memref_slice %arg4[%add3A_315] : memref<327680xf32, #tpu.memory_space<hbm>> -> memref<64xf32, #tpu.memory_space<hbm>>
        %dma_start3A_321 = tpu.memref_slice %arg4[%add3A_315] : memref<327680xf32, #tpu.memory_space<hbm>> -> memref<64xf32, #tpu.memory_space<hbm>>
        tpu.enqueue_dma source(%dma_start3A_321 : memref<64xf32, #tpu.memory_space<hbm>>) target(%arg27 : memref<64xf32, #tpu.memory_space<vmem>>) target_semaphore(%arg39 : memref<!tpu.dma_semaphore, #tpu.memory_space<semaphore_mem>>)
      } else {
      }
      %scan3A_128 = arith.constant 0 : i32
      %scan3A_129 = arith.constant 64 : i32
      %scan3A_130 = arith.addi %scan3A_128, %scan3A_129 : i32
      %scan3A_131 = arith.constant 2 : i32
      scf.for %scan3A_311 = %scan3A_128 to %scan3A_130 step %scan3A_131  : i32 {
        %mul3A_312 = arith.constant 1 : i32
        %mul3A_313 = arith.muli %scan3A_311, %mul3A_312 : i32
        %add3A_314 = arith.constant 0 : i32
        %add3A_315 = arith.addi %add3A_314, %mul3A_313 : i32
        %broadcast_in_dim3A = vector.broadcast %add3A_315 : i32 to vector<16xi32>
        %gather3A = tpu.vector_load_idx %arg23[%broadcast_in_dim3A] : memref<64xf32, #tpu.memory_space<vmem>>[vector<16xi32>], vector<16xf32>,
        %get3A = arith.index_cast %add3A_315 : i32 to index
        %get3A_316 = arith.constant 0 : index
        %get3A_317 = tpu.vector_load %arg31[%get3A, %get3A_316] {strides = array<i32>} : memref<64x128xf32, #tpu.memory_space<vmem>>, vector<16xf32>,
        %mul3A_318 = arith.mulf %get3A_317, %gather3A : vector<16xf32>
        %swap3A = arith.index_cast %add3A_315 : i32 to index
        %swap3A_319 = arith.constant 0 : index
        %swap3A_320 = tpu.vector_load %arg31[%swap3A, %swap3A_319] {strides = array<i32>} : memref<64x128xf32, #tpu.memory_space<vmem>>, vector<16xf32>,
        tpu.vector_store %arg31[%swap3A, %swap3A_319], %mul3A_318 {strides = array<i32>} : memref<64x128xf32, #tpu.memory_space<vmem>>, vector<16xf32>,
        %get3A_321 = arith.index_cast %add3A_315 : i32 to index
        %get3A_322 = arith.constant 16 : index
        %get3A_323 = tpu.vector_load %arg31[%get3A_321, %get3A_322] {strides = array<i32>} : memref<64x128xf32, #tpu.memory_space<vmem>>, vector<16xf32>,
        %mul3A_324 = arith.mulf %get3A_323, %gather3A : vector<16xf32>
        %swap3A_325 = arith.index_cast %add3A_315 : i32 to index
        %swap3A_326 = arith.constant 16 : index
        %swap3A_327 = tpu.vector_load %arg31[%swap3A_325, %swap3A_326] {strides = array<i32>} : memref<64x128xf32, #tpu.memory_space<vmem>>, vector<16xf32>,
        tpu.vector_store %arg31[%swap3A_325, %swap3A_326], %mul3A_324 {strides = array<i32>} : memref<64x128xf32, #tpu.memory_space<vmem>>, vector<16xf32>,
        %get3A_328 = arith.index_cast %add3A_315 : i32 to index
        %get3A_329 = arith.constant 32 : index
        %get3A_330 = tpu.vector_load %arg31[%get3A_328, %get3A_329] {strides = array<i32>} : memref<64x128xf32, #tpu.memory_space<vmem>>, vector<16xf32>,
        %mul3A_331 = arith.mulf %get3A_330, %gather3A : vector<16xf32>
        %swap3A_332 = arith.index_cast %add3A_315 : i32 to index
        %swap3A_333 = arith.constant 32 : index
        %swap3A_334 = tpu.vector_load %arg31[%swap3A_332, %swap3A_333] {strides = array<i32>} : memref<64x128xf32, #tpu.memory_space<vmem>>, vector<16xf32>,
        tpu.vector_store %arg31[%swap3A_332, %swap3A_333], %mul3A_331 {strides = array<i32>} : memref<64x128xf32, #tpu.memory_space<vmem>>, vector<16xf32>,
        %get3A_335 = arith.index_cast %add3A_315 : i32 to index
        %get3A_336 = arith.constant 48 : index
        %get3A_337 = tpu.vector_load %arg31[%get3A_335, %get3A_336] {strides = array<i32>} : memref<64x128xf32, #tpu.memory_space<vmem>>, vector<16xf32>,
        %mul3A_338 = arith.mulf %get3A_337, %gather3A : vector<16xf32>
        %swap3A_339 = arith.index_cast %add3A_315 : i32 to index
        %swap3A_340 = arith.constant 48 : index
        %swap3A_341 = tpu.vector_load %arg31[%swap3A_339, %swap3A_340] {strides = array<i32>} : memref<64x128xf32, #tpu.memory_space<vmem>>, vector<16xf32>,
        tpu.vector_store %arg31[%swap3A_339, %swap3A_340], %mul3A_338 {strides = array<i32>} : memref<64x128xf32, #tpu.memory_space<vmem>>, vector<16xf32>,
        %get3A_342 = arith.index_cast %add3A_315 : i32 to index
        %get3A_343 = arith.constant 64 : index
        %get3A_344 = tpu.vector_load %arg31[%get3A_342, %get3A_343] {strides = array<i32>} : memref<64x128xf32, #tpu.memory_space<vmem>>, vector<16xf32>,
        %mul3A_345 = arith.mulf %get3A_344, %gather3A : vector<16xf32>
        %swap3A_346 = arith.index_cast %add3A_315 : i32 to index
        %swap3A_347 = arith.constant 64 : index
        %swap3A_348 = tpu.vector_load %arg31[%swap3A_346, %swap3A_347] {strides = array<i32>} : memref<64x128xf32, #tpu.memory_space<vmem>>, vector<16xf32>,
        tpu.vector_store %arg31[%swap3A_346, %swap3A_347], %mul3A_345 {strides = array<i32>} : memref<64x128xf32, #tpu.memory_space<vmem>>, vector<16xf32>,
        %get3A_349 = arith.index_cast %add3A_315 : i32 to index
        %get3A_350 = arith.constant 80 : index
        %get3A_351 = tpu.vector_load %arg31[%get3A_349, %get3A_350] {strides = array<i32>} : memref<64x128xf32, #tpu.memory_space<vmem>>, vector<16xf32>,
        %mul3A_352 = arith.mulf %get3A_351, %gather3A : vector<16xf32>
        %swap3A_353 = arith.index_cast %add3A_315 : i32 to index
        %swap3A_354 = arith.constant 80 : index
        %swap3A_355 = tpu.vector_load %arg31[%swap3A_353, %swap3A_354] {strides = array<i32>} : memref<64x128xf32, #tpu.memory_space<vmem>>, vector<16xf32>,
        tpu.vector_store %arg31[%swap3A_353, %swap3A_354], %mul3A_352 {strides = array<i32>} : memref<64x128xf32, #tpu.memory_space<vmem>>, vector<16xf32>,
        %get3A_356 = arith.index_cast %add3A_315 : i32 to index
        %get3A_357 = arith.constant 96 : index
        %get3A_358 = tpu.vector_load %arg31[%get3A_356, %get3A_357] {strides = array<i32>} : memref<64x128xf32, #tpu.memory_space<vmem>>, vector<16xf32>,
        %mul3A_359 = arith.mulf %get3A_358, %gather3A : vector<16xf32>
        %swap3A_360 = arith.index_cast %add3A_315 : i32 to index
        %swap3A_361 = arith.constant 96 : index
        %swap3A_362 = tpu.vector_load %arg31[%swap3A_360, %swap3A_361] {strides = array<i32>} : memref<64x128xf32, #tpu.memory_space<vmem>>, vector<16xf32>,
        tpu.vector_store %arg31[%swap3A_360, %swap3A_361], %mul3A_359 {strides = array<i32>} : memref<64x128xf32, #tpu.memory_space<vmem>>, vector<16xf32>,
        %get3A_363 = arith.index_cast %add3A_315 : i32 to index
        %get3A_364 = arith.constant 112 : index
        %get3A_365 = tpu.vector_load %arg31[%get3A_363, %get3A_364] {strides = array<i32>} : memref<64x128xf32, #tpu.memory_space<vmem>>, vector<16xf32>,
        %mul3A_366 = arith.mulf %get3A_365, %gather3A : vector<16xf32>
        %swap3A_367 = arith.index_cast %add3A_315 : i32 to index
        %swap3A_368 = arith.constant 112 : index
        %swap3A_369 = tpu.vector_load %arg31[%swap3A_367, %swap3A_368] {strides = array<i32>} : memref<64x128xf32, #tpu.memory_space<vmem>>, vector<16xf32>,
        tpu.vector_store %arg31[%swap3A_367, %swap3A_368], %mul3A_366 {strides = array<i32>} : memref<64x128xf32, #tpu.memory_space<vmem>>, vector<16xf32>,
        %scan3A_370 = arith.constant 1 : i32
        %scan3A_371 = arith.addi %scan3A_311, %scan3A_370 : i32
        %mul3A_372 = arith.constant 1 : i32
        %mul3A_373 = arith.muli %scan3A_371, %mul3A_372 : i32
        %add3A_374 = arith.constant 0 : i32
        %add3A_375 = arith.addi %add3A_374, %mul3A_373 : i32
        %broadcast_in_dim3A_376 = vector.broadcast %add3A_375 : i32 to vector<16xi32>
        %gather3A_377 = tpu.vector_load_idx %arg23[%broadcast_in_dim3A_376] : memref<64xf32, #tpu.memory_space<vmem>>[vector<16xi32>], vector<16xf32>,
        %get3A_378 = arith.index_cast %add3A_375 : i32 to index
        %get3A_379 = arith.constant 0 : index
        %get3A_380 = tpu.vector_load %arg31[%get3A_378, %get3A_379] {strides = array<i32>} : memref<64x128xf32, #tpu.memory_space<vmem>>, vector<16xf32>,
        %mul3A_381 = arith.mulf %get3A_380, %gather3A_377 : vector<16xf32>
        %swap3A_382 = arith.index_cast %add3A_375 : i32 to index
        %swap3A_383 = arith.constant 0 : index
        %swap3A_384 = tpu.vector_load %arg31[%swap3A_382, %swap3A_383] {strides = array<i32>} : memref<64x128xf32, #tpu.memory_space<vmem>>, vector<16xf32>,
        tpu.vector_store %arg31[%swap3A_382, %swap3A_383], %mul3A_381 {strides = array<i32>} : memref<64x128xf32, #tpu.memory_space<vmem>>, vector<16xf32>,
        %get3A_385 = arith.index_cast %add3A_375 : i32 to index
        %get3A_386 = arith.constant 16 : index
        %get3A_387 = tpu.vector_load %arg31[%get3A_385, %get3A_386] {strides = array<i32>} : memref<64x128xf32, #tpu.memory_space<vmem>>, vector<16xf32>,
        %mul3A_388 = arith.mulf %get3A_387, %gather3A_377 : vector<16xf32>
        %swap3A_389 = arith.index_cast %add3A_375 : i32 to index
        %swap3A_390 = arith.constant 16 : index
        %swap3A_391 = tpu.vector_load %arg31[%swap3A_389, %swap3A_390] {strides = array<i32>} : memref<64x128xf32, #tpu.memory_space<vmem>>, vector<16xf32>,
        tpu.vector_store %arg31[%swap3A_389, %swap3A_390], %mul3A_388 {strides = array<i32>} : memref<64x128xf32, #tpu.memory_space<vmem>>, vector<16xf32>,
        %get3A_392 = arith.index_cast %add3A_375 : i32 to index
        %get3A_393 = arith.constant 32 : index
        %get3A_394 = tpu.vector_load %arg31[%get3A_392, %get3A_393] {strides = array<i32>} : memref<64x128xf32, #tpu.memory_space<vmem>>, vector<16xf32>,
        %mul3A_395 = arith.mulf %get3A_394, %gather3A_377 : vector<16xf32>
        %swap3A_396 = arith.index_cast %add3A_375 : i32 to index
        %swap3A_397 = arith.constant 32 : index
        %swap3A_398 = tpu.vector_load %arg31[%swap3A_396, %swap3A_397] {strides = array<i32>} : memref<64x128xf32, #tpu.memory_space<vmem>>, vector<16xf32>,
        tpu.vector_store %arg31[%swap3A_396, %swap3A_397], %mul3A_395 {strides = array<i32>} : memref<64x128xf32, #tpu.memory_space<vmem>>, vector<16xf32>,
        %get3A_399 = arith.index_cast %add3A_375 : i32 to index
        %get3A_400 = arith.constant 48 : index
        %get3A_401 = tpu.vector_load %arg31[%get3A_399, %get3A_400] {strides = array<i32>} : memref<64x128xf32, #tpu.memory_space<vmem>>, vector<16xf32>,
        %mul3A_402 = arith.mulf %get3A_401, %gather3A_377 : vector<16xf32>
        %swap3A_403 = arith.index_cast %add3A_375 : i32 to index
        %swap3A_404 = arith.constant 48 : index
        %swap3A_405 = tpu.vector_load %arg31[%swap3A_403, %swap3A_404] {strides = array<i32>} : memref<64x128xf32, #tpu.memory_space<vmem>>, vector<16xf32>,
        tpu.vector_store %arg31[%swap3A_403, %swap3A_404], %mul3A_402 {strides = array<i32>} : memref<64x128xf32, #tpu.memory_space<vmem>>, vector<16xf32>,
        %get3A_406 = arith.index_cast %add3A_375 : i32 to index
        %get3A_407 = arith.constant 64 : index
        %get3A_408 = tpu.vector_load %arg31[%get3A_406, %get3A_407] {strides = array<i32>} : memref<64x128xf32, #tpu.memory_space<vmem>>, vector<16xf32>,
        %mul3A_409 = arith.mulf %get3A_408, %gather3A_377 : vector<16xf32>
        %swap3A_410 = arith.index_cast %add3A_375 : i32 to index
        %swap3A_411 = arith.constant 64 : index
        %swap3A_412 = tpu.vector_load %arg31[%swap3A_410, %swap3A_411] {strides = array<i32>} : memref<64x128xf32, #tpu.memory_space<vmem>>, vector<16xf32>,
        tpu.vector_store %arg31[%swap3A_410, %swap3A_411], %mul3A_409 {strides = array<i32>} : memref<64x128xf32, #tpu.memory_space<vmem>>, vector<16xf32>,
        %get3A_413 = arith.index_cast %add3A_375 : i32 to index
        %get3A_414 = arith.constant 80 : index
        %get3A_415 = tpu.vector_load %arg31[%get3A_413, %get3A_414] {strides = array<i32>} : memref<64x128xf32, #tpu.memory_space<vmem>>, vector<16xf32>,
        %mul3A_416 = arith.mulf %get3A_415, %gather3A_377 : vector<16xf32>
        %swap3A_417 = arith.index_cast %add3A_375 : i32 to index
        %swap3A_418 = arith.constant 80 : index
        %swap3A_419 = tpu.vector_load %arg31[%swap3A_417, %swap3A_418] {strides = array<i32>} : memref<64x128xf32, #tpu.memory_space<vmem>>, vector<16xf32>,
        tpu.vector_store %arg31[%swap3A_417, %swap3A_418], %mul3A_416 {strides = array<i32>} : memref<64x128xf32, #tpu.memory_space<vmem>>, vector<16xf32>,
        %get3A_420 = arith.index_cast %add3A_375 : i32 to index
        %get3A_421 = arith.constant 96 : index
        %get3A_422 = tpu.vector_load %arg31[%get3A_420, %get3A_421] {strides = array<i32>} : memref<64x128xf32, #tpu.memory_space<vmem>>, vector<16xf32>,
        %mul3A_423 = arith.mulf %get3A_422, %gather3A_377 : vector<16xf32>
        %swap3A_424 = arith.index_cast %add3A_375 : i32 to index
        %swap3A_425 = arith.constant 96 : index
        %swap3A_426 = tpu.vector_load %arg31[%swap3A_424, %swap3A_425] {strides = array<i32>} : memref<64x128xf32, #tpu.memory_space<vmem>>, vector<16xf32>,
        tpu.vector_store %arg31[%swap3A_424, %swap3A_425], %mul3A_423 {strides = array<i32>} : memref<64x128xf32, #tpu.memory_space<vmem>>, vector<16xf32>,
        %get3A_427 = arith.index_cast %add3A_375 : i32 to index
        %get3A_428 = arith.constant 112 : index
        %get3A_429 = tpu.vector_load %arg31[%get3A_427, %get3A_428] {strides = array<i32>} : memref<64x128xf32, #tpu.memory_space<vmem>>, vector<16xf32>,
        %mul3A_430 = arith.mulf %get3A_429, %gather3A_377 : vector<16xf32>
        %swap3A_431 = arith.index_cast %add3A_375 : i32 to index
        %swap3A_432 = arith.constant 112 : index
        %swap3A_433 = tpu.vector_load %arg31[%swap3A_431, %swap3A_432] {strides = array<i32>} : memref<64x128xf32, #tpu.memory_space<vmem>>, vector<16xf32>,
        tpu.vector_store %arg31[%swap3A_431, %swap3A_432], %mul3A_430 {strides = array<i32>} : memref<64x128xf32, #tpu.memory_space<vmem>>, vector<16xf32>,
      }
      %scan3A_132 = arith.constant 64 : i32
      %dma_start3A_133 = arith.constant 0 : i32
      %dma_start3A_134 = arith.constant 0 : i32
      %dma_start3A_135 = tpu.memref_slice %arg51[%dma_start3A_133, %dma_start3A_134] : memref<10240x128xf32, #tpu.memory_space<vmem_shared>> -> memref<10240x128xf32, #tpu.memory_space<vmem_shared>>
      tpu.enqueue_indirect_dma source(%arg31 : memref<64x128xf32, #tpu.memory_space<vmem>>) target(%dma_start3A_135 : memref<10240x128xf32, #tpu.memory_space<vmem_shared>>) offsets(%arg15 : memref<64xi32, #tpu.memory_space<vmem>>) semaphore(%arg47 : memref<!tpu.dma_semaphore, #tpu.memory_space<semaphore_mem>>) {add = true}
      %add3A_136 = arith.constant 1 : i32
      %add3A_137 = arith.addi %add3A_113, %add3A_136 : i32
      %dma_wait3A_138 = arith.constant 0 : i32
      %dma_wait3A_139 = arith.constant 0 : i32
      %dma_wait3A_140 = tpu.memref_slice %arg5[%dma_wait3A_138, %dma_wait3A_139] : memref<10240x128xf32, #tpu.memory_space<hbm>> -> memref<10240x128xf32, #tpu.memory_space<hbm>>
      tpu.wait_indirect_dma semaphore(%arg44 : memref<!tpu.dma_semaphore, #tpu.memory_space<semaphore_mem>>) src(%dma_wait3A_140 : memref<10240x128xf32, #tpu.memory_space<hbm>>) dst(%arg32 : memref<64x128xf32, #tpu.memory_space<vmem>>)
      %add3A_141 = arith.constant 2 : i32
      %add3A_142 = arith.addi %add3A_137, %add3A_141 : i32
      %lt3A_143 = arith.cmpi slt, %add3A_142, %select_n3A : i32
      %convert_element_type3A_144 = arith.extui %lt3A_143 : i1 to i32
      %cond3A_145 = arith.constant 0 : i32
      %cond3A_146 = arith.cmpi ne, %convert_element_type3A_144, %cond3A_145 : i32
      scf.if %cond3A_146 {
        %ge3A = arith.constant 2 : i32
        %ge3A_311 = arith.cmpi sge, %add3A_137, %ge3A : i32
        %convert_element_type3A_312 = arith.extui %ge3A_311 : i1 to i32
        %cond3A_313 = arith.constant 0 : i32
        %cond3A_314 = arith.cmpi ne, %convert_element_type3A_312, %cond3A_313 : i32
        scf.if %cond3A_314 {
          %dma_wait3A_330 = arith.constant 0 : i32
          %dma_wait3A_331 = arith.constant 0 : i32
          %dma_wait3A_332 = tpu.memref_slice %arg51[%dma_wait3A_330, %dma_wait3A_331] : memref<10240x128xf32, #tpu.memory_space<vmem_shared>> -> memref<10240x128xf32, #tpu.memory_space<vmem_shared>>
          tpu.wait_indirect_dma semaphore(%arg50 : memref<!tpu.dma_semaphore, #tpu.memory_space<semaphore_mem>>) src(%arg34 : memref<64x128xf32, #tpu.memory_space<vmem>>) dst(%dma_wait3A_332 : memref<10240x128xf32, #tpu.memory_space<vmem_shared>>)
        } else {
        }
        %dma_wait3A_315 = arith.constant 0 : i32
        %dma_wait3A_316 = tpu.memref_slice %arg2[%dma_wait3A_315] : memref<327680xi32, #tpu.memory_space<hbm>> -> memref<64xi32, #tpu.memory_space<hbm>>
        %dma_wait3A_317 = arith.constant 0 : i32
        %dma_wait3A_318 = tpu.memref_slice %arg2[%dma_wait3A_317] : memref<327680xi32, #tpu.memory_space<hbm>> -> memref<64xi32, #tpu.memory_space<hbm>>
        tpu.wait_dma2 semaphore(%arg38 : memref<!tpu.dma_semaphore, #tpu.memory_space<semaphore_mem>>) src(%dma_wait3A_318 : memref<64xi32, #tpu.memory_space<hbm>>) dst(%arg10 : memref<64xi32, #tpu.memory_space<vmem>>)
        %dma_wait3A_319 = arith.constant 0 : i32
        %dma_wait3A_320 = tpu.memref_slice %arg3[%dma_wait3A_319] : memref<327680xi32, #tpu.memory_space<hbm>> -> memref<64xi32, #tpu.memory_space<hbm>>
        %dma_wait3A_321 = arith.constant 0 : i32
        %dma_wait3A_322 = tpu.memref_slice %arg3[%dma_wait3A_321] : memref<327680xi32, #tpu.memory_space<hbm>> -> memref<64xi32, #tpu.memory_space<hbm>>
        tpu.wait_dma2 semaphore(%arg38 : memref<!tpu.dma_semaphore, #tpu.memory_space<semaphore_mem>>) src(%dma_wait3A_322 : memref<64xi32, #tpu.memory_space<hbm>>) dst(%arg18 : memref<64xi32, #tpu.memory_space<vmem>>)
        %dma_wait3A_323 = arith.constant 0 : i32
        %dma_wait3A_324 = tpu.memref_slice %arg4[%dma_wait3A_323] : memref<327680xf32, #tpu.memory_space<hbm>> -> memref<64xf32, #tpu.memory_space<hbm>>
        %dma_wait3A_325 = arith.constant 0 : i32
        %dma_wait3A_326 = tpu.memref_slice %arg4[%dma_wait3A_325] : memref<327680xf32, #tpu.memory_space<hbm>> -> memref<64xf32, #tpu.memory_space<hbm>>
        tpu.wait_dma2 semaphore(%arg38 : memref<!tpu.dma_semaphore, #tpu.memory_space<semaphore_mem>>) src(%dma_wait3A_326 : memref<64xf32, #tpu.memory_space<hbm>>) dst(%arg26 : memref<64xf32, #tpu.memory_space<vmem>>)
        %dma_start3A_327 = arith.constant 0 : i32
        %dma_start3A_328 = arith.constant 0 : i32
        %dma_start3A_329 = tpu.memref_slice %arg5[%dma_start3A_327, %dma_start3A_328] : memref<10240x128xf32, #tpu.memory_space<hbm>> -> memref<10240x128xf32, #tpu.memory_space<hbm>>
        tpu.enqueue_indirect_dma source(%dma_start3A_329 : memref<10240x128xf32, #tpu.memory_space<hbm>>) target(%arg34 : memref<64x128xf32, #tpu.memory_space<vmem>>) offsets(%arg10 : memref<64xi32, #tpu.memory_space<vmem>>) semaphore(%arg46 : memref<!tpu.dma_semaphore, #tpu.memory_space<semaphore_mem>>)
      } else {
      }
      %add3A_147 = arith.constant 4 : i32
      %add3A_148 = arith.addi %add3A_137, %add3A_147 : i32
      %lt3A_149 = arith.cmpi slt, %add3A_148, %select_n3A : i32
      %convert_element_type3A_150 = arith.extui %lt3A_149 : i1 to i32
      %cond3A_151 = arith.constant 0 : i32
      %cond3A_152 = arith.cmpi ne, %convert_element_type3A_150, %cond3A_151 : i32
      scf.if %cond3A_152 {
        %add3A_311 = arith.constant 4 : i32
        %add3A_312 = arith.addi %add3A_137, %add3A_311 : i32
        %mul3A_313 = arith.constant 64 : i32
        %mul3A_314 = arith.muli %add3A_312, %mul3A_313 : i32
        %add3A_315 = arith.addi %select_n3A_8, %mul3A_314 : i32
        %dma_start3A_316 = tpu.memref_slice %arg2[%add3A_315] : memref<327680xi32, #tpu.memory_space<hbm>> -> memref<64xi32, #tpu.memory_space<hbm>>
        %dma_start3A_317 = tpu.memref_slice %arg2[%add3A_315] : memref<327680xi32, #tpu.memory_space<hbm>> -> memref<64xi32, #tpu.memory_space<hbm>>
        tpu.enqueue_dma source(%dma_start3A_317 : memref<64xi32, #tpu.memory_space<hbm>>) target(%arg12 : memref<64xi32, #tpu.memory_space<vmem>>) target_semaphore(%arg40 : memref<!tpu.dma_semaphore, #tpu.memory_space<semaphore_mem>>)
        %dma_start3A_318 = tpu.memref_slice %arg3[%add3A_315] : memref<327680xi32, #tpu.memory_space<hbm>> -> memref<64xi32, #tpu.memory_space<hbm>>
        %dma_start3A_319 = tpu.memref_slice %arg3[%add3A_315] : memref<327680xi32, #tpu.memory_space<hbm>> -> memref<64xi32, #tpu.memory_space<hbm>>
        tpu.enqueue_dma source(%dma_start3A_319 : memref<64xi32, #tpu.memory_space<hbm>>) target(%arg20 : memref<64xi32, #tpu.memory_space<vmem>>) target_semaphore(%arg40 : memref<!tpu.dma_semaphore, #tpu.memory_space<semaphore_mem>>)
        %dma_start3A_320 = tpu.memref_slice %arg4[%add3A_315] : memref<327680xf32, #tpu.memory_space<hbm>> -> memref<64xf32, #tpu.memory_space<hbm>>
        %dma_start3A_321 = tpu.memref_slice %arg4[%add3A_315] : memref<327680xf32, #tpu.memory_space<hbm>> -> memref<64xf32, #tpu.memory_space<hbm>>
        tpu.enqueue_dma source(%dma_start3A_321 : memref<64xf32, #tpu.memory_space<hbm>>) target(%arg28 : memref<64xf32, #tpu.memory_space<vmem>>) target_semaphore(%arg40 : memref<!tpu.dma_semaphore, #tpu.memory_space<semaphore_mem>>)
      } else {
      }
      %scan3A_153 = arith.constant 0 : i32
      %scan3A_154 = arith.constant 64 : i32
      %scan3A_155 = arith.addi %scan3A_153, %scan3A_154 : i32
      %scan3A_156 = arith.constant 2 : i32
      scf.for %scan3A_311 = %scan3A_153 to %scan3A_155 step %scan3A_156  : i32 {
        %mul3A_312 = arith.constant 1 : i32
        %mul3A_313 = arith.muli %scan3A_311, %mul3A_312 : i32
        %add3A_314 = arith.constant 0 : i32
        %add3A_315 = arith.addi %add3A_314, %mul3A_313 : i32
        %broadcast_in_dim3A = vector.broadcast %add3A_315 : i32 to vector<16xi32>
        %gather3A = tpu.vector_load_idx %arg24[%broadcast_in_dim3A] : memref<64xf32, #tpu.memory_space<vmem>>[vector<16xi32>], vector<16xf32>,
        %get3A = arith.index_cast %add3A_315 : i32 to index
        %get3A_316 = arith.constant 0 : index
        %get3A_317 = tpu.vector_load %arg32[%get3A, %get3A_316] {strides = array<i32>} : memref<64x128xf32, #tpu.memory_space<vmem>>, vector<16xf32>,
        %mul3A_318 = arith.mulf %get3A_317, %gather3A : vector<16xf32>
        %swap3A = arith.index_cast %add3A_315 : i32 to index
        %swap3A_319 = arith.constant 0 : index
        %swap3A_320 = tpu.vector_load %arg32[%swap3A, %swap3A_319] {strides = array<i32>} : memref<64x128xf32, #tpu.memory_space<vmem>>, vector<16xf32>,
        tpu.vector_store %arg32[%swap3A, %swap3A_319], %mul3A_318 {strides = array<i32>} : memref<64x128xf32, #tpu.memory_space<vmem>>, vector<16xf32>,
        %get3A_321 = arith.index_cast %add3A_315 : i32 to index
        %get3A_322 = arith.constant 16 : index
        %get3A_323 = tpu.vector_load %arg32[%get3A_321, %get3A_322] {strides = array<i32>} : memref<64x128xf32, #tpu.memory_space<vmem>>, vector<16xf32>,
        %mul3A_324 = arith.mulf %get3A_323, %gather3A : vector<16xf32>
        %swap3A_325 = arith.index_cast %add3A_315 : i32 to index
        %swap3A_326 = arith.constant 16 : index
        %swap3A_327 = tpu.vector_load %arg32[%swap3A_325, %swap3A_326] {strides = array<i32>} : memref<64x128xf32, #tpu.memory_space<vmem>>, vector<16xf32>,
        tpu.vector_store %arg32[%swap3A_325, %swap3A_326], %mul3A_324 {strides = array<i32>} : memref<64x128xf32, #tpu.memory_space<vmem>>, vector<16xf32>,
        %get3A_328 = arith.index_cast %add3A_315 : i32 to index
        %get3A_329 = arith.constant 32 : index
        %get3A_330 = tpu.vector_load %arg32[%get3A_328, %get3A_329] {strides = array<i32>} : memref<64x128xf32, #tpu.memory_space<vmem>>, vector<16xf32>,
        %mul3A_331 = arith.mulf %get3A_330, %gather3A : vector<16xf32>
        %swap3A_332 = arith.index_cast %add3A_315 : i32 to index
        %swap3A_333 = arith.constant 32 : index
        %swap3A_334 = tpu.vector_load %arg32[%swap3A_332, %swap3A_333] {strides = array<i32>} : memref<64x128xf32, #tpu.memory_space<vmem>>, vector<16xf32>,
        tpu.vector_store %arg32[%swap3A_332, %swap3A_333], %mul3A_331 {strides = array<i32>} : memref<64x128xf32, #tpu.memory_space<vmem>>, vector<16xf32>,
        %get3A_335 = arith.index_cast %add3A_315 : i32 to index
        %get3A_336 = arith.constant 48 : index
        %get3A_337 = tpu.vector_load %arg32[%get3A_335, %get3A_336] {strides = array<i32>} : memref<64x128xf32, #tpu.memory_space<vmem>>, vector<16xf32>,
        %mul3A_338 = arith.mulf %get3A_337, %gather3A : vector<16xf32>
        %swap3A_339 = arith.index_cast %add3A_315 : i32 to index
        %swap3A_340 = arith.constant 48 : index
        %swap3A_341 = tpu.vector_load %arg32[%swap3A_339, %swap3A_340] {strides = array<i32>} : memref<64x128xf32, #tpu.memory_space<vmem>>, vector<16xf32>,
        tpu.vector_store %arg32[%swap3A_339, %swap3A_340], %mul3A_338 {strides = array<i32>} : memref<64x128xf32, #tpu.memory_space<vmem>>, vector<16xf32>,
        %get3A_342 = arith.index_cast %add3A_315 : i32 to index
        %get3A_343 = arith.constant 64 : index
        %get3A_344 = tpu.vector_load %arg32[%get3A_342, %get3A_343] {strides = array<i32>} : memref<64x128xf32, #tpu.memory_space<vmem>>, vector<16xf32>,
        %mul3A_345 = arith.mulf %get3A_344, %gather3A : vector<16xf32>
        %swap3A_346 = arith.index_cast %add3A_315 : i32 to index
        %swap3A_347 = arith.constant 64 : index
        %swap3A_348 = tpu.vector_load %arg32[%swap3A_346, %swap3A_347] {strides = array<i32>} : memref<64x128xf32, #tpu.memory_space<vmem>>, vector<16xf32>,
        tpu.vector_store %arg32[%swap3A_346, %swap3A_347], %mul3A_345 {strides = array<i32>} : memref<64x128xf32, #tpu.memory_space<vmem>>, vector<16xf32>,
        %get3A_349 = arith.index_cast %add3A_315 : i32 to index
        %get3A_350 = arith.constant 80 : index
        %get3A_351 = tpu.vector_load %arg32[%get3A_349, %get3A_350] {strides = array<i32>} : memref<64x128xf32, #tpu.memory_space<vmem>>, vector<16xf32>,
        %mul3A_352 = arith.mulf %get3A_351, %gather3A : vector<16xf32>
        %swap3A_353 = arith.index_cast %add3A_315 : i32 to index
        %swap3A_354 = arith.constant 80 : index
        %swap3A_355 = tpu.vector_load %arg32[%swap3A_353, %swap3A_354] {strides = array<i32>} : memref<64x128xf32, #tpu.memory_space<vmem>>, vector<16xf32>,
        tpu.vector_store %arg32[%swap3A_353, %swap3A_354], %mul3A_352 {strides = array<i32>} : memref<64x128xf32, #tpu.memory_space<vmem>>, vector<16xf32>,
        %get3A_356 = arith.index_cast %add3A_315 : i32 to index
        %get3A_357 = arith.constant 96 : index
        %get3A_358 = tpu.vector_load %arg32[%get3A_356, %get3A_357] {strides = array<i32>} : memref<64x128xf32, #tpu.memory_space<vmem>>, vector<16xf32>,
        %mul3A_359 = arith.mulf %get3A_358, %gather3A : vector<16xf32>
        %swap3A_360 = arith.index_cast %add3A_315 : i32 to index
        %swap3A_361 = arith.constant 96 : index
        %swap3A_362 = tpu.vector_load %arg32[%swap3A_360, %swap3A_361] {strides = array<i32>} : memref<64x128xf32, #tpu.memory_space<vmem>>, vector<16xf32>,
        tpu.vector_store %arg32[%swap3A_360, %swap3A_361], %mul3A_359 {strides = array<i32>} : memref<64x128xf32, #tpu.memory_space<vmem>>, vector<16xf32>,
        %get3A_363 = arith.index_cast %add3A_315 : i32 to index
        %get3A_364 = arith.constant 112 : index
        %get3A_365 = tpu.vector_load %arg32[%get3A_363, %get3A_364] {strides = array<i32>} : memref<64x128xf32, #tpu.memory_space<vmem>>, vector<16xf32>,
        %mul3A_366 = arith.mulf %get3A_365, %gather3A : vector<16xf32>
        %swap3A_367 = arith.index_cast %add3A_315 : i32 to index
        %swap3A_368 = arith.constant 112 : index
        %swap3A_369 = tpu.vector_load %arg32[%swap3A_367, %swap3A_368] {strides = array<i32>} : memref<64x128xf32, #tpu.memory_space<vmem>>, vector<16xf32>,
        tpu.vector_store %arg32[%swap3A_367, %swap3A_368], %mul3A_366 {strides = array<i32>} : memref<64x128xf32, #tpu.memory_space<vmem>>, vector<16xf32>,
        %scan3A_370 = arith.constant 1 : i32
        %scan3A_371 = arith.addi %scan3A_311, %scan3A_370 : i32
        %mul3A_372 = arith.constant 1 : i32
        %mul3A_373 = arith.muli %scan3A_371, %mul3A_372 : i32
        %add3A_374 = arith.constant 0 : i32
        %add3A_375 = arith.addi %add3A_374, %mul3A_373 : i32
        %broadcast_in_dim3A_376 = vector.broadcast %add3A_375 : i32 to vector<16xi32>
        %gather3A_377 = tpu.vector_load_idx %arg24[%broadcast_in_dim3A_376] : memref<64xf32, #tpu.memory_space<vmem>>[vector<16xi32>], vector<16xf32>,
        %get3A_378 = arith.index_cast %add3A_375 : i32 to index
        %get3A_379 = arith.constant 0 : index
        %get3A_380 = tpu.vector_load %arg32[%get3A_378, %get3A_379] {strides = array<i32>} : memref<64x128xf32, #tpu.memory_space<vmem>>, vector<16xf32>,
        %mul3A_381 = arith.mulf %get3A_380, %gather3A_377 : vector<16xf32>
        %swap3A_382 = arith.index_cast %add3A_375 : i32 to index
        %swap3A_383 = arith.constant 0 : index
        %swap3A_384 = tpu.vector_load %arg32[%swap3A_382, %swap3A_383] {strides = array<i32>} : memref<64x128xf32, #tpu.memory_space<vmem>>, vector<16xf32>,
        tpu.vector_store %arg32[%swap3A_382, %swap3A_383], %mul3A_381 {strides = array<i32>} : memref<64x128xf32, #tpu.memory_space<vmem>>, vector<16xf32>,
        %get3A_385 = arith.index_cast %add3A_375 : i32 to index
        %get3A_386 = arith.constant 16 : index
        %get3A_387 = tpu.vector_load %arg32[%get3A_385, %get3A_386] {strides = array<i32>} : memref<64x128xf32, #tpu.memory_space<vmem>>, vector<16xf32>,
        %mul3A_388 = arith.mulf %get3A_387, %gather3A_377 : vector<16xf32>
        %swap3A_389 = arith.index_cast %add3A_375 : i32 to index
        %swap3A_390 = arith.constant 16 : index
        %swap3A_391 = tpu.vector_load %arg32[%swap3A_389, %swap3A_390] {strides = array<i32>} : memref<64x128xf32, #tpu.memory_space<vmem>>, vector<16xf32>,
        tpu.vector_store %arg32[%swap3A_389, %swap3A_390], %mul3A_388 {strides = array<i32>} : memref<64x128xf32, #tpu.memory_space<vmem>>, vector<16xf32>,
        %get3A_392 = arith.index_cast %add3A_375 : i32 to index
        %get3A_393 = arith.constant 32 : index
        %get3A_394 = tpu.vector_load %arg32[%get3A_392, %get3A_393] {strides = array<i32>} : memref<64x128xf32, #tpu.memory_space<vmem>>, vector<16xf32>,
        %mul3A_395 = arith.mulf %get3A_394, %gather3A_377 : vector<16xf32>
        %swap3A_396 = arith.index_cast %add3A_375 : i32 to index
        %swap3A_397 = arith.constant 32 : index
        %swap3A_398 = tpu.vector_load %arg32[%swap3A_396, %swap3A_397] {strides = array<i32>} : memref<64x128xf32, #tpu.memory_space<vmem>>, vector<16xf32>,
        tpu.vector_store %arg32[%swap3A_396, %swap3A_397], %mul3A_395 {strides = array<i32>} : memref<64x128xf32, #tpu.memory_space<vmem>>, vector<16xf32>,
        %get3A_399 = arith.index_cast %add3A_375 : i32 to index
        %get3A_400 = arith.constant 48 : index
        %get3A_401 = tpu.vector_load %arg32[%get3A_399, %get3A_400] {strides = array<i32>} : memref<64x128xf32, #tpu.memory_space<vmem>>, vector<16xf32>,
        %mul3A_402 = arith.mulf %get3A_401, %gather3A_377 : vector<16xf32>
        %swap3A_403 = arith.index_cast %add3A_375 : i32 to index
        %swap3A_404 = arith.constant 48 : index
        %swap3A_405 = tpu.vector_load %arg32[%swap3A_403, %swap3A_404] {strides = array<i32>} : memref<64x128xf32, #tpu.memory_space<vmem>>, vector<16xf32>,
        tpu.vector_store %arg32[%swap3A_403, %swap3A_404], %mul3A_402 {strides = array<i32>} : memref<64x128xf32, #tpu.memory_space<vmem>>, vector<16xf32>,
        %get3A_406 = arith.index_cast %add3A_375 : i32 to index
        %get3A_407 = arith.constant 64 : index
        %get3A_408 = tpu.vector_load %arg32[%get3A_406, %get3A_407] {strides = array<i32>} : memref<64x128xf32, #tpu.memory_space<vmem>>, vector<16xf32>,
        %mul3A_409 = arith.mulf %get3A_408, %gather3A_377 : vector<16xf32>
        %swap3A_410 = arith.index_cast %add3A_375 : i32 to index
        %swap3A_411 = arith.constant 64 : index
        %swap3A_412 = tpu.vector_load %arg32[%swap3A_410, %swap3A_411] {strides = array<i32>} : memref<64x128xf32, #tpu.memory_space<vmem>>, vector<16xf32>,
        tpu.vector_store %arg32[%swap3A_410, %swap3A_411], %mul3A_409 {strides = array<i32>} : memref<64x128xf32, #tpu.memory_space<vmem>>, vector<16xf32>,
        %get3A_413 = arith.index_cast %add3A_375 : i32 to index
        %get3A_414 = arith.constant 80 : index
        %get3A_415 = tpu.vector_load %arg32[%get3A_413, %get3A_414] {strides = array<i32>} : memref<64x128xf32, #tpu.memory_space<vmem>>, vector<16xf32>,
        %mul3A_416 = arith.mulf %get3A_415, %gather3A_377 : vector<16xf32>
        %swap3A_417 = arith.index_cast %add3A_375 : i32 to index
        %swap3A_418 = arith.constant 80 : index
        %swap3A_419 = tpu.vector_load %arg32[%swap3A_417, %swap3A_418] {strides = array<i32>} : memref<64x128xf32, #tpu.memory_space<vmem>>, vector<16xf32>,
        tpu.vector_store %arg32[%swap3A_417, %swap3A_418], %mul3A_416 {strides = array<i32>} : memref<64x128xf32, #tpu.memory_space<vmem>>, vector<16xf32>,
        %get3A_420 = arith.index_cast %add3A_375 : i32 to index
        %get3A_421 = arith.constant 96 : index
        %get3A_422 = tpu.vector_load %arg32[%get3A_420, %get3A_421] {strides = array<i32>} : memref<64x128xf32, #tpu.memory_space<vmem>>, vector<16xf32>,
        %mul3A_423 = arith.mulf %get3A_422, %gather3A_377 : vector<16xf32>
        %swap3A_424 = arith.index_cast %add3A_375 : i32 to index
        %swap3A_425 = arith.constant 96 : index
        %swap3A_426 = tpu.vector_load %arg32[%swap3A_424, %swap3A_425] {strides = array<i32>} : memref<64x128xf32, #tpu.memory_space<vmem>>, vector<16xf32>,
        tpu.vector_store %arg32[%swap3A_424, %swap3A_425], %mul3A_423 {strides = array<i32>} : memref<64x128xf32, #tpu.memory_space<vmem>>, vector<16xf32>,
        %get3A_427 = arith.index_cast %add3A_375 : i32 to index
        %get3A_428 = arith.constant 112 : index
        %get3A_429 = tpu.vector_load %arg32[%get3A_427, %get3A_428] {strides = array<i32>} : memref<64x128xf32, #tpu.memory_space<vmem>>, vector<16xf32>,
        %mul3A_430 = arith.mulf %get3A_429, %gather3A_377 : vector<16xf32>
        %swap3A_431 = arith.index_cast %add3A_375 : i32 to index
        %swap3A_432 = arith.constant 112 : index
        %swap3A_433 = tpu.vector_load %arg32[%swap3A_431, %swap3A_432] {strides = array<i32>} : memref<64x128xf32, #tpu.memory_space<vmem>>, vector<16xf32>,
        tpu.vector_store %arg32[%swap3A_431, %swap3A_432], %mul3A_430 {strides = array<i32>} : memref<64x128xf32, #tpu.memory_space<vmem>>, vector<16xf32>,
      }
      %scan3A_157 = arith.constant 64 : i32
      %dma_start3A_158 = arith.constant 0 : i32
      %dma_start3A_159 = arith.constant 0 : i32
      %dma_start3A_160 = tpu.memref_slice %arg51[%dma_start3A_158, %dma_start3A_159] : memref<10240x128xf32, #tpu.memory_space<vmem_shared>> -> memref<10240x128xf32, #tpu.memory_space<vmem_shared>>
      tpu.enqueue_indirect_dma source(%arg32 : memref<64x128xf32, #tpu.memory_space<vmem>>) target(%dma_start3A_160 : memref<10240x128xf32, #tpu.memory_space<vmem_shared>>) offsets(%arg16 : memref<64xi32, #tpu.memory_space<vmem>>) semaphore(%arg48 : memref<!tpu.dma_semaphore, #tpu.memory_space<semaphore_mem>>) {add = true}
      %add3A_161 = arith.constant 2 : i32
      %add3A_162 = arith.addi %add3A_113, %add3A_161 : i32
      %dma_wait3A_163 = arith.constant 0 : i32
      %dma_wait3A_164 = arith.constant 0 : i32
      %dma_wait3A_165 = tpu.memref_slice %arg5[%dma_wait3A_163, %dma_wait3A_164] : memref<10240x128xf32, #tpu.memory_space<hbm>> -> memref<10240x128xf32, #tpu.memory_space<hbm>>
      tpu.wait_indirect_dma semaphore(%arg45 : memref<!tpu.dma_semaphore, #tpu.memory_space<semaphore_mem>>) src(%dma_wait3A_165 : memref<10240x128xf32, #tpu.memory_space<hbm>>) dst(%arg33 : memref<64x128xf32, #tpu.memory_space<vmem>>)
      %add3A_166 = arith.constant 2 : i32
      %add3A_167 = arith.addi %add3A_162, %add3A_166 : i32
      %lt3A_168 = arith.cmpi slt, %add3A_167, %select_n3A : i32
      %convert_element_type3A_169 = arith.extui %lt3A_168 : i1 to i32
      %cond3A_170 = arith.constant 0 : i32
      %cond3A_171 = arith.cmpi ne, %convert_element_type3A_169, %cond3A_170 : i32
      scf.if %cond3A_171 {
        %ge3A = arith.constant 2 : i32
        %ge3A_311 = arith.cmpi sge, %add3A_162, %ge3A : i32
        %convert_element_type3A_312 = arith.extui %ge3A_311 : i1 to i32
        %cond3A_313 = arith.constant 0 : i32
        %cond3A_314 = arith.cmpi ne, %convert_element_type3A_312, %cond3A_313 : i32
        scf.if %cond3A_314 {
          %dma_wait3A_330 = arith.constant 0 : i32
          %dma_wait3A_331 = arith.constant 0 : i32
          %dma_wait3A_332 = tpu.memref_slice %arg51[%dma_wait3A_330, %dma_wait3A_331] : memref<10240x128xf32, #tpu.memory_space<vmem_shared>> -> memref<10240x128xf32, #tpu.memory_space<vmem_shared>>
          tpu.wait_indirect_dma semaphore(%arg47 : memref<!tpu.dma_semaphore, #tpu.memory_space<semaphore_mem>>) src(%arg31 : memref<64x128xf32, #tpu.memory_space<vmem>>) dst(%dma_wait3A_332 : memref<10240x128xf32, #tpu.memory_space<vmem_shared>>)
        } else {
        }
        %dma_wait3A_315 = arith.constant 0 : i32
        %dma_wait3A_316 = tpu.memref_slice %arg2[%dma_wait3A_315] : memref<327680xi32, #tpu.memory_space<hbm>> -> memref<64xi32, #tpu.memory_space<hbm>>
        %dma_wait3A_317 = arith.constant 0 : i32
        %dma_wait3A_318 = tpu.memref_slice %arg2[%dma_wait3A_317] : memref<327680xi32, #tpu.memory_space<hbm>> -> memref<64xi32, #tpu.memory_space<hbm>>
        tpu.wait_dma2 semaphore(%arg39 : memref<!tpu.dma_semaphore, #tpu.memory_space<semaphore_mem>>) src(%dma_wait3A_318 : memref<64xi32, #tpu.memory_space<hbm>>) dst(%arg11 : memref<64xi32, #tpu.memory_space<vmem>>)
        %dma_wait3A_319 = arith.constant 0 : i32
        %dma_wait3A_320 = tpu.memref_slice %arg3[%dma_wait3A_319] : memref<327680xi32, #tpu.memory_space<hbm>> -> memref<64xi32, #tpu.memory_space<hbm>>
        %dma_wait3A_321 = arith.constant 0 : i32
        %dma_wait3A_322 = tpu.memref_slice %arg3[%dma_wait3A_321] : memref<327680xi32, #tpu.memory_space<hbm>> -> memref<64xi32, #tpu.memory_space<hbm>>
        tpu.wait_dma2 semaphore(%arg39 : memref<!tpu.dma_semaphore, #tpu.memory_space<semaphore_mem>>) src(%dma_wait3A_322 : memref<64xi32, #tpu.memory_space<hbm>>) dst(%arg19 : memref<64xi32, #tpu.memory_space<vmem>>)
        %dma_wait3A_323 = arith.constant 0 : i32
        %dma_wait3A_324 = tpu.memref_slice %arg4[%dma_wait3A_323] : memref<327680xf32, #tpu.memory_space<hbm>> -> memref<64xf32, #tpu.memory_space<hbm>>
        %dma_wait3A_325 = arith.constant 0 : i32
        %dma_wait3A_326 = tpu.memref_slice %arg4[%dma_wait3A_325] : memref<327680xf32, #tpu.memory_space<hbm>> -> memref<64xf32, #tpu.memory_space<hbm>>
        tpu.wait_dma2 semaphore(%arg39 : memref<!tpu.dma_semaphore, #tpu.memory_space<semaphore_mem>>) src(%dma_wait3A_326 : memref<64xf32, #tpu.memory_space<hbm>>) dst(%arg27 : memref<64xf32, #tpu.memory_space<vmem>>)
        %dma_start3A_327 = arith.constant 0 : i32
        %dma_start3A_328 = arith.constant 0 : i32
        %dma_start3A_329 = tpu.memref_slice %arg5[%dma_start3A_327, %dma_start3A_328] : memref<10240x128xf32, #tpu.memory_space<hbm>> -> memref<10240x128xf32, #tpu.memory_space<hbm>>
        tpu.enqueue_indirect_dma source(%dma_start3A_329 : memref<10240x128xf32, #tpu.memory_space<hbm>>) target(%arg31 : memref<64x128xf32, #tpu.memory_space<vmem>>) offsets(%arg11 : memref<64xi32, #tpu.memory_space<vmem>>) semaphore(%arg43 : memref<!tpu.dma_semaphore, #tpu.memory_space<semaphore_mem>>)
      } else {
      }
      %add3A_172 = arith.constant 4 : i32
      %add3A_173 = arith.addi %add3A_162, %add3A_172 : i32
      %lt3A_174 = arith.cmpi slt, %add3A_173, %select_n3A : i32
      %convert_element_type3A_175 = arith.extui %lt3A_174 : i1 to i32
      %cond3A_176 = arith.constant 0 : i32
      %cond3A_177 = arith.cmpi ne, %convert_element_type3A_175, %cond3A_176 : i32
      scf.if %cond3A_177 {
        %add3A_311 = arith.constant 4 : i32
        %add3A_312 = arith.addi %add3A_162, %add3A_311 : i32
        %mul3A_313 = arith.constant 64 : i32
        %mul3A_314 = arith.muli %add3A_312, %mul3A_313 : i32
        %add3A_315 = arith.addi %select_n3A_8, %mul3A_314 : i32
        %dma_start3A_316 = tpu.memref_slice %arg2[%add3A_315] : memref<327680xi32, #tpu.memory_space<hbm>> -> memref<64xi32, #tpu.memory_space<hbm>>
        %dma_start3A_317 = tpu.memref_slice %arg2[%add3A_315] : memref<327680xi32, #tpu.memory_space<hbm>> -> memref<64xi32, #tpu.memory_space<hbm>>
        tpu.enqueue_dma source(%dma_start3A_317 : memref<64xi32, #tpu.memory_space<hbm>>) target(%arg13 : memref<64xi32, #tpu.memory_space<vmem>>) target_semaphore(%arg41 : memref<!tpu.dma_semaphore, #tpu.memory_space<semaphore_mem>>)
        %dma_start3A_318 = tpu.memref_slice %arg3[%add3A_315] : memref<327680xi32, #tpu.memory_space<hbm>> -> memref<64xi32, #tpu.memory_space<hbm>>
        %dma_start3A_319 = tpu.memref_slice %arg3[%add3A_315] : memref<327680xi32, #tpu.memory_space<hbm>> -> memref<64xi32, #tpu.memory_space<hbm>>
        tpu.enqueue_dma source(%dma_start3A_319 : memref<64xi32, #tpu.memory_space<hbm>>) target(%arg21 : memref<64xi32, #tpu.memory_space<vmem>>) target_semaphore(%arg41 : memref<!tpu.dma_semaphore, #tpu.memory_space<semaphore_mem>>)
        %dma_start3A_320 = tpu.memref_slice %arg4[%add3A_315] : memref<327680xf32, #tpu.memory_space<hbm>> -> memref<64xf32, #tpu.memory_space<hbm>>
        %dma_start3A_321 = tpu.memref_slice %arg4[%add3A_315] : memref<327680xf32, #tpu.memory_space<hbm>> -> memref<64xf32, #tpu.memory_space<hbm>>
        tpu.enqueue_dma source(%dma_start3A_321 : memref<64xf32, #tpu.memory_space<hbm>>) target(%arg29 : memref<64xf32, #tpu.memory_space<vmem>>) target_semaphore(%arg41 : memref<!tpu.dma_semaphore, #tpu.memory_space<semaphore_mem>>)
      } else {
      }
      %scan3A_178 = arith.constant 0 : i32
      %scan3A_179 = arith.constant 64 : i32
      %scan3A_180 = arith.addi %scan3A_178, %scan3A_179 : i32
      %scan3A_181 = arith.constant 2 : i32
      scf.for %scan3A_311 = %scan3A_178 to %scan3A_180 step %scan3A_181  : i32 {
        %mul3A_312 = arith.constant 1 : i32
        %mul3A_313 = arith.muli %scan3A_311, %mul3A_312 : i32
        %add3A_314 = arith.constant 0 : i32
        %add3A_315 = arith.addi %add3A_314, %mul3A_313 : i32
        %broadcast_in_dim3A = vector.broadcast %add3A_315 : i32 to vector<16xi32>
        %gather3A = tpu.vector_load_idx %arg25[%broadcast_in_dim3A] : memref<64xf32, #tpu.memory_space<vmem>>[vector<16xi32>], vector<16xf32>,
        %get3A = arith.index_cast %add3A_315 : i32 to index
        %get3A_316 = arith.constant 0 : index
        %get3A_317 = tpu.vector_load %arg33[%get3A, %get3A_316] {strides = array<i32>} : memref<64x128xf32, #tpu.memory_space<vmem>>, vector<16xf32>,
        %mul3A_318 = arith.mulf %get3A_317, %gather3A : vector<16xf32>
        %swap3A = arith.index_cast %add3A_315 : i32 to index
        %swap3A_319 = arith.constant 0 : index
        %swap3A_320 = tpu.vector_load %arg33[%swap3A, %swap3A_319] {strides = array<i32>} : memref<64x128xf32, #tpu.memory_space<vmem>>, vector<16xf32>,
        tpu.vector_store %arg33[%swap3A, %swap3A_319], %mul3A_318 {strides = array<i32>} : memref<64x128xf32, #tpu.memory_space<vmem>>, vector<16xf32>,
        %get3A_321 = arith.index_cast %add3A_315 : i32 to index
        %get3A_322 = arith.constant 16 : index
        %get3A_323 = tpu.vector_load %arg33[%get3A_321, %get3A_322] {strides = array<i32>} : memref<64x128xf32, #tpu.memory_space<vmem>>, vector<16xf32>,
        %mul3A_324 = arith.mulf %get3A_323, %gather3A : vector<16xf32>
        %swap3A_325 = arith.index_cast %add3A_315 : i32 to index
        %swap3A_326 = arith.constant 16 : index
        %swap3A_327 = tpu.vector_load %arg33[%swap3A_325, %swap3A_326] {strides = array<i32>} : memref<64x128xf32, #tpu.memory_space<vmem>>, vector<16xf32>,
        tpu.vector_store %arg33[%swap3A_325, %swap3A_326], %mul3A_324 {strides = array<i32>} : memref<64x128xf32, #tpu.memory_space<vmem>>, vector<16xf32>,
        %get3A_328 = arith.index_cast %add3A_315 : i32 to index
        %get3A_329 = arith.constant 32 : index
        %get3A_330 = tpu.vector_load %arg33[%get3A_328, %get3A_329] {strides = array<i32>} : memref<64x128xf32, #tpu.memory_space<vmem>>, vector<16xf32>,
        %mul3A_331 = arith.mulf %get3A_330, %gather3A : vector<16xf32>
        %swap3A_332 = arith.index_cast %add3A_315 : i32 to index
        %swap3A_333 = arith.constant 32 : index
        %swap3A_334 = tpu.vector_load %arg33[%swap3A_332, %swap3A_333] {strides = array<i32>} : memref<64x128xf32, #tpu.memory_space<vmem>>, vector<16xf32>,
        tpu.vector_store %arg33[%swap3A_332, %swap3A_333], %mul3A_331 {strides = array<i32>} : memref<64x128xf32, #tpu.memory_space<vmem>>, vector<16xf32>,
        %get3A_335 = arith.index_cast %add3A_315 : i32 to index
        %get3A_336 = arith.constant 48 : index
        %get3A_337 = tpu.vector_load %arg33[%get3A_335, %get3A_336] {strides = array<i32>} : memref<64x128xf32, #tpu.memory_space<vmem>>, vector<16xf32>,
        %mul3A_338 = arith.mulf %get3A_337, %gather3A : vector<16xf32>
        %swap3A_339 = arith.index_cast %add3A_315 : i32 to index
        %swap3A_340 = arith.constant 48 : index
        %swap3A_341 = tpu.vector_load %arg33[%swap3A_339, %swap3A_340] {strides = array<i32>} : memref<64x128xf32, #tpu.memory_space<vmem>>, vector<16xf32>,
        tpu.vector_store %arg33[%swap3A_339, %swap3A_340], %mul3A_338 {strides = array<i32>} : memref<64x128xf32, #tpu.memory_space<vmem>>, vector<16xf32>,
        %get3A_342 = arith.index_cast %add3A_315 : i32 to index
        %get3A_343 = arith.constant 64 : index
        %get3A_344 = tpu.vector_load %arg33[%get3A_342, %get3A_343] {strides = array<i32>} : memref<64x128xf32, #tpu.memory_space<vmem>>, vector<16xf32>,
        %mul3A_345 = arith.mulf %get3A_344, %gather3A : vector<16xf32>
        %swap3A_346 = arith.index_cast %add3A_315 : i32 to index
        %swap3A_347 = arith.constant 64 : index
        %swap3A_348 = tpu.vector_load %arg33[%swap3A_346, %swap3A_347] {strides = array<i32>} : memref<64x128xf32, #tpu.memory_space<vmem>>, vector<16xf32>,
        tpu.vector_store %arg33[%swap3A_346, %swap3A_347], %mul3A_345 {strides = array<i32>} : memref<64x128xf32, #tpu.memory_space<vmem>>, vector<16xf32>,
        %get3A_349 = arith.index_cast %add3A_315 : i32 to index
        %get3A_350 = arith.constant 80 : index
        %get3A_351 = tpu.vector_load %arg33[%get3A_349, %get3A_350] {strides = array<i32>} : memref<64x128xf32, #tpu.memory_space<vmem>>, vector<16xf32>,
        %mul3A_352 = arith.mulf %get3A_351, %gather3A : vector<16xf32>
        %swap3A_353 = arith.index_cast %add3A_315 : i32 to index
        %swap3A_354 = arith.constant 80 : index
        %swap3A_355 = tpu.vector_load %arg33[%swap3A_353, %swap3A_354] {strides = array<i32>} : memref<64x128xf32, #tpu.memory_space<vmem>>, vector<16xf32>,
        tpu.vector_store %arg33[%swap3A_353, %swap3A_354], %mul3A_352 {strides = array<i32>} : memref<64x128xf32, #tpu.memory_space<vmem>>, vector<16xf32>,
        %get3A_356 = arith.index_cast %add3A_315 : i32 to index
        %get3A_357 = arith.constant 96 : index
        %get3A_358 = tpu.vector_load %arg33[%get3A_356, %get3A_357] {strides = array<i32>} : memref<64x128xf32, #tpu.memory_space<vmem>>, vector<16xf32>,
        %mul3A_359 = arith.mulf %get3A_358, %gather3A : vector<16xf32>
        %swap3A_360 = arith.index_cast %add3A_315 : i32 to index
        %swap3A_361 = arith.constant 96 : index
        %swap3A_362 = tpu.vector_load %arg33[%swap3A_360, %swap3A_361] {strides = array<i32>} : memref<64x128xf32, #tpu.memory_space<vmem>>, vector<16xf32>,
        tpu.vector_store %arg33[%swap3A_360, %swap3A_361], %mul3A_359 {strides = array<i32>} : memref<64x128xf32, #tpu.memory_space<vmem>>, vector<16xf32>,
        %get3A_363 = arith.index_cast %add3A_315 : i32 to index
        %get3A_364 = arith.constant 112 : index
        %get3A_365 = tpu.vector_load %arg33[%get3A_363, %get3A_364] {strides = array<i32>} : memref<64x128xf32, #tpu.memory_space<vmem>>, vector<16xf32>,
        %mul3A_366 = arith.mulf %get3A_365, %gather3A : vector<16xf32>
        %swap3A_367 = arith.index_cast %add3A_315 : i32 to index
        %swap3A_368 = arith.constant 112 : index
        %swap3A_369 = tpu.vector_load %arg33[%swap3A_367, %swap3A_368] {strides = array<i32>} : memref<64x128xf32, #tpu.memory_space<vmem>>, vector<16xf32>,
        tpu.vector_store %arg33[%swap3A_367, %swap3A_368], %mul3A_366 {strides = array<i32>} : memref<64x128xf32, #tpu.memory_space<vmem>>, vector<16xf32>,
        %scan3A_370 = arith.constant 1 : i32
        %scan3A_371 = arith.addi %scan3A_311, %scan3A_370 : i32
        %mul3A_372 = arith.constant 1 : i32
        %mul3A_373 = arith.muli %scan3A_371, %mul3A_372 : i32
        %add3A_374 = arith.constant 0 : i32
        %add3A_375 = arith.addi %add3A_374, %mul3A_373 : i32
        %broadcast_in_dim3A_376 = vector.broadcast %add3A_375 : i32 to vector<16xi32>
        %gather3A_377 = tpu.vector_load_idx %arg25[%broadcast_in_dim3A_376] : memref<64xf32, #tpu.memory_space<vmem>>[vector<16xi32>], vector<16xf32>,
        %get3A_378 = arith.index_cast %add3A_375 : i32 to index
        %get3A_379 = arith.constant 0 : index
        %get3A_380 = tpu.vector_load %arg33[%get3A_378, %get3A_379] {strides = array<i32>} : memref<64x128xf32, #tpu.memory_space<vmem>>, vector<16xf32>,
        %mul3A_381 = arith.mulf %get3A_380, %gather3A_377 : vector<16xf32>
        %swap3A_382 = arith.index_cast %add3A_375 : i32 to index
        %swap3A_383 = arith.constant 0 : index
        %swap3A_384 = tpu.vector_load %arg33[%swap3A_382, %swap3A_383] {strides = array<i32>} : memref<64x128xf32, #tpu.memory_space<vmem>>, vector<16xf32>,
        tpu.vector_store %arg33[%swap3A_382, %swap3A_383], %mul3A_381 {strides = array<i32>} : memref<64x128xf32, #tpu.memory_space<vmem>>, vector<16xf32>,
        %get3A_385 = arith.index_cast %add3A_375 : i32 to index
        %get3A_386 = arith.constant 16 : index
        %get3A_387 = tpu.vector_load %arg33[%get3A_385, %get3A_386] {strides = array<i32>} : memref<64x128xf32, #tpu.memory_space<vmem>>, vector<16xf32>,
        %mul3A_388 = arith.mulf %get3A_387, %gather3A_377 : vector<16xf32>
        %swap3A_389 = arith.index_cast %add3A_375 : i32 to index
        %swap3A_390 = arith.constant 16 : index
        %swap3A_391 = tpu.vector_load %arg33[%swap3A_389, %swap3A_390] {strides = array<i32>} : memref<64x128xf32, #tpu.memory_space<vmem>>, vector<16xf32>,
        tpu.vector_store %arg33[%swap3A_389, %swap3A_390], %mul3A_388 {strides = array<i32>} : memref<64x128xf32, #tpu.memory_space<vmem>>, vector<16xf32>,
        %get3A_392 = arith.index_cast %add3A_375 : i32 to index
        %get3A_393 = arith.constant 32 : index
        %get3A_394 = tpu.vector_load %arg33[%get3A_392, %get3A_393] {strides = array<i32>} : memref<64x128xf32, #tpu.memory_space<vmem>>, vector<16xf32>,
        %mul3A_395 = arith.mulf %get3A_394, %gather3A_377 : vector<16xf32>
        %swap3A_396 = arith.index_cast %add3A_375 : i32 to index
        %swap3A_397 = arith.constant 32 : index
        %swap3A_398 = tpu.vector_load %arg33[%swap3A_396, %swap3A_397] {strides = array<i32>} : memref<64x128xf32, #tpu.memory_space<vmem>>, vector<16xf32>,
        tpu.vector_store %arg33[%swap3A_396, %swap3A_397], %mul3A_395 {strides = array<i32>} : memref<64x128xf32, #tpu.memory_space<vmem>>, vector<16xf32>,
        %get3A_399 = arith.index_cast %add3A_375 : i32 to index
        %get3A_400 = arith.constant 48 : index
        %get3A_401 = tpu.vector_load %arg33[%get3A_399, %get3A_400] {strides = array<i32>} : memref<64x128xf32, #tpu.memory_space<vmem>>, vector<16xf32>,
        %mul3A_402 = arith.mulf %get3A_401, %gather3A_377 : vector<16xf32>
        %swap3A_403 = arith.index_cast %add3A_375 : i32 to index
        %swap3A_404 = arith.constant 48 : index
        %swap3A_405 = tpu.vector_load %arg33[%swap3A_403, %swap3A_404] {strides = array<i32>} : memref<64x128xf32, #tpu.memory_space<vmem>>, vector<16xf32>,
        tpu.vector_store %arg33[%swap3A_403, %swap3A_404], %mul3A_402 {strides = array<i32>} : memref<64x128xf32, #tpu.memory_space<vmem>>, vector<16xf32>,
        %get3A_406 = arith.index_cast %add3A_375 : i32 to index
        %get3A_407 = arith.constant 64 : index
        %get3A_408 = tpu.vector_load %arg33[%get3A_406, %get3A_407] {strides = array<i32>} : memref<64x128xf32, #tpu.memory_space<vmem>>, vector<16xf32>,
        %mul3A_409 = arith.mulf %get3A_408, %gather3A_377 : vector<16xf32>
        %swap3A_410 = arith.index_cast %add3A_375 : i32 to index
        %swap3A_411 = arith.constant 64 : index
        %swap3A_412 = tpu.vector_load %arg33[%swap3A_410, %swap3A_411] {strides = array<i32>} : memref<64x128xf32, #tpu.memory_space<vmem>>, vector<16xf32>,
        tpu.vector_store %arg33[%swap3A_410, %swap3A_411], %mul3A_409 {strides = array<i32>} : memref<64x128xf32, #tpu.memory_space<vmem>>, vector<16xf32>,
        %get3A_413 = arith.index_cast %add3A_375 : i32 to index
        %get3A_414 = arith.constant 80 : index
        %get3A_415 = tpu.vector_load %arg33[%get3A_413, %get3A_414] {strides = array<i32>} : memref<64x128xf32, #tpu.memory_space<vmem>>, vector<16xf32>,
        %mul3A_416 = arith.mulf %get3A_415, %gather3A_377 : vector<16xf32>
        %swap3A_417 = arith.index_cast %add3A_375 : i32 to index
        %swap3A_418 = arith.constant 80 : index
        %swap3A_419 = tpu.vector_load %arg33[%swap3A_417, %swap3A_418] {strides = array<i32>} : memref<64x128xf32, #tpu.memory_space<vmem>>, vector<16xf32>,
        tpu.vector_store %arg33[%swap3A_417, %swap3A_418], %mul3A_416 {strides = array<i32>} : memref<64x128xf32, #tpu.memory_space<vmem>>, vector<16xf32>,
        %get3A_420 = arith.index_cast %add3A_375 : i32 to index
        %get3A_421 = arith.constant 96 : index
        %get3A_422 = tpu.vector_load %arg33[%get3A_420, %get3A_421] {strides = array<i32>} : memref<64x128xf32, #tpu.memory_space<vmem>>, vector<16xf32>,
        %mul3A_423 = arith.mulf %get3A_422, %gather3A_377 : vector<16xf32>
        %swap3A_424 = arith.index_cast %add3A_375 : i32 to index
        %swap3A_425 = arith.constant 96 : index
        %swap3A_426 = tpu.vector_load %arg33[%swap3A_424, %swap3A_425] {strides = array<i32>} : memref<64x128xf32, #tpu.memory_space<vmem>>, vector<16xf32>,
        tpu.vector_store %arg33[%swap3A_424, %swap3A_425], %mul3A_423 {strides = array<i32>} : memref<64x128xf32, #tpu.memory_space<vmem>>, vector<16xf32>,
        %get3A_427 = arith.index_cast %add3A_375 : i32 to index
        %get3A_428 = arith.constant 112 : index
        %get3A_429 = tpu.vector_load %arg33[%get3A_427, %get3A_428] {strides = array<i32>} : memref<64x128xf32, #tpu.memory_space<vmem>>, vector<16xf32>,
        %mul3A_430 = arith.mulf %get3A_429, %gather3A_377 : vector<16xf32>
        %swap3A_431 = arith.index_cast %add3A_375 : i32 to index
        %swap3A_432 = arith.constant 112 : index
        %swap3A_433 = tpu.vector_load %arg33[%swap3A_431, %swap3A_432] {strides = array<i32>} : memref<64x128xf32, #tpu.memory_space<vmem>>, vector<16xf32>,
        tpu.vector_store %arg33[%swap3A_431, %swap3A_432], %mul3A_430 {strides = array<i32>} : memref<64x128xf32, #tpu.memory_space<vmem>>, vector<16xf32>,
      }
      %scan3A_182 = arith.constant 64 : i32
      %dma_start3A_183 = arith.constant 0 : i32
      %dma_start3A_184 = arith.constant 0 : i32
      %dma_start3A_185 = tpu.memref_slice %arg51[%dma_start3A_183, %dma_start3A_184] : memref<10240x128xf32, #tpu.memory_space<vmem_shared>> -> memref<10240x128xf32, #tpu.memory_space<vmem_shared>>
      tpu.enqueue_indirect_dma source(%arg33 : memref<64x128xf32, #tpu.memory_space<vmem>>) target(%dma_start3A_185 : memref<10240x128xf32, #tpu.memory_space<vmem_shared>>) offsets(%arg17 : memref<64xi32, #tpu.memory_space<vmem>>) semaphore(%arg49 : memref<!tpu.dma_semaphore, #tpu.memory_space<semaphore_mem>>) {add = true}
      %add3A_186 = arith.constant 3 : i32
      %add3A_187 = arith.addi %add3A_113, %add3A_186 : i32
      %dma_wait3A_188 = arith.constant 0 : i32
      %dma_wait3A_189 = arith.constant 0 : i32
      %dma_wait3A_190 = tpu.memref_slice %arg5[%dma_wait3A_188, %dma_wait3A_189] : memref<10240x128xf32, #tpu.memory_space<hbm>> -> memref<10240x128xf32, #tpu.memory_space<hbm>>
      tpu.wait_indirect_dma semaphore(%arg46 : memref<!tpu.dma_semaphore, #tpu.memory_space<semaphore_mem>>) src(%dma_wait3A_190 : memref<10240x128xf32, #tpu.memory_space<hbm>>) dst(%arg34 : memref<64x128xf32, #tpu.memory_space<vmem>>)
      %add3A_191 = arith.constant 2 : i32
      %add3A_192 = arith.addi %add3A_187, %add3A_191 : i32
      %lt3A_193 = arith.cmpi slt, %add3A_192, %select_n3A : i32
      %convert_element_type3A_194 = arith.extui %lt3A_193 : i1 to i32
      %cond3A_195 = arith.constant 0 : i32
      %cond3A_196 = arith.cmpi ne, %convert_element_type3A_194, %cond3A_195 : i32
      scf.if %cond3A_196 {
        %ge3A = arith.constant 2 : i32
        %ge3A_311 = arith.cmpi sge, %add3A_187, %ge3A : i32
        %convert_element_type3A_312 = arith.extui %ge3A_311 : i1 to i32
        %cond3A_313 = arith.constant 0 : i32
        %cond3A_314 = arith.cmpi ne, %convert_element_type3A_312, %cond3A_313 : i32
        scf.if %cond3A_314 {
          %dma_wait3A_330 = arith.constant 0 : i32
          %dma_wait3A_331 = arith.constant 0 : i32
          %dma_wait3A_332 = tpu.memref_slice %arg51[%dma_wait3A_330, %dma_wait3A_331] : memref<10240x128xf32, #tpu.memory_space<vmem_shared>> -> memref<10240x128xf32, #tpu.memory_space<vmem_shared>>
          tpu.wait_indirect_dma semaphore(%arg48 : memref<!tpu.dma_semaphore, #tpu.memory_space<semaphore_mem>>) src(%arg32 : memref<64x128xf32, #tpu.memory_space<vmem>>) dst(%dma_wait3A_332 : memref<10240x128xf32, #tpu.memory_space<vmem_shared>>)
        } else {
        }
        %dma_wait3A_315 = arith.constant 0 : i32
        %dma_wait3A_316 = tpu.memref_slice %arg2[%dma_wait3A_315] : memref<327680xi32, #tpu.memory_space<hbm>> -> memref<64xi32, #tpu.memory_space<hbm>>
        %dma_wait3A_317 = arith.constant 0 : i32
        %dma_wait3A_318 = tpu.memref_slice %arg2[%dma_wait3A_317] : memref<327680xi32, #tpu.memory_space<hbm>> -> memref<64xi32, #tpu.memory_space<hbm>>
        tpu.wait_dma2 semaphore(%arg40 : memref<!tpu.dma_semaphore, #tpu.memory_space<semaphore_mem>>) src(%dma_wait3A_318 : memref<64xi32, #tpu.memory_space<hbm>>) dst(%arg12 : memref<64xi32, #tpu.memory_space<vmem>>)
        %dma_wait3A_319 = arith.constant 0 : i32
        %dma_wait3A_320 = tpu.memref_slice %arg3[%dma_wait3A_319] : memref<327680xi32, #tpu.memory_space<hbm>> -> memref<64xi32, #tpu.memory_space<hbm>>
        %dma_wait3A_321 = arith.constant 0 : i32
        %dma_wait3A_322 = tpu.memref_slice %arg3[%dma_wait3A_321] : memref<327680xi32, #tpu.memory_space<hbm>> -> memref<64xi32, #tpu.memory_space<hbm>>
        tpu.wait_dma2 semaphore(%arg40 : memref<!tpu.dma_semaphore, #tpu.memory_space<semaphore_mem>>) src(%dma_wait3A_322 : memref<64xi32, #tpu.memory_space<hbm>>) dst(%arg20 : memref<64xi32, #tpu.memory_space<vmem>>)
        %dma_wait3A_323 = arith.constant 0 : i32
        %dma_wait3A_324 = tpu.memref_slice %arg4[%dma_wait3A_323] : memref<327680xf32, #tpu.memory_space<hbm>> -> memref<64xf32, #tpu.memory_space<hbm>>
        %dma_wait3A_325 = arith.constant 0 : i32
        %dma_wait3A_326 = tpu.memref_slice %arg4[%dma_wait3A_325] : memref<327680xf32, #tpu.memory_space<hbm>> -> memref<64xf32, #tpu.memory_space<hbm>>
        tpu.wait_dma2 semaphore(%arg40 : memref<!tpu.dma_semaphore, #tpu.memory_space<semaphore_mem>>) src(%dma_wait3A_326 : memref<64xf32, #tpu.memory_space<hbm>>) dst(%arg28 : memref<64xf32, #tpu.memory_space<vmem>>)
        %dma_start3A_327 = arith.constant 0 : i32
        %dma_start3A_328 = arith.constant 0 : i32
        %dma_start3A_329 = tpu.memref_slice %arg5[%dma_start3A_327, %dma_start3A_328] : memref<10240x128xf32, #tpu.memory_space<hbm>> -> memref<10240x128xf32, #tpu.memory_space<hbm>>
        tpu.enqueue_indirect_dma source(%dma_start3A_329 : memref<10240x128xf32, #tpu.memory_space<hbm>>) target(%arg32 : memref<64x128xf32, #tpu.memory_space<vmem>>) offsets(%arg12 : memref<64xi32, #tpu.memory_space<vmem>>) semaphore(%arg44 : memref<!tpu.dma_semaphore, #tpu.memory_space<semaphore_mem>>)
      } else {
      }
      %add3A_197 = arith.constant 4 : i32
      %add3A_198 = arith.addi %add3A_187, %add3A_197 : i32
      %lt3A_199 = arith.cmpi slt, %add3A_198, %select_n3A : i32
      %convert_element_type3A_200 = arith.extui %lt3A_199 : i1 to i32
      %cond3A_201 = arith.constant 0 : i32
      %cond3A_202 = arith.cmpi ne, %convert_element_type3A_200, %cond3A_201 : i32
      scf.if %cond3A_202 {
        %add3A_311 = arith.constant 4 : i32
        %add3A_312 = arith.addi %add3A_187, %add3A_311 : i32
        %mul3A_313 = arith.constant 64 : i32
        %mul3A_314 = arith.muli %add3A_312, %mul3A_313 : i32
        %add3A_315 = arith.addi %select_n3A_8, %mul3A_314 : i32
        %dma_start3A_316 = tpu.memref_slice %arg2[%add3A_315] : memref<327680xi32, #tpu.memory_space<hbm>> -> memref<64xi32, #tpu.memory_space<hbm>>
        %dma_start3A_317 = tpu.memref_slice %arg2[%add3A_315] : memref<327680xi32, #tpu.memory_space<hbm>> -> memref<64xi32, #tpu.memory_space<hbm>>
        tpu.enqueue_dma source(%dma_start3A_317 : memref<64xi32, #tpu.memory_space<hbm>>) target(%arg14 : memref<64xi32, #tpu.memory_space<vmem>>) target_semaphore(%arg42 : memref<!tpu.dma_semaphore, #tpu.memory_space<semaphore_mem>>)
        %dma_start3A_318 = tpu.memref_slice %arg3[%add3A_315] : memref<327680xi32, #tpu.memory_space<hbm>> -> memref<64xi32, #tpu.memory_space<hbm>>
        %dma_start3A_319 = tpu.memref_slice %arg3[%add3A_315] : memref<327680xi32, #tpu.memory_space<hbm>> -> memref<64xi32, #tpu.memory_space<hbm>>
        tpu.enqueue_dma source(%dma_start3A_319 : memref<64xi32, #tpu.memory_space<hbm>>) target(%arg22 : memref<64xi32, #tpu.memory_space<vmem>>) target_semaphore(%arg42 : memref<!tpu.dma_semaphore, #tpu.memory_space<semaphore_mem>>)
        %dma_start3A_320 = tpu.memref_slice %arg4[%add3A_315] : memref<327680xf32, #tpu.memory_space<hbm>> -> memref<64xf32, #tpu.memory_space<hbm>>
        %dma_start3A_321 = tpu.memref_slice %arg4[%add3A_315] : memref<327680xf32, #tpu.memory_space<hbm>> -> memref<64xf32, #tpu.memory_space<hbm>>
        tpu.enqueue_dma source(%dma_start3A_321 : memref<64xf32, #tpu.memory_space<hbm>>) target(%arg30 : memref<64xf32, #tpu.memory_space<vmem>>) target_semaphore(%arg42 : memref<!tpu.dma_semaphore, #tpu.memory_space<semaphore_mem>>)
      } else {
      }
      %scan3A_203 = arith.constant 0 : i32
      %scan3A_204 = arith.constant 64 : i32
      %scan3A_205 = arith.addi %scan3A_203, %scan3A_204 : i32
      %scan3A_206 = arith.constant 2 : i32
      scf.for %scan3A_311 = %scan3A_203 to %scan3A_205 step %scan3A_206  : i32 {
        %mul3A_312 = arith.constant 1 : i32
        %mul3A_313 = arith.muli %scan3A_311, %mul3A_312 : i32
        %add3A_314 = arith.constant 0 : i32
        %add3A_315 = arith.addi %add3A_314, %mul3A_313 : i32
        %broadcast_in_dim3A = vector.broadcast %add3A_315 : i32 to vector<16xi32>
        %gather3A = tpu.vector_load_idx %arg26[%broadcast_in_dim3A] : memref<64xf32, #tpu.memory_space<vmem>>[vector<16xi32>], vector<16xf32>,
        %get3A = arith.index_cast %add3A_315 : i32 to index
        %get3A_316 = arith.constant 0 : index
        %get3A_317 = tpu.vector_load %arg34[%get3A, %get3A_316] {strides = array<i32>} : memref<64x128xf32, #tpu.memory_space<vmem>>, vector<16xf32>,
        %mul3A_318 = arith.mulf %get3A_317, %gather3A : vector<16xf32>
        %swap3A = arith.index_cast %add3A_315 : i32 to index
        %swap3A_319 = arith.constant 0 : index
        %swap3A_320 = tpu.vector_load %arg34[%swap3A, %swap3A_319] {strides = array<i32>} : memref<64x128xf32, #tpu.memory_space<vmem>>, vector<16xf32>,
        tpu.vector_store %arg34[%swap3A, %swap3A_319], %mul3A_318 {strides = array<i32>} : memref<64x128xf32, #tpu.memory_space<vmem>>, vector<16xf32>,
        %get3A_321 = arith.index_cast %add3A_315 : i32 to index
        %get3A_322 = arith.constant 16 : index
        %get3A_323 = tpu.vector_load %arg34[%get3A_321, %get3A_322] {strides = array<i32>} : memref<64x128xf32, #tpu.memory_space<vmem>>, vector<16xf32>,
        %mul3A_324 = arith.mulf %get3A_323, %gather3A : vector<16xf32>
        %swap3A_325 = arith.index_cast %add3A_315 : i32 to index
        %swap3A_326 = arith.constant 16 : index
        %swap3A_327 = tpu.vector_load %arg34[%swap3A_325, %swap3A_326] {strides = array<i32>} : memref<64x128xf32, #tpu.memory_space<vmem>>, vector<16xf32>,
        tpu.vector_store %arg34[%swap3A_325, %swap3A_326], %mul3A_324 {strides = array<i32>} : memref<64x128xf32, #tpu.memory_space<vmem>>, vector<16xf32>,
        %get3A_328 = arith.index_cast %add3A_315 : i32 to index
        %get3A_329 = arith.constant 32 : index
        %get3A_330 = tpu.vector_load %arg34[%get3A_328, %get3A_329] {strides = array<i32>} : memref<64x128xf32, #tpu.memory_space<vmem>>, vector<16xf32>,
        %mul3A_331 = arith.mulf %get3A_330, %gather3A : vector<16xf32>
        %swap3A_332 = arith.index_cast %add3A_315 : i32 to index
        %swap3A_333 = arith.constant 32 : index
        %swap3A_334 = tpu.vector_load %arg34[%swap3A_332, %swap3A_333] {strides = array<i32>} : memref<64x128xf32, #tpu.memory_space<vmem>>, vector<16xf32>,
        tpu.vector_store %arg34[%swap3A_332, %swap3A_333], %mul3A_331 {strides = array<i32>} : memref<64x128xf32, #tpu.memory_space<vmem>>, vector<16xf32>,
        %get3A_335 = arith.index_cast %add3A_315 : i32 to index
        %get3A_336 = arith.constant 48 : index
        %get3A_337 = tpu.vector_load %arg34[%get3A_335, %get3A_336] {strides = array<i32>} : memref<64x128xf32, #tpu.memory_space<vmem>>, vector<16xf32>,
        %mul3A_338 = arith.mulf %get3A_337, %gather3A : vector<16xf32>
        %swap3A_339 = arith.index_cast %add3A_315 : i32 to index
        %swap3A_340 = arith.constant 48 : index
        %swap3A_341 = tpu.vector_load %arg34[%swap3A_339, %swap3A_340] {strides = array<i32>} : memref<64x128xf32, #tpu.memory_space<vmem>>, vector<16xf32>,
        tpu.vector_store %arg34[%swap3A_339, %swap3A_340], %mul3A_338 {strides = array<i32>} : memref<64x128xf32, #tpu.memory_space<vmem>>, vector<16xf32>,
        %get3A_342 = arith.index_cast %add3A_315 : i32 to index
        %get3A_343 = arith.constant 64 : index
        %get3A_344 = tpu.vector_load %arg34[%get3A_342, %get3A_343] {strides = array<i32>} : memref<64x128xf32, #tpu.memory_space<vmem>>, vector<16xf32>,
        %mul3A_345 = arith.mulf %get3A_344, %gather3A : vector<16xf32>
        %swap3A_346 = arith.index_cast %add3A_315 : i32 to index
        %swap3A_347 = arith.constant 64 : index
        %swap3A_348 = tpu.vector_load %arg34[%swap3A_346, %swap3A_347] {strides = array<i32>} : memref<64x128xf32, #tpu.memory_space<vmem>>, vector<16xf32>,
        tpu.vector_store %arg34[%swap3A_346, %swap3A_347], %mul3A_345 {strides = array<i32>} : memref<64x128xf32, #tpu.memory_space<vmem>>, vector<16xf32>,
        %get3A_349 = arith.index_cast %add3A_315 : i32 to index
        %get3A_350 = arith.constant 80 : index
        %get3A_351 = tpu.vector_load %arg34[%get3A_349, %get3A_350] {strides = array<i32>} : memref<64x128xf32, #tpu.memory_space<vmem>>, vector<16xf32>,
        %mul3A_352 = arith.mulf %get3A_351, %gather3A : vector<16xf32>
        %swap3A_353 = arith.index_cast %add3A_315 : i32 to index
        %swap3A_354 = arith.constant 80 : index
        %swap3A_355 = tpu.vector_load %arg34[%swap3A_353, %swap3A_354] {strides = array<i32>} : memref<64x128xf32, #tpu.memory_space<vmem>>, vector<16xf32>,
        tpu.vector_store %arg34[%swap3A_353, %swap3A_354], %mul3A_352 {strides = array<i32>} : memref<64x128xf32, #tpu.memory_space<vmem>>, vector<16xf32>,
        %get3A_356 = arith.index_cast %add3A_315 : i32 to index
        %get3A_357 = arith.constant 96 : index
        %get3A_358 = tpu.vector_load %arg34[%get3A_356, %get3A_357] {strides = array<i32>} : memref<64x128xf32, #tpu.memory_space<vmem>>, vector<16xf32>,
        %mul3A_359 = arith.mulf %get3A_358, %gather3A : vector<16xf32>
        %swap3A_360 = arith.index_cast %add3A_315 : i32 to index
        %swap3A_361 = arith.constant 96 : index
        %swap3A_362 = tpu.vector_load %arg34[%swap3A_360, %swap3A_361] {strides = array<i32>} : memref<64x128xf32, #tpu.memory_space<vmem>>, vector<16xf32>,
        tpu.vector_store %arg34[%swap3A_360, %swap3A_361], %mul3A_359 {strides = array<i32>} : memref<64x128xf32, #tpu.memory_space<vmem>>, vector<16xf32>,
        %get3A_363 = arith.index_cast %add3A_315 : i32 to index
        %get3A_364 = arith.constant 112 : index
        %get3A_365 = tpu.vector_load %arg34[%get3A_363, %get3A_364] {strides = array<i32>} : memref<64x128xf32, #tpu.memory_space<vmem>>, vector<16xf32>,
        %mul3A_366 = arith.mulf %get3A_365, %gather3A : vector<16xf32>
        %swap3A_367 = arith.index_cast %add3A_315 : i32 to index
        %swap3A_368 = arith.constant 112 : index
        %swap3A_369 = tpu.vector_load %arg34[%swap3A_367, %swap3A_368] {strides = array<i32>} : memref<64x128xf32, #tpu.memory_space<vmem>>, vector<16xf32>,
        tpu.vector_store %arg34[%swap3A_367, %swap3A_368], %mul3A_366 {strides = array<i32>} : memref<64x128xf32, #tpu.memory_space<vmem>>, vector<16xf32>,
        %scan3A_370 = arith.constant 1 : i32
        %scan3A_371 = arith.addi %scan3A_311, %scan3A_370 : i32
        %mul3A_372 = arith.constant 1 : i32
        %mul3A_373 = arith.muli %scan3A_371, %mul3A_372 : i32
        %add3A_374 = arith.constant 0 : i32
        %add3A_375 = arith.addi %add3A_374, %mul3A_373 : i32
        %broadcast_in_dim3A_376 = vector.broadcast %add3A_375 : i32 to vector<16xi32>
        %gather3A_377 = tpu.vector_load_idx %arg26[%broadcast_in_dim3A_376] : memref<64xf32, #tpu.memory_space<vmem>>[vector<16xi32>], vector<16xf32>,
        %get3A_378 = arith.index_cast %add3A_375 : i32 to index
        %get3A_379 = arith.constant 0 : index
        %get3A_380 = tpu.vector_load %arg34[%get3A_378, %get3A_379] {strides = array<i32>} : memref<64x128xf32, #tpu.memory_space<vmem>>, vector<16xf32>,
        %mul3A_381 = arith.mulf %get3A_380, %gather3A_377 : vector<16xf32>
        %swap3A_382 = arith.index_cast %add3A_375 : i32 to index
        %swap3A_383 = arith.constant 0 : index
        %swap3A_384 = tpu.vector_load %arg34[%swap3A_382, %swap3A_383] {strides = array<i32>} : memref<64x128xf32, #tpu.memory_space<vmem>>, vector<16xf32>,
        tpu.vector_store %arg34[%swap3A_382, %swap3A_383], %mul3A_381 {strides = array<i32>} : memref<64x128xf32, #tpu.memory_space<vmem>>, vector<16xf32>,
        %get3A_385 = arith.index_cast %add3A_375 : i32 to index
        %get3A_386 = arith.constant 16 : index
        %get3A_387 = tpu.vector_load %arg34[%get3A_385, %get3A_386] {strides = array<i32>} : memref<64x128xf32, #tpu.memory_space<vmem>>, vector<16xf32>,
        %mul3A_388 = arith.mulf %get3A_387, %gather3A_377 : vector<16xf32>
        %swap3A_389 = arith.index_cast %add3A_375 : i32 to index
        %swap3A_390 = arith.constant 16 : index
        %swap3A_391 = tpu.vector_load %arg34[%swap3A_389, %swap3A_390] {strides = array<i32>} : memref<64x128xf32, #tpu.memory_space<vmem>>, vector<16xf32>,
        tpu.vector_store %arg34[%swap3A_389, %swap3A_390], %mul3A_388 {strides = array<i32>} : memref<64x128xf32, #tpu.memory_space<vmem>>, vector<16xf32>,
        %get3A_392 = arith.index_cast %add3A_375 : i32 to index
        %get3A_393 = arith.constant 32 : index
        %get3A_394 = tpu.vector_load %arg34[%get3A_392, %get3A_393] {strides = array<i32>} : memref<64x128xf32, #tpu.memory_space<vmem>>, vector<16xf32>,
        %mul3A_395 = arith.mulf %get3A_394, %gather3A_377 : vector<16xf32>
        %swap3A_396 = arith.index_cast %add3A_375 : i32 to index
        %swap3A_397 = arith.constant 32 : index
        %swap3A_398 = tpu.vector_load %arg34[%swap3A_396, %swap3A_397] {strides = array<i32>} : memref<64x128xf32, #tpu.memory_space<vmem>>, vector<16xf32>,
        tpu.vector_store %arg34[%swap3A_396, %swap3A_397], %mul3A_395 {strides = array<i32>} : memref<64x128xf32, #tpu.memory_space<vmem>>, vector<16xf32>,
        %get3A_399 = arith.index_cast %add3A_375 : i32 to index
        %get3A_400 = arith.constant 48 : index
        %get3A_401 = tpu.vector_load %arg34[%get3A_399, %get3A_400] {strides = array<i32>} : memref<64x128xf32, #tpu.memory_space<vmem>>, vector<16xf32>,
        %mul3A_402 = arith.mulf %get3A_401, %gather3A_377 : vector<16xf32>
        %swap3A_403 = arith.index_cast %add3A_375 : i32 to index
        %swap3A_404 = arith.constant 48 : index
        %swap3A_405 = tpu.vector_load %arg34[%swap3A_403, %swap3A_404] {strides = array<i32>} : memref<64x128xf32, #tpu.memory_space<vmem>>, vector<16xf32>,
        tpu.vector_store %arg34[%swap3A_403, %swap3A_404], %mul3A_402 {strides = array<i32>} : memref<64x128xf32, #tpu.memory_space<vmem>>, vector<16xf32>,
        %get3A_406 = arith.index_cast %add3A_375 : i32 to index
        %get3A_407 = arith.constant 64 : index
        %get3A_408 = tpu.vector_load %arg34[%get3A_406, %get3A_407] {strides = array<i32>} : memref<64x128xf32, #tpu.memory_space<vmem>>, vector<16xf32>,
        %mul3A_409 = arith.mulf %get3A_408, %gather3A_377 : vector<16xf32>
        %swap3A_410 = arith.index_cast %add3A_375 : i32 to index
        %swap3A_411 = arith.constant 64 : index
        %swap3A_412 = tpu.vector_load %arg34[%swap3A_410, %swap3A_411] {strides = array<i32>} : memref<64x128xf32, #tpu.memory_space<vmem>>, vector<16xf32>,
        tpu.vector_store %arg34[%swap3A_410, %swap3A_411], %mul3A_409 {strides = array<i32>} : memref<64x128xf32, #tpu.memory_space<vmem>>, vector<16xf32>,
        %get3A_413 = arith.index_cast %add3A_375 : i32 to index
        %get3A_414 = arith.constant 80 : index
        %get3A_415 = tpu.vector_load %arg34[%get3A_413, %get3A_414] {strides = array<i32>} : memref<64x128xf32, #tpu.memory_space<vmem>>, vector<16xf32>,
        %mul3A_416 = arith.mulf %get3A_415, %gather3A_377 : vector<16xf32>
        %swap3A_417 = arith.index_cast %add3A_375 : i32 to index
        %swap3A_418 = arith.constant 80 : index
        %swap3A_419 = tpu.vector_load %arg34[%swap3A_417, %swap3A_418] {strides = array<i32>} : memref<64x128xf32, #tpu.memory_space<vmem>>, vector<16xf32>,
        tpu.vector_store %arg34[%swap3A_417, %swap3A_418], %mul3A_416 {strides = array<i32>} : memref<64x128xf32, #tpu.memory_space<vmem>>, vector<16xf32>,
        %get3A_420 = arith.index_cast %add3A_375 : i32 to index
        %get3A_421 = arith.constant 96 : index
        %get3A_422 = tpu.vector_load %arg34[%get3A_420, %get3A_421] {strides = array<i32>} : memref<64x128xf32, #tpu.memory_space<vmem>>, vector<16xf32>,
        %mul3A_423 = arith.mulf %get3A_422, %gather3A_377 : vector<16xf32>
        %swap3A_424 = arith.index_cast %add3A_375 : i32 to index
        %swap3A_425 = arith.constant 96 : index
        %swap3A_426 = tpu.vector_load %arg34[%swap3A_424, %swap3A_425] {strides = array<i32>} : memref<64x128xf32, #tpu.memory_space<vmem>>, vector<16xf32>,
        tpu.vector_store %arg34[%swap3A_424, %swap3A_425], %mul3A_423 {strides = array<i32>} : memref<64x128xf32, #tpu.memory_space<vmem>>, vector<16xf32>,
        %get3A_427 = arith.index_cast %add3A_375 : i32 to index
        %get3A_428 = arith.constant 112 : index
        %get3A_429 = tpu.vector_load %arg34[%get3A_427, %get3A_428] {strides = array<i32>} : memref<64x128xf32, #tpu.memory_space<vmem>>, vector<16xf32>,
        %mul3A_430 = arith.mulf %get3A_429, %gather3A_377 : vector<16xf32>
        %swap3A_431 = arith.index_cast %add3A_375 : i32 to index
        %swap3A_432 = arith.constant 112 : index
        %swap3A_433 = tpu.vector_load %arg34[%swap3A_431, %swap3A_432] {strides = array<i32>} : memref<64x128xf32, #tpu.memory_space<vmem>>, vector<16xf32>,
        tpu.vector_store %arg34[%swap3A_431, %swap3A_432], %mul3A_430 {strides = array<i32>} : memref<64x128xf32, #tpu.memory_space<vmem>>, vector<16xf32>,
      }
      %scan3A_207 = arith.constant 64 : i32
      %dma_start3A_208 = arith.constant 0 : i32
      %dma_start3A_209 = arith.constant 0 : i32
      %dma_start3A_210 = tpu.memref_slice %arg51[%dma_start3A_208, %dma_start3A_209] : memref<10240x128xf32, #tpu.memory_space<vmem_shared>> -> memref<10240x128xf32, #tpu.memory_space<vmem_shared>>
      tpu.enqueue_indirect_dma source(%arg34 : memref<64x128xf32, #tpu.memory_space<vmem>>) target(%dma_start3A_210 : memref<10240x128xf32, #tpu.memory_space<vmem_shared>>) offsets(%arg18 : memref<64xi32, #tpu.memory_space<vmem>>) semaphore(%arg50 : memref<!tpu.dma_semaphore, #tpu.memory_space<semaphore_mem>>) {add = true}
      %add3A_211 = arith.constant 4 : i32
      %add3A_212 = arith.addi %add3A_113, %add3A_211 : i32
      %dma_wait3A_213 = arith.constant 0 : i32
      %dma_wait3A_214 = arith.constant 0 : i32
      %dma_wait3A_215 = tpu.memref_slice %arg5[%dma_wait3A_213, %dma_wait3A_214] : memref<10240x128xf32, #tpu.memory_space<hbm>> -> memref<10240x128xf32, #tpu.memory_space<hbm>>
      tpu.wait_indirect_dma semaphore(%arg43 : memref<!tpu.dma_semaphore, #tpu.memory_space<semaphore_mem>>) src(%dma_wait3A_215 : memref<10240x128xf32, #tpu.memory_space<hbm>>) dst(%arg31 : memref<64x128xf32, #tpu.memory_space<vmem>>)
      %add3A_216 = arith.constant 2 : i32
      %add3A_217 = arith.addi %add3A_212, %add3A_216 : i32
      %lt3A_218 = arith.cmpi slt, %add3A_217, %select_n3A : i32
      %convert_element_type3A_219 = arith.extui %lt3A_218 : i1 to i32
      %cond3A_220 = arith.constant 0 : i32
      %cond3A_221 = arith.cmpi ne, %convert_element_type3A_219, %cond3A_220 : i32
      scf.if %cond3A_221 {
        %ge3A = arith.constant 2 : i32
        %ge3A_311 = arith.cmpi sge, %add3A_212, %ge3A : i32
        %convert_element_type3A_312 = arith.extui %ge3A_311 : i1 to i32
        %cond3A_313 = arith.constant 0 : i32
        %cond3A_314 = arith.cmpi ne, %convert_element_type3A_312, %cond3A_313 : i32
        scf.if %cond3A_314 {
          %dma_wait3A_330 = arith.constant 0 : i32
          %dma_wait3A_331 = arith.constant 0 : i32
          %dma_wait3A_332 = tpu.memref_slice %arg51[%dma_wait3A_330, %dma_wait3A_331] : memref<10240x128xf32, #tpu.memory_space<vmem_shared>> -> memref<10240x128xf32, #tpu.memory_space<vmem_shared>>
          tpu.wait_indirect_dma semaphore(%arg49 : memref<!tpu.dma_semaphore, #tpu.memory_space<semaphore_mem>>) src(%arg33 : memref<64x128xf32, #tpu.memory_space<vmem>>) dst(%dma_wait3A_332 : memref<10240x128xf32, #tpu.memory_space<vmem_shared>>)
        } else {
        }
        %dma_wait3A_315 = arith.constant 0 : i32
        %dma_wait3A_316 = tpu.memref_slice %arg2[%dma_wait3A_315] : memref<327680xi32, #tpu.memory_space<hbm>> -> memref<64xi32, #tpu.memory_space<hbm>>
        %dma_wait3A_317 = arith.constant 0 : i32
        %dma_wait3A_318 = tpu.memref_slice %arg2[%dma_wait3A_317] : memref<327680xi32, #tpu.memory_space<hbm>> -> memref<64xi32, #tpu.memory_space<hbm>>
        tpu.wait_dma2 semaphore(%arg41 : memref<!tpu.dma_semaphore, #tpu.memory_space<semaphore_mem>>) src(%dma_wait3A_318 : memref<64xi32, #tpu.memory_space<hbm>>) dst(%arg13 : memref<64xi32, #tpu.memory_space<vmem>>)
        %dma_wait3A_319 = arith.constant 0 : i32
        %dma_wait3A_320 = tpu.memref_slice %arg3[%dma_wait3A_319] : memref<327680xi32, #tpu.memory_space<hbm>> -> memref<64xi32, #tpu.memory_space<hbm>>
        %dma_wait3A_321 = arith.constant 0 : i32
        %dma_wait3A_322 = tpu.memref_slice %arg3[%dma_wait3A_321] : memref<327680xi32, #tpu.memory_space<hbm>> -> memref<64xi32, #tpu.memory_space<hbm>>
        tpu.wait_dma2 semaphore(%arg41 : memref<!tpu.dma_semaphore, #tpu.memory_space<semaphore_mem>>) src(%dma_wait3A_322 : memref<64xi32, #tpu.memory_space<hbm>>) dst(%arg21 : memref<64xi32, #tpu.memory_space<vmem>>)
        %dma_wait3A_323 = arith.constant 0 : i32
        %dma_wait3A_324 = tpu.memref_slice %arg4[%dma_wait3A_323] : memref<327680xf32, #tpu.memory_space<hbm>> -> memref<64xf32, #tpu.memory_space<hbm>>
        %dma_wait3A_325 = arith.constant 0 : i32
        %dma_wait3A_326 = tpu.memref_slice %arg4[%dma_wait3A_325] : memref<327680xf32, #tpu.memory_space<hbm>> -> memref<64xf32, #tpu.memory_space<hbm>>
        tpu.wait_dma2 semaphore(%arg41 : memref<!tpu.dma_semaphore, #tpu.memory_space<semaphore_mem>>) src(%dma_wait3A_326 : memref<64xf32, #tpu.memory_space<hbm>>) dst(%arg29 : memref<64xf32, #tpu.memory_space<vmem>>)
        %dma_start3A_327 = arith.constant 0 : i32
        %dma_start3A_328 = arith.constant 0 : i32
        %dma_start3A_329 = tpu.memref_slice %arg5[%dma_start3A_327, %dma_start3A_328] : memref<10240x128xf32, #tpu.memory_space<hbm>> -> memref<10240x128xf32, #tpu.memory_space<hbm>>
        tpu.enqueue_indirect_dma source(%dma_start3A_329 : memref<10240x128xf32, #tpu.memory_space<hbm>>) target(%arg33 : memref<64x128xf32, #tpu.memory_space<vmem>>) offsets(%arg13 : memref<64xi32, #tpu.memory_space<vmem>>) semaphore(%arg45 : memref<!tpu.dma_semaphore, #tpu.memory_space<semaphore_mem>>)
      } else {
      }
      %add3A_222 = arith.constant 4 : i32
      %add3A_223 = arith.addi %add3A_212, %add3A_222 : i32
      %lt3A_224 = arith.cmpi slt, %add3A_223, %select_n3A : i32
      %convert_element_type3A_225 = arith.extui %lt3A_224 : i1 to i32
      %cond3A_226 = arith.constant 0 : i32
      %cond3A_227 = arith.cmpi ne, %convert_element_type3A_225, %cond3A_226 : i32
      scf.if %cond3A_227 {
        %add3A_311 = arith.constant 4 : i32
        %add3A_312 = arith.addi %add3A_212, %add3A_311 : i32
        %mul3A_313 = arith.constant 64 : i32
        %mul3A_314 = arith.muli %add3A_312, %mul3A_313 : i32
        %add3A_315 = arith.addi %select_n3A_8, %mul3A_314 : i32
        %dma_start3A_316 = tpu.memref_slice %arg2[%add3A_315] : memref<327680xi32, #tpu.memory_space<hbm>> -> memref<64xi32, #tpu.memory_space<hbm>>
        %dma_start3A_317 = tpu.memref_slice %arg2[%add3A_315] : memref<327680xi32, #tpu.memory_space<hbm>> -> memref<64xi32, #tpu.memory_space<hbm>>
        tpu.enqueue_dma source(%dma_start3A_317 : memref<64xi32, #tpu.memory_space<hbm>>) target(%arg7 : memref<64xi32, #tpu.memory_space<vmem>>) target_semaphore(%arg35 : memref<!tpu.dma_semaphore, #tpu.memory_space<semaphore_mem>>)
        %dma_start3A_318 = tpu.memref_slice %arg3[%add3A_315] : memref<327680xi32, #tpu.memory_space<hbm>> -> memref<64xi32, #tpu.memory_space<hbm>>
        %dma_start3A_319 = tpu.memref_slice %arg3[%add3A_315] : memref<327680xi32, #tpu.memory_space<hbm>> -> memref<64xi32, #tpu.memory_space<hbm>>
        tpu.enqueue_dma source(%dma_start3A_319 : memref<64xi32, #tpu.memory_space<hbm>>) target(%arg15 : memref<64xi32, #tpu.memory_space<vmem>>) target_semaphore(%arg35 : memref<!tpu.dma_semaphore, #tpu.memory_space<semaphore_mem>>)
        %dma_start3A_320 = tpu.memref_slice %arg4[%add3A_315] : memref<327680xf32, #tpu.memory_space<hbm>> -> memref<64xf32, #tpu.memory_space<hbm>>
        %dma_start3A_321 = tpu.memref_slice %arg4[%add3A_315] : memref<327680xf32, #tpu.memory_space<hbm>> -> memref<64xf32, #tpu.memory_space<hbm>>
        tpu.enqueue_dma source(%dma_start3A_321 : memref<64xf32, #tpu.memory_space<hbm>>) target(%arg23 : memref<64xf32, #tpu.memory_space<vmem>>) target_semaphore(%arg35 : memref<!tpu.dma_semaphore, #tpu.memory_space<semaphore_mem>>)
      } else {
      }
      %scan3A_228 = arith.constant 0 : i32
      %scan3A_229 = arith.constant 64 : i32
      %scan3A_230 = arith.addi %scan3A_228, %scan3A_229 : i32
      %scan3A_231 = arith.constant 2 : i32
      scf.for %scan3A_311 = %scan3A_228 to %scan3A_230 step %scan3A_231  : i32 {
        %mul3A_312 = arith.constant 1 : i32
        %mul3A_313 = arith.muli %scan3A_311, %mul3A_312 : i32
        %add3A_314 = arith.constant 0 : i32
        %add3A_315 = arith.addi %add3A_314, %mul3A_313 : i32
        %broadcast_in_dim3A = vector.broadcast %add3A_315 : i32 to vector<16xi32>
        %gather3A = tpu.vector_load_idx %arg27[%broadcast_in_dim3A] : memref<64xf32, #tpu.memory_space<vmem>>[vector<16xi32>], vector<16xf32>,
        %get3A = arith.index_cast %add3A_315 : i32 to index
        %get3A_316 = arith.constant 0 : index
        %get3A_317 = tpu.vector_load %arg31[%get3A, %get3A_316] {strides = array<i32>} : memref<64x128xf32, #tpu.memory_space<vmem>>, vector<16xf32>,
        %mul3A_318 = arith.mulf %get3A_317, %gather3A : vector<16xf32>
        %swap3A = arith.index_cast %add3A_315 : i32 to index
        %swap3A_319 = arith.constant 0 : index
        %swap3A_320 = tpu.vector_load %arg31[%swap3A, %swap3A_319] {strides = array<i32>} : memref<64x128xf32, #tpu.memory_space<vmem>>, vector<16xf32>,
        tpu.vector_store %arg31[%swap3A, %swap3A_319], %mul3A_318 {strides = array<i32>} : memref<64x128xf32, #tpu.memory_space<vmem>>, vector<16xf32>,
        %get3A_321 = arith.index_cast %add3A_315 : i32 to index
        %get3A_322 = arith.constant 16 : index
        %get3A_323 = tpu.vector_load %arg31[%get3A_321, %get3A_322] {strides = array<i32>} : memref<64x128xf32, #tpu.memory_space<vmem>>, vector<16xf32>,
        %mul3A_324 = arith.mulf %get3A_323, %gather3A : vector<16xf32>
        %swap3A_325 = arith.index_cast %add3A_315 : i32 to index
        %swap3A_326 = arith.constant 16 : index
        %swap3A_327 = tpu.vector_load %arg31[%swap3A_325, %swap3A_326] {strides = array<i32>} : memref<64x128xf32, #tpu.memory_space<vmem>>, vector<16xf32>,
        tpu.vector_store %arg31[%swap3A_325, %swap3A_326], %mul3A_324 {strides = array<i32>} : memref<64x128xf32, #tpu.memory_space<vmem>>, vector<16xf32>,
        %get3A_328 = arith.index_cast %add3A_315 : i32 to index
        %get3A_329 = arith.constant 32 : index
        %get3A_330 = tpu.vector_load %arg31[%get3A_328, %get3A_329] {strides = array<i32>} : memref<64x128xf32, #tpu.memory_space<vmem>>, vector<16xf32>,
        %mul3A_331 = arith.mulf %get3A_330, %gather3A : vector<16xf32>
        %swap3A_332 = arith.index_cast %add3A_315 : i32 to index
        %swap3A_333 = arith.constant 32 : index
        %swap3A_334 = tpu.vector_load %arg31[%swap3A_332, %swap3A_333] {strides = array<i32>} : memref<64x128xf32, #tpu.memory_space<vmem>>, vector<16xf32>,
        tpu.vector_store %arg31[%swap3A_332, %swap3A_333], %mul3A_331 {strides = array<i32>} : memref<64x128xf32, #tpu.memory_space<vmem>>, vector<16xf32>,
        %get3A_335 = arith.index_cast %add3A_315 : i32 to index
        %get3A_336 = arith.constant 48 : index
        %get3A_337 = tpu.vector_load %arg31[%get3A_335, %get3A_336] {strides = array<i32>} : memref<64x128xf32, #tpu.memory_space<vmem>>, vector<16xf32>,
        %mul3A_338 = arith.mulf %get3A_337, %gather3A : vector<16xf32>
        %swap3A_339 = arith.index_cast %add3A_315 : i32 to index
        %swap3A_340 = arith.constant 48 : index
        %swap3A_341 = tpu.vector_load %arg31[%swap3A_339, %swap3A_340] {strides = array<i32>} : memref<64x128xf32, #tpu.memory_space<vmem>>, vector<16xf32>,
        tpu.vector_store %arg31[%swap3A_339, %swap3A_340], %mul3A_338 {strides = array<i32>} : memref<64x128xf32, #tpu.memory_space<vmem>>, vector<16xf32>,
        %get3A_342 = arith.index_cast %add3A_315 : i32 to index
        %get3A_343 = arith.constant 64 : index
        %get3A_344 = tpu.vector_load %arg31[%get3A_342, %get3A_343] {strides = array<i32>} : memref<64x128xf32, #tpu.memory_space<vmem>>, vector<16xf32>,
        %mul3A_345 = arith.mulf %get3A_344, %gather3A : vector<16xf32>
        %swap3A_346 = arith.index_cast %add3A_315 : i32 to index
        %swap3A_347 = arith.constant 64 : index
        %swap3A_348 = tpu.vector_load %arg31[%swap3A_346, %swap3A_347] {strides = array<i32>} : memref<64x128xf32, #tpu.memory_space<vmem>>, vector<16xf32>,
        tpu.vector_store %arg31[%swap3A_346, %swap3A_347], %mul3A_345 {strides = array<i32>} : memref<64x128xf32, #tpu.memory_space<vmem>>, vector<16xf32>,
        %get3A_349 = arith.index_cast %add3A_315 : i32 to index
        %get3A_350 = arith.constant 80 : index
        %get3A_351 = tpu.vector_load %arg31[%get3A_349, %get3A_350] {strides = array<i32>} : memref<64x128xf32, #tpu.memory_space<vmem>>, vector<16xf32>,
        %mul3A_352 = arith.mulf %get3A_351, %gather3A : vector<16xf32>
        %swap3A_353 = arith.index_cast %add3A_315 : i32 to index
        %swap3A_354 = arith.constant 80 : index
        %swap3A_355 = tpu.vector_load %arg31[%swap3A_353, %swap3A_354] {strides = array<i32>} : memref<64x128xf32, #tpu.memory_space<vmem>>, vector<16xf32>,
        tpu.vector_store %arg31[%swap3A_353, %swap3A_354], %mul3A_352 {strides = array<i32>} : memref<64x128xf32, #tpu.memory_space<vmem>>, vector<16xf32>,
        %get3A_356 = arith.index_cast %add3A_315 : i32 to index
        %get3A_357 = arith.constant 96 : index
        %get3A_358 = tpu.vector_load %arg31[%get3A_356, %get3A_357] {strides = array<i32>} : memref<64x128xf32, #tpu.memory_space<vmem>>, vector<16xf32>,
        %mul3A_359 = arith.mulf %get3A_358, %gather3A : vector<16xf32>
        %swap3A_360 = arith.index_cast %add3A_315 : i32 to index
        %swap3A_361 = arith.constant 96 : index
        %swap3A_362 = tpu.vector_load %arg31[%swap3A_360, %swap3A_361] {strides = array<i32>} : memref<64x128xf32, #tpu.memory_space<vmem>>, vector<16xf32>,
        tpu.vector_store %arg31[%swap3A_360, %swap3A_361], %mul3A_359 {strides = array<i32>} : memref<64x128xf32, #tpu.memory_space<vmem>>, vector<16xf32>,
        %get3A_363 = arith.index_cast %add3A_315 : i32 to index
        %get3A_364 = arith.constant 112 : index
        %get3A_365 = tpu.vector_load %arg31[%get3A_363, %get3A_364] {strides = array<i32>} : memref<64x128xf32, #tpu.memory_space<vmem>>, vector<16xf32>,
        %mul3A_366 = arith.mulf %get3A_365, %gather3A : vector<16xf32>
        %swap3A_367 = arith.index_cast %add3A_315 : i32 to index
        %swap3A_368 = arith.constant 112 : index
        %swap3A_369 = tpu.vector_load %arg31[%swap3A_367, %swap3A_368] {strides = array<i32>} : memref<64x128xf32, #tpu.memory_space<vmem>>, vector<16xf32>,
        tpu.vector_store %arg31[%swap3A_367, %swap3A_368], %mul3A_366 {strides = array<i32>} : memref<64x128xf32, #tpu.memory_space<vmem>>, vector<16xf32>,
        %scan3A_370 = arith.constant 1 : i32
        %scan3A_371 = arith.addi %scan3A_311, %scan3A_370 : i32
        %mul3A_372 = arith.constant 1 : i32
        %mul3A_373 = arith.muli %scan3A_371, %mul3A_372 : i32
        %add3A_374 = arith.constant 0 : i32
        %add3A_375 = arith.addi %add3A_374, %mul3A_373 : i32
        %broadcast_in_dim3A_376 = vector.broadcast %add3A_375 : i32 to vector<16xi32>
        %gather3A_377 = tpu.vector_load_idx %arg27[%broadcast_in_dim3A_376] : memref<64xf32, #tpu.memory_space<vmem>>[vector<16xi32>], vector<16xf32>,
        %get3A_378 = arith.index_cast %add3A_375 : i32 to index
        %get3A_379 = arith.constant 0 : index
        %get3A_380 = tpu.vector_load %arg31[%get3A_378, %get3A_379] {strides = array<i32>} : memref<64x128xf32, #tpu.memory_space<vmem>>, vector<16xf32>,
        %mul3A_381 = arith.mulf %get3A_380, %gather3A_377 : vector<16xf32>
        %swap3A_382 = arith.index_cast %add3A_375 : i32 to index
        %swap3A_383 = arith.constant 0 : index
        %swap3A_384 = tpu.vector_load %arg31[%swap3A_382, %swap3A_383] {strides = array<i32>} : memref<64x128xf32, #tpu.memory_space<vmem>>, vector<16xf32>,
        tpu.vector_store %arg31[%swap3A_382, %swap3A_383], %mul3A_381 {strides = array<i32>} : memref<64x128xf32, #tpu.memory_space<vmem>>, vector<16xf32>,
        %get3A_385 = arith.index_cast %add3A_375 : i32 to index
        %get3A_386 = arith.constant 16 : index
        %get3A_387 = tpu.vector_load %arg31[%get3A_385, %get3A_386] {strides = array<i32>} : memref<64x128xf32, #tpu.memory_space<vmem>>, vector<16xf32>,
        %mul3A_388 = arith.mulf %get3A_387, %gather3A_377 : vector<16xf32>
        %swap3A_389 = arith.index_cast %add3A_375 : i32 to index
        %swap3A_390 = arith.constant 16 : index
        %swap3A_391 = tpu.vector_load %arg31[%swap3A_389, %swap3A_390] {strides = array<i32>} : memref<64x128xf32, #tpu.memory_space<vmem>>, vector<16xf32>,
        tpu.vector_store %arg31[%swap3A_389, %swap3A_390], %mul3A_388 {strides = array<i32>} : memref<64x128xf32, #tpu.memory_space<vmem>>, vector<16xf32>,
        %get3A_392 = arith.index_cast %add3A_375 : i32 to index
        %get3A_393 = arith.constant 32 : index
        %get3A_394 = tpu.vector_load %arg31[%get3A_392, %get3A_393] {strides = array<i32>} : memref<64x128xf32, #tpu.memory_space<vmem>>, vector<16xf32>,
        %mul3A_395 = arith.mulf %get3A_394, %gather3A_377 : vector<16xf32>
        %swap3A_396 = arith.index_cast %add3A_375 : i32 to index
        %swap3A_397 = arith.constant 32 : index
        %swap3A_398 = tpu.vector_load %arg31[%swap3A_396, %swap3A_397] {strides = array<i32>} : memref<64x128xf32, #tpu.memory_space<vmem>>, vector<16xf32>,
        tpu.vector_store %arg31[%swap3A_396, %swap3A_397], %mul3A_395 {strides = array<i32>} : memref<64x128xf32, #tpu.memory_space<vmem>>, vector<16xf32>,
        %get3A_399 = arith.index_cast %add3A_375 : i32 to index
        %get3A_400 = arith.constant 48 : index
        %get3A_401 = tpu.vector_load %arg31[%get3A_399, %get3A_400] {strides = array<i32>} : memref<64x128xf32, #tpu.memory_space<vmem>>, vector<16xf32>,
        %mul3A_402 = arith.mulf %get3A_401, %gather3A_377 : vector<16xf32>
        %swap3A_403 = arith.index_cast %add3A_375 : i32 to index
        %swap3A_404 = arith.constant 48 : index
        %swap3A_405 = tpu.vector_load %arg31[%swap3A_403, %swap3A_404] {strides = array<i32>} : memref<64x128xf32, #tpu.memory_space<vmem>>, vector<16xf32>,
        tpu.vector_store %arg31[%swap3A_403, %swap3A_404], %mul3A_402 {strides = array<i32>} : memref<64x128xf32, #tpu.memory_space<vmem>>, vector<16xf32>,
        %get3A_406 = arith.index_cast %add3A_375 : i32 to index
        %get3A_407 = arith.constant 64 : index
        %get3A_408 = tpu.vector_load %arg31[%get3A_406, %get3A_407] {strides = array<i32>} : memref<64x128xf32, #tpu.memory_space<vmem>>, vector<16xf32>,
        %mul3A_409 = arith.mulf %get3A_408, %gather3A_377 : vector<16xf32>
        %swap3A_410 = arith.index_cast %add3A_375 : i32 to index
        %swap3A_411 = arith.constant 64 : index
        %swap3A_412 = tpu.vector_load %arg31[%swap3A_410, %swap3A_411] {strides = array<i32>} : memref<64x128xf32, #tpu.memory_space<vmem>>, vector<16xf32>,
        tpu.vector_store %arg31[%swap3A_410, %swap3A_411], %mul3A_409 {strides = array<i32>} : memref<64x128xf32, #tpu.memory_space<vmem>>, vector<16xf32>,
        %get3A_413 = arith.index_cast %add3A_375 : i32 to index
        %get3A_414 = arith.constant 80 : index
        %get3A_415 = tpu.vector_load %arg31[%get3A_413, %get3A_414] {strides = array<i32>} : memref<64x128xf32, #tpu.memory_space<vmem>>, vector<16xf32>,
        %mul3A_416 = arith.mulf %get3A_415, %gather3A_377 : vector<16xf32>
        %swap3A_417 = arith.index_cast %add3A_375 : i32 to index
        %swap3A_418 = arith.constant 80 : index
        %swap3A_419 = tpu.vector_load %arg31[%swap3A_417, %swap3A_418] {strides = array<i32>} : memref<64x128xf32, #tpu.memory_space<vmem>>, vector<16xf32>,
        tpu.vector_store %arg31[%swap3A_417, %swap3A_418], %mul3A_416 {strides = array<i32>} : memref<64x128xf32, #tpu.memory_space<vmem>>, vector<16xf32>,
        %get3A_420 = arith.index_cast %add3A_375 : i32 to index
        %get3A_421 = arith.constant 96 : index
        %get3A_422 = tpu.vector_load %arg31[%get3A_420, %get3A_421] {strides = array<i32>} : memref<64x128xf32, #tpu.memory_space<vmem>>, vector<16xf32>,
        %mul3A_423 = arith.mulf %get3A_422, %gather3A_377 : vector<16xf32>
        %swap3A_424 = arith.index_cast %add3A_375 : i32 to index
        %swap3A_425 = arith.constant 96 : index
        %swap3A_426 = tpu.vector_load %arg31[%swap3A_424, %swap3A_425] {strides = array<i32>} : memref<64x128xf32, #tpu.memory_space<vmem>>, vector<16xf32>,
        tpu.vector_store %arg31[%swap3A_424, %swap3A_425], %mul3A_423 {strides = array<i32>} : memref<64x128xf32, #tpu.memory_space<vmem>>, vector<16xf32>,
        %get3A_427 = arith.index_cast %add3A_375 : i32 to index
        %get3A_428 = arith.constant 112 : index
        %get3A_429 = tpu.vector_load %arg31[%get3A_427, %get3A_428] {strides = array<i32>} : memref<64x128xf32, #tpu.memory_space<vmem>>, vector<16xf32>,
        %mul3A_430 = arith.mulf %get3A_429, %gather3A_377 : vector<16xf32>
        %swap3A_431 = arith.index_cast %add3A_375 : i32 to index
        %swap3A_432 = arith.constant 112 : index
        %swap3A_433 = tpu.vector_load %arg31[%swap3A_431, %swap3A_432] {strides = array<i32>} : memref<64x128xf32, #tpu.memory_space<vmem>>, vector<16xf32>,
        tpu.vector_store %arg31[%swap3A_431, %swap3A_432], %mul3A_430 {strides = array<i32>} : memref<64x128xf32, #tpu.memory_space<vmem>>, vector<16xf32>,
      }
      %scan3A_232 = arith.constant 64 : i32
      %dma_start3A_233 = arith.constant 0 : i32
      %dma_start3A_234 = arith.constant 0 : i32
      %dma_start3A_235 = tpu.memref_slice %arg51[%dma_start3A_233, %dma_start3A_234] : memref<10240x128xf32, #tpu.memory_space<vmem_shared>> -> memref<10240x128xf32, #tpu.memory_space<vmem_shared>>
      tpu.enqueue_indirect_dma source(%arg31 : memref<64x128xf32, #tpu.memory_space<vmem>>) target(%dma_start3A_235 : memref<10240x128xf32, #tpu.memory_space<vmem_shared>>) offsets(%arg19 : memref<64xi32, #tpu.memory_space<vmem>>) semaphore(%arg47 : memref<!tpu.dma_semaphore, #tpu.memory_space<semaphore_mem>>) {add = true}
      %add3A_236 = arith.constant 5 : i32
      %add3A_237 = arith.addi %add3A_113, %add3A_236 : i32
      %dma_wait3A_238 = arith.constant 0 : i32
      %dma_wait3A_239 = arith.constant 0 : i32
      %dma_wait3A_240 = tpu.memref_slice %arg5[%dma_wait3A_238, %dma_wait3A_239] : memref<10240x128xf32, #tpu.memory_space<hbm>> -> memref<10240x128xf32, #tpu.memory_space<hbm>>
      tpu.wait_indirect_dma semaphore(%arg44 : memref<!tpu.dma_semaphore, #tpu.memory_space<semaphore_mem>>) src(%dma_wait3A_240 : memref<10240x128xf32, #tpu.memory_space<hbm>>) dst(%arg32 : memref<64x128xf32, #tpu.memory_space<vmem>>)
      %add3A_241 = arith.constant 2 : i32
      %add3A_242 = arith.addi %add3A_237, %add3A_241 : i32
      %lt3A_243 = arith.cmpi slt, %add3A_242, %select_n3A : i32
      %convert_element_type3A_244 = arith.extui %lt3A_243 : i1 to i32
      %cond3A_245 = arith.constant 0 : i32
      %cond3A_246 = arith.cmpi ne, %convert_element_type3A_244, %cond3A_245 : i32
      scf.if %cond3A_246 {
        %ge3A = arith.constant 2 : i32
        %ge3A_311 = arith.cmpi sge, %add3A_237, %ge3A : i32
        %convert_element_type3A_312 = arith.extui %ge3A_311 : i1 to i32
        %cond3A_313 = arith.constant 0 : i32
        %cond3A_314 = arith.cmpi ne, %convert_element_type3A_312, %cond3A_313 : i32
        scf.if %cond3A_314 {
          %dma_wait3A_330 = arith.constant 0 : i32
          %dma_wait3A_331 = arith.constant 0 : i32
          %dma_wait3A_332 = tpu.memref_slice %arg51[%dma_wait3A_330, %dma_wait3A_331] : memref<10240x128xf32, #tpu.memory_space<vmem_shared>> -> memref<10240x128xf32, #tpu.memory_space<vmem_shared>>
          tpu.wait_indirect_dma semaphore(%arg50 : memref<!tpu.dma_semaphore, #tpu.memory_space<semaphore_mem>>) src(%arg34 : memref<64x128xf32, #tpu.memory_space<vmem>>) dst(%dma_wait3A_332 : memref<10240x128xf32, #tpu.memory_space<vmem_shared>>)
        } else {
        }
        %dma_wait3A_315 = arith.constant 0 : i32
        %dma_wait3A_316 = tpu.memref_slice %arg2[%dma_wait3A_315] : memref<327680xi32, #tpu.memory_space<hbm>> -> memref<64xi32, #tpu.memory_space<hbm>>
        %dma_wait3A_317 = arith.constant 0 : i32
        %dma_wait3A_318 = tpu.memref_slice %arg2[%dma_wait3A_317] : memref<327680xi32, #tpu.memory_space<hbm>> -> memref<64xi32, #tpu.memory_space<hbm>>
        tpu.wait_dma2 semaphore(%arg42 : memref<!tpu.dma_semaphore, #tpu.memory_space<semaphore_mem>>) src(%dma_wait3A_318 : memref<64xi32, #tpu.memory_space<hbm>>) dst(%arg14 : memref<64xi32, #tpu.memory_space<vmem>>)
        %dma_wait3A_319 = arith.constant 0 : i32
        %dma_wait3A_320 = tpu.memref_slice %arg3[%dma_wait3A_319] : memref<327680xi32, #tpu.memory_space<hbm>> -> memref<64xi32, #tpu.memory_space<hbm>>
        %dma_wait3A_321 = arith.constant 0 : i32
        %dma_wait3A_322 = tpu.memref_slice %arg3[%dma_wait3A_321] : memref<327680xi32, #tpu.memory_space<hbm>> -> memref<64xi32, #tpu.memory_space<hbm>>
        tpu.wait_dma2 semaphore(%arg42 : memref<!tpu.dma_semaphore, #tpu.memory_space<semaphore_mem>>) src(%dma_wait3A_322 : memref<64xi32, #tpu.memory_space<hbm>>) dst(%arg22 : memref<64xi32, #tpu.memory_space<vmem>>)
        %dma_wait3A_323 = arith.constant 0 : i32
        %dma_wait3A_324 = tpu.memref_slice %arg4[%dma_wait3A_323] : memref<327680xf32, #tpu.memory_space<hbm>> -> memref<64xf32, #tpu.memory_space<hbm>>
        %dma_wait3A_325 = arith.constant 0 : i32
        %dma_wait3A_326 = tpu.memref_slice %arg4[%dma_wait3A_325] : memref<327680xf32, #tpu.memory_space<hbm>> -> memref<64xf32, #tpu.memory_space<hbm>>
        tpu.wait_dma2 semaphore(%arg42 : memref<!tpu.dma_semaphore, #tpu.memory_space<semaphore_mem>>) src(%dma_wait3A_326 : memref<64xf32, #tpu.memory_space<hbm>>) dst(%arg30 : memref<64xf32, #tpu.memory_space<vmem>>)
        %dma_start3A_327 = arith.constant 0 : i32
        %dma_start3A_328 = arith.constant 0 : i32
        %dma_start3A_329 = tpu.memref_slice %arg5[%dma_start3A_327, %dma_start3A_328] : memref<10240x128xf32, #tpu.memory_space<hbm>> -> memref<10240x128xf32, #tpu.memory_space<hbm>>
        tpu.enqueue_indirect_dma source(%dma_start3A_329 : memref<10240x128xf32, #tpu.memory_space<hbm>>) target(%arg34 : memref<64x128xf32, #tpu.memory_space<vmem>>) offsets(%arg14 : memref<64xi32, #tpu.memory_space<vmem>>) semaphore(%arg46 : memref<!tpu.dma_semaphore, #tpu.memory_space<semaphore_mem>>)
      } else {
      }
      %add3A_247 = arith.constant 4 : i32
      %add3A_248 = arith.addi %add3A_237, %add3A_247 : i32
      %lt3A_249 = arith.cmpi slt, %add3A_248, %select_n3A : i32
      %convert_element_type3A_250 = arith.extui %lt3A_249 : i1 to i32
      %cond3A_251 = arith.constant 0 : i32
      %cond3A_252 = arith.cmpi ne, %convert_element_type3A_250, %cond3A_251 : i32
      scf.if %cond3A_252 {
        %add3A_311 = arith.constant 4 : i32
        %add3A_312 = arith.addi %add3A_237, %add3A_311 : i32
        %mul3A_313 = arith.constant 64 : i32
        %mul3A_314 = arith.muli %add3A_312, %mul3A_313 : i32
        %add3A_315 = arith.addi %select_n3A_8, %mul3A_314 : i32
        %dma_start3A_316 = tpu.memref_slice %arg2[%add3A_315] : memref<327680xi32, #tpu.memory_space<hbm>> -> memref<64xi32, #tpu.memory_space<hbm>>
        %dma_start3A_317 = tpu.memref_slice %arg2[%add3A_315] : memref<327680xi32, #tpu.memory_space<hbm>> -> memref<64xi32, #tpu.memory_space<hbm>>
        tpu.enqueue_dma source(%dma_start3A_317 : memref<64xi32, #tpu.memory_space<hbm>>) target(%arg8 : memref<64xi32, #tpu.memory_space<vmem>>) target_semaphore(%arg36 : memref<!tpu.dma_semaphore, #tpu.memory_space<semaphore_mem>>)
        %dma_start3A_318 = tpu.memref_slice %arg3[%add3A_315] : memref<327680xi32, #tpu.memory_space<hbm>> -> memref<64xi32, #tpu.memory_space<hbm>>
        %dma_start3A_319 = tpu.memref_slice %arg3[%add3A_315] : memref<327680xi32, #tpu.memory_space<hbm>> -> memref<64xi32, #tpu.memory_space<hbm>>
        tpu.enqueue_dma source(%dma_start3A_319 : memref<64xi32, #tpu.memory_space<hbm>>) target(%arg16 : memref<64xi32, #tpu.memory_space<vmem>>) target_semaphore(%arg36 : memref<!tpu.dma_semaphore, #tpu.memory_space<semaphore_mem>>)
        %dma_start3A_320 = tpu.memref_slice %arg4[%add3A_315] : memref<327680xf32, #tpu.memory_space<hbm>> -> memref<64xf32, #tpu.memory_space<hbm>>
        %dma_start3A_321 = tpu.memref_slice %arg4[%add3A_315] : memref<327680xf32, #tpu.memory_space<hbm>> -> memref<64xf32, #tpu.memory_space<hbm>>
        tpu.enqueue_dma source(%dma_start3A_321 : memref<64xf32, #tpu.memory_space<hbm>>) target(%arg24 : memref<64xf32, #tpu.memory_space<vmem>>) target_semaphore(%arg36 : memref<!tpu.dma_semaphore, #tpu.memory_space<semaphore_mem>>)
      } else {
      }
      %scan3A_253 = arith.constant 0 : i32
      %scan3A_254 = arith.constant 64 : i32
      %scan3A_255 = arith.addi %scan3A_253, %scan3A_254 : i32
      %scan3A_256 = arith.constant 2 : i32
      scf.for %scan3A_311 = %scan3A_253 to %scan3A_255 step %scan3A_256  : i32 {
        %mul3A_312 = arith.constant 1 : i32
        %mul3A_313 = arith.muli %scan3A_311, %mul3A_312 : i32
        %add3A_314 = arith.constant 0 : i32
        %add3A_315 = arith.addi %add3A_314, %mul3A_313 : i32
        %broadcast_in_dim3A = vector.broadcast %add3A_315 : i32 to vector<16xi32>
        %gather3A = tpu.vector_load_idx %arg28[%broadcast_in_dim3A] : memref<64xf32, #tpu.memory_space<vmem>>[vector<16xi32>], vector<16xf32>,
        %get3A = arith.index_cast %add3A_315 : i32 to index
        %get3A_316 = arith.constant 0 : index
        %get3A_317 = tpu.vector_load %arg32[%get3A, %get3A_316] {strides = array<i32>} : memref<64x128xf32, #tpu.memory_space<vmem>>, vector<16xf32>,
        %mul3A_318 = arith.mulf %get3A_317, %gather3A : vector<16xf32>
        %swap3A = arith.index_cast %add3A_315 : i32 to index
        %swap3A_319 = arith.constant 0 : index
        %swap3A_320 = tpu.vector_load %arg32[%swap3A, %swap3A_319] {strides = array<i32>} : memref<64x128xf32, #tpu.memory_space<vmem>>, vector<16xf32>,
        tpu.vector_store %arg32[%swap3A, %swap3A_319], %mul3A_318 {strides = array<i32>} : memref<64x128xf32, #tpu.memory_space<vmem>>, vector<16xf32>,
        %get3A_321 = arith.index_cast %add3A_315 : i32 to index
        %get3A_322 = arith.constant 16 : index
        %get3A_323 = tpu.vector_load %arg32[%get3A_321, %get3A_322] {strides = array<i32>} : memref<64x128xf32, #tpu.memory_space<vmem>>, vector<16xf32>,
        %mul3A_324 = arith.mulf %get3A_323, %gather3A : vector<16xf32>
        %swap3A_325 = arith.index_cast %add3A_315 : i32 to index
        %swap3A_326 = arith.constant 16 : index
        %swap3A_327 = tpu.vector_load %arg32[%swap3A_325, %swap3A_326] {strides = array<i32>} : memref<64x128xf32, #tpu.memory_space<vmem>>, vector<16xf32>,
        tpu.vector_store %arg32[%swap3A_325, %swap3A_326], %mul3A_324 {strides = array<i32>} : memref<64x128xf32, #tpu.memory_space<vmem>>, vector<16xf32>,
        %get3A_328 = arith.index_cast %add3A_315 : i32 to index
        %get3A_329 = arith.constant 32 : index
        %get3A_330 = tpu.vector_load %arg32[%get3A_328, %get3A_329] {strides = array<i32>} : memref<64x128xf32, #tpu.memory_space<vmem>>, vector<16xf32>,
        %mul3A_331 = arith.mulf %get3A_330, %gather3A : vector<16xf32>
        %swap3A_332 = arith.index_cast %add3A_315 : i32 to index
        %swap3A_333 = arith.constant 32 : index
        %swap3A_334 = tpu.vector_load %arg32[%swap3A_332, %swap3A_333] {strides = array<i32>} : memref<64x128xf32, #tpu.memory_space<vmem>>, vector<16xf32>,
        tpu.vector_store %arg32[%swap3A_332, %swap3A_333], %mul3A_331 {strides = array<i32>} : memref<64x128xf32, #tpu.memory_space<vmem>>, vector<16xf32>,
        %get3A_335 = arith.index_cast %add3A_315 : i32 to index
        %get3A_336 = arith.constant 48 : index
        %get3A_337 = tpu.vector_load %arg32[%get3A_335, %get3A_336] {strides = array<i32>} : memref<64x128xf32, #tpu.memory_space<vmem>>, vector<16xf32>,
        %mul3A_338 = arith.mulf %get3A_337, %gather3A : vector<16xf32>
        %swap3A_339 = arith.index_cast %add3A_315 : i32 to index
        %swap3A_340 = arith.constant 48 : index
        %swap3A_341 = tpu.vector_load %arg32[%swap3A_339, %swap3A_340] {strides = array<i32>} : memref<64x128xf32, #tpu.memory_space<vmem>>, vector<16xf32>,
        tpu.vector_store %arg32[%swap3A_339, %swap3A_340], %mul3A_338 {strides = array<i32>} : memref<64x128xf32, #tpu.memory_space<vmem>>, vector<16xf32>,
        %get3A_342 = arith.index_cast %add3A_315 : i32 to index
        %get3A_343 = arith.constant 64 : index
        %get3A_344 = tpu.vector_load %arg32[%get3A_342, %get3A_343] {strides = array<i32>} : memref<64x128xf32, #tpu.memory_space<vmem>>, vector<16xf32>,
        %mul3A_345 = arith.mulf %get3A_344, %gather3A : vector<16xf32>
        %swap3A_346 = arith.index_cast %add3A_315 : i32 to index
        %swap3A_347 = arith.constant 64 : index
        %swap3A_348 = tpu.vector_load %arg32[%swap3A_346, %swap3A_347] {strides = array<i32>} : memref<64x128xf32, #tpu.memory_space<vmem>>, vector<16xf32>,
        tpu.vector_store %arg32[%swap3A_346, %swap3A_347], %mul3A_345 {strides = array<i32>} : memref<64x128xf32, #tpu.memory_space<vmem>>, vector<16xf32>,
        %get3A_349 = arith.index_cast %add3A_315 : i32 to index
        %get3A_350 = arith.constant 80 : index
        %get3A_351 = tpu.vector_load %arg32[%get3A_349, %get3A_350] {strides = array<i32>} : memref<64x128xf32, #tpu.memory_space<vmem>>, vector<16xf32>,
        %mul3A_352 = arith.mulf %get3A_351, %gather3A : vector<16xf32>
        %swap3A_353 = arith.index_cast %add3A_315 : i32 to index
        %swap3A_354 = arith.constant 80 : index
        %swap3A_355 = tpu.vector_load %arg32[%swap3A_353, %swap3A_354] {strides = array<i32>} : memref<64x128xf32, #tpu.memory_space<vmem>>, vector<16xf32>,
        tpu.vector_store %arg32[%swap3A_353, %swap3A_354], %mul3A_352 {strides = array<i32>} : memref<64x128xf32, #tpu.memory_space<vmem>>, vector<16xf32>,
        %get3A_356 = arith.index_cast %add3A_315 : i32 to index
        %get3A_357 = arith.constant 96 : index
        %get3A_358 = tpu.vector_load %arg32[%get3A_356, %get3A_357] {strides = array<i32>} : memref<64x128xf32, #tpu.memory_space<vmem>>, vector<16xf32>,
        %mul3A_359 = arith.mulf %get3A_358, %gather3A : vector<16xf32>
        %swap3A_360 = arith.index_cast %add3A_315 : i32 to index
        %swap3A_361 = arith.constant 96 : index
        %swap3A_362 = tpu.vector_load %arg32[%swap3A_360, %swap3A_361] {strides = array<i32>} : memref<64x128xf32, #tpu.memory_space<vmem>>, vector<16xf32>,
        tpu.vector_store %arg32[%swap3A_360, %swap3A_361], %mul3A_359 {strides = array<i32>} : memref<64x128xf32, #tpu.memory_space<vmem>>, vector<16xf32>,
        %get3A_363 = arith.index_cast %add3A_315 : i32 to index
        %get3A_364 = arith.constant 112 : index
        %get3A_365 = tpu.vector_load %arg32[%get3A_363, %get3A_364] {strides = array<i32>} : memref<64x128xf32, #tpu.memory_space<vmem>>, vector<16xf32>,
        %mul3A_366 = arith.mulf %get3A_365, %gather3A : vector<16xf32>
        %swap3A_367 = arith.index_cast %add3A_315 : i32 to index
        %swap3A_368 = arith.constant 112 : index
        %swap3A_369 = tpu.vector_load %arg32[%swap3A_367, %swap3A_368] {strides = array<i32>} : memref<64x128xf32, #tpu.memory_space<vmem>>, vector<16xf32>,
        tpu.vector_store %arg32[%swap3A_367, %swap3A_368], %mul3A_366 {strides = array<i32>} : memref<64x128xf32, #tpu.memory_space<vmem>>, vector<16xf32>,
        %scan3A_370 = arith.constant 1 : i32
        %scan3A_371 = arith.addi %scan3A_311, %scan3A_370 : i32
        %mul3A_372 = arith.constant 1 : i32
        %mul3A_373 = arith.muli %scan3A_371, %mul3A_372 : i32
        %add3A_374 = arith.constant 0 : i32
        %add3A_375 = arith.addi %add3A_374, %mul3A_373 : i32
        %broadcast_in_dim3A_376 = vector.broadcast %add3A_375 : i32 to vector<16xi32>
        %gather3A_377 = tpu.vector_load_idx %arg28[%broadcast_in_dim3A_376] : memref<64xf32, #tpu.memory_space<vmem>>[vector<16xi32>], vector<16xf32>,
        %get3A_378 = arith.index_cast %add3A_375 : i32 to index
        %get3A_379 = arith.constant 0 : index
        %get3A_380 = tpu.vector_load %arg32[%get3A_378, %get3A_379] {strides = array<i32>} : memref<64x128xf32, #tpu.memory_space<vmem>>, vector<16xf32>,
        %mul3A_381 = arith.mulf %get3A_380, %gather3A_377 : vector<16xf32>
        %swap3A_382 = arith.index_cast %add3A_375 : i32 to index
        %swap3A_383 = arith.constant 0 : index
        %swap3A_384 = tpu.vector_load %arg32[%swap3A_382, %swap3A_383] {strides = array<i32>} : memref<64x128xf32, #tpu.memory_space<vmem>>, vector<16xf32>,
        tpu.vector_store %arg32[%swap3A_382, %swap3A_383], %mul3A_381 {strides = array<i32>} : memref<64x128xf32, #tpu.memory_space<vmem>>, vector<16xf32>,
        %get3A_385 = arith.index_cast %add3A_375 : i32 to index
        %get3A_386 = arith.constant 16 : index
        %get3A_387 = tpu.vector_load %arg32[%get3A_385, %get3A_386] {strides = array<i32>} : memref<64x128xf32, #tpu.memory_space<vmem>>, vector<16xf32>,
        %mul3A_388 = arith.mulf %get3A_387, %gather3A_377 : vector<16xf32>
        %swap3A_389 = arith.index_cast %add3A_375 : i32 to index
        %swap3A_390 = arith.constant 16 : index
        %swap3A_391 = tpu.vector_load %arg32[%swap3A_389, %swap3A_390] {strides = array<i32>} : memref<64x128xf32, #tpu.memory_space<vmem>>, vector<16xf32>,
        tpu.vector_store %arg32[%swap3A_389, %swap3A_390], %mul3A_388 {strides = array<i32>} : memref<64x128xf32, #tpu.memory_space<vmem>>, vector<16xf32>,
        %get3A_392 = arith.index_cast %add3A_375 : i32 to index
        %get3A_393 = arith.constant 32 : index
        %get3A_394 = tpu.vector_load %arg32[%get3A_392, %get3A_393] {strides = array<i32>} : memref<64x128xf32, #tpu.memory_space<vmem>>, vector<16xf32>,
        %mul3A_395 = arith.mulf %get3A_394, %gather3A_377 : vector<16xf32>
        %swap3A_396 = arith.index_cast %add3A_375 : i32 to index
        %swap3A_397 = arith.constant 32 : index
        %swap3A_398 = tpu.vector_load %arg32[%swap3A_396, %swap3A_397] {strides = array<i32>} : memref<64x128xf32, #tpu.memory_space<vmem>>, vector<16xf32>,
        tpu.vector_store %arg32[%swap3A_396, %swap3A_397], %mul3A_395 {strides = array<i32>} : memref<64x128xf32, #tpu.memory_space<vmem>>, vector<16xf32>,
        %get3A_399 = arith.index_cast %add3A_375 : i32 to index
        %get3A_400 = arith.constant 48 : index
        %get3A_401 = tpu.vector_load %arg32[%get3A_399, %get3A_400] {strides = array<i32>} : memref<64x128xf32, #tpu.memory_space<vmem>>, vector<16xf32>,
        %mul3A_402 = arith.mulf %get3A_401, %gather3A_377 : vector<16xf32>
        %swap3A_403 = arith.index_cast %add3A_375 : i32 to index
        %swap3A_404 = arith.constant 48 : index
        %swap3A_405 = tpu.vector_load %arg32[%swap3A_403, %swap3A_404] {strides = array<i32>} : memref<64x128xf32, #tpu.memory_space<vmem>>, vector<16xf32>,
        tpu.vector_store %arg32[%swap3A_403, %swap3A_404], %mul3A_402 {strides = array<i32>} : memref<64x128xf32, #tpu.memory_space<vmem>>, vector<16xf32>,
        %get3A_406 = arith.index_cast %add3A_375 : i32 to index
        %get3A_407 = arith.constant 64 : index
        %get3A_408 = tpu.vector_load %arg32[%get3A_406, %get3A_407] {strides = array<i32>} : memref<64x128xf32, #tpu.memory_space<vmem>>, vector<16xf32>,
        %mul3A_409 = arith.mulf %get3A_408, %gather3A_377 : vector<16xf32>
        %swap3A_410 = arith.index_cast %add3A_375 : i32 to index
        %swap3A_411 = arith.constant 64 : index
        %swap3A_412 = tpu.vector_load %arg32[%swap3A_410, %swap3A_411] {strides = array<i32>} : memref<64x128xf32, #tpu.memory_space<vmem>>, vector<16xf32>,
        tpu.vector_store %arg32[%swap3A_410, %swap3A_411], %mul3A_409 {strides = array<i32>} : memref<64x128xf32, #tpu.memory_space<vmem>>, vector<16xf32>,
        %get3A_413 = arith.index_cast %add3A_375 : i32 to index
        %get3A_414 = arith.constant 80 : index
        %get3A_415 = tpu.vector_load %arg32[%get3A_413, %get3A_414] {strides = array<i32>} : memref<64x128xf32, #tpu.memory_space<vmem>>, vector<16xf32>,
        %mul3A_416 = arith.mulf %get3A_415, %gather3A_377 : vector<16xf32>
        %swap3A_417 = arith.index_cast %add3A_375 : i32 to index
        %swap3A_418 = arith.constant 80 : index
        %swap3A_419 = tpu.vector_load %arg32[%swap3A_417, %swap3A_418] {strides = array<i32>} : memref<64x128xf32, #tpu.memory_space<vmem>>, vector<16xf32>,
        tpu.vector_store %arg32[%swap3A_417, %swap3A_418], %mul3A_416 {strides = array<i32>} : memref<64x128xf32, #tpu.memory_space<vmem>>, vector<16xf32>,
        %get3A_420 = arith.index_cast %add3A_375 : i32 to index
        %get3A_421 = arith.constant 96 : index
        %get3A_422 = tpu.vector_load %arg32[%get3A_420, %get3A_421] {strides = array<i32>} : memref<64x128xf32, #tpu.memory_space<vmem>>, vector<16xf32>,
        %mul3A_423 = arith.mulf %get3A_422, %gather3A_377 : vector<16xf32>
        %swap3A_424 = arith.index_cast %add3A_375 : i32 to index
        %swap3A_425 = arith.constant 96 : index
        %swap3A_426 = tpu.vector_load %arg32[%swap3A_424, %swap3A_425] {strides = array<i32>} : memref<64x128xf32, #tpu.memory_space<vmem>>, vector<16xf32>,
        tpu.vector_store %arg32[%swap3A_424, %swap3A_425], %mul3A_423 {strides = array<i32>} : memref<64x128xf32, #tpu.memory_space<vmem>>, vector<16xf32>,
        %get3A_427 = arith.index_cast %add3A_375 : i32 to index
        %get3A_428 = arith.constant 112 : index
        %get3A_429 = tpu.vector_load %arg32[%get3A_427, %get3A_428] {strides = array<i32>} : memref<64x128xf32, #tpu.memory_space<vmem>>, vector<16xf32>,
        %mul3A_430 = arith.mulf %get3A_429, %gather3A_377 : vector<16xf32>
        %swap3A_431 = arith.index_cast %add3A_375 : i32 to index
        %swap3A_432 = arith.constant 112 : index
        %swap3A_433 = tpu.vector_load %arg32[%swap3A_431, %swap3A_432] {strides = array<i32>} : memref<64x128xf32, #tpu.memory_space<vmem>>, vector<16xf32>,
        tpu.vector_store %arg32[%swap3A_431, %swap3A_432], %mul3A_430 {strides = array<i32>} : memref<64x128xf32, #tpu.memory_space<vmem>>, vector<16xf32>,
      }
      %scan3A_257 = arith.constant 64 : i32
      %dma_start3A_258 = arith.constant 0 : i32
      %dma_start3A_259 = arith.constant 0 : i32
      %dma_start3A_260 = tpu.memref_slice %arg51[%dma_start3A_258, %dma_start3A_259] : memref<10240x128xf32, #tpu.memory_space<vmem_shared>> -> memref<10240x128xf32, #tpu.memory_space<vmem_shared>>
      tpu.enqueue_indirect_dma source(%arg32 : memref<64x128xf32, #tpu.memory_space<vmem>>) target(%dma_start3A_260 : memref<10240x128xf32, #tpu.memory_space<vmem_shared>>) offsets(%arg20 : memref<64xi32, #tpu.memory_space<vmem>>) semaphore(%arg48 : memref<!tpu.dma_semaphore, #tpu.memory_space<semaphore_mem>>) {add = true}
      %add3A_261 = arith.constant 6 : i32
      %add3A_262 = arith.addi %add3A_113, %add3A_261 : i32
      %dma_wait3A_263 = arith.constant 0 : i32
      %dma_wait3A_264 = arith.constant 0 : i32
      %dma_wait3A_265 = tpu.memref_slice %arg5[%dma_wait3A_263, %dma_wait3A_264] : memref<10240x128xf32, #tpu.memory_space<hbm>> -> memref<10240x128xf32, #tpu.memory_space<hbm>>
      tpu.wait_indirect_dma semaphore(%arg45 : memref<!tpu.dma_semaphore, #tpu.memory_space<semaphore_mem>>) src(%dma_wait3A_265 : memref<10240x128xf32, #tpu.memory_space<hbm>>) dst(%arg33 : memref<64x128xf32, #tpu.memory_space<vmem>>)
      %add3A_266 = arith.constant 2 : i32
      %add3A_267 = arith.addi %add3A_262, %add3A_266 : i32
      %lt3A_268 = arith.cmpi slt, %add3A_267, %select_n3A : i32
      %convert_element_type3A_269 = arith.extui %lt3A_268 : i1 to i32
      %cond3A_270 = arith.constant 0 : i32
      %cond3A_271 = arith.cmpi ne, %convert_element_type3A_269, %cond3A_270 : i32
      scf.if %cond3A_271 {
        %ge3A = arith.constant 2 : i32
        %ge3A_311 = arith.cmpi sge, %add3A_262, %ge3A : i32
        %convert_element_type3A_312 = arith.extui %ge3A_311 : i1 to i32
        %cond3A_313 = arith.constant 0 : i32
        %cond3A_314 = arith.cmpi ne, %convert_element_type3A_312, %cond3A_313 : i32
        scf.if %cond3A_314 {
          %dma_wait3A_330 = arith.constant 0 : i32
          %dma_wait3A_331 = arith.constant 0 : i32
          %dma_wait3A_332 = tpu.memref_slice %arg51[%dma_wait3A_330, %dma_wait3A_331] : memref<10240x128xf32, #tpu.memory_space<vmem_shared>> -> memref<10240x128xf32, #tpu.memory_space<vmem_shared>>
          tpu.wait_indirect_dma semaphore(%arg47 : memref<!tpu.dma_semaphore, #tpu.memory_space<semaphore_mem>>) src(%arg31 : memref<64x128xf32, #tpu.memory_space<vmem>>) dst(%dma_wait3A_332 : memref<10240x128xf32, #tpu.memory_space<vmem_shared>>)
        } else {
        }
        %dma_wait3A_315 = arith.constant 0 : i32
        %dma_wait3A_316 = tpu.memref_slice %arg2[%dma_wait3A_315] : memref<327680xi32, #tpu.memory_space<hbm>> -> memref<64xi32, #tpu.memory_space<hbm>>
        %dma_wait3A_317 = arith.constant 0 : i32
        %dma_wait3A_318 = tpu.memref_slice %arg2[%dma_wait3A_317] : memref<327680xi32, #tpu.memory_space<hbm>> -> memref<64xi32, #tpu.memory_space<hbm>>
        tpu.wait_dma2 semaphore(%arg35 : memref<!tpu.dma_semaphore, #tpu.memory_space<semaphore_mem>>) src(%dma_wait3A_318 : memref<64xi32, #tpu.memory_space<hbm>>) dst(%arg7 : memref<64xi32, #tpu.memory_space<vmem>>)
        %dma_wait3A_319 = arith.constant 0 : i32
        %dma_wait3A_320 = tpu.memref_slice %arg3[%dma_wait3A_319] : memref<327680xi32, #tpu.memory_space<hbm>> -> memref<64xi32, #tpu.memory_space<hbm>>
        %dma_wait3A_321 = arith.constant 0 : i32
        %dma_wait3A_322 = tpu.memref_slice %arg3[%dma_wait3A_321] : memref<327680xi32, #tpu.memory_space<hbm>> -> memref<64xi32, #tpu.memory_space<hbm>>
        tpu.wait_dma2 semaphore(%arg35 : memref<!tpu.dma_semaphore, #tpu.memory_space<semaphore_mem>>) src(%dma_wait3A_322 : memref<64xi32, #tpu.memory_space<hbm>>) dst(%arg15 : memref<64xi32, #tpu.memory_space<vmem>>)
        %dma_wait3A_323 = arith.constant 0 : i32
        %dma_wait3A_324 = tpu.memref_slice %arg4[%dma_wait3A_323] : memref<327680xf32, #tpu.memory_space<hbm>> -> memref<64xf32, #tpu.memory_space<hbm>>
        %dma_wait3A_325 = arith.constant 0 : i32
        %dma_wait3A_326 = tpu.memref_slice %arg4[%dma_wait3A_325] : memref<327680xf32, #tpu.memory_space<hbm>> -> memref<64xf32, #tpu.memory_space<hbm>>
        tpu.wait_dma2 semaphore(%arg35 : memref<!tpu.dma_semaphore, #tpu.memory_space<semaphore_mem>>) src(%dma_wait3A_326 : memref<64xf32, #tpu.memory_space<hbm>>) dst(%arg23 : memref<64xf32, #tpu.memory_space<vmem>>)
        %dma_start3A_327 = arith.constant 0 : i32
        %dma_start3A_328 = arith.constant 0 : i32
        %dma_start3A_329 = tpu.memref_slice %arg5[%dma_start3A_327, %dma_start3A_328] : memref<10240x128xf32, #tpu.memory_space<hbm>> -> memref<10240x128xf32, #tpu.memory_space<hbm>>
        tpu.enqueue_indirect_dma source(%dma_start3A_329 : memref<10240x128xf32, #tpu.memory_space<hbm>>) target(%arg31 : memref<64x128xf32, #tpu.memory_space<vmem>>) offsets(%arg7 : memref<64xi32, #tpu.memory_space<vmem>>) semaphore(%arg43 : memref<!tpu.dma_semaphore, #tpu.memory_space<semaphore_mem>>)
      } else {
      }
      %add3A_272 = arith.constant 4 : i32
      %add3A_273 = arith.addi %add3A_262, %add3A_272 : i32
      %lt3A_274 = arith.cmpi slt, %add3A_273, %select_n3A : i32
      %convert_element_type3A_275 = arith.extui %lt3A_274 : i1 to i32
      %cond3A_276 = arith.constant 0 : i32
      %cond3A_277 = arith.cmpi ne, %convert_element_type3A_275, %cond3A_276 : i32
      scf.if %cond3A_277 {
        %add3A_311 = arith.constant 4 : i32
        %add3A_312 = arith.addi %add3A_262, %add3A_311 : i32
        %mul3A_313 = arith.constant 64 : i32
        %mul3A_314 = arith.muli %add3A_312, %mul3A_313 : i32
        %add3A_315 = arith.addi %select_n3A_8, %mul3A_314 : i32
        %dma_start3A_316 = tpu.memref_slice %arg2[%add3A_315] : memref<327680xi32, #tpu.memory_space<hbm>> -> memref<64xi32, #tpu.memory_space<hbm>>
        %dma_start3A_317 = tpu.memref_slice %arg2[%add3A_315] : memref<327680xi32, #tpu.memory_space<hbm>> -> memref<64xi32, #tpu.memory_space<hbm>>
        tpu.enqueue_dma source(%dma_start3A_317 : memref<64xi32, #tpu.memory_space<hbm>>) target(%arg9 : memref<64xi32, #tpu.memory_space<vmem>>) target_semaphore(%arg37 : memref<!tpu.dma_semaphore, #tpu.memory_space<semaphore_mem>>)
        %dma_start3A_318 = tpu.memref_slice %arg3[%add3A_315] : memref<327680xi32, #tpu.memory_space<hbm>> -> memref<64xi32, #tpu.memory_space<hbm>>
        %dma_start3A_319 = tpu.memref_slice %arg3[%add3A_315] : memref<327680xi32, #tpu.memory_space<hbm>> -> memref<64xi32, #tpu.memory_space<hbm>>
        tpu.enqueue_dma source(%dma_start3A_319 : memref<64xi32, #tpu.memory_space<hbm>>) target(%arg17 : memref<64xi32, #tpu.memory_space<vmem>>) target_semaphore(%arg37 : memref<!tpu.dma_semaphore, #tpu.memory_space<semaphore_mem>>)
        %dma_start3A_320 = tpu.memref_slice %arg4[%add3A_315] : memref<327680xf32, #tpu.memory_space<hbm>> -> memref<64xf32, #tpu.memory_space<hbm>>
        %dma_start3A_321 = tpu.memref_slice %arg4[%add3A_315] : memref<327680xf32, #tpu.memory_space<hbm>> -> memref<64xf32, #tpu.memory_space<hbm>>
        tpu.enqueue_dma source(%dma_start3A_321 : memref<64xf32, #tpu.memory_space<hbm>>) target(%arg25 : memref<64xf32, #tpu.memory_space<vmem>>) target_semaphore(%arg37 : memref<!tpu.dma_semaphore, #tpu.memory_space<semaphore_mem>>)
      } else {
      }
      %scan3A_278 = arith.constant 0 : i32
      %scan3A_279 = arith.constant 64 : i32
      %scan3A_280 = arith.addi %scan3A_278, %scan3A_279 : i32
      %scan3A_281 = arith.constant 2 : i32
      scf.for %scan3A_311 = %scan3A_278 to %scan3A_280 step %scan3A_281  : i32 {
        %mul3A_312 = arith.constant 1 : i32
        %mul3A_313 = arith.muli %scan3A_311, %mul3A_312 : i32
        %add3A_314 = arith.constant 0 : i32
        %add3A_315 = arith.addi %add3A_314, %mul3A_313 : i32
        %broadcast_in_dim3A = vector.broadcast %add3A_315 : i32 to vector<16xi32>
        %gather3A = tpu.vector_load_idx %arg29[%broadcast_in_dim3A] : memref<64xf32, #tpu.memory_space<vmem>>[vector<16xi32>], vector<16xf32>,
        %get3A = arith.index_cast %add3A_315 : i32 to index
        %get3A_316 = arith.constant 0 : index
        %get3A_317 = tpu.vector_load %arg33[%get3A, %get3A_316] {strides = array<i32>} : memref<64x128xf32, #tpu.memory_space<vmem>>, vector<16xf32>,
        %mul3A_318 = arith.mulf %get3A_317, %gather3A : vector<16xf32>
        %swap3A = arith.index_cast %add3A_315 : i32 to index
        %swap3A_319 = arith.constant 0 : index
        %swap3A_320 = tpu.vector_load %arg33[%swap3A, %swap3A_319] {strides = array<i32>} : memref<64x128xf32, #tpu.memory_space<vmem>>, vector<16xf32>,
        tpu.vector_store %arg33[%swap3A, %swap3A_319], %mul3A_318 {strides = array<i32>} : memref<64x128xf32, #tpu.memory_space<vmem>>, vector<16xf32>,
        %get3A_321 = arith.index_cast %add3A_315 : i32 to index
        %get3A_322 = arith.constant 16 : index
        %get3A_323 = tpu.vector_load %arg33[%get3A_321, %get3A_322] {strides = array<i32>} : memref<64x128xf32, #tpu.memory_space<vmem>>, vector<16xf32>,
        %mul3A_324 = arith.mulf %get3A_323, %gather3A : vector<16xf32>
        %swap3A_325 = arith.index_cast %add3A_315 : i32 to index
        %swap3A_326 = arith.constant 16 : index
        %swap3A_327 = tpu.vector_load %arg33[%swap3A_325, %swap3A_326] {strides = array<i32>} : memref<64x128xf32, #tpu.memory_space<vmem>>, vector<16xf32>,
        tpu.vector_store %arg33[%swap3A_325, %swap3A_326], %mul3A_324 {strides = array<i32>} : memref<64x128xf32, #tpu.memory_space<vmem>>, vector<16xf32>,
        %get3A_328 = arith.index_cast %add3A_315 : i32 to index
        %get3A_329 = arith.constant 32 : index
        %get3A_330 = tpu.vector_load %arg33[%get3A_328, %get3A_329] {strides = array<i32>} : memref<64x128xf32, #tpu.memory_space<vmem>>, vector<16xf32>,
        %mul3A_331 = arith.mulf %get3A_330, %gather3A : vector<16xf32>
        %swap3A_332 = arith.index_cast %add3A_315 : i32 to index
        %swap3A_333 = arith.constant 32 : index
        %swap3A_334 = tpu.vector_load %arg33[%swap3A_332, %swap3A_333] {strides = array<i32>} : memref<64x128xf32, #tpu.memory_space<vmem>>, vector<16xf32>,
        tpu.vector_store %arg33[%swap3A_332, %swap3A_333], %mul3A_331 {strides = array<i32>} : memref<64x128xf32, #tpu.memory_space<vmem>>, vector<16xf32>,
        %get3A_335 = arith.index_cast %add3A_315 : i32 to index
        %get3A_336 = arith.constant 48 : index
        %get3A_337 = tpu.vector_load %arg33[%get3A_335, %get3A_336] {strides = array<i32>} : memref<64x128xf32, #tpu.memory_space<vmem>>, vector<16xf32>,
        %mul3A_338 = arith.mulf %get3A_337, %gather3A : vector<16xf32>
        %swap3A_339 = arith.index_cast %add3A_315 : i32 to index
        %swap3A_340 = arith.constant 48 : index
        %swap3A_341 = tpu.vector_load %arg33[%swap3A_339, %swap3A_340] {strides = array<i32>} : memref<64x128xf32, #tpu.memory_space<vmem>>, vector<16xf32>,
        tpu.vector_store %arg33[%swap3A_339, %swap3A_340], %mul3A_338 {strides = array<i32>} : memref<64x128xf32, #tpu.memory_space<vmem>>, vector<16xf32>,
        %get3A_342 = arith.index_cast %add3A_315 : i32 to index
        %get3A_343 = arith.constant 64 : index
        %get3A_344 = tpu.vector_load %arg33[%get3A_342, %get3A_343] {strides = array<i32>} : memref<64x128xf32, #tpu.memory_space<vmem>>, vector<16xf32>,
        %mul3A_345 = arith.mulf %get3A_344, %gather3A : vector<16xf32>
        %swap3A_346 = arith.index_cast %add3A_315 : i32 to index
        %swap3A_347 = arith.constant 64 : index
        %swap3A_348 = tpu.vector_load %arg33[%swap3A_346, %swap3A_347] {strides = array<i32>} : memref<64x128xf32, #tpu.memory_space<vmem>>, vector<16xf32>,
        tpu.vector_store %arg33[%swap3A_346, %swap3A_347], %mul3A_345 {strides = array<i32>} : memref<64x128xf32, #tpu.memory_space<vmem>>, vector<16xf32>,
        %get3A_349 = arith.index_cast %add3A_315 : i32 to index
        %get3A_350 = arith.constant 80 : index
        %get3A_351 = tpu.vector_load %arg33[%get3A_349, %get3A_350] {strides = array<i32>} : memref<64x128xf32, #tpu.memory_space<vmem>>, vector<16xf32>,
        %mul3A_352 = arith.mulf %get3A_351, %gather3A : vector<16xf32>
        %swap3A_353 = arith.index_cast %add3A_315 : i32 to index
        %swap3A_354 = arith.constant 80 : index
        %swap3A_355 = tpu.vector_load %arg33[%swap3A_353, %swap3A_354] {strides = array<i32>} : memref<64x128xf32, #tpu.memory_space<vmem>>, vector<16xf32>,
        tpu.vector_store %arg33[%swap3A_353, %swap3A_354], %mul3A_352 {strides = array<i32>} : memref<64x128xf32, #tpu.memory_space<vmem>>, vector<16xf32>,
        %get3A_356 = arith.index_cast %add3A_315 : i32 to index
        %get3A_357 = arith.constant 96 : index
        %get3A_358 = tpu.vector_load %arg33[%get3A_356, %get3A_357] {strides = array<i32>} : memref<64x128xf32, #tpu.memory_space<vmem>>, vector<16xf32>,
        %mul3A_359 = arith.mulf %get3A_358, %gather3A : vector<16xf32>
        %swap3A_360 = arith.index_cast %add3A_315 : i32 to index
        %swap3A_361 = arith.constant 96 : index
        %swap3A_362 = tpu.vector_load %arg33[%swap3A_360, %swap3A_361] {strides = array<i32>} : memref<64x128xf32, #tpu.memory_space<vmem>>, vector<16xf32>,
        tpu.vector_store %arg33[%swap3A_360, %swap3A_361], %mul3A_359 {strides = array<i32>} : memref<64x128xf32, #tpu.memory_space<vmem>>, vector<16xf32>,
        %get3A_363 = arith.index_cast %add3A_315 : i32 to index
        %get3A_364 = arith.constant 112 : index
        %get3A_365 = tpu.vector_load %arg33[%get3A_363, %get3A_364] {strides = array<i32>} : memref<64x128xf32, #tpu.memory_space<vmem>>, vector<16xf32>,
        %mul3A_366 = arith.mulf %get3A_365, %gather3A : vector<16xf32>
        %swap3A_367 = arith.index_cast %add3A_315 : i32 to index
        %swap3A_368 = arith.constant 112 : index
        %swap3A_369 = tpu.vector_load %arg33[%swap3A_367, %swap3A_368] {strides = array<i32>} : memref<64x128xf32, #tpu.memory_space<vmem>>, vector<16xf32>,
        tpu.vector_store %arg33[%swap3A_367, %swap3A_368], %mul3A_366 {strides = array<i32>} : memref<64x128xf32, #tpu.memory_space<vmem>>, vector<16xf32>,
        %scan3A_370 = arith.constant 1 : i32
        %scan3A_371 = arith.addi %scan3A_311, %scan3A_370 : i32
        %mul3A_372 = arith.constant 1 : i32
        %mul3A_373 = arith.muli %scan3A_371, %mul3A_372 : i32
        %add3A_374 = arith.constant 0 : i32
        %add3A_375 = arith.addi %add3A_374, %mul3A_373 : i32
        %broadcast_in_dim3A_376 = vector.broadcast %add3A_375 : i32 to vector<16xi32>
        %gather3A_377 = tpu.vector_load_idx %arg29[%broadcast_in_dim3A_376] : memref<64xf32, #tpu.memory_space<vmem>>[vector<16xi32>], vector<16xf32>,
        %get3A_378 = arith.index_cast %add3A_375 : i32 to index
        %get3A_379 = arith.constant 0 : index
        %get3A_380 = tpu.vector_load %arg33[%get3A_378, %get3A_379] {strides = array<i32>} : memref<64x128xf32, #tpu.memory_space<vmem>>, vector<16xf32>,
        %mul3A_381 = arith.mulf %get3A_380, %gather3A_377 : vector<16xf32>
        %swap3A_382 = arith.index_cast %add3A_375 : i32 to index
        %swap3A_383 = arith.constant 0 : index
        %swap3A_384 = tpu.vector_load %arg33[%swap3A_382, %swap3A_383] {strides = array<i32>} : memref<64x128xf32, #tpu.memory_space<vmem>>, vector<16xf32>,
        tpu.vector_store %arg33[%swap3A_382, %swap3A_383], %mul3A_381 {strides = array<i32>} : memref<64x128xf32, #tpu.memory_space<vmem>>, vector<16xf32>,
        %get3A_385 = arith.index_cast %add3A_375 : i32 to index
        %get3A_386 = arith.constant 16 : index
        %get3A_387 = tpu.vector_load %arg33[%get3A_385, %get3A_386] {strides = array<i32>} : memref<64x128xf32, #tpu.memory_space<vmem>>, vector<16xf32>,
        %mul3A_388 = arith.mulf %get3A_387, %gather3A_377 : vector<16xf32>
        %swap3A_389 = arith.index_cast %add3A_375 : i32 to index
        %swap3A_390 = arith.constant 16 : index
        %swap3A_391 = tpu.vector_load %arg33[%swap3A_389, %swap3A_390] {strides = array<i32>} : memref<64x128xf32, #tpu.memory_space<vmem>>, vector<16xf32>,
        tpu.vector_store %arg33[%swap3A_389, %swap3A_390], %mul3A_388 {strides = array<i32>} : memref<64x128xf32, #tpu.memory_space<vmem>>, vector<16xf32>,
        %get3A_392 = arith.index_cast %add3A_375 : i32 to index
        %get3A_393 = arith.constant 32 : index
        %get3A_394 = tpu.vector_load %arg33[%get3A_392, %get3A_393] {strides = array<i32>} : memref<64x128xf32, #tpu.memory_space<vmem>>, vector<16xf32>,
        %mul3A_395 = arith.mulf %get3A_394, %gather3A_377 : vector<16xf32>
        %swap3A_396 = arith.index_cast %add3A_375 : i32 to index
        %swap3A_397 = arith.constant 32 : index
        %swap3A_398 = tpu.vector_load %arg33[%swap3A_396, %swap3A_397] {strides = array<i32>} : memref<64x128xf32, #tpu.memory_space<vmem>>, vector<16xf32>,
        tpu.vector_store %arg33[%swap3A_396, %swap3A_397], %mul3A_395 {strides = array<i32>} : memref<64x128xf32, #tpu.memory_space<vmem>>, vector<16xf32>,
        %get3A_399 = arith.index_cast %add3A_375 : i32 to index
        %get3A_400 = arith.constant 48 : index
        %get3A_401 = tpu.vector_load %arg33[%get3A_399, %get3A_400] {strides = array<i32>} : memref<64x128xf32, #tpu.memory_space<vmem>>, vector<16xf32>,
        %mul3A_402 = arith.mulf %get3A_401, %gather3A_377 : vector<16xf32>
        %swap3A_403 = arith.index_cast %add3A_375 : i32 to index
        %swap3A_404 = arith.constant 48 : index
        %swap3A_405 = tpu.vector_load %arg33[%swap3A_403, %swap3A_404] {strides = array<i32>} : memref<64x128xf32, #tpu.memory_space<vmem>>, vector<16xf32>,
        tpu.vector_store %arg33[%swap3A_403, %swap3A_404], %mul3A_402 {strides = array<i32>} : memref<64x128xf32, #tpu.memory_space<vmem>>, vector<16xf32>,
        %get3A_406 = arith.index_cast %add3A_375 : i32 to index
        %get3A_407 = arith.constant 64 : index
        %get3A_408 = tpu.vector_load %arg33[%get3A_406, %get3A_407] {strides = array<i32>} : memref<64x128xf32, #tpu.memory_space<vmem>>, vector<16xf32>,
        %mul3A_409 = arith.mulf %get3A_408, %gather3A_377 : vector<16xf32>
        %swap3A_410 = arith.index_cast %add3A_375 : i32 to index
        %swap3A_411 = arith.constant 64 : index
        %swap3A_412 = tpu.vector_load %arg33[%swap3A_410, %swap3A_411] {strides = array<i32>} : memref<64x128xf32, #tpu.memory_space<vmem>>, vector<16xf32>,
        tpu.vector_store %arg33[%swap3A_410, %swap3A_411], %mul3A_409 {strides = array<i32>} : memref<64x128xf32, #tpu.memory_space<vmem>>, vector<16xf32>,
        %get3A_413 = arith.index_cast %add3A_375 : i32 to index
        %get3A_414 = arith.constant 80 : index
        %get3A_415 = tpu.vector_load %arg33[%get3A_413, %get3A_414] {strides = array<i32>} : memref<64x128xf32, #tpu.memory_space<vmem>>, vector<16xf32>,
        %mul3A_416 = arith.mulf %get3A_415, %gather3A_377 : vector<16xf32>
        %swap3A_417 = arith.index_cast %add3A_375 : i32 to index
        %swap3A_418 = arith.constant 80 : index
        %swap3A_419 = tpu.vector_load %arg33[%swap3A_417, %swap3A_418] {strides = array<i32>} : memref<64x128xf32, #tpu.memory_space<vmem>>, vector<16xf32>,
        tpu.vector_store %arg33[%swap3A_417, %swap3A_418], %mul3A_416 {strides = array<i32>} : memref<64x128xf32, #tpu.memory_space<vmem>>, vector<16xf32>,
        %get3A_420 = arith.index_cast %add3A_375 : i32 to index
        %get3A_421 = arith.constant 96 : index
        %get3A_422 = tpu.vector_load %arg33[%get3A_420, %get3A_421] {strides = array<i32>} : memref<64x128xf32, #tpu.memory_space<vmem>>, vector<16xf32>,
        %mul3A_423 = arith.mulf %get3A_422, %gather3A_377 : vector<16xf32>
        %swap3A_424 = arith.index_cast %add3A_375 : i32 to index
        %swap3A_425 = arith.constant 96 : index
        %swap3A_426 = tpu.vector_load %arg33[%swap3A_424, %swap3A_425] {strides = array<i32>} : memref<64x128xf32, #tpu.memory_space<vmem>>, vector<16xf32>,
        tpu.vector_store %arg33[%swap3A_424, %swap3A_425], %mul3A_423 {strides = array<i32>} : memref<64x128xf32, #tpu.memory_space<vmem>>, vector<16xf32>,
        %get3A_427 = arith.index_cast %add3A_375 : i32 to index
        %get3A_428 = arith.constant 112 : index
        %get3A_429 = tpu.vector_load %arg33[%get3A_427, %get3A_428] {strides = array<i32>} : memref<64x128xf32, #tpu.memory_space<vmem>>, vector<16xf32>,
        %mul3A_430 = arith.mulf %get3A_429, %gather3A_377 : vector<16xf32>
        %swap3A_431 = arith.index_cast %add3A_375 : i32 to index
        %swap3A_432 = arith.constant 112 : index
        %swap3A_433 = tpu.vector_load %arg33[%swap3A_431, %swap3A_432] {strides = array<i32>} : memref<64x128xf32, #tpu.memory_space<vmem>>, vector<16xf32>,
        tpu.vector_store %arg33[%swap3A_431, %swap3A_432], %mul3A_430 {strides = array<i32>} : memref<64x128xf32, #tpu.memory_space<vmem>>, vector<16xf32>,
      }
      %scan3A_282 = arith.constant 64 : i32
      %dma_start3A_283 = arith.constant 0 : i32
      %dma_start3A_284 = arith.constant 0 : i32
      %dma_start3A_285 = tpu.memref_slice %arg51[%dma_start3A_283, %dma_start3A_284] : memref<10240x128xf32, #tpu.memory_space<vmem_shared>> -> memref<10240x128xf32, #tpu.memory_space<vmem_shared>>
      tpu.enqueue_indirect_dma source(%arg33 : memref<64x128xf32, #tpu.memory_space<vmem>>) target(%dma_start3A_285 : memref<10240x128xf32, #tpu.memory_space<vmem_shared>>) offsets(%arg21 : memref<64xi32, #tpu.memory_space<vmem>>) semaphore(%arg49 : memref<!tpu.dma_semaphore, #tpu.memory_space<semaphore_mem>>) {add = true}
      %add3A_286 = arith.constant 7 : i32
      %add3A_287 = arith.addi %add3A_113, %add3A_286 : i32
      %dma_wait3A_288 = arith.constant 0 : i32
      %dma_wait3A_289 = arith.constant 0 : i32
      %dma_wait3A_290 = tpu.memref_slice %arg5[%dma_wait3A_288, %dma_wait3A_289] : memref<10240x128xf32, #tpu.memory_space<hbm>> -> memref<10240x128xf32, #tpu.memory_space<hbm>>
      tpu.wait_indirect_dma semaphore(%arg46 : memref<!tpu.dma_semaphore, #tpu.memory_space<semaphore_mem>>) src(%dma_wait3A_290 : memref<10240x128xf32, #tpu.memory_space<hbm>>) dst(%arg34 : memref<64x128xf32, #tpu.memory_space<vmem>>)
      %add3A_291 = arith.constant 2 : i32
      %add3A_292 = arith.addi %add3A_287, %add3A_291 : i32
      %lt3A_293 = arith.cmpi slt, %add3A_292, %select_n3A : i32
      %convert_element_type3A_294 = arith.extui %lt3A_293 : i1 to i32
      %cond3A_295 = arith.constant 0 : i32
      %cond3A_296 = arith.cmpi ne, %convert_element_type3A_294, %cond3A_295 : i32
      scf.if %cond3A_296 {
        %ge3A = arith.constant 2 : i32
        %ge3A_311 = arith.cmpi sge, %add3A_287, %ge3A : i32
        %convert_element_type3A_312 = arith.extui %ge3A_311 : i1 to i32
        %cond3A_313 = arith.constant 0 : i32
        %cond3A_314 = arith.cmpi ne, %convert_element_type3A_312, %cond3A_313 : i32
        scf.if %cond3A_314 {
          %dma_wait3A_330 = arith.constant 0 : i32
          %dma_wait3A_331 = arith.constant 0 : i32
          %dma_wait3A_332 = tpu.memref_slice %arg51[%dma_wait3A_330, %dma_wait3A_331] : memref<10240x128xf32, #tpu.memory_space<vmem_shared>> -> memref<10240x128xf32, #tpu.memory_space<vmem_shared>>
          tpu.wait_indirect_dma semaphore(%arg48 : memref<!tpu.dma_semaphore, #tpu.memory_space<semaphore_mem>>) src(%arg32 : memref<64x128xf32, #tpu.memory_space<vmem>>) dst(%dma_wait3A_332 : memref<10240x128xf32, #tpu.memory_space<vmem_shared>>)
        } else {
        }
        %dma_wait3A_315 = arith.constant 0 : i32
        %dma_wait3A_316 = tpu.memref_slice %arg2[%dma_wait3A_315] : memref<327680xi32, #tpu.memory_space<hbm>> -> memref<64xi32, #tpu.memory_space<hbm>>
        %dma_wait3A_317 = arith.constant 0 : i32
        %dma_wait3A_318 = tpu.memref_slice %arg2[%dma_wait3A_317] : memref<327680xi32, #tpu.memory_space<hbm>> -> memref<64xi32, #tpu.memory_space<hbm>>
        tpu.wait_dma2 semaphore(%arg36 : memref<!tpu.dma_semaphore, #tpu.memory_space<semaphore_mem>>) src(%dma_wait3A_318 : memref<64xi32, #tpu.memory_space<hbm>>) dst(%arg8 : memref<64xi32, #tpu.memory_space<vmem>>)
        %dma_wait3A_319 = arith.constant 0 : i32
        %dma_wait3A_320 = tpu.memref_slice %arg3[%dma_wait3A_319] : memref<327680xi32, #tpu.memory_space<hbm>> -> memref<64xi32, #tpu.memory_space<hbm>>
        %dma_wait3A_321 = arith.constant 0 : i32
        %dma_wait3A_322 = tpu.memref_slice %arg3[%dma_wait3A_321] : memref<327680xi32, #tpu.memory_space<hbm>> -> memref<64xi32, #tpu.memory_space<hbm>>
        tpu.wait_dma2 semaphore(%arg36 : memref<!tpu.dma_semaphore, #tpu.memory_space<semaphore_mem>>) src(%dma_wait3A_322 : memref<64xi32, #tpu.memory_space<hbm>>) dst(%arg16 : memref<64xi32, #tpu.memory_space<vmem>>)
        %dma_wait3A_323 = arith.constant 0 : i32
        %dma_wait3A_324 = tpu.memref_slice %arg4[%dma_wait3A_323] : memref<327680xf32, #tpu.memory_space<hbm>> -> memref<64xf32, #tpu.memory_space<hbm>>
        %dma_wait3A_325 = arith.constant 0 : i32
        %dma_wait3A_326 = tpu.memref_slice %arg4[%dma_wait3A_325] : memref<327680xf32, #tpu.memory_space<hbm>> -> memref<64xf32, #tpu.memory_space<hbm>>
        tpu.wait_dma2 semaphore(%arg36 : memref<!tpu.dma_semaphore, #tpu.memory_space<semaphore_mem>>) src(%dma_wait3A_326 : memref<64xf32, #tpu.memory_space<hbm>>) dst(%arg24 : memref<64xf32, #tpu.memory_space<vmem>>)
        %dma_start3A_327 = arith.constant 0 : i32
        %dma_start3A_328 = arith.constant 0 : i32
        %dma_start3A_329 = tpu.memref_slice %arg5[%dma_start3A_327, %dma_start3A_328] : memref<10240x128xf32, #tpu.memory_space<hbm>> -> memref<10240x128xf32, #tpu.memory_space<hbm>>
        tpu.enqueue_indirect_dma source(%dma_start3A_329 : memref<10240x128xf32, #tpu.memory_space<hbm>>) target(%arg32 : memref<64x128xf32, #tpu.memory_space<vmem>>) offsets(%arg8 : memref<64xi32, #tpu.memory_space<vmem>>) semaphore(%arg44 : memref<!tpu.dma_semaphore, #tpu.memory_space<semaphore_mem>>)
      } else {
      }
      %add3A_297 = arith.constant 4 : i32
      %add3A_298 = arith.addi %add3A_287, %add3A_297 : i32
      %lt3A_299 = arith.cmpi slt, %add3A_298, %select_n3A : i32
      %convert_element_type3A_300 = arith.extui %lt3A_299 : i1 to i32
      %cond3A_301 = arith.constant 0 : i32
      %cond3A_302 = arith.cmpi ne, %convert_element_type3A_300, %cond3A_301 : i32
      scf.if %cond3A_302 {
        %add3A_311 = arith.constant 4 : i32
        %add3A_312 = arith.addi %add3A_287, %add3A_311 : i32
        %mul3A_313 = arith.constant 64 : i32
        %mul3A_314 = arith.muli %add3A_312, %mul3A_313 : i32
        %add3A_315 = arith.addi %select_n3A_8, %mul3A_314 : i32
        %dma_start3A_316 = tpu.memref_slice %arg2[%add3A_315] : memref<327680xi32, #tpu.memory_space<hbm>> -> memref<64xi32, #tpu.memory_space<hbm>>
        %dma_start3A_317 = tpu.memref_slice %arg2[%add3A_315] : memref<327680xi32, #tpu.memory_space<hbm>> -> memref<64xi32, #tpu.memory_space<hbm>>
        tpu.enqueue_dma source(%dma_start3A_317 : memref<64xi32, #tpu.memory_space<hbm>>) target(%arg10 : memref<64xi32, #tpu.memory_space<vmem>>) target_semaphore(%arg38 : memref<!tpu.dma_semaphore, #tpu.memory_space<semaphore_mem>>)
        %dma_start3A_318 = tpu.memref_slice %arg3[%add3A_315] : memref<327680xi32, #tpu.memory_space<hbm>> -> memref<64xi32, #tpu.memory_space<hbm>>
        %dma_start3A_319 = tpu.memref_slice %arg3[%add3A_315] : memref<327680xi32, #tpu.memory_space<hbm>> -> memref<64xi32, #tpu.memory_space<hbm>>
        tpu.enqueue_dma source(%dma_start3A_319 : memref<64xi32, #tpu.memory_space<hbm>>) target(%arg18 : memref<64xi32, #tpu.memory_space<vmem>>) target_semaphore(%arg38 : memref<!tpu.dma_semaphore, #tpu.memory_space<semaphore_mem>>)
        %dma_start3A_320 = tpu.memref_slice %arg4[%add3A_315] : memref<327680xf32, #tpu.memory_space<hbm>> -> memref<64xf32, #tpu.memory_space<hbm>>
        %dma_start3A_321 = tpu.memref_slice %arg4[%add3A_315] : memref<327680xf32, #tpu.memory_space<hbm>> -> memref<64xf32, #tpu.memory_space<hbm>>
        tpu.enqueue_dma source(%dma_start3A_321 : memref<64xf32, #tpu.memory_space<hbm>>) target(%arg26 : memref<64xf32, #tpu.memory_space<vmem>>) target_semaphore(%arg38 : memref<!tpu.dma_semaphore, #tpu.memory_space<semaphore_mem>>)
      } else {
      }
      %scan3A_303 = arith.constant 0 : i32
      %scan3A_304 = arith.constant 64 : i32
      %scan3A_305 = arith.addi %scan3A_303, %scan3A_304 : i32
      %scan3A_306 = arith.constant 2 : i32
      scf.for %scan3A_311 = %scan3A_303 to %scan3A_305 step %scan3A_306  : i32 {
        %mul3A_312 = arith.constant 1 : i32
        %mul3A_313 = arith.muli %scan3A_311, %mul3A_312 : i32
        %add3A_314 = arith.constant 0 : i32
        %add3A_315 = arith.addi %add3A_314, %mul3A_313 : i32
        %broadcast_in_dim3A = vector.broadcast %add3A_315 : i32 to vector<16xi32>
        %gather3A = tpu.vector_load_idx %arg30[%broadcast_in_dim3A] : memref<64xf32, #tpu.memory_space<vmem>>[vector<16xi32>], vector<16xf32>,
        %get3A = arith.index_cast %add3A_315 : i32 to index
        %get3A_316 = arith.constant 0 : index
        %get3A_317 = tpu.vector_load %arg34[%get3A, %get3A_316] {strides = array<i32>} : memref<64x128xf32, #tpu.memory_space<vmem>>, vector<16xf32>,
        %mul3A_318 = arith.mulf %get3A_317, %gather3A : vector<16xf32>
        %swap3A = arith.index_cast %add3A_315 : i32 to index
        %swap3A_319 = arith.constant 0 : index
        %swap3A_320 = tpu.vector_load %arg34[%swap3A, %swap3A_319] {strides = array<i32>} : memref<64x128xf32, #tpu.memory_space<vmem>>, vector<16xf32>,
        tpu.vector_store %arg34[%swap3A, %swap3A_319], %mul3A_318 {strides = array<i32>} : memref<64x128xf32, #tpu.memory_space<vmem>>, vector<16xf32>,
        %get3A_321 = arith.index_cast %add3A_315 : i32 to index
        %get3A_322 = arith.constant 16 : index
        %get3A_323 = tpu.vector_load %arg34[%get3A_321, %get3A_322] {strides = array<i32>} : memref<64x128xf32, #tpu.memory_space<vmem>>, vector<16xf32>,
        %mul3A_324 = arith.mulf %get3A_323, %gather3A : vector<16xf32>
        %swap3A_325 = arith.index_cast %add3A_315 : i32 to index
        %swap3A_326 = arith.constant 16 : index
        %swap3A_327 = tpu.vector_load %arg34[%swap3A_325, %swap3A_326] {strides = array<i32>} : memref<64x128xf32, #tpu.memory_space<vmem>>, vector<16xf32>,
        tpu.vector_store %arg34[%swap3A_325, %swap3A_326], %mul3A_324 {strides = array<i32>} : memref<64x128xf32, #tpu.memory_space<vmem>>, vector<16xf32>,
        %get3A_328 = arith.index_cast %add3A_315 : i32 to index
        %get3A_329 = arith.constant 32 : index
        %get3A_330 = tpu.vector_load %arg34[%get3A_328, %get3A_329] {strides = array<i32>} : memref<64x128xf32, #tpu.memory_space<vmem>>, vector<16xf32>,
        %mul3A_331 = arith.mulf %get3A_330, %gather3A : vector<16xf32>
        %swap3A_332 = arith.index_cast %add3A_315 : i32 to index
        %swap3A_333 = arith.constant 32 : index
        %swap3A_334 = tpu.vector_load %arg34[%swap3A_332, %swap3A_333] {strides = array<i32>} : memref<64x128xf32, #tpu.memory_space<vmem>>, vector<16xf32>,
        tpu.vector_store %arg34[%swap3A_332, %swap3A_333], %mul3A_331 {strides = array<i32>} : memref<64x128xf32, #tpu.memory_space<vmem>>, vector<16xf32>,
        %get3A_335 = arith.index_cast %add3A_315 : i32 to index
        %get3A_336 = arith.constant 48 : index
        %get3A_337 = tpu.vector_load %arg34[%get3A_335, %get3A_336] {strides = array<i32>} : memref<64x128xf32, #tpu.memory_space<vmem>>, vector<16xf32>,
        %mul3A_338 = arith.mulf %get3A_337, %gather3A : vector<16xf32>
        %swap3A_339 = arith.index_cast %add3A_315 : i32 to index
        %swap3A_340 = arith.constant 48 : index
        %swap3A_341 = tpu.vector_load %arg34[%swap3A_339, %swap3A_340] {strides = array<i32>} : memref<64x128xf32, #tpu.memory_space<vmem>>, vector<16xf32>,
        tpu.vector_store %arg34[%swap3A_339, %swap3A_340], %mul3A_338 {strides = array<i32>} : memref<64x128xf32, #tpu.memory_space<vmem>>, vector<16xf32>,
        %get3A_342 = arith.index_cast %add3A_315 : i32 to index
        %get3A_343 = arith.constant 64 : index
        %get3A_344 = tpu.vector_load %arg34[%get3A_342, %get3A_343] {strides = array<i32>} : memref<64x128xf32, #tpu.memory_space<vmem>>, vector<16xf32>,
        %mul3A_345 = arith.mulf %get3A_344, %gather3A : vector<16xf32>
        %swap3A_346 = arith.index_cast %add3A_315 : i32 to index
        %swap3A_347 = arith.constant 64 : index
        %swap3A_348 = tpu.vector_load %arg34[%swap3A_346, %swap3A_347] {strides = array<i32>} : memref<64x128xf32, #tpu.memory_space<vmem>>, vector<16xf32>,
        tpu.vector_store %arg34[%swap3A_346, %swap3A_347], %mul3A_345 {strides = array<i32>} : memref<64x128xf32, #tpu.memory_space<vmem>>, vector<16xf32>,
        %get3A_349 = arith.index_cast %add3A_315 : i32 to index
        %get3A_350 = arith.constant 80 : index
        %get3A_351 = tpu.vector_load %arg34[%get3A_349, %get3A_350] {strides = array<i32>} : memref<64x128xf32, #tpu.memory_space<vmem>>, vector<16xf32>,
        %mul3A_352 = arith.mulf %get3A_351, %gather3A : vector<16xf32>
        %swap3A_353 = arith.index_cast %add3A_315 : i32 to index
        %swap3A_354 = arith.constant 80 : index
        %swap3A_355 = tpu.vector_load %arg34[%swap3A_353, %swap3A_354] {strides = array<i32>} : memref<64x128xf32, #tpu.memory_space<vmem>>, vector<16xf32>,
        tpu.vector_store %arg34[%swap3A_353, %swap3A_354], %mul3A_352 {strides = array<i32>} : memref<64x128xf32, #tpu.memory_space<vmem>>, vector<16xf32>,
        %get3A_356 = arith.index_cast %add3A_315 : i32 to index
        %get3A_357 = arith.constant 96 : index
        %get3A_358 = tpu.vector_load %arg34[%get3A_356, %get3A_357] {strides = array<i32>} : memref<64x128xf32, #tpu.memory_space<vmem>>, vector<16xf32>,
        %mul3A_359 = arith.mulf %get3A_358, %gather3A : vector<16xf32>
        %swap3A_360 = arith.index_cast %add3A_315 : i32 to index
        %swap3A_361 = arith.constant 96 : index
        %swap3A_362 = tpu.vector_load %arg34[%swap3A_360, %swap3A_361] {strides = array<i32>} : memref<64x128xf32, #tpu.memory_space<vmem>>, vector<16xf32>,
        tpu.vector_store %arg34[%swap3A_360, %swap3A_361], %mul3A_359 {strides = array<i32>} : memref<64x128xf32, #tpu.memory_space<vmem>>, vector<16xf32>,
        %get3A_363 = arith.index_cast %add3A_315 : i32 to index
        %get3A_364 = arith.constant 112 : index
        %get3A_365 = tpu.vector_load %arg34[%get3A_363, %get3A_364] {strides = array<i32>} : memref<64x128xf32, #tpu.memory_space<vmem>>, vector<16xf32>,
        %mul3A_366 = arith.mulf %get3A_365, %gather3A : vector<16xf32>
        %swap3A_367 = arith.index_cast %add3A_315 : i32 to index
        %swap3A_368 = arith.constant 112 : index
        %swap3A_369 = tpu.vector_load %arg34[%swap3A_367, %swap3A_368] {strides = array<i32>} : memref<64x128xf32, #tpu.memory_space<vmem>>, vector<16xf32>,
        tpu.vector_store %arg34[%swap3A_367, %swap3A_368], %mul3A_366 {strides = array<i32>} : memref<64x128xf32, #tpu.memory_space<vmem>>, vector<16xf32>,
        %scan3A_370 = arith.constant 1 : i32
        %scan3A_371 = arith.addi %scan3A_311, %scan3A_370 : i32
        %mul3A_372 = arith.constant 1 : i32
        %mul3A_373 = arith.muli %scan3A_371, %mul3A_372 : i32
        %add3A_374 = arith.constant 0 : i32
        %add3A_375 = arith.addi %add3A_374, %mul3A_373 : i32
        %broadcast_in_dim3A_376 = vector.broadcast %add3A_375 : i32 to vector<16xi32>
        %gather3A_377 = tpu.vector_load_idx %arg30[%broadcast_in_dim3A_376] : memref<64xf32, #tpu.memory_space<vmem>>[vector<16xi32>], vector<16xf32>,
        %get3A_378 = arith.index_cast %add3A_375 : i32 to index
        %get3A_379 = arith.constant 0 : index
        %get3A_380 = tpu.vector_load %arg34[%get3A_378, %get3A_379] {strides = array<i32>} : memref<64x128xf32, #tpu.memory_space<vmem>>, vector<16xf32>,
        %mul3A_381 = arith.mulf %get3A_380, %gather3A_377 : vector<16xf32>
        %swap3A_382 = arith.index_cast %add3A_375 : i32 to index
        %swap3A_383 = arith.constant 0 : index
        %swap3A_384 = tpu.vector_load %arg34[%swap3A_382, %swap3A_383] {strides = array<i32>} : memref<64x128xf32, #tpu.memory_space<vmem>>, vector<16xf32>,
        tpu.vector_store %arg34[%swap3A_382, %swap3A_383], %mul3A_381 {strides = array<i32>} : memref<64x128xf32, #tpu.memory_space<vmem>>, vector<16xf32>,
        %get3A_385 = arith.index_cast %add3A_375 : i32 to index
        %get3A_386 = arith.constant 16 : index
        %get3A_387 = tpu.vector_load %arg34[%get3A_385, %get3A_386] {strides = array<i32>} : memref<64x128xf32, #tpu.memory_space<vmem>>, vector<16xf32>,
        %mul3A_388 = arith.mulf %get3A_387, %gather3A_377 : vector<16xf32>
        %swap3A_389 = arith.index_cast %add3A_375 : i32 to index
        %swap3A_390 = arith.constant 16 : index
        %swap3A_391 = tpu.vector_load %arg34[%swap3A_389, %swap3A_390] {strides = array<i32>} : memref<64x128xf32, #tpu.memory_space<vmem>>, vector<16xf32>,
        tpu.vector_store %arg34[%swap3A_389, %swap3A_390], %mul3A_388 {strides = array<i32>} : memref<64x128xf32, #tpu.memory_space<vmem>>, vector<16xf32>,
        %get3A_392 = arith.index_cast %add3A_375 : i32 to index
        %get3A_393 = arith.constant 32 : index
        %get3A_394 = tpu.vector_load %arg34[%get3A_392, %get3A_393] {strides = array<i32>} : memref<64x128xf32, #tpu.memory_space<vmem>>, vector<16xf32>,
        %mul3A_395 = arith.mulf %get3A_394, %gather3A_377 : vector<16xf32>
        %swap3A_396 = arith.index_cast %add3A_375 : i32 to index
        %swap3A_397 = arith.constant 32 : index
        %swap3A_398 = tpu.vector_load %arg34[%swap3A_396, %swap3A_397] {strides = array<i32>} : memref<64x128xf32, #tpu.memory_space<vmem>>, vector<16xf32>,
        tpu.vector_store %arg34[%swap3A_396, %swap3A_397], %mul3A_395 {strides = array<i32>} : memref<64x128xf32, #tpu.memory_space<vmem>>, vector<16xf32>,
        %get3A_399 = arith.index_cast %add3A_375 : i32 to index
        %get3A_400 = arith.constant 48 : index
        %get3A_401 = tpu.vector_load %arg34[%get3A_399, %get3A_400] {strides = array<i32>} : memref<64x128xf32, #tpu.memory_space<vmem>>, vector<16xf32>,
        %mul3A_402 = arith.mulf %get3A_401, %gather3A_377 : vector<16xf32>
        %swap3A_403 = arith.index_cast %add3A_375 : i32 to index
        %swap3A_404 = arith.constant 48 : index
        %swap3A_405 = tpu.vector_load %arg34[%swap3A_403, %swap3A_404] {strides = array<i32>} : memref<64x128xf32, #tpu.memory_space<vmem>>, vector<16xf32>,
        tpu.vector_store %arg34[%swap3A_403, %swap3A_404], %mul3A_402 {strides = array<i32>} : memref<64x128xf32, #tpu.memory_space<vmem>>, vector<16xf32>,
        %get3A_406 = arith.index_cast %add3A_375 : i32 to index
        %get3A_407 = arith.constant 64 : index
        %get3A_408 = tpu.vector_load %arg34[%get3A_406, %get3A_407] {strides = array<i32>} : memref<64x128xf32, #tpu.memory_space<vmem>>, vector<16xf32>,
        %mul3A_409 = arith.mulf %get3A_408, %gather3A_377 : vector<16xf32>
        %swap3A_410 = arith.index_cast %add3A_375 : i32 to index
        %swap3A_411 = arith.constant 64 : index
        %swap3A_412 = tpu.vector_load %arg34[%swap3A_410, %swap3A_411] {strides = array<i32>} : memref<64x128xf32, #tpu.memory_space<vmem>>, vector<16xf32>,
        tpu.vector_store %arg34[%swap3A_410, %swap3A_411], %mul3A_409 {strides = array<i32>} : memref<64x128xf32, #tpu.memory_space<vmem>>, vector<16xf32>,
        %get3A_413 = arith.index_cast %add3A_375 : i32 to index
        %get3A_414 = arith.constant 80 : index
        %get3A_415 = tpu.vector_load %arg34[%get3A_413, %get3A_414] {strides = array<i32>} : memref<64x128xf32, #tpu.memory_space<vmem>>, vector<16xf32>,
        %mul3A_416 = arith.mulf %get3A_415, %gather3A_377 : vector<16xf32>
        %swap3A_417 = arith.index_cast %add3A_375 : i32 to index
        %swap3A_418 = arith.constant 80 : index
        %swap3A_419 = tpu.vector_load %arg34[%swap3A_417, %swap3A_418] {strides = array<i32>} : memref<64x128xf32, #tpu.memory_space<vmem>>, vector<16xf32>,
        tpu.vector_store %arg34[%swap3A_417, %swap3A_418], %mul3A_416 {strides = array<i32>} : memref<64x128xf32, #tpu.memory_space<vmem>>, vector<16xf32>,
        %get3A_420 = arith.index_cast %add3A_375 : i32 to index
        %get3A_421 = arith.constant 96 : index
        %get3A_422 = tpu.vector_load %arg34[%get3A_420, %get3A_421] {strides = array<i32>} : memref<64x128xf32, #tpu.memory_space<vmem>>, vector<16xf32>,
        %mul3A_423 = arith.mulf %get3A_422, %gather3A_377 : vector<16xf32>
        %swap3A_424 = arith.index_cast %add3A_375 : i32 to index
        %swap3A_425 = arith.constant 96 : index
        %swap3A_426 = tpu.vector_load %arg34[%swap3A_424, %swap3A_425] {strides = array<i32>} : memref<64x128xf32, #tpu.memory_space<vmem>>, vector<16xf32>,
        tpu.vector_store %arg34[%swap3A_424, %swap3A_425], %mul3A_423 {strides = array<i32>} : memref<64x128xf32, #tpu.memory_space<vmem>>, vector<16xf32>,
        %get3A_427 = arith.index_cast %add3A_375 : i32 to index
        %get3A_428 = arith.constant 112 : index
        %get3A_429 = tpu.vector_load %arg34[%get3A_427, %get3A_428] {strides = array<i32>} : memref<64x128xf32, #tpu.memory_space<vmem>>, vector<16xf32>,
        %mul3A_430 = arith.mulf %get3A_429, %gather3A_377 : vector<16xf32>
        %swap3A_431 = arith.index_cast %add3A_375 : i32 to index
        %swap3A_432 = arith.constant 112 : index
        %swap3A_433 = tpu.vector_load %arg34[%swap3A_431, %swap3A_432] {strides = array<i32>} : memref<64x128xf32, #tpu.memory_space<vmem>>, vector<16xf32>,
        tpu.vector_store %arg34[%swap3A_431, %swap3A_432], %mul3A_430 {strides = array<i32>} : memref<64x128xf32, #tpu.memory_space<vmem>>, vector<16xf32>,
      }
      %scan3A_307 = arith.constant 64 : i32
      %dma_start3A_308 = arith.constant 0 : i32
      %dma_start3A_309 = arith.constant 0 : i32
      %dma_start3A_310 = tpu.memref_slice %arg51[%dma_start3A_308, %dma_start3A_309] : memref<10240x128xf32, #tpu.memory_space<vmem_shared>> -> memref<10240x128xf32, #tpu.memory_space<vmem_shared>>
      tpu.enqueue_indirect_dma source(%arg34 : memref<64x128xf32, #tpu.memory_space<vmem>>) target(%dma_start3A_310 : memref<10240x128xf32, #tpu.memory_space<vmem_shared>>) offsets(%arg22 : memref<64xi32, #tpu.memory_space<vmem>>) semaphore(%arg50 : memref<!tpu.dma_semaphore, #tpu.memory_space<semaphore_mem>>) {add = true}
    }
    %while3A_93 = arith.constant 1 : i32
    scf.for %while3A_111 = %while3A_91 to %while3A_87 step %while3A_93  : i32 {
      %mul3A_112 = arith.muli %while3A_111, %while3A : i32
      %add3A_113 = arith.addi %while3A_84, %mul3A_112 : i32
      %add3A_114 = arith.constant 0 : i32
      %add3A_115 = arith.addi %add3A_113, %add3A_114 : i32
      %dma_wait3A_116 = arith.constant 0 : i32
      %dma_wait3A_117 = arith.constant 0 : i32
      %dma_wait3A_118 = tpu.memref_slice %arg5[%dma_wait3A_116, %dma_wait3A_117] : memref<10240x128xf32, #tpu.memory_space<hbm>> -> memref<10240x128xf32, #tpu.memory_space<hbm>>
      tpu.wait_indirect_dma semaphore(%arg43 : memref<!tpu.dma_semaphore, #tpu.memory_space<semaphore_mem>>) src(%dma_wait3A_118 : memref<10240x128xf32, #tpu.memory_space<hbm>>) dst(%arg31 : memref<64x128xf32, #tpu.memory_space<vmem>>)
      %add3A_119 = arith.constant 2 : i32
      %add3A_120 = arith.addi %add3A_115, %add3A_119 : i32
      %lt3A = arith.cmpi slt, %add3A_120, %select_n3A : i32
      %convert_element_type3A = arith.extui %lt3A : i1 to i32
      %cond3A = arith.constant 0 : i32
      %cond3A_121 = arith.cmpi ne, %convert_element_type3A, %cond3A : i32
      scf.if %cond3A_121 {
        %ge3A = arith.constant 2 : i32
        %ge3A_311 = arith.cmpi sge, %add3A_115, %ge3A : i32
        %convert_element_type3A_312 = arith.extui %ge3A_311 : i1 to i32
        %cond3A_313 = arith.constant 0 : i32
        %cond3A_314 = arith.cmpi ne, %convert_element_type3A_312, %cond3A_313 : i32
        scf.if %cond3A_314 {
          %dma_wait3A_330 = arith.constant 0 : i32
          %dma_wait3A_331 = arith.constant 0 : i32
          %dma_wait3A_332 = tpu.memref_slice %arg51[%dma_wait3A_330, %dma_wait3A_331] : memref<10240x128xf32, #tpu.memory_space<vmem_shared>> -> memref<10240x128xf32, #tpu.memory_space<vmem_shared>>
          tpu.wait_indirect_dma semaphore(%arg49 : memref<!tpu.dma_semaphore, #tpu.memory_space<semaphore_mem>>) src(%arg33 : memref<64x128xf32, #tpu.memory_space<vmem>>) dst(%dma_wait3A_332 : memref<10240x128xf32, #tpu.memory_space<vmem_shared>>)
        } else {
        }
        %dma_wait3A_315 = arith.constant 0 : i32
        %dma_wait3A_316 = tpu.memref_slice %arg2[%dma_wait3A_315] : memref<327680xi32, #tpu.memory_space<hbm>> -> memref<64xi32, #tpu.memory_space<hbm>>
        %dma_wait3A_317 = arith.constant 0 : i32
        %dma_wait3A_318 = tpu.memref_slice %arg2[%dma_wait3A_317] : memref<327680xi32, #tpu.memory_space<hbm>> -> memref<64xi32, #tpu.memory_space<hbm>>
        tpu.wait_dma2 semaphore(%arg37 : memref<!tpu.dma_semaphore, #tpu.memory_space<semaphore_mem>>) src(%dma_wait3A_318 : memref<64xi32, #tpu.memory_space<hbm>>) dst(%arg9 : memref<64xi32, #tpu.memory_space<vmem>>)
        %dma_wait3A_319 = arith.constant 0 : i32
        %dma_wait3A_320 = tpu.memref_slice %arg3[%dma_wait3A_319] : memref<327680xi32, #tpu.memory_space<hbm>> -> memref<64xi32, #tpu.memory_space<hbm>>
        %dma_wait3A_321 = arith.constant 0 : i32
        %dma_wait3A_322 = tpu.memref_slice %arg3[%dma_wait3A_321] : memref<327680xi32, #tpu.memory_space<hbm>> -> memref<64xi32, #tpu.memory_space<hbm>>
        tpu.wait_dma2 semaphore(%arg37 : memref<!tpu.dma_semaphore, #tpu.memory_space<semaphore_mem>>) src(%dma_wait3A_322 : memref<64xi32, #tpu.memory_space<hbm>>) dst(%arg17 : memref<64xi32, #tpu.memory_space<vmem>>)
        %dma_wait3A_323 = arith.constant 0 : i32
        %dma_wait3A_324 = tpu.memref_slice %arg4[%dma_wait3A_323] : memref<327680xf32, #tpu.memory_space<hbm>> -> memref<64xf32, #tpu.memory_space<hbm>>
        %dma_wait3A_325 = arith.constant 0 : i32
        %dma_wait3A_326 = tpu.memref_slice %arg4[%dma_wait3A_325] : memref<327680xf32, #tpu.memory_space<hbm>> -> memref<64xf32, #tpu.memory_space<hbm>>
        tpu.wait_dma2 semaphore(%arg37 : memref<!tpu.dma_semaphore, #tpu.memory_space<semaphore_mem>>) src(%dma_wait3A_326 : memref<64xf32, #tpu.memory_space<hbm>>) dst(%arg25 : memref<64xf32, #tpu.memory_space<vmem>>)
        %dma_start3A_327 = arith.constant 0 : i32
        %dma_start3A_328 = arith.constant 0 : i32
        %dma_start3A_329 = tpu.memref_slice %arg5[%dma_start3A_327, %dma_start3A_328] : memref<10240x128xf32, #tpu.memory_space<hbm>> -> memref<10240x128xf32, #tpu.memory_space<hbm>>
        tpu.enqueue_indirect_dma source(%dma_start3A_329 : memref<10240x128xf32, #tpu.memory_space<hbm>>) target(%arg33 : memref<64x128xf32, #tpu.memory_space<vmem>>) offsets(%arg9 : memref<64xi32, #tpu.memory_space<vmem>>) semaphore(%arg45 : memref<!tpu.dma_semaphore, #tpu.memory_space<semaphore_mem>>)
      } else {
      }
      %add3A_122 = arith.constant 4 : i32
      %add3A_123 = arith.addi %add3A_115, %add3A_122 : i32
      %lt3A_124 = arith.cmpi slt, %add3A_123, %select_n3A : i32
      %convert_element_type3A_125 = arith.extui %lt3A_124 : i1 to i32
      %cond3A_126 = arith.constant 0 : i32
      %cond3A_127 = arith.cmpi ne, %convert_element_type3A_125, %cond3A_126 : i32
      scf.if %cond3A_127 {
        %add3A_311 = arith.constant 4 : i32
        %add3A_312 = arith.addi %add3A_115, %add3A_311 : i32
        %mul3A_313 = arith.constant 64 : i32
        %mul3A_314 = arith.muli %add3A_312, %mul3A_313 : i32
        %add3A_315 = arith.addi %select_n3A_8, %mul3A_314 : i32
        %dma_start3A_316 = tpu.memref_slice %arg2[%add3A_315] : memref<327680xi32, #tpu.memory_space<hbm>> -> memref<64xi32, #tpu.memory_space<hbm>>
        %dma_start3A_317 = tpu.memref_slice %arg2[%add3A_315] : memref<327680xi32, #tpu.memory_space<hbm>> -> memref<64xi32, #tpu.memory_space<hbm>>
        tpu.enqueue_dma source(%dma_start3A_317 : memref<64xi32, #tpu.memory_space<hbm>>) target(%arg11 : memref<64xi32, #tpu.memory_space<vmem>>) target_semaphore(%arg39 : memref<!tpu.dma_semaphore, #tpu.memory_space<semaphore_mem>>)
        %dma_start3A_318 = tpu.memref_slice %arg3[%add3A_315] : memref<327680xi32, #tpu.memory_space<hbm>> -> memref<64xi32, #tpu.memory_space<hbm>>
        %dma_start3A_319 = tpu.memref_slice %arg3[%add3A_315] : memref<327680xi32, #tpu.memory_space<hbm>> -> memref<64xi32, #tpu.memory_space<hbm>>
        tpu.enqueue_dma source(%dma_start3A_319 : memref<64xi32, #tpu.memory_space<hbm>>) target(%arg19 : memref<64xi32, #tpu.memory_space<vmem>>) target_semaphore(%arg39 : memref<!tpu.dma_semaphore, #tpu.memory_space<semaphore_mem>>)
        %dma_start3A_320 = tpu.memref_slice %arg4[%add3A_315] : memref<327680xf32, #tpu.memory_space<hbm>> -> memref<64xf32, #tpu.memory_space<hbm>>
        %dma_start3A_321 = tpu.memref_slice %arg4[%add3A_315] : memref<327680xf32, #tpu.memory_space<hbm>> -> memref<64xf32, #tpu.memory_space<hbm>>
        tpu.enqueue_dma source(%dma_start3A_321 : memref<64xf32, #tpu.memory_space<hbm>>) target(%arg27 : memref<64xf32, #tpu.memory_space<vmem>>) target_semaphore(%arg39 : memref<!tpu.dma_semaphore, #tpu.memory_space<semaphore_mem>>)
      } else {
      }
      %scan3A_128 = arith.constant 0 : i32
      %scan3A_129 = arith.constant 64 : i32
      %scan3A_130 = arith.addi %scan3A_128, %scan3A_129 : i32
      %scan3A_131 = arith.constant 2 : i32
      scf.for %scan3A_311 = %scan3A_128 to %scan3A_130 step %scan3A_131  : i32 {
        %mul3A_312 = arith.constant 1 : i32
        %mul3A_313 = arith.muli %scan3A_311, %mul3A_312 : i32
        %add3A_314 = arith.constant 0 : i32
        %add3A_315 = arith.addi %add3A_314, %mul3A_313 : i32
        %broadcast_in_dim3A = vector.broadcast %add3A_315 : i32 to vector<16xi32>
        %gather3A = tpu.vector_load_idx %arg23[%broadcast_in_dim3A] : memref<64xf32, #tpu.memory_space<vmem>>[vector<16xi32>], vector<16xf32>,
        %get3A = arith.index_cast %add3A_315 : i32 to index
        %get3A_316 = arith.constant 0 : index
        %get3A_317 = tpu.vector_load %arg31[%get3A, %get3A_316] {strides = array<i32>} : memref<64x128xf32, #tpu.memory_space<vmem>>, vector<16xf32>,
        %mul3A_318 = arith.mulf %get3A_317, %gather3A : vector<16xf32>
        %swap3A = arith.index_cast %add3A_315 : i32 to index
        %swap3A_319 = arith.constant 0 : index
        %swap3A_320 = tpu.vector_load %arg31[%swap3A, %swap3A_319] {strides = array<i32>} : memref<64x128xf32, #tpu.memory_space<vmem>>, vector<16xf32>,
        tpu.vector_store %arg31[%swap3A, %swap3A_319], %mul3A_318 {strides = array<i32>} : memref<64x128xf32, #tpu.memory_space<vmem>>, vector<16xf32>,
        %get3A_321 = arith.index_cast %add3A_315 : i32 to index
        %get3A_322 = arith.constant 16 : index
        %get3A_323 = tpu.vector_load %arg31[%get3A_321, %get3A_322] {strides = array<i32>} : memref<64x128xf32, #tpu.memory_space<vmem>>, vector<16xf32>,
        %mul3A_324 = arith.mulf %get3A_323, %gather3A : vector<16xf32>
        %swap3A_325 = arith.index_cast %add3A_315 : i32 to index
        %swap3A_326 = arith.constant 16 : index
        %swap3A_327 = tpu.vector_load %arg31[%swap3A_325, %swap3A_326] {strides = array<i32>} : memref<64x128xf32, #tpu.memory_space<vmem>>, vector<16xf32>,
        tpu.vector_store %arg31[%swap3A_325, %swap3A_326], %mul3A_324 {strides = array<i32>} : memref<64x128xf32, #tpu.memory_space<vmem>>, vector<16xf32>,
        %get3A_328 = arith.index_cast %add3A_315 : i32 to index
        %get3A_329 = arith.constant 32 : index
        %get3A_330 = tpu.vector_load %arg31[%get3A_328, %get3A_329] {strides = array<i32>} : memref<64x128xf32, #tpu.memory_space<vmem>>, vector<16xf32>,
        %mul3A_331 = arith.mulf %get3A_330, %gather3A : vector<16xf32>
        %swap3A_332 = arith.index_cast %add3A_315 : i32 to index
        %swap3A_333 = arith.constant 32 : index
        %swap3A_334 = tpu.vector_load %arg31[%swap3A_332, %swap3A_333] {strides = array<i32>} : memref<64x128xf32, #tpu.memory_space<vmem>>, vector<16xf32>,
        tpu.vector_store %arg31[%swap3A_332, %swap3A_333], %mul3A_331 {strides = array<i32>} : memref<64x128xf32, #tpu.memory_space<vmem>>, vector<16xf32>,
        %get3A_335 = arith.index_cast %add3A_315 : i32 to index
        %get3A_336 = arith.constant 48 : index
        %get3A_337 = tpu.vector_load %arg31[%get3A_335, %get3A_336] {strides = array<i32>} : memref<64x128xf32, #tpu.memory_space<vmem>>, vector<16xf32>,
        %mul3A_338 = arith.mulf %get3A_337, %gather3A : vector<16xf32>
        %swap3A_339 = arith.index_cast %add3A_315 : i32 to index
        %swap3A_340 = arith.constant 48 : index
        %swap3A_341 = tpu.vector_load %arg31[%swap3A_339, %swap3A_340] {strides = array<i32>} : memref<64x128xf32, #tpu.memory_space<vmem>>, vector<16xf32>,
        tpu.vector_store %arg31[%swap3A_339, %swap3A_340], %mul3A_338 {strides = array<i32>} : memref<64x128xf32, #tpu.memory_space<vmem>>, vector<16xf32>,
        %get3A_342 = arith.index_cast %add3A_315 : i32 to index
        %get3A_343 = arith.constant 64 : index
        %get3A_344 = tpu.vector_load %arg31[%get3A_342, %get3A_343] {strides = array<i32>} : memref<64x128xf32, #tpu.memory_space<vmem>>, vector<16xf32>,
        %mul3A_345 = arith.mulf %get3A_344, %gather3A : vector<16xf32>
        %swap3A_346 = arith.index_cast %add3A_315 : i32 to index
        %swap3A_347 = arith.constant 64 : index
        %swap3A_348 = tpu.vector_load %arg31[%swap3A_346, %swap3A_347] {strides = array<i32>} : memref<64x128xf32, #tpu.memory_space<vmem>>, vector<16xf32>,
        tpu.vector_store %arg31[%swap3A_346, %swap3A_347], %mul3A_345 {strides = array<i32>} : memref<64x128xf32, #tpu.memory_space<vmem>>, vector<16xf32>,
        %get3A_349 = arith.index_cast %add3A_315 : i32 to index
        %get3A_350 = arith.constant 80 : index
        %get3A_351 = tpu.vector_load %arg31[%get3A_349, %get3A_350] {strides = array<i32>} : memref<64x128xf32, #tpu.memory_space<vmem>>, vector<16xf32>,
        %mul3A_352 = arith.mulf %get3A_351, %gather3A : vector<16xf32>
        %swap3A_353 = arith.index_cast %add3A_315 : i32 to index
        %swap3A_354 = arith.constant 80 : index
        %swap3A_355 = tpu.vector_load %arg31[%swap3A_353, %swap3A_354] {strides = array<i32>} : memref<64x128xf32, #tpu.memory_space<vmem>>, vector<16xf32>,
        tpu.vector_store %arg31[%swap3A_353, %swap3A_354], %mul3A_352 {strides = array<i32>} : memref<64x128xf32, #tpu.memory_space<vmem>>, vector<16xf32>,
        %get3A_356 = arith.index_cast %add3A_315 : i32 to index
        %get3A_357 = arith.constant 96 : index
        %get3A_358 = tpu.vector_load %arg31[%get3A_356, %get3A_357] {strides = array<i32>} : memref<64x128xf32, #tpu.memory_space<vmem>>, vector<16xf32>,
        %mul3A_359 = arith.mulf %get3A_358, %gather3A : vector<16xf32>
        %swap3A_360 = arith.index_cast %add3A_315 : i32 to index
        %swap3A_361 = arith.constant 96 : index
        %swap3A_362 = tpu.vector_load %arg31[%swap3A_360, %swap3A_361] {strides = array<i32>} : memref<64x128xf32, #tpu.memory_space<vmem>>, vector<16xf32>,
        tpu.vector_store %arg31[%swap3A_360, %swap3A_361], %mul3A_359 {strides = array<i32>} : memref<64x128xf32, #tpu.memory_space<vmem>>, vector<16xf32>,
        %get3A_363 = arith.index_cast %add3A_315 : i32 to index
        %get3A_364 = arith.constant 112 : index
        %get3A_365 = tpu.vector_load %arg31[%get3A_363, %get3A_364] {strides = array<i32>} : memref<64x128xf32, #tpu.memory_space<vmem>>, vector<16xf32>,
        %mul3A_366 = arith.mulf %get3A_365, %gather3A : vector<16xf32>
        %swap3A_367 = arith.index_cast %add3A_315 : i32 to index
        %swap3A_368 = arith.constant 112 : index
        %swap3A_369 = tpu.vector_load %arg31[%swap3A_367, %swap3A_368] {strides = array<i32>} : memref<64x128xf32, #tpu.memory_space<vmem>>, vector<16xf32>,
        tpu.vector_store %arg31[%swap3A_367, %swap3A_368], %mul3A_366 {strides = array<i32>} : memref<64x128xf32, #tpu.memory_space<vmem>>, vector<16xf32>,
        %scan3A_370 = arith.constant 1 : i32
        %scan3A_371 = arith.addi %scan3A_311, %scan3A_370 : i32
        %mul3A_372 = arith.constant 1 : i32
        %mul3A_373 = arith.muli %scan3A_371, %mul3A_372 : i32
        %add3A_374 = arith.constant 0 : i32
        %add3A_375 = arith.addi %add3A_374, %mul3A_373 : i32
        %broadcast_in_dim3A_376 = vector.broadcast %add3A_375 : i32 to vector<16xi32>
        %gather3A_377 = tpu.vector_load_idx %arg23[%broadcast_in_dim3A_376] : memref<64xf32, #tpu.memory_space<vmem>>[vector<16xi32>], vector<16xf32>,
        %get3A_378 = arith.index_cast %add3A_375 : i32 to index
        %get3A_379 = arith.constant 0 : index
        %get3A_380 = tpu.vector_load %arg31[%get3A_378, %get3A_379] {strides = array<i32>} : memref<64x128xf32, #tpu.memory_space<vmem>>, vector<16xf32>,
        %mul3A_381 = arith.mulf %get3A_380, %gather3A_377 : vector<16xf32>
        %swap3A_382 = arith.index_cast %add3A_375 : i32 to index
        %swap3A_383 = arith.constant 0 : index
        %swap3A_384 = tpu.vector_load %arg31[%swap3A_382, %swap3A_383] {strides = array<i32>} : memref<64x128xf32, #tpu.memory_space<vmem>>, vector<16xf32>,
        tpu.vector_store %arg31[%swap3A_382, %swap3A_383], %mul3A_381 {strides = array<i32>} : memref<64x128xf32, #tpu.memory_space<vmem>>, vector<16xf32>,
        %get3A_385 = arith.index_cast %add3A_375 : i32 to index
        %get3A_386 = arith.constant 16 : index
        %get3A_387 = tpu.vector_load %arg31[%get3A_385, %get3A_386] {strides = array<i32>} : memref<64x128xf32, #tpu.memory_space<vmem>>, vector<16xf32>,
        %mul3A_388 = arith.mulf %get3A_387, %gather3A_377 : vector<16xf32>
        %swap3A_389 = arith.index_cast %add3A_375 : i32 to index
        %swap3A_390 = arith.constant 16 : index
        %swap3A_391 = tpu.vector_load %arg31[%swap3A_389, %swap3A_390] {strides = array<i32>} : memref<64x128xf32, #tpu.memory_space<vmem>>, vector<16xf32>,
        tpu.vector_store %arg31[%swap3A_389, %swap3A_390], %mul3A_388 {strides = array<i32>} : memref<64x128xf32, #tpu.memory_space<vmem>>, vector<16xf32>,
        %get3A_392 = arith.index_cast %add3A_375 : i32 to index
        %get3A_393 = arith.constant 32 : index
        %get3A_394 = tpu.vector_load %arg31[%get3A_392, %get3A_393] {strides = array<i32>} : memref<64x128xf32, #tpu.memory_space<vmem>>, vector<16xf32>,
        %mul3A_395 = arith.mulf %get3A_394, %gather3A_377 : vector<16xf32>
        %swap3A_396 = arith.index_cast %add3A_375 : i32 to index
        %swap3A_397 = arith.constant 32 : index
        %swap3A_398 = tpu.vector_load %arg31[%swap3A_396, %swap3A_397] {strides = array<i32>} : memref<64x128xf32, #tpu.memory_space<vmem>>, vector<16xf32>,
        tpu.vector_store %arg31[%swap3A_396, %swap3A_397], %mul3A_395 {strides = array<i32>} : memref<64x128xf32, #tpu.memory_space<vmem>>, vector<16xf32>,
        %get3A_399 = arith.index_cast %add3A_375 : i32 to index
        %get3A_400 = arith.constant 48 : index
        %get3A_401 = tpu.vector_load %arg31[%get3A_399, %get3A_400] {strides = array<i32>} : memref<64x128xf32, #tpu.memory_space<vmem>>, vector<16xf32>,
        %mul3A_402 = arith.mulf %get3A_401, %gather3A_377 : vector<16xf32>
        %swap3A_403 = arith.index_cast %add3A_375 : i32 to index
        %swap3A_404 = arith.constant 48 : index
        %swap3A_405 = tpu.vector_load %arg31[%swap3A_403, %swap3A_404] {strides = array<i32>} : memref<64x128xf32, #tpu.memory_space<vmem>>, vector<16xf32>,
        tpu.vector_store %arg31[%swap3A_403, %swap3A_404], %mul3A_402 {strides = array<i32>} : memref<64x128xf32, #tpu.memory_space<vmem>>, vector<16xf32>,
        %get3A_406 = arith.index_cast %add3A_375 : i32 to index
        %get3A_407 = arith.constant 64 : index
        %get3A_408 = tpu.vector_load %arg31[%get3A_406, %get3A_407] {strides = array<i32>} : memref<64x128xf32, #tpu.memory_space<vmem>>, vector<16xf32>,
        %mul3A_409 = arith.mulf %get3A_408, %gather3A_377 : vector<16xf32>
        %swap3A_410 = arith.index_cast %add3A_375 : i32 to index
        %swap3A_411 = arith.constant 64 : index
        %swap3A_412 = tpu.vector_load %arg31[%swap3A_410, %swap3A_411] {strides = array<i32>} : memref<64x128xf32, #tpu.memory_space<vmem>>, vector<16xf32>,
        tpu.vector_store %arg31[%swap3A_410, %swap3A_411], %mul3A_409 {strides = array<i32>} : memref<64x128xf32, #tpu.memory_space<vmem>>, vector<16xf32>,
        %get3A_413 = arith.index_cast %add3A_375 : i32 to index
        %get3A_414 = arith.constant 80 : index
        %get3A_415 = tpu.vector_load %arg31[%get3A_413, %get3A_414] {strides = array<i32>} : memref<64x128xf32, #tpu.memory_space<vmem>>, vector<16xf32>,
        %mul3A_416 = arith.mulf %get3A_415, %gather3A_377 : vector<16xf32>
        %swap3A_417 = arith.index_cast %add3A_375 : i32 to index
        %swap3A_418 = arith.constant 80 : index
        %swap3A_419 = tpu.vector_load %arg31[%swap3A_417, %swap3A_418] {strides = array<i32>} : memref<64x128xf32, #tpu.memory_space<vmem>>, vector<16xf32>,
        tpu.vector_store %arg31[%swap3A_417, %swap3A_418], %mul3A_416 {strides = array<i32>} : memref<64x128xf32, #tpu.memory_space<vmem>>, vector<16xf32>,
        %get3A_420 = arith.index_cast %add3A_375 : i32 to index
        %get3A_421 = arith.constant 96 : index
        %get3A_422 = tpu.vector_load %arg31[%get3A_420, %get3A_421] {strides = array<i32>} : memref<64x128xf32, #tpu.memory_space<vmem>>, vector<16xf32>,
        %mul3A_423 = arith.mulf %get3A_422, %gather3A_377 : vector<16xf32>
        %swap3A_424 = arith.index_cast %add3A_375 : i32 to index
        %swap3A_425 = arith.constant 96 : index
        %swap3A_426 = tpu.vector_load %arg31[%swap3A_424, %swap3A_425] {strides = array<i32>} : memref<64x128xf32, #tpu.memory_space<vmem>>, vector<16xf32>,
        tpu.vector_store %arg31[%swap3A_424, %swap3A_425], %mul3A_423 {strides = array<i32>} : memref<64x128xf32, #tpu.memory_space<vmem>>, vector<16xf32>,
        %get3A_427 = arith.index_cast %add3A_375 : i32 to index
        %get3A_428 = arith.constant 112 : index
        %get3A_429 = tpu.vector_load %arg31[%get3A_427, %get3A_428] {strides = array<i32>} : memref<64x128xf32, #tpu.memory_space<vmem>>, vector<16xf32>,
        %mul3A_430 = arith.mulf %get3A_429, %gather3A_377 : vector<16xf32>
        %swap3A_431 = arith.index_cast %add3A_375 : i32 to index
        %swap3A_432 = arith.constant 112 : index
        %swap3A_433 = tpu.vector_load %arg31[%swap3A_431, %swap3A_432] {strides = array<i32>} : memref<64x128xf32, #tpu.memory_space<vmem>>, vector<16xf32>,
        tpu.vector_store %arg31[%swap3A_431, %swap3A_432], %mul3A_430 {strides = array<i32>} : memref<64x128xf32, #tpu.memory_space<vmem>>, vector<16xf32>,
      }
      %scan3A_132 = arith.constant 64 : i32
      %dma_start3A_133 = arith.constant 0 : i32
      %dma_start3A_134 = arith.constant 0 : i32
      %dma_start3A_135 = tpu.memref_slice %arg51[%dma_start3A_133, %dma_start3A_134] : memref<10240x128xf32, #tpu.memory_space<vmem_shared>> -> memref<10240x128xf32, #tpu.memory_space<vmem_shared>>
      tpu.enqueue_indirect_dma source(%arg31 : memref<64x128xf32, #tpu.memory_space<vmem>>) target(%dma_start3A_135 : memref<10240x128xf32, #tpu.memory_space<vmem_shared>>) offsets(%arg15 : memref<64xi32, #tpu.memory_space<vmem>>) semaphore(%arg47 : memref<!tpu.dma_semaphore, #tpu.memory_space<semaphore_mem>>) {add = true}
      %add3A_136 = arith.constant 1 : i32
      %add3A_137 = arith.addi %add3A_113, %add3A_136 : i32
      %dma_wait3A_138 = arith.constant 0 : i32
      %dma_wait3A_139 = arith.constant 0 : i32
      %dma_wait3A_140 = tpu.memref_slice %arg5[%dma_wait3A_138, %dma_wait3A_139] : memref<10240x128xf32, #tpu.memory_space<hbm>> -> memref<10240x128xf32, #tpu.memory_space<hbm>>
      tpu.wait_indirect_dma semaphore(%arg44 : memref<!tpu.dma_semaphore, #tpu.memory_space<semaphore_mem>>) src(%dma_wait3A_140 : memref<10240x128xf32, #tpu.memory_space<hbm>>) dst(%arg32 : memref<64x128xf32, #tpu.memory_space<vmem>>)
      %add3A_141 = arith.constant 2 : i32
      %add3A_142 = arith.addi %add3A_137, %add3A_141 : i32
      %lt3A_143 = arith.cmpi slt, %add3A_142, %select_n3A : i32
      %convert_element_type3A_144 = arith.extui %lt3A_143 : i1 to i32
      %cond3A_145 = arith.constant 0 : i32
      %cond3A_146 = arith.cmpi ne, %convert_element_type3A_144, %cond3A_145 : i32
      scf.if %cond3A_146 {
        %ge3A = arith.constant 2 : i32
        %ge3A_311 = arith.cmpi sge, %add3A_137, %ge3A : i32
        %convert_element_type3A_312 = arith.extui %ge3A_311 : i1 to i32
        %cond3A_313 = arith.constant 0 : i32
        %cond3A_314 = arith.cmpi ne, %convert_element_type3A_312, %cond3A_313 : i32
        scf.if %cond3A_314 {
          %dma_wait3A_330 = arith.constant 0 : i32
          %dma_wait3A_331 = arith.constant 0 : i32
          %dma_wait3A_332 = tpu.memref_slice %arg51[%dma_wait3A_330, %dma_wait3A_331] : memref<10240x128xf32, #tpu.memory_space<vmem_shared>> -> memref<10240x128xf32, #tpu.memory_space<vmem_shared>>
          tpu.wait_indirect_dma semaphore(%arg50 : memref<!tpu.dma_semaphore, #tpu.memory_space<semaphore_mem>>) src(%arg34 : memref<64x128xf32, #tpu.memory_space<vmem>>) dst(%dma_wait3A_332 : memref<10240x128xf32, #tpu.memory_space<vmem_shared>>)
        } else {
        }
        %dma_wait3A_315 = arith.constant 0 : i32
        %dma_wait3A_316 = tpu.memref_slice %arg2[%dma_wait3A_315] : memref<327680xi32, #tpu.memory_space<hbm>> -> memref<64xi32, #tpu.memory_space<hbm>>
        %dma_wait3A_317 = arith.constant 0 : i32
        %dma_wait3A_318 = tpu.memref_slice %arg2[%dma_wait3A_317] : memref<327680xi32, #tpu.memory_space<hbm>> -> memref<64xi32, #tpu.memory_space<hbm>>
        tpu.wait_dma2 semaphore(%arg38 : memref<!tpu.dma_semaphore, #tpu.memory_space<semaphore_mem>>) src(%dma_wait3A_318 : memref<64xi32, #tpu.memory_space<hbm>>) dst(%arg10 : memref<64xi32, #tpu.memory_space<vmem>>)
        %dma_wait3A_319 = arith.constant 0 : i32
        %dma_wait3A_320 = tpu.memref_slice %arg3[%dma_wait3A_319] : memref<327680xi32, #tpu.memory_space<hbm>> -> memref<64xi32, #tpu.memory_space<hbm>>
        %dma_wait3A_321 = arith.constant 0 : i32
        %dma_wait3A_322 = tpu.memref_slice %arg3[%dma_wait3A_321] : memref<327680xi32, #tpu.memory_space<hbm>> -> memref<64xi32, #tpu.memory_space<hbm>>
        tpu.wait_dma2 semaphore(%arg38 : memref<!tpu.dma_semaphore, #tpu.memory_space<semaphore_mem>>) src(%dma_wait3A_322 : memref<64xi32, #tpu.memory_space<hbm>>) dst(%arg18 : memref<64xi32, #tpu.memory_space<vmem>>)
        %dma_wait3A_323 = arith.constant 0 : i32
        %dma_wait3A_324 = tpu.memref_slice %arg4[%dma_wait3A_323] : memref<327680xf32, #tpu.memory_space<hbm>> -> memref<64xf32, #tpu.memory_space<hbm>>
        %dma_wait3A_325 = arith.constant 0 : i32
        %dma_wait3A_326 = tpu.memref_slice %arg4[%dma_wait3A_325] : memref<327680xf32, #tpu.memory_space<hbm>> -> memref<64xf32, #tpu.memory_space<hbm>>
        tpu.wait_dma2 semaphore(%arg38 : memref<!tpu.dma_semaphore, #tpu.memory_space<semaphore_mem>>) src(%dma_wait3A_326 : memref<64xf32, #tpu.memory_space<hbm>>) dst(%arg26 : memref<64xf32, #tpu.memory_space<vmem>>)
        %dma_start3A_327 = arith.constant 0 : i32
        %dma_start3A_328 = arith.constant 0 : i32
        %dma_start3A_329 = tpu.memref_slice %arg5[%dma_start3A_327, %dma_start3A_328] : memref<10240x128xf32, #tpu.memory_space<hbm>> -> memref<10240x128xf32, #tpu.memory_space<hbm>>
        tpu.enqueue_indirect_dma source(%dma_start3A_329 : memref<10240x128xf32, #tpu.memory_space<hbm>>) target(%arg34 : memref<64x128xf32, #tpu.memory_space<vmem>>) offsets(%arg10 : memref<64xi32, #tpu.memory_space<vmem>>) semaphore(%arg46 : memref<!tpu.dma_semaphore, #tpu.memory_space<semaphore_mem>>)
      } else {
      }
      %add3A_147 = arith.constant 4 : i32
      %add3A_148 = arith.addi %add3A_137, %add3A_147 : i32
      %lt3A_149 = arith.cmpi slt, %add3A_148, %select_n3A : i32
      %convert_element_type3A_150 = arith.extui %lt3A_149 : i1 to i32
      %cond3A_151 = arith.constant 0 : i32
      %cond3A_152 = arith.cmpi ne, %convert_element_type3A_150, %cond3A_151 : i32
      scf.if %cond3A_152 {
        %add3A_311 = arith.constant 4 : i32
        %add3A_312 = arith.addi %add3A_137, %add3A_311 : i32
        %mul3A_313 = arith.constant 64 : i32
        %mul3A_314 = arith.muli %add3A_312, %mul3A_313 : i32
        %add3A_315 = arith.addi %select_n3A_8, %mul3A_314 : i32
        %dma_start3A_316 = tpu.memref_slice %arg2[%add3A_315] : memref<327680xi32, #tpu.memory_space<hbm>> -> memref<64xi32, #tpu.memory_space<hbm>>
        %dma_start3A_317 = tpu.memref_slice %arg2[%add3A_315] : memref<327680xi32, #tpu.memory_space<hbm>> -> memref<64xi32, #tpu.memory_space<hbm>>
        tpu.enqueue_dma source(%dma_start3A_317 : memref<64xi32, #tpu.memory_space<hbm>>) target(%arg12 : memref<64xi32, #tpu.memory_space<vmem>>) target_semaphore(%arg40 : memref<!tpu.dma_semaphore, #tpu.memory_space<semaphore_mem>>)
        %dma_start3A_318 = tpu.memref_slice %arg3[%add3A_315] : memref<327680xi32, #tpu.memory_space<hbm>> -> memref<64xi32, #tpu.memory_space<hbm>>
        %dma_start3A_319 = tpu.memref_slice %arg3[%add3A_315] : memref<327680xi32, #tpu.memory_space<hbm>> -> memref<64xi32, #tpu.memory_space<hbm>>
        tpu.enqueue_dma source(%dma_start3A_319 : memref<64xi32, #tpu.memory_space<hbm>>) target(%arg20 : memref<64xi32, #tpu.memory_space<vmem>>) target_semaphore(%arg40 : memref<!tpu.dma_semaphore, #tpu.memory_space<semaphore_mem>>)
        %dma_start3A_320 = tpu.memref_slice %arg4[%add3A_315] : memref<327680xf32, #tpu.memory_space<hbm>> -> memref<64xf32, #tpu.memory_space<hbm>>
        %dma_start3A_321 = tpu.memref_slice %arg4[%add3A_315] : memref<327680xf32, #tpu.memory_space<hbm>> -> memref<64xf32, #tpu.memory_space<hbm>>
        tpu.enqueue_dma source(%dma_start3A_321 : memref<64xf32, #tpu.memory_space<hbm>>) target(%arg28 : memref<64xf32, #tpu.memory_space<vmem>>) target_semaphore(%arg40 : memref<!tpu.dma_semaphore, #tpu.memory_space<semaphore_mem>>)
      } else {
      }
      %scan3A_153 = arith.constant 0 : i32
      %scan3A_154 = arith.constant 64 : i32
      %scan3A_155 = arith.addi %scan3A_153, %scan3A_154 : i32
      %scan3A_156 = arith.constant 2 : i32
      scf.for %scan3A_311 = %scan3A_153 to %scan3A_155 step %scan3A_156  : i32 {
        %mul3A_312 = arith.constant 1 : i32
        %mul3A_313 = arith.muli %scan3A_311, %mul3A_312 : i32
        %add3A_314 = arith.constant 0 : i32
        %add3A_315 = arith.addi %add3A_314, %mul3A_313 : i32
        %broadcast_in_dim3A = vector.broadcast %add3A_315 : i32 to vector<16xi32>
        %gather3A = tpu.vector_load_idx %arg24[%broadcast_in_dim3A] : memref<64xf32, #tpu.memory_space<vmem>>[vector<16xi32>], vector<16xf32>,
        %get3A = arith.index_cast %add3A_315 : i32 to index
        %get3A_316 = arith.constant 0 : index
        %get3A_317 = tpu.vector_load %arg32[%get3A, %get3A_316] {strides = array<i32>} : memref<64x128xf32, #tpu.memory_space<vmem>>, vector<16xf32>,
        %mul3A_318 = arith.mulf %get3A_317, %gather3A : vector<16xf32>
        %swap3A = arith.index_cast %add3A_315 : i32 to index
        %swap3A_319 = arith.constant 0 : index
        %swap3A_320 = tpu.vector_load %arg32[%swap3A, %swap3A_319] {strides = array<i32>} : memref<64x128xf32, #tpu.memory_space<vmem>>, vector<16xf32>,
        tpu.vector_store %arg32[%swap3A, %swap3A_319], %mul3A_318 {strides = array<i32>} : memref<64x128xf32, #tpu.memory_space<vmem>>, vector<16xf32>,
        %get3A_321 = arith.index_cast %add3A_315 : i32 to index
        %get3A_322 = arith.constant 16 : index
        %get3A_323 = tpu.vector_load %arg32[%get3A_321, %get3A_322] {strides = array<i32>} : memref<64x128xf32, #tpu.memory_space<vmem>>, vector<16xf32>,
        %mul3A_324 = arith.mulf %get3A_323, %gather3A : vector<16xf32>
        %swap3A_325 = arith.index_cast %add3A_315 : i32 to index
        %swap3A_326 = arith.constant 16 : index
        %swap3A_327 = tpu.vector_load %arg32[%swap3A_325, %swap3A_326] {strides = array<i32>} : memref<64x128xf32, #tpu.memory_space<vmem>>, vector<16xf32>,
        tpu.vector_store %arg32[%swap3A_325, %swap3A_326], %mul3A_324 {strides = array<i32>} : memref<64x128xf32, #tpu.memory_space<vmem>>, vector<16xf32>,
        %get3A_328 = arith.index_cast %add3A_315 : i32 to index
        %get3A_329 = arith.constant 32 : index
        %get3A_330 = tpu.vector_load %arg32[%get3A_328, %get3A_329] {strides = array<i32>} : memref<64x128xf32, #tpu.memory_space<vmem>>, vector<16xf32>,
        %mul3A_331 = arith.mulf %get3A_330, %gather3A : vector<16xf32>
        %swap3A_332 = arith.index_cast %add3A_315 : i32 to index
        %swap3A_333 = arith.constant 32 : index
        %swap3A_334 = tpu.vector_load %arg32[%swap3A_332, %swap3A_333] {strides = array<i32>} : memref<64x128xf32, #tpu.memory_space<vmem>>, vector<16xf32>,
        tpu.vector_store %arg32[%swap3A_332, %swap3A_333], %mul3A_331 {strides = array<i32>} : memref<64x128xf32, #tpu.memory_space<vmem>>, vector<16xf32>,
        %get3A_335 = arith.index_cast %add3A_315 : i32 to index
        %get3A_336 = arith.constant 48 : index
        %get3A_337 = tpu.vector_load %arg32[%get3A_335, %get3A_336] {strides = array<i32>} : memref<64x128xf32, #tpu.memory_space<vmem>>, vector<16xf32>,
        %mul3A_338 = arith.mulf %get3A_337, %gather3A : vector<16xf32>
        %swap3A_339 = arith.index_cast %add3A_315 : i32 to index
        %swap3A_340 = arith.constant 48 : index
        %swap3A_341 = tpu.vector_load %arg32[%swap3A_339, %swap3A_340] {strides = array<i32>} : memref<64x128xf32, #tpu.memory_space<vmem>>, vector<16xf32>,
        tpu.vector_store %arg32[%swap3A_339, %swap3A_340], %mul3A_338 {strides = array<i32>} : memref<64x128xf32, #tpu.memory_space<vmem>>, vector<16xf32>,
        %get3A_342 = arith.index_cast %add3A_315 : i32 to index
        %get3A_343 = arith.constant 64 : index
        %get3A_344 = tpu.vector_load %arg32[%get3A_342, %get3A_343] {strides = array<i32>} : memref<64x128xf32, #tpu.memory_space<vmem>>, vector<16xf32>,
        %mul3A_345 = arith.mulf %get3A_344, %gather3A : vector<16xf32>
        %swap3A_346 = arith.index_cast %add3A_315 : i32 to index
        %swap3A_347 = arith.constant 64 : index
        %swap3A_348 = tpu.vector_load %arg32[%swap3A_346, %swap3A_347] {strides = array<i32>} : memref<64x128xf32, #tpu.memory_space<vmem>>, vector<16xf32>,
        tpu.vector_store %arg32[%swap3A_346, %swap3A_347], %mul3A_345 {strides = array<i32>} : memref<64x128xf32, #tpu.memory_space<vmem>>, vector<16xf32>,
        %get3A_349 = arith.index_cast %add3A_315 : i32 to index
        %get3A_350 = arith.constant 80 : index
        %get3A_351 = tpu.vector_load %arg32[%get3A_349, %get3A_350] {strides = array<i32>} : memref<64x128xf32, #tpu.memory_space<vmem>>, vector<16xf32>,
        %mul3A_352 = arith.mulf %get3A_351, %gather3A : vector<16xf32>
        %swap3A_353 = arith.index_cast %add3A_315 : i32 to index
        %swap3A_354 = arith.constant 80 : index
        %swap3A_355 = tpu.vector_load %arg32[%swap3A_353, %swap3A_354] {strides = array<i32>} : memref<64x128xf32, #tpu.memory_space<vmem>>, vector<16xf32>,
        tpu.vector_store %arg32[%swap3A_353, %swap3A_354], %mul3A_352 {strides = array<i32>} : memref<64x128xf32, #tpu.memory_space<vmem>>, vector<16xf32>,
        %get3A_356 = arith.index_cast %add3A_315 : i32 to index
        %get3A_357 = arith.constant 96 : index
        %get3A_358 = tpu.vector_load %arg32[%get3A_356, %get3A_357] {strides = array<i32>} : memref<64x128xf32, #tpu.memory_space<vmem>>, vector<16xf32>,
        %mul3A_359 = arith.mulf %get3A_358, %gather3A : vector<16xf32>
        %swap3A_360 = arith.index_cast %add3A_315 : i32 to index
        %swap3A_361 = arith.constant 96 : index
        %swap3A_362 = tpu.vector_load %arg32[%swap3A_360, %swap3A_361] {strides = array<i32>} : memref<64x128xf32, #tpu.memory_space<vmem>>, vector<16xf32>,
        tpu.vector_store %arg32[%swap3A_360, %swap3A_361], %mul3A_359 {strides = array<i32>} : memref<64x128xf32, #tpu.memory_space<vmem>>, vector<16xf32>,
        %get3A_363 = arith.index_cast %add3A_315 : i32 to index
        %get3A_364 = arith.constant 112 : index
        %get3A_365 = tpu.vector_load %arg32[%get3A_363, %get3A_364] {strides = array<i32>} : memref<64x128xf32, #tpu.memory_space<vmem>>, vector<16xf32>,
        %mul3A_366 = arith.mulf %get3A_365, %gather3A : vector<16xf32>
        %swap3A_367 = arith.index_cast %add3A_315 : i32 to index
        %swap3A_368 = arith.constant 112 : index
        %swap3A_369 = tpu.vector_load %arg32[%swap3A_367, %swap3A_368] {strides = array<i32>} : memref<64x128xf32, #tpu.memory_space<vmem>>, vector<16xf32>,
        tpu.vector_store %arg32[%swap3A_367, %swap3A_368], %mul3A_366 {strides = array<i32>} : memref<64x128xf32, #tpu.memory_space<vmem>>, vector<16xf32>,
        %scan3A_370 = arith.constant 1 : i32
        %scan3A_371 = arith.addi %scan3A_311, %scan3A_370 : i32
        %mul3A_372 = arith.constant 1 : i32
        %mul3A_373 = arith.muli %scan3A_371, %mul3A_372 : i32
        %add3A_374 = arith.constant 0 : i32
        %add3A_375 = arith.addi %add3A_374, %mul3A_373 : i32
        %broadcast_in_dim3A_376 = vector.broadcast %add3A_375 : i32 to vector<16xi32>
        %gather3A_377 = tpu.vector_load_idx %arg24[%broadcast_in_dim3A_376] : memref<64xf32, #tpu.memory_space<vmem>>[vector<16xi32>], vector<16xf32>,
        %get3A_378 = arith.index_cast %add3A_375 : i32 to index
        %get3A_379 = arith.constant 0 : index
        %get3A_380 = tpu.vector_load %arg32[%get3A_378, %get3A_379] {strides = array<i32>} : memref<64x128xf32, #tpu.memory_space<vmem>>, vector<16xf32>,
        %mul3A_381 = arith.mulf %get3A_380, %gather3A_377 : vector<16xf32>
        %swap3A_382 = arith.index_cast %add3A_375 : i32 to index
        %swap3A_383 = arith.constant 0 : index
        %swap3A_384 = tpu.vector_load %arg32[%swap3A_382, %swap3A_383] {strides = array<i32>} : memref<64x128xf32, #tpu.memory_space<vmem>>, vector<16xf32>,
        tpu.vector_store %arg32[%swap3A_382, %swap3A_383], %mul3A_381 {strides = array<i32>} : memref<64x128xf32, #tpu.memory_space<vmem>>, vector<16xf32>,
        %get3A_385 = arith.index_cast %add3A_375 : i32 to index
        %get3A_386 = arith.constant 16 : index
        %get3A_387 = tpu.vector_load %arg32[%get3A_385, %get3A_386] {strides = array<i32>} : memref<64x128xf32, #tpu.memory_space<vmem>>, vector<16xf32>,
        %mul3A_388 = arith.mulf %get3A_387, %gather3A_377 : vector<16xf32>
        %swap3A_389 = arith.index_cast %add3A_375 : i32 to index
        %swap3A_390 = arith.constant 16 : index
        %swap3A_391 = tpu.vector_load %arg32[%swap3A_389, %swap3A_390] {strides = array<i32>} : memref<64x128xf32, #tpu.memory_space<vmem>>, vector<16xf32>,
        tpu.vector_store %arg32[%swap3A_389, %swap3A_390], %mul3A_388 {strides = array<i32>} : memref<64x128xf32, #tpu.memory_space<vmem>>, vector<16xf32>,
        %get3A_392 = arith.index_cast %add3A_375 : i32 to index
        %get3A_393 = arith.constant 32 : index
        %get3A_394 = tpu.vector_load %arg32[%get3A_392, %get3A_393] {strides = array<i32>} : memref<64x128xf32, #tpu.memory_space<vmem>>, vector<16xf32>,
        %mul3A_395 = arith.mulf %get3A_394, %gather3A_377 : vector<16xf32>
        %swap3A_396 = arith.index_cast %add3A_375 : i32 to index
        %swap3A_397 = arith.constant 32 : index
        %swap3A_398 = tpu.vector_load %arg32[%swap3A_396, %swap3A_397] {strides = array<i32>} : memref<64x128xf32, #tpu.memory_space<vmem>>, vector<16xf32>,
        tpu.vector_store %arg32[%swap3A_396, %swap3A_397], %mul3A_395 {strides = array<i32>} : memref<64x128xf32, #tpu.memory_space<vmem>>, vector<16xf32>,
        %get3A_399 = arith.index_cast %add3A_375 : i32 to index
        %get3A_400 = arith.constant 48 : index
        %get3A_401 = tpu.vector_load %arg32[%get3A_399, %get3A_400] {strides = array<i32>} : memref<64x128xf32, #tpu.memory_space<vmem>>, vector<16xf32>,
        %mul3A_402 = arith.mulf %get3A_401, %gather3A_377 : vector<16xf32>
        %swap3A_403 = arith.index_cast %add3A_375 : i32 to index
        %swap3A_404 = arith.constant 48 : index
        %swap3A_405 = tpu.vector_load %arg32[%swap3A_403, %swap3A_404] {strides = array<i32>} : memref<64x128xf32, #tpu.memory_space<vmem>>, vector<16xf32>,
        tpu.vector_store %arg32[%swap3A_403, %swap3A_404], %mul3A_402 {strides = array<i32>} : memref<64x128xf32, #tpu.memory_space<vmem>>, vector<16xf32>,
        %get3A_406 = arith.index_cast %add3A_375 : i32 to index
        %get3A_407 = arith.constant 64 : index
        %get3A_408 = tpu.vector_load %arg32[%get3A_406, %get3A_407] {strides = array<i32>} : memref<64x128xf32, #tpu.memory_space<vmem>>, vector<16xf32>,
        %mul3A_409 = arith.mulf %get3A_408, %gather3A_377 : vector<16xf32>
        %swap3A_410 = arith.index_cast %add3A_375 : i32 to index
        %swap3A_411 = arith.constant 64 : index
        %swap3A_412 = tpu.vector_load %arg32[%swap3A_410, %swap3A_411] {strides = array<i32>} : memref<64x128xf32, #tpu.memory_space<vmem>>, vector<16xf32>,
        tpu.vector_store %arg32[%swap3A_410, %swap3A_411], %mul3A_409 {strides = array<i32>} : memref<64x128xf32, #tpu.memory_space<vmem>>, vector<16xf32>,
        %get3A_413 = arith.index_cast %add3A_375 : i32 to index
        %get3A_414 = arith.constant 80 : index
        %get3A_415 = tpu.vector_load %arg32[%get3A_413, %get3A_414] {strides = array<i32>} : memref<64x128xf32, #tpu.memory_space<vmem>>, vector<16xf32>,
        %mul3A_416 = arith.mulf %get3A_415, %gather3A_377 : vector<16xf32>
        %swap3A_417 = arith.index_cast %add3A_375 : i32 to index
        %swap3A_418 = arith.constant 80 : index
        %swap3A_419 = tpu.vector_load %arg32[%swap3A_417, %swap3A_418] {strides = array<i32>} : memref<64x128xf32, #tpu.memory_space<vmem>>, vector<16xf32>,
        tpu.vector_store %arg32[%swap3A_417, %swap3A_418], %mul3A_416 {strides = array<i32>} : memref<64x128xf32, #tpu.memory_space<vmem>>, vector<16xf32>,
        %get3A_420 = arith.index_cast %add3A_375 : i32 to index
        %get3A_421 = arith.constant 96 : index
        %get3A_422 = tpu.vector_load %arg32[%get3A_420, %get3A_421] {strides = array<i32>} : memref<64x128xf32, #tpu.memory_space<vmem>>, vector<16xf32>,
        %mul3A_423 = arith.mulf %get3A_422, %gather3A_377 : vector<16xf32>
        %swap3A_424 = arith.index_cast %add3A_375 : i32 to index
        %swap3A_425 = arith.constant 96 : index
        %swap3A_426 = tpu.vector_load %arg32[%swap3A_424, %swap3A_425] {strides = array<i32>} : memref<64x128xf32, #tpu.memory_space<vmem>>, vector<16xf32>,
        tpu.vector_store %arg32[%swap3A_424, %swap3A_425], %mul3A_423 {strides = array<i32>} : memref<64x128xf32, #tpu.memory_space<vmem>>, vector<16xf32>,
        %get3A_427 = arith.index_cast %add3A_375 : i32 to index
        %get3A_428 = arith.constant 112 : index
        %get3A_429 = tpu.vector_load %arg32[%get3A_427, %get3A_428] {strides = array<i32>} : memref<64x128xf32, #tpu.memory_space<vmem>>, vector<16xf32>,
        %mul3A_430 = arith.mulf %get3A_429, %gather3A_377 : vector<16xf32>
        %swap3A_431 = arith.index_cast %add3A_375 : i32 to index
        %swap3A_432 = arith.constant 112 : index
        %swap3A_433 = tpu.vector_load %arg32[%swap3A_431, %swap3A_432] {strides = array<i32>} : memref<64x128xf32, #tpu.memory_space<vmem>>, vector<16xf32>,
        tpu.vector_store %arg32[%swap3A_431, %swap3A_432], %mul3A_430 {strides = array<i32>} : memref<64x128xf32, #tpu.memory_space<vmem>>, vector<16xf32>,
      }
      %scan3A_157 = arith.constant 64 : i32
      %dma_start3A_158 = arith.constant 0 : i32
      %dma_start3A_159 = arith.constant 0 : i32
      %dma_start3A_160 = tpu.memref_slice %arg51[%dma_start3A_158, %dma_start3A_159] : memref<10240x128xf32, #tpu.memory_space<vmem_shared>> -> memref<10240x128xf32, #tpu.memory_space<vmem_shared>>
      tpu.enqueue_indirect_dma source(%arg32 : memref<64x128xf32, #tpu.memory_space<vmem>>) target(%dma_start3A_160 : memref<10240x128xf32, #tpu.memory_space<vmem_shared>>) offsets(%arg16 : memref<64xi32, #tpu.memory_space<vmem>>) semaphore(%arg48 : memref<!tpu.dma_semaphore, #tpu.memory_space<semaphore_mem>>) {add = true}
      %add3A_161 = arith.constant 2 : i32
      %add3A_162 = arith.addi %add3A_113, %add3A_161 : i32
      %dma_wait3A_163 = arith.constant 0 : i32
      %dma_wait3A_164 = arith.constant 0 : i32
      %dma_wait3A_165 = tpu.memref_slice %arg5[%dma_wait3A_163, %dma_wait3A_164] : memref<10240x128xf32, #tpu.memory_space<hbm>> -> memref<10240x128xf32, #tpu.memory_space<hbm>>
      tpu.wait_indirect_dma semaphore(%arg45 : memref<!tpu.dma_semaphore, #tpu.memory_space<semaphore_mem>>) src(%dma_wait3A_165 : memref<10240x128xf32, #tpu.memory_space<hbm>>) dst(%arg33 : memref<64x128xf32, #tpu.memory_space<vmem>>)
      %add3A_166 = arith.constant 2 : i32
      %add3A_167 = arith.addi %add3A_162, %add3A_166 : i32
      %lt3A_168 = arith.cmpi slt, %add3A_167, %select_n3A : i32
      %convert_element_type3A_169 = arith.extui %lt3A_168 : i1 to i32
      %cond3A_170 = arith.constant 0 : i32
      %cond3A_171 = arith.cmpi ne, %convert_element_type3A_169, %cond3A_170 : i32
      scf.if %cond3A_171 {
        %ge3A = arith.constant 2 : i32
        %ge3A_311 = arith.cmpi sge, %add3A_162, %ge3A : i32
        %convert_element_type3A_312 = arith.extui %ge3A_311 : i1 to i32
        %cond3A_313 = arith.constant 0 : i32
        %cond3A_314 = arith.cmpi ne, %convert_element_type3A_312, %cond3A_313 : i32
        scf.if %cond3A_314 {
          %dma_wait3A_330 = arith.constant 0 : i32
          %dma_wait3A_331 = arith.constant 0 : i32
          %dma_wait3A_332 = tpu.memref_slice %arg51[%dma_wait3A_330, %dma_wait3A_331] : memref<10240x128xf32, #tpu.memory_space<vmem_shared>> -> memref<10240x128xf32, #tpu.memory_space<vmem_shared>>
          tpu.wait_indirect_dma semaphore(%arg47 : memref<!tpu.dma_semaphore, #tpu.memory_space<semaphore_mem>>) src(%arg31 : memref<64x128xf32, #tpu.memory_space<vmem>>) dst(%dma_wait3A_332 : memref<10240x128xf32, #tpu.memory_space<vmem_shared>>)
        } else {
        }
        %dma_wait3A_315 = arith.constant 0 : i32
        %dma_wait3A_316 = tpu.memref_slice %arg2[%dma_wait3A_315] : memref<327680xi32, #tpu.memory_space<hbm>> -> memref<64xi32, #tpu.memory_space<hbm>>
        %dma_wait3A_317 = arith.constant 0 : i32
        %dma_wait3A_318 = tpu.memref_slice %arg2[%dma_wait3A_317] : memref<327680xi32, #tpu.memory_space<hbm>> -> memref<64xi32, #tpu.memory_space<hbm>>
        tpu.wait_dma2 semaphore(%arg39 : memref<!tpu.dma_semaphore, #tpu.memory_space<semaphore_mem>>) src(%dma_wait3A_318 : memref<64xi32, #tpu.memory_space<hbm>>) dst(%arg11 : memref<64xi32, #tpu.memory_space<vmem>>)
        %dma_wait3A_319 = arith.constant 0 : i32
        %dma_wait3A_320 = tpu.memref_slice %arg3[%dma_wait3A_319] : memref<327680xi32, #tpu.memory_space<hbm>> -> memref<64xi32, #tpu.memory_space<hbm>>
        %dma_wait3A_321 = arith.constant 0 : i32
        %dma_wait3A_322 = tpu.memref_slice %arg3[%dma_wait3A_321] : memref<327680xi32, #tpu.memory_space<hbm>> -> memref<64xi32, #tpu.memory_space<hbm>>
        tpu.wait_dma2 semaphore(%arg39 : memref<!tpu.dma_semaphore, #tpu.memory_space<semaphore_mem>>) src(%dma_wait3A_322 : memref<64xi32, #tpu.memory_space<hbm>>) dst(%arg19 : memref<64xi32, #tpu.memory_space<vmem>>)
        %dma_wait3A_323 = arith.constant 0 : i32
        %dma_wait3A_324 = tpu.memref_slice %arg4[%dma_wait3A_323] : memref<327680xf32, #tpu.memory_space<hbm>> -> memref<64xf32, #tpu.memory_space<hbm>>
        %dma_wait3A_325 = arith.constant 0 : i32
        %dma_wait3A_326 = tpu.memref_slice %arg4[%dma_wait3A_325] : memref<327680xf32, #tpu.memory_space<hbm>> -> memref<64xf32, #tpu.memory_space<hbm>>
        tpu.wait_dma2 semaphore(%arg39 : memref<!tpu.dma_semaphore, #tpu.memory_space<semaphore_mem>>) src(%dma_wait3A_326 : memref<64xf32, #tpu.memory_space<hbm>>) dst(%arg27 : memref<64xf32, #tpu.memory_space<vmem>>)
        %dma_start3A_327 = arith.constant 0 : i32
        %dma_start3A_328 = arith.constant 0 : i32
        %dma_start3A_329 = tpu.memref_slice %arg5[%dma_start3A_327, %dma_start3A_328] : memref<10240x128xf32, #tpu.memory_space<hbm>> -> memref<10240x128xf32, #tpu.memory_space<hbm>>
        tpu.enqueue_indirect_dma source(%dma_start3A_329 : memref<10240x128xf32, #tpu.memory_space<hbm>>) target(%arg31 : memref<64x128xf32, #tpu.memory_space<vmem>>) offsets(%arg11 : memref<64xi32, #tpu.memory_space<vmem>>) semaphore(%arg43 : memref<!tpu.dma_semaphore, #tpu.memory_space<semaphore_mem>>)
      } else {
      }
      %add3A_172 = arith.constant 4 : i32
      %add3A_173 = arith.addi %add3A_162, %add3A_172 : i32
      %lt3A_174 = arith.cmpi slt, %add3A_173, %select_n3A : i32
      %convert_element_type3A_175 = arith.extui %lt3A_174 : i1 to i32
      %cond3A_176 = arith.constant 0 : i32
      %cond3A_177 = arith.cmpi ne, %convert_element_type3A_175, %cond3A_176 : i32
      scf.if %cond3A_177 {
        %add3A_311 = arith.constant 4 : i32
        %add3A_312 = arith.addi %add3A_162, %add3A_311 : i32
        %mul3A_313 = arith.constant 64 : i32
        %mul3A_314 = arith.muli %add3A_312, %mul3A_313 : i32
        %add3A_315 = arith.addi %select_n3A_8, %mul3A_314 : i32
        %dma_start3A_316 = tpu.memref_slice %arg2[%add3A_315] : memref<327680xi32, #tpu.memory_space<hbm>> -> memref<64xi32, #tpu.memory_space<hbm>>
        %dma_start3A_317 = tpu.memref_slice %arg2[%add3A_315] : memref<327680xi32, #tpu.memory_space<hbm>> -> memref<64xi32, #tpu.memory_space<hbm>>
        tpu.enqueue_dma source(%dma_start3A_317 : memref<64xi32, #tpu.memory_space<hbm>>) target(%arg13 : memref<64xi32, #tpu.memory_space<vmem>>) target_semaphore(%arg41 : memref<!tpu.dma_semaphore, #tpu.memory_space<semaphore_mem>>)
        %dma_start3A_318 = tpu.memref_slice %arg3[%add3A_315] : memref<327680xi32, #tpu.memory_space<hbm>> -> memref<64xi32, #tpu.memory_space<hbm>>
        %dma_start3A_319 = tpu.memref_slice %arg3[%add3A_315] : memref<327680xi32, #tpu.memory_space<hbm>> -> memref<64xi32, #tpu.memory_space<hbm>>
        tpu.enqueue_dma source(%dma_start3A_319 : memref<64xi32, #tpu.memory_space<hbm>>) target(%arg21 : memref<64xi32, #tpu.memory_space<vmem>>) target_semaphore(%arg41 : memref<!tpu.dma_semaphore, #tpu.memory_space<semaphore_mem>>)
        %dma_start3A_320 = tpu.memref_slice %arg4[%add3A_315] : memref<327680xf32, #tpu.memory_space<hbm>> -> memref<64xf32, #tpu.memory_space<hbm>>
        %dma_start3A_321 = tpu.memref_slice %arg4[%add3A_315] : memref<327680xf32, #tpu.memory_space<hbm>> -> memref<64xf32, #tpu.memory_space<hbm>>
        tpu.enqueue_dma source(%dma_start3A_321 : memref<64xf32, #tpu.memory_space<hbm>>) target(%arg29 : memref<64xf32, #tpu.memory_space<vmem>>) target_semaphore(%arg41 : memref<!tpu.dma_semaphore, #tpu.memory_space<semaphore_mem>>)
      } else {
      }
      %scan3A_178 = arith.constant 0 : i32
      %scan3A_179 = arith.constant 64 : i32
      %scan3A_180 = arith.addi %scan3A_178, %scan3A_179 : i32
      %scan3A_181 = arith.constant 2 : i32
      scf.for %scan3A_311 = %scan3A_178 to %scan3A_180 step %scan3A_181  : i32 {
        %mul3A_312 = arith.constant 1 : i32
        %mul3A_313 = arith.muli %scan3A_311, %mul3A_312 : i32
        %add3A_314 = arith.constant 0 : i32
        %add3A_315 = arith.addi %add3A_314, %mul3A_313 : i32
        %broadcast_in_dim3A = vector.broadcast %add3A_315 : i32 to vector<16xi32>
        %gather3A = tpu.vector_load_idx %arg25[%broadcast_in_dim3A] : memref<64xf32, #tpu.memory_space<vmem>>[vector<16xi32>], vector<16xf32>,
        %get3A = arith.index_cast %add3A_315 : i32 to index
        %get3A_316 = arith.constant 0 : index
        %get3A_317 = tpu.vector_load %arg33[%get3A, %get3A_316] {strides = array<i32>} : memref<64x128xf32, #tpu.memory_space<vmem>>, vector<16xf32>,
        %mul3A_318 = arith.mulf %get3A_317, %gather3A : vector<16xf32>
        %swap3A = arith.index_cast %add3A_315 : i32 to index
        %swap3A_319 = arith.constant 0 : index
        %swap3A_320 = tpu.vector_load %arg33[%swap3A, %swap3A_319] {strides = array<i32>} : memref<64x128xf32, #tpu.memory_space<vmem>>, vector<16xf32>,
        tpu.vector_store %arg33[%swap3A, %swap3A_319], %mul3A_318 {strides = array<i32>} : memref<64x128xf32, #tpu.memory_space<vmem>>, vector<16xf32>,
        %get3A_321 = arith.index_cast %add3A_315 : i32 to index
        %get3A_322 = arith.constant 16 : index
        %get3A_323 = tpu.vector_load %arg33[%get3A_321, %get3A_322] {strides = array<i32>} : memref<64x128xf32, #tpu.memory_space<vmem>>, vector<16xf32>,
        %mul3A_324 = arith.mulf %get3A_323, %gather3A : vector<16xf32>
        %swap3A_325 = arith.index_cast %add3A_315 : i32 to index
        %swap3A_326 = arith.constant 16 : index
        %swap3A_327 = tpu.vector_load %arg33[%swap3A_325, %swap3A_326] {strides = array<i32>} : memref<64x128xf32, #tpu.memory_space<vmem>>, vector<16xf32>,
        tpu.vector_store %arg33[%swap3A_325, %swap3A_326], %mul3A_324 {strides = array<i32>} : memref<64x128xf32, #tpu.memory_space<vmem>>, vector<16xf32>,
        %get3A_328 = arith.index_cast %add3A_315 : i32 to index
        %get3A_329 = arith.constant 32 : index
        %get3A_330 = tpu.vector_load %arg33[%get3A_328, %get3A_329] {strides = array<i32>} : memref<64x128xf32, #tpu.memory_space<vmem>>, vector<16xf32>,
        %mul3A_331 = arith.mulf %get3A_330, %gather3A : vector<16xf32>
        %swap3A_332 = arith.index_cast %add3A_315 : i32 to index
        %swap3A_333 = arith.constant 32 : index
        %swap3A_334 = tpu.vector_load %arg33[%swap3A_332, %swap3A_333] {strides = array<i32>} : memref<64x128xf32, #tpu.memory_space<vmem>>, vector<16xf32>,
        tpu.vector_store %arg33[%swap3A_332, %swap3A_333], %mul3A_331 {strides = array<i32>} : memref<64x128xf32, #tpu.memory_space<vmem>>, vector<16xf32>,
        %get3A_335 = arith.index_cast %add3A_315 : i32 to index
        %get3A_336 = arith.constant 48 : index
        %get3A_337 = tpu.vector_load %arg33[%get3A_335, %get3A_336] {strides = array<i32>} : memref<64x128xf32, #tpu.memory_space<vmem>>, vector<16xf32>,
        %mul3A_338 = arith.mulf %get3A_337, %gather3A : vector<16xf32>
        %swap3A_339 = arith.index_cast %add3A_315 : i32 to index
        %swap3A_340 = arith.constant 48 : index
        %swap3A_341 = tpu.vector_load %arg33[%swap3A_339, %swap3A_340] {strides = array<i32>} : memref<64x128xf32, #tpu.memory_space<vmem>>, vector<16xf32>,
        tpu.vector_store %arg33[%swap3A_339, %swap3A_340], %mul3A_338 {strides = array<i32>} : memref<64x128xf32, #tpu.memory_space<vmem>>, vector<16xf32>,
        %get3A_342 = arith.index_cast %add3A_315 : i32 to index
        %get3A_343 = arith.constant 64 : index
        %get3A_344 = tpu.vector_load %arg33[%get3A_342, %get3A_343] {strides = array<i32>} : memref<64x128xf32, #tpu.memory_space<vmem>>, vector<16xf32>,
        %mul3A_345 = arith.mulf %get3A_344, %gather3A : vector<16xf32>
        %swap3A_346 = arith.index_cast %add3A_315 : i32 to index
        %swap3A_347 = arith.constant 64 : index
        %swap3A_348 = tpu.vector_load %arg33[%swap3A_346, %swap3A_347] {strides = array<i32>} : memref<64x128xf32, #tpu.memory_space<vmem>>, vector<16xf32>,
        tpu.vector_store %arg33[%swap3A_346, %swap3A_347], %mul3A_345 {strides = array<i32>} : memref<64x128xf32, #tpu.memory_space<vmem>>, vector<16xf32>,
        %get3A_349 = arith.index_cast %add3A_315 : i32 to index
        %get3A_350 = arith.constant 80 : index
        %get3A_351 = tpu.vector_load %arg33[%get3A_349, %get3A_350] {strides = array<i32>} : memref<64x128xf32, #tpu.memory_space<vmem>>, vector<16xf32>,
        %mul3A_352 = arith.mulf %get3A_351, %gather3A : vector<16xf32>
        %swap3A_353 = arith.index_cast %add3A_315 : i32 to index
        %swap3A_354 = arith.constant 80 : index
        %swap3A_355 = tpu.vector_load %arg33[%swap3A_353, %swap3A_354] {strides = array<i32>} : memref<64x128xf32, #tpu.memory_space<vmem>>, vector<16xf32>,
        tpu.vector_store %arg33[%swap3A_353, %swap3A_354], %mul3A_352 {strides = array<i32>} : memref<64x128xf32, #tpu.memory_space<vmem>>, vector<16xf32>,
        %get3A_356 = arith.index_cast %add3A_315 : i32 to index
        %get3A_357 = arith.constant 96 : index
        %get3A_358 = tpu.vector_load %arg33[%get3A_356, %get3A_357] {strides = array<i32>} : memref<64x128xf32, #tpu.memory_space<vmem>>, vector<16xf32>,
        %mul3A_359 = arith.mulf %get3A_358, %gather3A : vector<16xf32>
        %swap3A_360 = arith.index_cast %add3A_315 : i32 to index
        %swap3A_361 = arith.constant 96 : index
        %swap3A_362 = tpu.vector_load %arg33[%swap3A_360, %swap3A_361] {strides = array<i32>} : memref<64x128xf32, #tpu.memory_space<vmem>>, vector<16xf32>,
        tpu.vector_store %arg33[%swap3A_360, %swap3A_361], %mul3A_359 {strides = array<i32>} : memref<64x128xf32, #tpu.memory_space<vmem>>, vector<16xf32>,
        %get3A_363 = arith.index_cast %add3A_315 : i32 to index
        %get3A_364 = arith.constant 112 : index
        %get3A_365 = tpu.vector_load %arg33[%get3A_363, %get3A_364] {strides = array<i32>} : memref<64x128xf32, #tpu.memory_space<vmem>>, vector<16xf32>,
        %mul3A_366 = arith.mulf %get3A_365, %gather3A : vector<16xf32>
        %swap3A_367 = arith.index_cast %add3A_315 : i32 to index
        %swap3A_368 = arith.constant 112 : index
        %swap3A_369 = tpu.vector_load %arg33[%swap3A_367, %swap3A_368] {strides = array<i32>} : memref<64x128xf32, #tpu.memory_space<vmem>>, vector<16xf32>,
        tpu.vector_store %arg33[%swap3A_367, %swap3A_368], %mul3A_366 {strides = array<i32>} : memref<64x128xf32, #tpu.memory_space<vmem>>, vector<16xf32>,
        %scan3A_370 = arith.constant 1 : i32
        %scan3A_371 = arith.addi %scan3A_311, %scan3A_370 : i32
        %mul3A_372 = arith.constant 1 : i32
        %mul3A_373 = arith.muli %scan3A_371, %mul3A_372 : i32
        %add3A_374 = arith.constant 0 : i32
        %add3A_375 = arith.addi %add3A_374, %mul3A_373 : i32
        %broadcast_in_dim3A_376 = vector.broadcast %add3A_375 : i32 to vector<16xi32>
        %gather3A_377 = tpu.vector_load_idx %arg25[%broadcast_in_dim3A_376] : memref<64xf32, #tpu.memory_space<vmem>>[vector<16xi32>], vector<16xf32>,
        %get3A_378 = arith.index_cast %add3A_375 : i32 to index
        %get3A_379 = arith.constant 0 : index
        %get3A_380 = tpu.vector_load %arg33[%get3A_378, %get3A_379] {strides = array<i32>} : memref<64x128xf32, #tpu.memory_space<vmem>>, vector<16xf32>,
        %mul3A_381 = arith.mulf %get3A_380, %gather3A_377 : vector<16xf32>
        %swap3A_382 = arith.index_cast %add3A_375 : i32 to index
        %swap3A_383 = arith.constant 0 : index
        %swap3A_384 = tpu.vector_load %arg33[%swap3A_382, %swap3A_383] {strides = array<i32>} : memref<64x128xf32, #tpu.memory_space<vmem>>, vector<16xf32>,
        tpu.vector_store %arg33[%swap3A_382, %swap3A_383], %mul3A_381 {strides = array<i32>} : memref<64x128xf32, #tpu.memory_space<vmem>>, vector<16xf32>,
        %get3A_385 = arith.index_cast %add3A_375 : i32 to index
        %get3A_386 = arith.constant 16 : index
        %get3A_387 = tpu.vector_load %arg33[%get3A_385, %get3A_386] {strides = array<i32>} : memref<64x128xf32, #tpu.memory_space<vmem>>, vector<16xf32>,
        %mul3A_388 = arith.mulf %get3A_387, %gather3A_377 : vector<16xf32>
        %swap3A_389 = arith.index_cast %add3A_375 : i32 to index
        %swap3A_390 = arith.constant 16 : index
        %swap3A_391 = tpu.vector_load %arg33[%swap3A_389, %swap3A_390] {strides = array<i32>} : memref<64x128xf32, #tpu.memory_space<vmem>>, vector<16xf32>,
        tpu.vector_store %arg33[%swap3A_389, %swap3A_390], %mul3A_388 {strides = array<i32>} : memref<64x128xf32, #tpu.memory_space<vmem>>, vector<16xf32>,
        %get3A_392 = arith.index_cast %add3A_375 : i32 to index
        %get3A_393 = arith.constant 32 : index
        %get3A_394 = tpu.vector_load %arg33[%get3A_392, %get3A_393] {strides = array<i32>} : memref<64x128xf32, #tpu.memory_space<vmem>>, vector<16xf32>,
        %mul3A_395 = arith.mulf %get3A_394, %gather3A_377 : vector<16xf32>
        %swap3A_396 = arith.index_cast %add3A_375 : i32 to index
        %swap3A_397 = arith.constant 32 : index
        %swap3A_398 = tpu.vector_load %arg33[%swap3A_396, %swap3A_397] {strides = array<i32>} : memref<64x128xf32, #tpu.memory_space<vmem>>, vector<16xf32>,
        tpu.vector_store %arg33[%swap3A_396, %swap3A_397], %mul3A_395 {strides = array<i32>} : memref<64x128xf32, #tpu.memory_space<vmem>>, vector<16xf32>,
        %get3A_399 = arith.index_cast %add3A_375 : i32 to index
        %get3A_400 = arith.constant 48 : index
        %get3A_401 = tpu.vector_load %arg33[%get3A_399, %get3A_400] {strides = array<i32>} : memref<64x128xf32, #tpu.memory_space<vmem>>, vector<16xf32>,
        %mul3A_402 = arith.mulf %get3A_401, %gather3A_377 : vector<16xf32>
        %swap3A_403 = arith.index_cast %add3A_375 : i32 to index
        %swap3A_404 = arith.constant 48 : index
        %swap3A_405 = tpu.vector_load %arg33[%swap3A_403, %swap3A_404] {strides = array<i32>} : memref<64x128xf32, #tpu.memory_space<vmem>>, vector<16xf32>,
        tpu.vector_store %arg33[%swap3A_403, %swap3A_404], %mul3A_402 {strides = array<i32>} : memref<64x128xf32, #tpu.memory_space<vmem>>, vector<16xf32>,
        %get3A_406 = arith.index_cast %add3A_375 : i32 to index
        %get3A_407 = arith.constant 64 : index
        %get3A_408 = tpu.vector_load %arg33[%get3A_406, %get3A_407] {strides = array<i32>} : memref<64x128xf32, #tpu.memory_space<vmem>>, vector<16xf32>,
        %mul3A_409 = arith.mulf %get3A_408, %gather3A_377 : vector<16xf32>
        %swap3A_410 = arith.index_cast %add3A_375 : i32 to index
        %swap3A_411 = arith.constant 64 : index
        %swap3A_412 = tpu.vector_load %arg33[%swap3A_410, %swap3A_411] {strides = array<i32>} : memref<64x128xf32, #tpu.memory_space<vmem>>, vector<16xf32>,
        tpu.vector_store %arg33[%swap3A_410, %swap3A_411], %mul3A_409 {strides = array<i32>} : memref<64x128xf32, #tpu.memory_space<vmem>>, vector<16xf32>,
        %get3A_413 = arith.index_cast %add3A_375 : i32 to index
        %get3A_414 = arith.constant 80 : index
        %get3A_415 = tpu.vector_load %arg33[%get3A_413, %get3A_414] {strides = array<i32>} : memref<64x128xf32, #tpu.memory_space<vmem>>, vector<16xf32>,
        %mul3A_416 = arith.mulf %get3A_415, %gather3A_377 : vector<16xf32>
        %swap3A_417 = arith.index_cast %add3A_375 : i32 to index
        %swap3A_418 = arith.constant 80 : index
        %swap3A_419 = tpu.vector_load %arg33[%swap3A_417, %swap3A_418] {strides = array<i32>} : memref<64x128xf32, #tpu.memory_space<vmem>>, vector<16xf32>,
        tpu.vector_store %arg33[%swap3A_417, %swap3A_418], %mul3A_416 {strides = array<i32>} : memref<64x128xf32, #tpu.memory_space<vmem>>, vector<16xf32>,
        %get3A_420 = arith.index_cast %add3A_375 : i32 to index
        %get3A_421 = arith.constant 96 : index
        %get3A_422 = tpu.vector_load %arg33[%get3A_420, %get3A_421] {strides = array<i32>} : memref<64x128xf32, #tpu.memory_space<vmem>>, vector<16xf32>,
        %mul3A_423 = arith.mulf %get3A_422, %gather3A_377 : vector<16xf32>
        %swap3A_424 = arith.index_cast %add3A_375 : i32 to index
        %swap3A_425 = arith.constant 96 : index
        %swap3A_426 = tpu.vector_load %arg33[%swap3A_424, %swap3A_425] {strides = array<i32>} : memref<64x128xf32, #tpu.memory_space<vmem>>, vector<16xf32>,
        tpu.vector_store %arg33[%swap3A_424, %swap3A_425], %mul3A_423 {strides = array<i32>} : memref<64x128xf32, #tpu.memory_space<vmem>>, vector<16xf32>,
        %get3A_427 = arith.index_cast %add3A_375 : i32 to index
        %get3A_428 = arith.constant 112 : index
        %get3A_429 = tpu.vector_load %arg33[%get3A_427, %get3A_428] {strides = array<i32>} : memref<64x128xf32, #tpu.memory_space<vmem>>, vector<16xf32>,
        %mul3A_430 = arith.mulf %get3A_429, %gather3A_377 : vector<16xf32>
        %swap3A_431 = arith.index_cast %add3A_375 : i32 to index
        %swap3A_432 = arith.constant 112 : index
        %swap3A_433 = tpu.vector_load %arg33[%swap3A_431, %swap3A_432] {strides = array<i32>} : memref<64x128xf32, #tpu.memory_space<vmem>>, vector<16xf32>,
        tpu.vector_store %arg33[%swap3A_431, %swap3A_432], %mul3A_430 {strides = array<i32>} : memref<64x128xf32, #tpu.memory_space<vmem>>, vector<16xf32>,
      }
      %scan3A_182 = arith.constant 64 : i32
      %dma_start3A_183 = arith.constant 0 : i32
      %dma_start3A_184 = arith.constant 0 : i32
      %dma_start3A_185 = tpu.memref_slice %arg51[%dma_start3A_183, %dma_start3A_184] : memref<10240x128xf32, #tpu.memory_space<vmem_shared>> -> memref<10240x128xf32, #tpu.memory_space<vmem_shared>>
      tpu.enqueue_indirect_dma source(%arg33 : memref<64x128xf32, #tpu.memory_space<vmem>>) target(%dma_start3A_185 : memref<10240x128xf32, #tpu.memory_space<vmem_shared>>) offsets(%arg17 : memref<64xi32, #tpu.memory_space<vmem>>) semaphore(%arg49 : memref<!tpu.dma_semaphore, #tpu.memory_space<semaphore_mem>>) {add = true}
      %add3A_186 = arith.constant 3 : i32
      %add3A_187 = arith.addi %add3A_113, %add3A_186 : i32
      %dma_wait3A_188 = arith.constant 0 : i32
      %dma_wait3A_189 = arith.constant 0 : i32
      %dma_wait3A_190 = tpu.memref_slice %arg5[%dma_wait3A_188, %dma_wait3A_189] : memref<10240x128xf32, #tpu.memory_space<hbm>> -> memref<10240x128xf32, #tpu.memory_space<hbm>>
      tpu.wait_indirect_dma semaphore(%arg46 : memref<!tpu.dma_semaphore, #tpu.memory_space<semaphore_mem>>) src(%dma_wait3A_190 : memref<10240x128xf32, #tpu.memory_space<hbm>>) dst(%arg34 : memref<64x128xf32, #tpu.memory_space<vmem>>)
      %add3A_191 = arith.constant 2 : i32
      %add3A_192 = arith.addi %add3A_187, %add3A_191 : i32
      %lt3A_193 = arith.cmpi slt, %add3A_192, %select_n3A : i32
      %convert_element_type3A_194 = arith.extui %lt3A_193 : i1 to i32
      %cond3A_195 = arith.constant 0 : i32
      %cond3A_196 = arith.cmpi ne, %convert_element_type3A_194, %cond3A_195 : i32
      scf.if %cond3A_196 {
        %ge3A = arith.constant 2 : i32
        %ge3A_311 = arith.cmpi sge, %add3A_187, %ge3A : i32
        %convert_element_type3A_312 = arith.extui %ge3A_311 : i1 to i32
        %cond3A_313 = arith.constant 0 : i32
        %cond3A_314 = arith.cmpi ne, %convert_element_type3A_312, %cond3A_313 : i32
        scf.if %cond3A_314 {
          %dma_wait3A_330 = arith.constant 0 : i32
          %dma_wait3A_331 = arith.constant 0 : i32
          %dma_wait3A_332 = tpu.memref_slice %arg51[%dma_wait3A_330, %dma_wait3A_331] : memref<10240x128xf32, #tpu.memory_space<vmem_shared>> -> memref<10240x128xf32, #tpu.memory_space<vmem_shared>>
          tpu.wait_indirect_dma semaphore(%arg48 : memref<!tpu.dma_semaphore, #tpu.memory_space<semaphore_mem>>) src(%arg32 : memref<64x128xf32, #tpu.memory_space<vmem>>) dst(%dma_wait3A_332 : memref<10240x128xf32, #tpu.memory_space<vmem_shared>>)
        } else {
        }
        %dma_wait3A_315 = arith.constant 0 : i32
        %dma_wait3A_316 = tpu.memref_slice %arg2[%dma_wait3A_315] : memref<327680xi32, #tpu.memory_space<hbm>> -> memref<64xi32, #tpu.memory_space<hbm>>
        %dma_wait3A_317 = arith.constant 0 : i32
        %dma_wait3A_318 = tpu.memref_slice %arg2[%dma_wait3A_317] : memref<327680xi32, #tpu.memory_space<hbm>> -> memref<64xi32, #tpu.memory_space<hbm>>
        tpu.wait_dma2 semaphore(%arg40 : memref<!tpu.dma_semaphore, #tpu.memory_space<semaphore_mem>>) src(%dma_wait3A_318 : memref<64xi32, #tpu.memory_space<hbm>>) dst(%arg12 : memref<64xi32, #tpu.memory_space<vmem>>)
        %dma_wait3A_319 = arith.constant 0 : i32
        %dma_wait3A_320 = tpu.memref_slice %arg3[%dma_wait3A_319] : memref<327680xi32, #tpu.memory_space<hbm>> -> memref<64xi32, #tpu.memory_space<hbm>>
        %dma_wait3A_321 = arith.constant 0 : i32
        %dma_wait3A_322 = tpu.memref_slice %arg3[%dma_wait3A_321] : memref<327680xi32, #tpu.memory_space<hbm>> -> memref<64xi32, #tpu.memory_space<hbm>>
        tpu.wait_dma2 semaphore(%arg40 : memref<!tpu.dma_semaphore, #tpu.memory_space<semaphore_mem>>) src(%dma_wait3A_322 : memref<64xi32, #tpu.memory_space<hbm>>) dst(%arg20 : memref<64xi32, #tpu.memory_space<vmem>>)
        %dma_wait3A_323 = arith.constant 0 : i32
        %dma_wait3A_324 = tpu.memref_slice %arg4[%dma_wait3A_323] : memref<327680xf32, #tpu.memory_space<hbm>> -> memref<64xf32, #tpu.memory_space<hbm>>
        %dma_wait3A_325 = arith.constant 0 : i32
        %dma_wait3A_326 = tpu.memref_slice %arg4[%dma_wait3A_325] : memref<327680xf32, #tpu.memory_space<hbm>> -> memref<64xf32, #tpu.memory_space<hbm>>
        tpu.wait_dma2 semaphore(%arg40 : memref<!tpu.dma_semaphore, #tpu.memory_space<semaphore_mem>>) src(%dma_wait3A_326 : memref<64xf32, #tpu.memory_space<hbm>>) dst(%arg28 : memref<64xf32, #tpu.memory_space<vmem>>)
        %dma_start3A_327 = arith.constant 0 : i32
        %dma_start3A_328 = arith.constant 0 : i32
        %dma_start3A_329 = tpu.memref_slice %arg5[%dma_start3A_327, %dma_start3A_328] : memref<10240x128xf32, #tpu.memory_space<hbm>> -> memref<10240x128xf32, #tpu.memory_space<hbm>>
        tpu.enqueue_indirect_dma source(%dma_start3A_329 : memref<10240x128xf32, #tpu.memory_space<hbm>>) target(%arg32 : memref<64x128xf32, #tpu.memory_space<vmem>>) offsets(%arg12 : memref<64xi32, #tpu.memory_space<vmem>>) semaphore(%arg44 : memref<!tpu.dma_semaphore, #tpu.memory_space<semaphore_mem>>)
      } else {
      }
      %add3A_197 = arith.constant 4 : i32
      %add3A_198 = arith.addi %add3A_187, %add3A_197 : i32
      %lt3A_199 = arith.cmpi slt, %add3A_198, %select_n3A : i32
      %convert_element_type3A_200 = arith.extui %lt3A_199 : i1 to i32
      %cond3A_201 = arith.constant 0 : i32
      %cond3A_202 = arith.cmpi ne, %convert_element_type3A_200, %cond3A_201 : i32
      scf.if %cond3A_202 {
        %add3A_311 = arith.constant 4 : i32
        %add3A_312 = arith.addi %add3A_187, %add3A_311 : i32
        %mul3A_313 = arith.constant 64 : i32
        %mul3A_314 = arith.muli %add3A_312, %mul3A_313 : i32
        %add3A_315 = arith.addi %select_n3A_8, %mul3A_314 : i32
        %dma_start3A_316 = tpu.memref_slice %arg2[%add3A_315] : memref<327680xi32, #tpu.memory_space<hbm>> -> memref<64xi32, #tpu.memory_space<hbm>>
        %dma_start3A_317 = tpu.memref_slice %arg2[%add3A_315] : memref<327680xi32, #tpu.memory_space<hbm>> -> memref<64xi32, #tpu.memory_space<hbm>>
        tpu.enqueue_dma source(%dma_start3A_317 : memref<64xi32, #tpu.memory_space<hbm>>) target(%arg14 : memref<64xi32, #tpu.memory_space<vmem>>) target_semaphore(%arg42 : memref<!tpu.dma_semaphore, #tpu.memory_space<semaphore_mem>>)
        %dma_start3A_318 = tpu.memref_slice %arg3[%add3A_315] : memref<327680xi32, #tpu.memory_space<hbm>> -> memref<64xi32, #tpu.memory_space<hbm>>
        %dma_start3A_319 = tpu.memref_slice %arg3[%add3A_315] : memref<327680xi32, #tpu.memory_space<hbm>> -> memref<64xi32, #tpu.memory_space<hbm>>
        tpu.enqueue_dma source(%dma_start3A_319 : memref<64xi32, #tpu.memory_space<hbm>>) target(%arg22 : memref<64xi32, #tpu.memory_space<vmem>>) target_semaphore(%arg42 : memref<!tpu.dma_semaphore, #tpu.memory_space<semaphore_mem>>)
        %dma_start3A_320 = tpu.memref_slice %arg4[%add3A_315] : memref<327680xf32, #tpu.memory_space<hbm>> -> memref<64xf32, #tpu.memory_space<hbm>>
        %dma_start3A_321 = tpu.memref_slice %arg4[%add3A_315] : memref<327680xf32, #tpu.memory_space<hbm>> -> memref<64xf32, #tpu.memory_space<hbm>>
        tpu.enqueue_dma source(%dma_start3A_321 : memref<64xf32, #tpu.memory_space<hbm>>) target(%arg30 : memref<64xf32, #tpu.memory_space<vmem>>) target_semaphore(%arg42 : memref<!tpu.dma_semaphore, #tpu.memory_space<semaphore_mem>>)
      } else {
      }
      %scan3A_203 = arith.constant 0 : i32
      %scan3A_204 = arith.constant 64 : i32
      %scan3A_205 = arith.addi %scan3A_203, %scan3A_204 : i32
      %scan3A_206 = arith.constant 2 : i32
      scf.for %scan3A_311 = %scan3A_203 to %scan3A_205 step %scan3A_206  : i32 {
        %mul3A_312 = arith.constant 1 : i32
        %mul3A_313 = arith.muli %scan3A_311, %mul3A_312 : i32
        %add3A_314 = arith.constant 0 : i32
        %add3A_315 = arith.addi %add3A_314, %mul3A_313 : i32
        %broadcast_in_dim3A = vector.broadcast %add3A_315 : i32 to vector<16xi32>
        %gather3A = tpu.vector_load_idx %arg26[%broadcast_in_dim3A] : memref<64xf32, #tpu.memory_space<vmem>>[vector<16xi32>], vector<16xf32>,
        %get3A = arith.index_cast %add3A_315 : i32 to index
        %get3A_316 = arith.constant 0 : index
        %get3A_317 = tpu.vector_load %arg34[%get3A, %get3A_316] {strides = array<i32>} : memref<64x128xf32, #tpu.memory_space<vmem>>, vector<16xf32>,
        %mul3A_318 = arith.mulf %get3A_317, %gather3A : vector<16xf32>
        %swap3A = arith.index_cast %add3A_315 : i32 to index
        %swap3A_319 = arith.constant 0 : index
        %swap3A_320 = tpu.vector_load %arg34[%swap3A, %swap3A_319] {strides = array<i32>} : memref<64x128xf32, #tpu.memory_space<vmem>>, vector<16xf32>,
        tpu.vector_store %arg34[%swap3A, %swap3A_319], %mul3A_318 {strides = array<i32>} : memref<64x128xf32, #tpu.memory_space<vmem>>, vector<16xf32>,
        %get3A_321 = arith.index_cast %add3A_315 : i32 to index
        %get3A_322 = arith.constant 16 : index
        %get3A_323 = tpu.vector_load %arg34[%get3A_321, %get3A_322] {strides = array<i32>} : memref<64x128xf32, #tpu.memory_space<vmem>>, vector<16xf32>,
        %mul3A_324 = arith.mulf %get3A_323, %gather3A : vector<16xf32>
        %swap3A_325 = arith.index_cast %add3A_315 : i32 to index
        %swap3A_326 = arith.constant 16 : index
        %swap3A_327 = tpu.vector_load %arg34[%swap3A_325, %swap3A_326] {strides = array<i32>} : memref<64x128xf32, #tpu.memory_space<vmem>>, vector<16xf32>,
        tpu.vector_store %arg34[%swap3A_325, %swap3A_326], %mul3A_324 {strides = array<i32>} : memref<64x128xf32, #tpu.memory_space<vmem>>, vector<16xf32>,
        %get3A_328 = arith.index_cast %add3A_315 : i32 to index
        %get3A_329 = arith.constant 32 : index
        %get3A_330 = tpu.vector_load %arg34[%get3A_328, %get3A_329] {strides = array<i32>} : memref<64x128xf32, #tpu.memory_space<vmem>>, vector<16xf32>,
        %mul3A_331 = arith.mulf %get3A_330, %gather3A : vector<16xf32>
        %swap3A_332 = arith.index_cast %add3A_315 : i32 to index
        %swap3A_333 = arith.constant 32 : index
        %swap3A_334 = tpu.vector_load %arg34[%swap3A_332, %swap3A_333] {strides = array<i32>} : memref<64x128xf32, #tpu.memory_space<vmem>>, vector<16xf32>,
        tpu.vector_store %arg34[%swap3A_332, %swap3A_333], %mul3A_331 {strides = array<i32>} : memref<64x128xf32, #tpu.memory_space<vmem>>, vector<16xf32>,
        %get3A_335 = arith.index_cast %add3A_315 : i32 to index
        %get3A_336 = arith.constant 48 : index
        %get3A_337 = tpu.vector_load %arg34[%get3A_335, %get3A_336] {strides = array<i32>} : memref<64x128xf32, #tpu.memory_space<vmem>>, vector<16xf32>,
        %mul3A_338 = arith.mulf %get3A_337, %gather3A : vector<16xf32>
        %swap3A_339 = arith.index_cast %add3A_315 : i32 to index
        %swap3A_340 = arith.constant 48 : index
        %swap3A_341 = tpu.vector_load %arg34[%swap3A_339, %swap3A_340] {strides = array<i32>} : memref<64x128xf32, #tpu.memory_space<vmem>>, vector<16xf32>,
        tpu.vector_store %arg34[%swap3A_339, %swap3A_340], %mul3A_338 {strides = array<i32>} : memref<64x128xf32, #tpu.memory_space<vmem>>, vector<16xf32>,
        %get3A_342 = arith.index_cast %add3A_315 : i32 to index
        %get3A_343 = arith.constant 64 : index
        %get3A_344 = tpu.vector_load %arg34[%get3A_342, %get3A_343] {strides = array<i32>} : memref<64x128xf32, #tpu.memory_space<vmem>>, vector<16xf32>,
        %mul3A_345 = arith.mulf %get3A_344, %gather3A : vector<16xf32>
        %swap3A_346 = arith.index_cast %add3A_315 : i32 to index
        %swap3A_347 = arith.constant 64 : index
        %swap3A_348 = tpu.vector_load %arg34[%swap3A_346, %swap3A_347] {strides = array<i32>} : memref<64x128xf32, #tpu.memory_space<vmem>>, vector<16xf32>,
        tpu.vector_store %arg34[%swap3A_346, %swap3A_347], %mul3A_345 {strides = array<i32>} : memref<64x128xf32, #tpu.memory_space<vmem>>, vector<16xf32>,
        %get3A_349 = arith.index_cast %add3A_315 : i32 to index
        %get3A_350 = arith.constant 80 : index
        %get3A_351 = tpu.vector_load %arg34[%get3A_349, %get3A_350] {strides = array<i32>} : memref<64x128xf32, #tpu.memory_space<vmem>>, vector<16xf32>,
        %mul3A_352 = arith.mulf %get3A_351, %gather3A : vector<16xf32>
        %swap3A_353 = arith.index_cast %add3A_315 : i32 to index
        %swap3A_354 = arith.constant 80 : index
        %swap3A_355 = tpu.vector_load %arg34[%swap3A_353, %swap3A_354] {strides = array<i32>} : memref<64x128xf32, #tpu.memory_space<vmem>>, vector<16xf32>,
        tpu.vector_store %arg34[%swap3A_353, %swap3A_354], %mul3A_352 {strides = array<i32>} : memref<64x128xf32, #tpu.memory_space<vmem>>, vector<16xf32>,
        %get3A_356 = arith.index_cast %add3A_315 : i32 to index
        %get3A_357 = arith.constant 96 : index
        %get3A_358 = tpu.vector_load %arg34[%get3A_356, %get3A_357] {strides = array<i32>} : memref<64x128xf32, #tpu.memory_space<vmem>>, vector<16xf32>,
        %mul3A_359 = arith.mulf %get3A_358, %gather3A : vector<16xf32>
        %swap3A_360 = arith.index_cast %add3A_315 : i32 to index
        %swap3A_361 = arith.constant 96 : index
        %swap3A_362 = tpu.vector_load %arg34[%swap3A_360, %swap3A_361] {strides = array<i32>} : memref<64x128xf32, #tpu.memory_space<vmem>>, vector<16xf32>,
        tpu.vector_store %arg34[%swap3A_360, %swap3A_361], %mul3A_359 {strides = array<i32>} : memref<64x128xf32, #tpu.memory_space<vmem>>, vector<16xf32>,
        %get3A_363 = arith.index_cast %add3A_315 : i32 to index
        %get3A_364 = arith.constant 112 : index
        %get3A_365 = tpu.vector_load %arg34[%get3A_363, %get3A_364] {strides = array<i32>} : memref<64x128xf32, #tpu.memory_space<vmem>>, vector<16xf32>,
        %mul3A_366 = arith.mulf %get3A_365, %gather3A : vector<16xf32>
        %swap3A_367 = arith.index_cast %add3A_315 : i32 to index
        %swap3A_368 = arith.constant 112 : index
        %swap3A_369 = tpu.vector_load %arg34[%swap3A_367, %swap3A_368] {strides = array<i32>} : memref<64x128xf32, #tpu.memory_space<vmem>>, vector<16xf32>,
        tpu.vector_store %arg34[%swap3A_367, %swap3A_368], %mul3A_366 {strides = array<i32>} : memref<64x128xf32, #tpu.memory_space<vmem>>, vector<16xf32>,
        %scan3A_370 = arith.constant 1 : i32
        %scan3A_371 = arith.addi %scan3A_311, %scan3A_370 : i32
        %mul3A_372 = arith.constant 1 : i32
        %mul3A_373 = arith.muli %scan3A_371, %mul3A_372 : i32
        %add3A_374 = arith.constant 0 : i32
        %add3A_375 = arith.addi %add3A_374, %mul3A_373 : i32
        %broadcast_in_dim3A_376 = vector.broadcast %add3A_375 : i32 to vector<16xi32>
        %gather3A_377 = tpu.vector_load_idx %arg26[%broadcast_in_dim3A_376] : memref<64xf32, #tpu.memory_space<vmem>>[vector<16xi32>], vector<16xf32>,
        %get3A_378 = arith.index_cast %add3A_375 : i32 to index
        %get3A_379 = arith.constant 0 : index
        %get3A_380 = tpu.vector_load %arg34[%get3A_378, %get3A_379] {strides = array<i32>} : memref<64x128xf32, #tpu.memory_space<vmem>>, vector<16xf32>,
        %mul3A_381 = arith.mulf %get3A_380, %gather3A_377 : vector<16xf32>
        %swap3A_382 = arith.index_cast %add3A_375 : i32 to index
        %swap3A_383 = arith.constant 0 : index
        %swap3A_384 = tpu.vector_load %arg34[%swap3A_382, %swap3A_383] {strides = array<i32>} : memref<64x128xf32, #tpu.memory_space<vmem>>, vector<16xf32>,
        tpu.vector_store %arg34[%swap3A_382, %swap3A_383], %mul3A_381 {strides = array<i32>} : memref<64x128xf32, #tpu.memory_space<vmem>>, vector<16xf32>,
        %get3A_385 = arith.index_cast %add3A_375 : i32 to index
        %get3A_386 = arith.constant 16 : index
        %get3A_387 = tpu.vector_load %arg34[%get3A_385, %get3A_386] {strides = array<i32>} : memref<64x128xf32, #tpu.memory_space<vmem>>, vector<16xf32>,
        %mul3A_388 = arith.mulf %get3A_387, %gather3A_377 : vector<16xf32>
        %swap3A_389 = arith.index_cast %add3A_375 : i32 to index
        %swap3A_390 = arith.constant 16 : index
        %swap3A_391 = tpu.vector_load %arg34[%swap3A_389, %swap3A_390] {strides = array<i32>} : memref<64x128xf32, #tpu.memory_space<vmem>>, vector<16xf32>,
        tpu.vector_store %arg34[%swap3A_389, %swap3A_390], %mul3A_388 {strides = array<i32>} : memref<64x128xf32, #tpu.memory_space<vmem>>, vector<16xf32>,
        %get3A_392 = arith.index_cast %add3A_375 : i32 to index
        %get3A_393 = arith.constant 32 : index
        %get3A_394 = tpu.vector_load %arg34[%get3A_392, %get3A_393] {strides = array<i32>} : memref<64x128xf32, #tpu.memory_space<vmem>>, vector<16xf32>,
        %mul3A_395 = arith.mulf %get3A_394, %gather3A_377 : vector<16xf32>
        %swap3A_396 = arith.index_cast %add3A_375 : i32 to index
        %swap3A_397 = arith.constant 32 : index
        %swap3A_398 = tpu.vector_load %arg34[%swap3A_396, %swap3A_397] {strides = array<i32>} : memref<64x128xf32, #tpu.memory_space<vmem>>, vector<16xf32>,
        tpu.vector_store %arg34[%swap3A_396, %swap3A_397], %mul3A_395 {strides = array<i32>} : memref<64x128xf32, #tpu.memory_space<vmem>>, vector<16xf32>,
        %get3A_399 = arith.index_cast %add3A_375 : i32 to index
        %get3A_400 = arith.constant 48 : index
        %get3A_401 = tpu.vector_load %arg34[%get3A_399, %get3A_400] {strides = array<i32>} : memref<64x128xf32, #tpu.memory_space<vmem>>, vector<16xf32>,
        %mul3A_402 = arith.mulf %get3A_401, %gather3A_377 : vector<16xf32>
        %swap3A_403 = arith.index_cast %add3A_375 : i32 to index
        %swap3A_404 = arith.constant 48 : index
        %swap3A_405 = tpu.vector_load %arg34[%swap3A_403, %swap3A_404] {strides = array<i32>} : memref<64x128xf32, #tpu.memory_space<vmem>>, vector<16xf32>,
        tpu.vector_store %arg34[%swap3A_403, %swap3A_404], %mul3A_402 {strides = array<i32>} : memref<64x128xf32, #tpu.memory_space<vmem>>, vector<16xf32>,
        %get3A_406 = arith.index_cast %add3A_375 : i32 to index
        %get3A_407 = arith.constant 64 : index
        %get3A_408 = tpu.vector_load %arg34[%get3A_406, %get3A_407] {strides = array<i32>} : memref<64x128xf32, #tpu.memory_space<vmem>>, vector<16xf32>,
        %mul3A_409 = arith.mulf %get3A_408, %gather3A_377 : vector<16xf32>
        %swap3A_410 = arith.index_cast %add3A_375 : i32 to index
        %swap3A_411 = arith.constant 64 : index
        %swap3A_412 = tpu.vector_load %arg34[%swap3A_410, %swap3A_411] {strides = array<i32>} : memref<64x128xf32, #tpu.memory_space<vmem>>, vector<16xf32>,
        tpu.vector_store %arg34[%swap3A_410, %swap3A_411], %mul3A_409 {strides = array<i32>} : memref<64x128xf32, #tpu.memory_space<vmem>>, vector<16xf32>,
        %get3A_413 = arith.index_cast %add3A_375 : i32 to index
        %get3A_414 = arith.constant 80 : index
        %get3A_415 = tpu.vector_load %arg34[%get3A_413, %get3A_414] {strides = array<i32>} : memref<64x128xf32, #tpu.memory_space<vmem>>, vector<16xf32>,
        %mul3A_416 = arith.mulf %get3A_415, %gather3A_377 : vector<16xf32>
        %swap3A_417 = arith.index_cast %add3A_375 : i32 to index
        %swap3A_418 = arith.constant 80 : index
        %swap3A_419 = tpu.vector_load %arg34[%swap3A_417, %swap3A_418] {strides = array<i32>} : memref<64x128xf32, #tpu.memory_space<vmem>>, vector<16xf32>,
        tpu.vector_store %arg34[%swap3A_417, %swap3A_418], %mul3A_416 {strides = array<i32>} : memref<64x128xf32, #tpu.memory_space<vmem>>, vector<16xf32>,
        %get3A_420 = arith.index_cast %add3A_375 : i32 to index
        %get3A_421 = arith.constant 96 : index
        %get3A_422 = tpu.vector_load %arg34[%get3A_420, %get3A_421] {strides = array<i32>} : memref<64x128xf32, #tpu.memory_space<vmem>>, vector<16xf32>,
        %mul3A_423 = arith.mulf %get3A_422, %gather3A_377 : vector<16xf32>
        %swap3A_424 = arith.index_cast %add3A_375 : i32 to index
        %swap3A_425 = arith.constant 96 : index
        %swap3A_426 = tpu.vector_load %arg34[%swap3A_424, %swap3A_425] {strides = array<i32>} : memref<64x128xf32, #tpu.memory_space<vmem>>, vector<16xf32>,
        tpu.vector_store %arg34[%swap3A_424, %swap3A_425], %mul3A_423 {strides = array<i32>} : memref<64x128xf32, #tpu.memory_space<vmem>>, vector<16xf32>,
        %get3A_427 = arith.index_cast %add3A_375 : i32 to index
        %get3A_428 = arith.constant 112 : index
        %get3A_429 = tpu.vector_load %arg34[%get3A_427, %get3A_428] {strides = array<i32>} : memref<64x128xf32, #tpu.memory_space<vmem>>, vector<16xf32>,
        %mul3A_430 = arith.mulf %get3A_429, %gather3A_377 : vector<16xf32>
        %swap3A_431 = arith.index_cast %add3A_375 : i32 to index
        %swap3A_432 = arith.constant 112 : index
        %swap3A_433 = tpu.vector_load %arg34[%swap3A_431, %swap3A_432] {strides = array<i32>} : memref<64x128xf32, #tpu.memory_space<vmem>>, vector<16xf32>,
        tpu.vector_store %arg34[%swap3A_431, %swap3A_432], %mul3A_430 {strides = array<i32>} : memref<64x128xf32, #tpu.memory_space<vmem>>, vector<16xf32>,
      }
      %scan3A_207 = arith.constant 64 : i32
      %dma_start3A_208 = arith.constant 0 : i32
      %dma_start3A_209 = arith.constant 0 : i32
      %dma_start3A_210 = tpu.memref_slice %arg51[%dma_start3A_208, %dma_start3A_209] : memref<10240x128xf32, #tpu.memory_space<vmem_shared>> -> memref<10240x128xf32, #tpu.memory_space<vmem_shared>>
      tpu.enqueue_indirect_dma source(%arg34 : memref<64x128xf32, #tpu.memory_space<vmem>>) target(%dma_start3A_210 : memref<10240x128xf32, #tpu.memory_space<vmem_shared>>) offsets(%arg18 : memref<64xi32, #tpu.memory_space<vmem>>) semaphore(%arg50 : memref<!tpu.dma_semaphore, #tpu.memory_space<semaphore_mem>>) {add = true}
      %add3A_211 = arith.constant 4 : i32
      %add3A_212 = arith.addi %add3A_113, %add3A_211 : i32
      %dma_wait3A_213 = arith.constant 0 : i32
      %dma_wait3A_214 = arith.constant 0 : i32
      %dma_wait3A_215 = tpu.memref_slice %arg5[%dma_wait3A_213, %dma_wait3A_214] : memref<10240x128xf32, #tpu.memory_space<hbm>> -> memref<10240x128xf32, #tpu.memory_space<hbm>>
      tpu.wait_indirect_dma semaphore(%arg43 : memref<!tpu.dma_semaphore, #tpu.memory_space<semaphore_mem>>) src(%dma_wait3A_215 : memref<10240x128xf32, #tpu.memory_space<hbm>>) dst(%arg31 : memref<64x128xf32, #tpu.memory_space<vmem>>)
      %add3A_216 = arith.constant 2 : i32
      %add3A_217 = arith.addi %add3A_212, %add3A_216 : i32
      %lt3A_218 = arith.cmpi slt, %add3A_217, %select_n3A : i32
      %convert_element_type3A_219 = arith.extui %lt3A_218 : i1 to i32
      %cond3A_220 = arith.constant 0 : i32
      %cond3A_221 = arith.cmpi ne, %convert_element_type3A_219, %cond3A_220 : i32
      scf.if %cond3A_221 {
        %ge3A = arith.constant 2 : i32
        %ge3A_311 = arith.cmpi sge, %add3A_212, %ge3A : i32
        %convert_element_type3A_312 = arith.extui %ge3A_311 : i1 to i32
        %cond3A_313 = arith.constant 0 : i32
        %cond3A_314 = arith.cmpi ne, %convert_element_type3A_312, %cond3A_313 : i32
        scf.if %cond3A_314 {
          %dma_wait3A_330 = arith.constant 0 : i32
          %dma_wait3A_331 = arith.constant 0 : i32
          %dma_wait3A_332 = tpu.memref_slice %arg51[%dma_wait3A_330, %dma_wait3A_331] : memref<10240x128xf32, #tpu.memory_space<vmem_shared>> -> memref<10240x128xf32, #tpu.memory_space<vmem_shared>>
          tpu.wait_indirect_dma semaphore(%arg49 : memref<!tpu.dma_semaphore, #tpu.memory_space<semaphore_mem>>) src(%arg33 : memref<64x128xf32, #tpu.memory_space<vmem>>) dst(%dma_wait3A_332 : memref<10240x128xf32, #tpu.memory_space<vmem_shared>>)
        } else {
        }
        %dma_wait3A_315 = arith.constant 0 : i32
        %dma_wait3A_316 = tpu.memref_slice %arg2[%dma_wait3A_315] : memref<327680xi32, #tpu.memory_space<hbm>> -> memref<64xi32, #tpu.memory_space<hbm>>
        %dma_wait3A_317 = arith.constant 0 : i32
        %dma_wait3A_318 = tpu.memref_slice %arg2[%dma_wait3A_317] : memref<327680xi32, #tpu.memory_space<hbm>> -> memref<64xi32, #tpu.memory_space<hbm>>
        tpu.wait_dma2 semaphore(%arg41 : memref<!tpu.dma_semaphore, #tpu.memory_space<semaphore_mem>>) src(%dma_wait3A_318 : memref<64xi32, #tpu.memory_space<hbm>>) dst(%arg13 : memref<64xi32, #tpu.memory_space<vmem>>)
        %dma_wait3A_319 = arith.constant 0 : i32
        %dma_wait3A_320 = tpu.memref_slice %arg3[%dma_wait3A_319] : memref<327680xi32, #tpu.memory_space<hbm>> -> memref<64xi32, #tpu.memory_space<hbm>>
        %dma_wait3A_321 = arith.constant 0 : i32
        %dma_wait3A_322 = tpu.memref_slice %arg3[%dma_wait3A_321] : memref<327680xi32, #tpu.memory_space<hbm>> -> memref<64xi32, #tpu.memory_space<hbm>>
        tpu.wait_dma2 semaphore(%arg41 : memref<!tpu.dma_semaphore, #tpu.memory_space<semaphore_mem>>) src(%dma_wait3A_322 : memref<64xi32, #tpu.memory_space<hbm>>) dst(%arg21 : memref<64xi32, #tpu.memory_space<vmem>>)
        %dma_wait3A_323 = arith.constant 0 : i32
        %dma_wait3A_324 = tpu.memref_slice %arg4[%dma_wait3A_323] : memref<327680xf32, #tpu.memory_space<hbm>> -> memref<64xf32, #tpu.memory_space<hbm>>
        %dma_wait3A_325 = arith.constant 0 : i32
        %dma_wait3A_326 = tpu.memref_slice %arg4[%dma_wait3A_325] : memref<327680xf32, #tpu.memory_space<hbm>> -> memref<64xf32, #tpu.memory_space<hbm>>
        tpu.wait_dma2 semaphore(%arg41 : memref<!tpu.dma_semaphore, #tpu.memory_space<semaphore_mem>>) src(%dma_wait3A_326 : memref<64xf32, #tpu.memory_space<hbm>>) dst(%arg29 : memref<64xf32, #tpu.memory_space<vmem>>)
        %dma_start3A_327 = arith.constant 0 : i32
        %dma_start3A_328 = arith.constant 0 : i32
        %dma_start3A_329 = tpu.memref_slice %arg5[%dma_start3A_327, %dma_start3A_328] : memref<10240x128xf32, #tpu.memory_space<hbm>> -> memref<10240x128xf32, #tpu.memory_space<hbm>>
        tpu.enqueue_indirect_dma source(%dma_start3A_329 : memref<10240x128xf32, #tpu.memory_space<hbm>>) target(%arg33 : memref<64x128xf32, #tpu.memory_space<vmem>>) offsets(%arg13 : memref<64xi32, #tpu.memory_space<vmem>>) semaphore(%arg45 : memref<!tpu.dma_semaphore, #tpu.memory_space<semaphore_mem>>)
      } else {
      }
      %add3A_222 = arith.constant 4 : i32
      %add3A_223 = arith.addi %add3A_212, %add3A_222 : i32
      %lt3A_224 = arith.cmpi slt, %add3A_223, %select_n3A : i32
      %convert_element_type3A_225 = arith.extui %lt3A_224 : i1 to i32
      %cond3A_226 = arith.constant 0 : i32
      %cond3A_227 = arith.cmpi ne, %convert_element_type3A_225, %cond3A_226 : i32
      scf.if %cond3A_227 {
        %add3A_311 = arith.constant 4 : i32
        %add3A_312 = arith.addi %add3A_212, %add3A_311 : i32
        %mul3A_313 = arith.constant 64 : i32
        %mul3A_314 = arith.muli %add3A_312, %mul3A_313 : i32
        %add3A_315 = arith.addi %select_n3A_8, %mul3A_314 : i32
        %dma_start3A_316 = tpu.memref_slice %arg2[%add3A_315] : memref<327680xi32, #tpu.memory_space<hbm>> -> memref<64xi32, #tpu.memory_space<hbm>>
        %dma_start3A_317 = tpu.memref_slice %arg2[%add3A_315] : memref<327680xi32, #tpu.memory_space<hbm>> -> memref<64xi32, #tpu.memory_space<hbm>>
        tpu.enqueue_dma source(%dma_start3A_317 : memref<64xi32, #tpu.memory_space<hbm>>) target(%arg7 : memref<64xi32, #tpu.memory_space<vmem>>) target_semaphore(%arg35 : memref<!tpu.dma_semaphore, #tpu.memory_space<semaphore_mem>>)
        %dma_start3A_318 = tpu.memref_slice %arg3[%add3A_315] : memref<327680xi32, #tpu.memory_space<hbm>> -> memref<64xi32, #tpu.memory_space<hbm>>
        %dma_start3A_319 = tpu.memref_slice %arg3[%add3A_315] : memref<327680xi32, #tpu.memory_space<hbm>> -> memref<64xi32, #tpu.memory_space<hbm>>
        tpu.enqueue_dma source(%dma_start3A_319 : memref<64xi32, #tpu.memory_space<hbm>>) target(%arg15 : memref<64xi32, #tpu.memory_space<vmem>>) target_semaphore(%arg35 : memref<!tpu.dma_semaphore, #tpu.memory_space<semaphore_mem>>)
        %dma_start3A_320 = tpu.memref_slice %arg4[%add3A_315] : memref<327680xf32, #tpu.memory_space<hbm>> -> memref<64xf32, #tpu.memory_space<hbm>>
        %dma_start3A_321 = tpu.memref_slice %arg4[%add3A_315] : memref<327680xf32, #tpu.memory_space<hbm>> -> memref<64xf32, #tpu.memory_space<hbm>>
        tpu.enqueue_dma source(%dma_start3A_321 : memref<64xf32, #tpu.memory_space<hbm>>) target(%arg23 : memref<64xf32, #tpu.memory_space<vmem>>) target_semaphore(%arg35 : memref<!tpu.dma_semaphore, #tpu.memory_space<semaphore_mem>>)
      } else {
      }
      %scan3A_228 = arith.constant 0 : i32
      %scan3A_229 = arith.constant 64 : i32
      %scan3A_230 = arith.addi %scan3A_228, %scan3A_229 : i32
      %scan3A_231 = arith.constant 2 : i32
      scf.for %scan3A_311 = %scan3A_228 to %scan3A_230 step %scan3A_231  : i32 {
        %mul3A_312 = arith.constant 1 : i32
        %mul3A_313 = arith.muli %scan3A_311, %mul3A_312 : i32
        %add3A_314 = arith.constant 0 : i32
        %add3A_315 = arith.addi %add3A_314, %mul3A_313 : i32
        %broadcast_in_dim3A = vector.broadcast %add3A_315 : i32 to vector<16xi32>
        %gather3A = tpu.vector_load_idx %arg27[%broadcast_in_dim3A] : memref<64xf32, #tpu.memory_space<vmem>>[vector<16xi32>], vector<16xf32>,
        %get3A = arith.index_cast %add3A_315 : i32 to index
        %get3A_316 = arith.constant 0 : index
        %get3A_317 = tpu.vector_load %arg31[%get3A, %get3A_316] {strides = array<i32>} : memref<64x128xf32, #tpu.memory_space<vmem>>, vector<16xf32>,
        %mul3A_318 = arith.mulf %get3A_317, %gather3A : vector<16xf32>
        %swap3A = arith.index_cast %add3A_315 : i32 to index
        %swap3A_319 = arith.constant 0 : index
        %swap3A_320 = tpu.vector_load %arg31[%swap3A, %swap3A_319] {strides = array<i32>} : memref<64x128xf32, #tpu.memory_space<vmem>>, vector<16xf32>,
        tpu.vector_store %arg31[%swap3A, %swap3A_319], %mul3A_318 {strides = array<i32>} : memref<64x128xf32, #tpu.memory_space<vmem>>, vector<16xf32>,
        %get3A_321 = arith.index_cast %add3A_315 : i32 to index
        %get3A_322 = arith.constant 16 : index
        %get3A_323 = tpu.vector_load %arg31[%get3A_321, %get3A_322] {strides = array<i32>} : memref<64x128xf32, #tpu.memory_space<vmem>>, vector<16xf32>,
        %mul3A_324 = arith.mulf %get3A_323, %gather3A : vector<16xf32>
        %swap3A_325 = arith.index_cast %add3A_315 : i32 to index
        %swap3A_326 = arith.constant 16 : index
        %swap3A_327 = tpu.vector_load %arg31[%swap3A_325, %swap3A_326] {strides = array<i32>} : memref<64x128xf32, #tpu.memory_space<vmem>>, vector<16xf32>,
        tpu.vector_store %arg31[%swap3A_325, %swap3A_326], %mul3A_324 {strides = array<i32>} : memref<64x128xf32, #tpu.memory_space<vmem>>, vector<16xf32>,
        %get3A_328 = arith.index_cast %add3A_315 : i32 to index
        %get3A_329 = arith.constant 32 : index
        %get3A_330 = tpu.vector_load %arg31[%get3A_328, %get3A_329] {strides = array<i32>} : memref<64x128xf32, #tpu.memory_space<vmem>>, vector<16xf32>,
        %mul3A_331 = arith.mulf %get3A_330, %gather3A : vector<16xf32>
        %swap3A_332 = arith.index_cast %add3A_315 : i32 to index
        %swap3A_333 = arith.constant 32 : index
        %swap3A_334 = tpu.vector_load %arg31[%swap3A_332, %swap3A_333] {strides = array<i32>} : memref<64x128xf32, #tpu.memory_space<vmem>>, vector<16xf32>,
        tpu.vector_store %arg31[%swap3A_332, %swap3A_333], %mul3A_331 {strides = array<i32>} : memref<64x128xf32, #tpu.memory_space<vmem>>, vector<16xf32>,
        %get3A_335 = arith.index_cast %add3A_315 : i32 to index
        %get3A_336 = arith.constant 48 : index
        %get3A_337 = tpu.vector_load %arg31[%get3A_335, %get3A_336] {strides = array<i32>} : memref<64x128xf32, #tpu.memory_space<vmem>>, vector<16xf32>,
        %mul3A_338 = arith.mulf %get3A_337, %gather3A : vector<16xf32>
        %swap3A_339 = arith.index_cast %add3A_315 : i32 to index
        %swap3A_340 = arith.constant 48 : index
        %swap3A_341 = tpu.vector_load %arg31[%swap3A_339, %swap3A_340] {strides = array<i32>} : memref<64x128xf32, #tpu.memory_space<vmem>>, vector<16xf32>,
        tpu.vector_store %arg31[%swap3A_339, %swap3A_340], %mul3A_338 {strides = array<i32>} : memref<64x128xf32, #tpu.memory_space<vmem>>, vector<16xf32>,
        %get3A_342 = arith.index_cast %add3A_315 : i32 to index
        %get3A_343 = arith.constant 64 : index
        %get3A_344 = tpu.vector_load %arg31[%get3A_342, %get3A_343] {strides = array<i32>} : memref<64x128xf32, #tpu.memory_space<vmem>>, vector<16xf32>,
        %mul3A_345 = arith.mulf %get3A_344, %gather3A : vector<16xf32>
        %swap3A_346 = arith.index_cast %add3A_315 : i32 to index
        %swap3A_347 = arith.constant 64 : index
        %swap3A_348 = tpu.vector_load %arg31[%swap3A_346, %swap3A_347] {strides = array<i32>} : memref<64x128xf32, #tpu.memory_space<vmem>>, vector<16xf32>,
        tpu.vector_store %arg31[%swap3A_346, %swap3A_347], %mul3A_345 {strides = array<i32>} : memref<64x128xf32, #tpu.memory_space<vmem>>, vector<16xf32>,
        %get3A_349 = arith.index_cast %add3A_315 : i32 to index
        %get3A_350 = arith.constant 80 : index
        %get3A_351 = tpu.vector_load %arg31[%get3A_349, %get3A_350] {strides = array<i32>} : memref<64x128xf32, #tpu.memory_space<vmem>>, vector<16xf32>,
        %mul3A_352 = arith.mulf %get3A_351, %gather3A : vector<16xf32>
        %swap3A_353 = arith.index_cast %add3A_315 : i32 to index
        %swap3A_354 = arith.constant 80 : index
        %swap3A_355 = tpu.vector_load %arg31[%swap3A_353, %swap3A_354] {strides = array<i32>} : memref<64x128xf32, #tpu.memory_space<vmem>>, vector<16xf32>,
        tpu.vector_store %arg31[%swap3A_353, %swap3A_354], %mul3A_352 {strides = array<i32>} : memref<64x128xf32, #tpu.memory_space<vmem>>, vector<16xf32>,
        %get3A_356 = arith.index_cast %add3A_315 : i32 to index
        %get3A_357 = arith.constant 96 : index
        %get3A_358 = tpu.vector_load %arg31[%get3A_356, %get3A_357] {strides = array<i32>} : memref<64x128xf32, #tpu.memory_space<vmem>>, vector<16xf32>,
        %mul3A_359 = arith.mulf %get3A_358, %gather3A : vector<16xf32>
        %swap3A_360 = arith.index_cast %add3A_315 : i32 to index
        %swap3A_361 = arith.constant 96 : index
        %swap3A_362 = tpu.vector_load %arg31[%swap3A_360, %swap3A_361] {strides = array<i32>} : memref<64x128xf32, #tpu.memory_space<vmem>>, vector<16xf32>,
        tpu.vector_store %arg31[%swap3A_360, %swap3A_361], %mul3A_359 {strides = array<i32>} : memref<64x128xf32, #tpu.memory_space<vmem>>, vector<16xf32>,
        %get3A_363 = arith.index_cast %add3A_315 : i32 to index
        %get3A_364 = arith.constant 112 : index
        %get3A_365 = tpu.vector_load %arg31[%get3A_363, %get3A_364] {strides = array<i32>} : memref<64x128xf32, #tpu.memory_space<vmem>>, vector<16xf32>,
        %mul3A_366 = arith.mulf %get3A_365, %gather3A : vector<16xf32>
        %swap3A_367 = arith.index_cast %add3A_315 : i32 to index
        %swap3A_368 = arith.constant 112 : index
        %swap3A_369 = tpu.vector_load %arg31[%swap3A_367, %swap3A_368] {strides = array<i32>} : memref<64x128xf32, #tpu.memory_space<vmem>>, vector<16xf32>,
        tpu.vector_store %arg31[%swap3A_367, %swap3A_368], %mul3A_366 {strides = array<i32>} : memref<64x128xf32, #tpu.memory_space<vmem>>, vector<16xf32>,
        %scan3A_370 = arith.constant 1 : i32
        %scan3A_371 = arith.addi %scan3A_311, %scan3A_370 : i32
        %mul3A_372 = arith.constant 1 : i32
        %mul3A_373 = arith.muli %scan3A_371, %mul3A_372 : i32
        %add3A_374 = arith.constant 0 : i32
        %add3A_375 = arith.addi %add3A_374, %mul3A_373 : i32
        %broadcast_in_dim3A_376 = vector.broadcast %add3A_375 : i32 to vector<16xi32>
        %gather3A_377 = tpu.vector_load_idx %arg27[%broadcast_in_dim3A_376] : memref<64xf32, #tpu.memory_space<vmem>>[vector<16xi32>], vector<16xf32>,
        %get3A_378 = arith.index_cast %add3A_375 : i32 to index
        %get3A_379 = arith.constant 0 : index
        %get3A_380 = tpu.vector_load %arg31[%get3A_378, %get3A_379] {strides = array<i32>} : memref<64x128xf32, #tpu.memory_space<vmem>>, vector<16xf32>,
        %mul3A_381 = arith.mulf %get3A_380, %gather3A_377 : vector<16xf32>
        %swap3A_382 = arith.index_cast %add3A_375 : i32 to index
        %swap3A_383 = arith.constant 0 : index
        %swap3A_384 = tpu.vector_load %arg31[%swap3A_382, %swap3A_383] {strides = array<i32>} : memref<64x128xf32, #tpu.memory_space<vmem>>, vector<16xf32>,
        tpu.vector_store %arg31[%swap3A_382, %swap3A_383], %mul3A_381 {strides = array<i32>} : memref<64x128xf32, #tpu.memory_space<vmem>>, vector<16xf32>,
        %get3A_385 = arith.index_cast %add3A_375 : i32 to index
        %get3A_386 = arith.constant 16 : index
        %get3A_387 = tpu.vector_load %arg31[%get3A_385, %get3A_386] {strides = array<i32>} : memref<64x128xf32, #tpu.memory_space<vmem>>, vector<16xf32>,
        %mul3A_388 = arith.mulf %get3A_387, %gather3A_377 : vector<16xf32>
        %swap3A_389 = arith.index_cast %add3A_375 : i32 to index
        %swap3A_390 = arith.constant 16 : index
        %swap3A_391 = tpu.vector_load %arg31[%swap3A_389, %swap3A_390] {strides = array<i32>} : memref<64x128xf32, #tpu.memory_space<vmem>>, vector<16xf32>,
        tpu.vector_store %arg31[%swap3A_389, %swap3A_390], %mul3A_388 {strides = array<i32>} : memref<64x128xf32, #tpu.memory_space<vmem>>, vector<16xf32>,
        %get3A_392 = arith.index_cast %add3A_375 : i32 to index
        %get3A_393 = arith.constant 32 : index
        %get3A_394 = tpu.vector_load %arg31[%get3A_392, %get3A_393] {strides = array<i32>} : memref<64x128xf32, #tpu.memory_space<vmem>>, vector<16xf32>,
        %mul3A_395 = arith.mulf %get3A_394, %gather3A_377 : vector<16xf32>
        %swap3A_396 = arith.index_cast %add3A_375 : i32 to index
        %swap3A_397 = arith.constant 32 : index
        %swap3A_398 = tpu.vector_load %arg31[%swap3A_396, %swap3A_397] {strides = array<i32>} : memref<64x128xf32, #tpu.memory_space<vmem>>, vector<16xf32>,
        tpu.vector_store %arg31[%swap3A_396, %swap3A_397], %mul3A_395 {strides = array<i32>} : memref<64x128xf32, #tpu.memory_space<vmem>>, vector<16xf32>,
        %get3A_399 = arith.index_cast %add3A_375 : i32 to index
        %get3A_400 = arith.constant 48 : index
        %get3A_401 = tpu.vector_load %arg31[%get3A_399, %get3A_400] {strides = array<i32>} : memref<64x128xf32, #tpu.memory_space<vmem>>, vector<16xf32>,
        %mul3A_402 = arith.mulf %get3A_401, %gather3A_377 : vector<16xf32>
        %swap3A_403 = arith.index_cast %add3A_375 : i32 to index
        %swap3A_404 = arith.constant 48 : index
        %swap3A_405 = tpu.vector_load %arg31[%swap3A_403, %swap3A_404] {strides = array<i32>} : memref<64x128xf32, #tpu.memory_space<vmem>>, vector<16xf32>,
        tpu.vector_store %arg31[%swap3A_403, %swap3A_404], %mul3A_402 {strides = array<i32>} : memref<64x128xf32, #tpu.memory_space<vmem>>, vector<16xf32>,
        %get3A_406 = arith.index_cast %add3A_375 : i32 to index
        %get3A_407 = arith.constant 64 : index
        %get3A_408 = tpu.vector_load %arg31[%get3A_406, %get3A_407] {strides = array<i32>} : memref<64x128xf32, #tpu.memory_space<vmem>>, vector<16xf32>,
        %mul3A_409 = arith.mulf %get3A_408, %gather3A_377 : vector<16xf32>
        %swap3A_410 = arith.index_cast %add3A_375 : i32 to index
        %swap3A_411 = arith.constant 64 : index
        %swap3A_412 = tpu.vector_load %arg31[%swap3A_410, %swap3A_411] {strides = array<i32>} : memref<64x128xf32, #tpu.memory_space<vmem>>, vector<16xf32>,
        tpu.vector_store %arg31[%swap3A_410, %swap3A_411], %mul3A_409 {strides = array<i32>} : memref<64x128xf32, #tpu.memory_space<vmem>>, vector<16xf32>,
        %get3A_413 = arith.index_cast %add3A_375 : i32 to index
        %get3A_414 = arith.constant 80 : index
        %get3A_415 = tpu.vector_load %arg31[%get3A_413, %get3A_414] {strides = array<i32>} : memref<64x128xf32, #tpu.memory_space<vmem>>, vector<16xf32>,
        %mul3A_416 = arith.mulf %get3A_415, %gather3A_377 : vector<16xf32>
        %swap3A_417 = arith.index_cast %add3A_375 : i32 to index
        %swap3A_418 = arith.constant 80 : index
        %swap3A_419 = tpu.vector_load %arg31[%swap3A_417, %swap3A_418] {strides = array<i32>} : memref<64x128xf32, #tpu.memory_space<vmem>>, vector<16xf32>,
        tpu.vector_store %arg31[%swap3A_417, %swap3A_418], %mul3A_416 {strides = array<i32>} : memref<64x128xf32, #tpu.memory_space<vmem>>, vector<16xf32>,
        %get3A_420 = arith.index_cast %add3A_375 : i32 to index
        %get3A_421 = arith.constant 96 : index
        %get3A_422 = tpu.vector_load %arg31[%get3A_420, %get3A_421] {strides = array<i32>} : memref<64x128xf32, #tpu.memory_space<vmem>>, vector<16xf32>,
        %mul3A_423 = arith.mulf %get3A_422, %gather3A_377 : vector<16xf32>
        %swap3A_424 = arith.index_cast %add3A_375 : i32 to index
        %swap3A_425 = arith.constant 96 : index
        %swap3A_426 = tpu.vector_load %arg31[%swap3A_424, %swap3A_425] {strides = array<i32>} : memref<64x128xf32, #tpu.memory_space<vmem>>, vector<16xf32>,
        tpu.vector_store %arg31[%swap3A_424, %swap3A_425], %mul3A_423 {strides = array<i32>} : memref<64x128xf32, #tpu.memory_space<vmem>>, vector<16xf32>,
        %get3A_427 = arith.index_cast %add3A_375 : i32 to index
        %get3A_428 = arith.constant 112 : index
        %get3A_429 = tpu.vector_load %arg31[%get3A_427, %get3A_428] {strides = array<i32>} : memref<64x128xf32, #tpu.memory_space<vmem>>, vector<16xf32>,
        %mul3A_430 = arith.mulf %get3A_429, %gather3A_377 : vector<16xf32>
        %swap3A_431 = arith.index_cast %add3A_375 : i32 to index
        %swap3A_432 = arith.constant 112 : index
        %swap3A_433 = tpu.vector_load %arg31[%swap3A_431, %swap3A_432] {strides = array<i32>} : memref<64x128xf32, #tpu.memory_space<vmem>>, vector<16xf32>,
        tpu.vector_store %arg31[%swap3A_431, %swap3A_432], %mul3A_430 {strides = array<i32>} : memref<64x128xf32, #tpu.memory_space<vmem>>, vector<16xf32>,
      }
      %scan3A_232 = arith.constant 64 : i32
      %dma_start3A_233 = arith.constant 0 : i32
      %dma_start3A_234 = arith.constant 0 : i32
      %dma_start3A_235 = tpu.memref_slice %arg51[%dma_start3A_233, %dma_start3A_234] : memref<10240x128xf32, #tpu.memory_space<vmem_shared>> -> memref<10240x128xf32, #tpu.memory_space<vmem_shared>>
      tpu.enqueue_indirect_dma source(%arg31 : memref<64x128xf32, #tpu.memory_space<vmem>>) target(%dma_start3A_235 : memref<10240x128xf32, #tpu.memory_space<vmem_shared>>) offsets(%arg19 : memref<64xi32, #tpu.memory_space<vmem>>) semaphore(%arg47 : memref<!tpu.dma_semaphore, #tpu.memory_space<semaphore_mem>>) {add = true}
      %add3A_236 = arith.constant 5 : i32
      %add3A_237 = arith.addi %add3A_113, %add3A_236 : i32
      %dma_wait3A_238 = arith.constant 0 : i32
      %dma_wait3A_239 = arith.constant 0 : i32
      %dma_wait3A_240 = tpu.memref_slice %arg5[%dma_wait3A_238, %dma_wait3A_239] : memref<10240x128xf32, #tpu.memory_space<hbm>> -> memref<10240x128xf32, #tpu.memory_space<hbm>>
      tpu.wait_indirect_dma semaphore(%arg44 : memref<!tpu.dma_semaphore, #tpu.memory_space<semaphore_mem>>) src(%dma_wait3A_240 : memref<10240x128xf32, #tpu.memory_space<hbm>>) dst(%arg32 : memref<64x128xf32, #tpu.memory_space<vmem>>)
      %add3A_241 = arith.constant 2 : i32
      %add3A_242 = arith.addi %add3A_237, %add3A_241 : i32
      %lt3A_243 = arith.cmpi slt, %add3A_242, %select_n3A : i32
      %convert_element_type3A_244 = arith.extui %lt3A_243 : i1 to i32
      %cond3A_245 = arith.constant 0 : i32
      %cond3A_246 = arith.cmpi ne, %convert_element_type3A_244, %cond3A_245 : i32
      scf.if %cond3A_246 {
        %ge3A = arith.constant 2 : i32
        %ge3A_311 = arith.cmpi sge, %add3A_237, %ge3A : i32
        %convert_element_type3A_312 = arith.extui %ge3A_311 : i1 to i32
        %cond3A_313 = arith.constant 0 : i32
        %cond3A_314 = arith.cmpi ne, %convert_element_type3A_312, %cond3A_313 : i32
        scf.if %cond3A_314 {
          %dma_wait3A_330 = arith.constant 0 : i32
          %dma_wait3A_331 = arith.constant 0 : i32
          %dma_wait3A_332 = tpu.memref_slice %arg51[%dma_wait3A_330, %dma_wait3A_331] : memref<10240x128xf32, #tpu.memory_space<vmem_shared>> -> memref<10240x128xf32, #tpu.memory_space<vmem_shared>>
          tpu.wait_indirect_dma semaphore(%arg50 : memref<!tpu.dma_semaphore, #tpu.memory_space<semaphore_mem>>) src(%arg34 : memref<64x128xf32, #tpu.memory_space<vmem>>) dst(%dma_wait3A_332 : memref<10240x128xf32, #tpu.memory_space<vmem_shared>>)
        } else {
        }
        %dma_wait3A_315 = arith.constant 0 : i32
        %dma_wait3A_316 = tpu.memref_slice %arg2[%dma_wait3A_315] : memref<327680xi32, #tpu.memory_space<hbm>> -> memref<64xi32, #tpu.memory_space<hbm>>
        %dma_wait3A_317 = arith.constant 0 : i32
        %dma_wait3A_318 = tpu.memref_slice %arg2[%dma_wait3A_317] : memref<327680xi32, #tpu.memory_space<hbm>> -> memref<64xi32, #tpu.memory_space<hbm>>
        tpu.wait_dma2 semaphore(%arg42 : memref<!tpu.dma_semaphore, #tpu.memory_space<semaphore_mem>>) src(%dma_wait3A_318 : memref<64xi32, #tpu.memory_space<hbm>>) dst(%arg14 : memref<64xi32, #tpu.memory_space<vmem>>)
        %dma_wait3A_319 = arith.constant 0 : i32
        %dma_wait3A_320 = tpu.memref_slice %arg3[%dma_wait3A_319] : memref<327680xi32, #tpu.memory_space<hbm>> -> memref<64xi32, #tpu.memory_space<hbm>>
        %dma_wait3A_321 = arith.constant 0 : i32
        %dma_wait3A_322 = tpu.memref_slice %arg3[%dma_wait3A_321] : memref<327680xi32, #tpu.memory_space<hbm>> -> memref<64xi32, #tpu.memory_space<hbm>>
        tpu.wait_dma2 semaphore(%arg42 : memref<!tpu.dma_semaphore, #tpu.memory_space<semaphore_mem>>) src(%dma_wait3A_322 : memref<64xi32, #tpu.memory_space<hbm>>) dst(%arg22 : memref<64xi32, #tpu.memory_space<vmem>>)
        %dma_wait3A_323 = arith.constant 0 : i32
        %dma_wait3A_324 = tpu.memref_slice %arg4[%dma_wait3A_323] : memref<327680xf32, #tpu.memory_space<hbm>> -> memref<64xf32, #tpu.memory_space<hbm>>
        %dma_wait3A_325 = arith.constant 0 : i32
        %dma_wait3A_326 = tpu.memref_slice %arg4[%dma_wait3A_325] : memref<327680xf32, #tpu.memory_space<hbm>> -> memref<64xf32, #tpu.memory_space<hbm>>
        tpu.wait_dma2 semaphore(%arg42 : memref<!tpu.dma_semaphore, #tpu.memory_space<semaphore_mem>>) src(%dma_wait3A_326 : memref<64xf32, #tpu.memory_space<hbm>>) dst(%arg30 : memref<64xf32, #tpu.memory_space<vmem>>)
        %dma_start3A_327 = arith.constant 0 : i32
        %dma_start3A_328 = arith.constant 0 : i32
        %dma_start3A_329 = tpu.memref_slice %arg5[%dma_start3A_327, %dma_start3A_328] : memref<10240x128xf32, #tpu.memory_space<hbm>> -> memref<10240x128xf32, #tpu.memory_space<hbm>>
        tpu.enqueue_indirect_dma source(%dma_start3A_329 : memref<10240x128xf32, #tpu.memory_space<hbm>>) target(%arg34 : memref<64x128xf32, #tpu.memory_space<vmem>>) offsets(%arg14 : memref<64xi32, #tpu.memory_space<vmem>>) semaphore(%arg46 : memref<!tpu.dma_semaphore, #tpu.memory_space<semaphore_mem>>)
      } else {
      }
      %add3A_247 = arith.constant 4 : i32
      %add3A_248 = arith.addi %add3A_237, %add3A_247 : i32
      %lt3A_249 = arith.cmpi slt, %add3A_248, %select_n3A : i32
      %convert_element_type3A_250 = arith.extui %lt3A_249 : i1 to i32
      %cond3A_251 = arith.constant 0 : i32
      %cond3A_252 = arith.cmpi ne, %convert_element_type3A_250, %cond3A_251 : i32
      scf.if %cond3A_252 {
        %add3A_311 = arith.constant 4 : i32
        %add3A_312 = arith.addi %add3A_237, %add3A_311 : i32
        %mul3A_313 = arith.constant 64 : i32
        %mul3A_314 = arith.muli %add3A_312, %mul3A_313 : i32
        %add3A_315 = arith.addi %select_n3A_8, %mul3A_314 : i32
        %dma_start3A_316 = tpu.memref_slice %arg2[%add3A_315] : memref<327680xi32, #tpu.memory_space<hbm>> -> memref<64xi32, #tpu.memory_space<hbm>>
        %dma_start3A_317 = tpu.memref_slice %arg2[%add3A_315] : memref<327680xi32, #tpu.memory_space<hbm>> -> memref<64xi32, #tpu.memory_space<hbm>>
        tpu.enqueue_dma source(%dma_start3A_317 : memref<64xi32, #tpu.memory_space<hbm>>) target(%arg8 : memref<64xi32, #tpu.memory_space<vmem>>) target_semaphore(%arg36 : memref<!tpu.dma_semaphore, #tpu.memory_space<semaphore_mem>>)
        %dma_start3A_318 = tpu.memref_slice %arg3[%add3A_315] : memref<327680xi32, #tpu.memory_space<hbm>> -> memref<64xi32, #tpu.memory_space<hbm>>
        %dma_start3A_319 = tpu.memref_slice %arg3[%add3A_315] : memref<327680xi32, #tpu.memory_space<hbm>> -> memref<64xi32, #tpu.memory_space<hbm>>
        tpu.enqueue_dma source(%dma_start3A_319 : memref<64xi32, #tpu.memory_space<hbm>>) target(%arg16 : memref<64xi32, #tpu.memory_space<vmem>>) target_semaphore(%arg36 : memref<!tpu.dma_semaphore, #tpu.memory_space<semaphore_mem>>)
        %dma_start3A_320 = tpu.memref_slice %arg4[%add3A_315] : memref<327680xf32, #tpu.memory_space<hbm>> -> memref<64xf32, #tpu.memory_space<hbm>>
        %dma_start3A_321 = tpu.memref_slice %arg4[%add3A_315] : memref<327680xf32, #tpu.memory_space<hbm>> -> memref<64xf32, #tpu.memory_space<hbm>>
        tpu.enqueue_dma source(%dma_start3A_321 : memref<64xf32, #tpu.memory_space<hbm>>) target(%arg24 : memref<64xf32, #tpu.memory_space<vmem>>) target_semaphore(%arg36 : memref<!tpu.dma_semaphore, #tpu.memory_space<semaphore_mem>>)
      } else {
      }
      %scan3A_253 = arith.constant 0 : i32
      %scan3A_254 = arith.constant 64 : i32
      %scan3A_255 = arith.addi %scan3A_253, %scan3A_254 : i32
      %scan3A_256 = arith.constant 2 : i32
      scf.for %scan3A_311 = %scan3A_253 to %scan3A_255 step %scan3A_256  : i32 {
        %mul3A_312 = arith.constant 1 : i32
        %mul3A_313 = arith.muli %scan3A_311, %mul3A_312 : i32
        %add3A_314 = arith.constant 0 : i32
        %add3A_315 = arith.addi %add3A_314, %mul3A_313 : i32
        %broadcast_in_dim3A = vector.broadcast %add3A_315 : i32 to vector<16xi32>
        %gather3A = tpu.vector_load_idx %arg28[%broadcast_in_dim3A] : memref<64xf32, #tpu.memory_space<vmem>>[vector<16xi32>], vector<16xf32>,
        %get3A = arith.index_cast %add3A_315 : i32 to index
        %get3A_316 = arith.constant 0 : index
        %get3A_317 = tpu.vector_load %arg32[%get3A, %get3A_316] {strides = array<i32>} : memref<64x128xf32, #tpu.memory_space<vmem>>, vector<16xf32>,
        %mul3A_318 = arith.mulf %get3A_317, %gather3A : vector<16xf32>
        %swap3A = arith.index_cast %add3A_315 : i32 to index
        %swap3A_319 = arith.constant 0 : index
        %swap3A_320 = tpu.vector_load %arg32[%swap3A, %swap3A_319] {strides = array<i32>} : memref<64x128xf32, #tpu.memory_space<vmem>>, vector<16xf32>,
        tpu.vector_store %arg32[%swap3A, %swap3A_319], %mul3A_318 {strides = array<i32>} : memref<64x128xf32, #tpu.memory_space<vmem>>, vector<16xf32>,
        %get3A_321 = arith.index_cast %add3A_315 : i32 to index
        %get3A_322 = arith.constant 16 : index
        %get3A_323 = tpu.vector_load %arg32[%get3A_321, %get3A_322] {strides = array<i32>} : memref<64x128xf32, #tpu.memory_space<vmem>>, vector<16xf32>,
        %mul3A_324 = arith.mulf %get3A_323, %gather3A : vector<16xf32>
        %swap3A_325 = arith.index_cast %add3A_315 : i32 to index
        %swap3A_326 = arith.constant 16 : index
        %swap3A_327 = tpu.vector_load %arg32[%swap3A_325, %swap3A_326] {strides = array<i32>} : memref<64x128xf32, #tpu.memory_space<vmem>>, vector<16xf32>,
        tpu.vector_store %arg32[%swap3A_325, %swap3A_326], %mul3A_324 {strides = array<i32>} : memref<64x128xf32, #tpu.memory_space<vmem>>, vector<16xf32>,
        %get3A_328 = arith.index_cast %add3A_315 : i32 to index
        %get3A_329 = arith.constant 32 : index
        %get3A_330 = tpu.vector_load %arg32[%get3A_328, %get3A_329] {strides = array<i32>} : memref<64x128xf32, #tpu.memory_space<vmem>>, vector<16xf32>,
        %mul3A_331 = arith.mulf %get3A_330, %gather3A : vector<16xf32>
        %swap3A_332 = arith.index_cast %add3A_315 : i32 to index
        %swap3A_333 = arith.constant 32 : index
        %swap3A_334 = tpu.vector_load %arg32[%swap3A_332, %swap3A_333] {strides = array<i32>} : memref<64x128xf32, #tpu.memory_space<vmem>>, vector<16xf32>,
        tpu.vector_store %arg32[%swap3A_332, %swap3A_333], %mul3A_331 {strides = array<i32>} : memref<64x128xf32, #tpu.memory_space<vmem>>, vector<16xf32>,
        %get3A_335 = arith.index_cast %add3A_315 : i32 to index
        %get3A_336 = arith.constant 48 : index
        %get3A_337 = tpu.vector_load %arg32[%get3A_335, %get3A_336] {strides = array<i32>} : memref<64x128xf32, #tpu.memory_space<vmem>>, vector<16xf32>,
        %mul3A_338 = arith.mulf %get3A_337, %gather3A : vector<16xf32>
        %swap3A_339 = arith.index_cast %add3A_315 : i32 to index
        %swap3A_340 = arith.constant 48 : index
        %swap3A_341 = tpu.vector_load %arg32[%swap3A_339, %swap3A_340] {strides = array<i32>} : memref<64x128xf32, #tpu.memory_space<vmem>>, vector<16xf32>,
        tpu.vector_store %arg32[%swap3A_339, %swap3A_340], %mul3A_338 {strides = array<i32>} : memref<64x128xf32, #tpu.memory_space<vmem>>, vector<16xf32>,
        %get3A_342 = arith.index_cast %add3A_315 : i32 to index
        %get3A_343 = arith.constant 64 : index
        %get3A_344 = tpu.vector_load %arg32[%get3A_342, %get3A_343] {strides = array<i32>} : memref<64x128xf32, #tpu.memory_space<vmem>>, vector<16xf32>,
        %mul3A_345 = arith.mulf %get3A_344, %gather3A : vector<16xf32>
        %swap3A_346 = arith.index_cast %add3A_315 : i32 to index
        %swap3A_347 = arith.constant 64 : index
        %swap3A_348 = tpu.vector_load %arg32[%swap3A_346, %swap3A_347] {strides = array<i32>} : memref<64x128xf32, #tpu.memory_space<vmem>>, vector<16xf32>,
        tpu.vector_store %arg32[%swap3A_346, %swap3A_347], %mul3A_345 {strides = array<i32>} : memref<64x128xf32, #tpu.memory_space<vmem>>, vector<16xf32>,
        %get3A_349 = arith.index_cast %add3A_315 : i32 to index
        %get3A_350 = arith.constant 80 : index
        %get3A_351 = tpu.vector_load %arg32[%get3A_349, %get3A_350] {strides = array<i32>} : memref<64x128xf32, #tpu.memory_space<vmem>>, vector<16xf32>,
        %mul3A_352 = arith.mulf %get3A_351, %gather3A : vector<16xf32>
        %swap3A_353 = arith.index_cast %add3A_315 : i32 to index
        %swap3A_354 = arith.constant 80 : index
        %swap3A_355 = tpu.vector_load %arg32[%swap3A_353, %swap3A_354] {strides = array<i32>} : memref<64x128xf32, #tpu.memory_space<vmem>>, vector<16xf32>,
        tpu.vector_store %arg32[%swap3A_353, %swap3A_354], %mul3A_352 {strides = array<i32>} : memref<64x128xf32, #tpu.memory_space<vmem>>, vector<16xf32>,
        %get3A_356 = arith.index_cast %add3A_315 : i32 to index
        %get3A_357 = arith.constant 96 : index
        %get3A_358 = tpu.vector_load %arg32[%get3A_356, %get3A_357] {strides = array<i32>} : memref<64x128xf32, #tpu.memory_space<vmem>>, vector<16xf32>,
        %mul3A_359 = arith.mulf %get3A_358, %gather3A : vector<16xf32>
        %swap3A_360 = arith.index_cast %add3A_315 : i32 to index
        %swap3A_361 = arith.constant 96 : index
        %swap3A_362 = tpu.vector_load %arg32[%swap3A_360, %swap3A_361] {strides = array<i32>} : memref<64x128xf32, #tpu.memory_space<vmem>>, vector<16xf32>,
        tpu.vector_store %arg32[%swap3A_360, %swap3A_361], %mul3A_359 {strides = array<i32>} : memref<64x128xf32, #tpu.memory_space<vmem>>, vector<16xf32>,
        %get3A_363 = arith.index_cast %add3A_315 : i32 to index
        %get3A_364 = arith.constant 112 : index
        %get3A_365 = tpu.vector_load %arg32[%get3A_363, %get3A_364] {strides = array<i32>} : memref<64x128xf32, #tpu.memory_space<vmem>>, vector<16xf32>,
        %mul3A_366 = arith.mulf %get3A_365, %gather3A : vector<16xf32>
        %swap3A_367 = arith.index_cast %add3A_315 : i32 to index
        %swap3A_368 = arith.constant 112 : index
        %swap3A_369 = tpu.vector_load %arg32[%swap3A_367, %swap3A_368] {strides = array<i32>} : memref<64x128xf32, #tpu.memory_space<vmem>>, vector<16xf32>,
        tpu.vector_store %arg32[%swap3A_367, %swap3A_368], %mul3A_366 {strides = array<i32>} : memref<64x128xf32, #tpu.memory_space<vmem>>, vector<16xf32>,
        %scan3A_370 = arith.constant 1 : i32
        %scan3A_371 = arith.addi %scan3A_311, %scan3A_370 : i32
        %mul3A_372 = arith.constant 1 : i32
        %mul3A_373 = arith.muli %scan3A_371, %mul3A_372 : i32
        %add3A_374 = arith.constant 0 : i32
        %add3A_375 = arith.addi %add3A_374, %mul3A_373 : i32
        %broadcast_in_dim3A_376 = vector.broadcast %add3A_375 : i32 to vector<16xi32>
        %gather3A_377 = tpu.vector_load_idx %arg28[%broadcast_in_dim3A_376] : memref<64xf32, #tpu.memory_space<vmem>>[vector<16xi32>], vector<16xf32>,
        %get3A_378 = arith.index_cast %add3A_375 : i32 to index
        %get3A_379 = arith.constant 0 : index
        %get3A_380 = tpu.vector_load %arg32[%get3A_378, %get3A_379] {strides = array<i32>} : memref<64x128xf32, #tpu.memory_space<vmem>>, vector<16xf32>,
        %mul3A_381 = arith.mulf %get3A_380, %gather3A_377 : vector<16xf32>
        %swap3A_382 = arith.index_cast %add3A_375 : i32 to index
        %swap3A_383 = arith.constant 0 : index
        %swap3A_384 = tpu.vector_load %arg32[%swap3A_382, %swap3A_383] {strides = array<i32>} : memref<64x128xf32, #tpu.memory_space<vmem>>, vector<16xf32>,
        tpu.vector_store %arg32[%swap3A_382, %swap3A_383], %mul3A_381 {strides = array<i32>} : memref<64x128xf32, #tpu.memory_space<vmem>>, vector<16xf32>,
        %get3A_385 = arith.index_cast %add3A_375 : i32 to index
        %get3A_386 = arith.constant 16 : index
        %get3A_387 = tpu.vector_load %arg32[%get3A_385, %get3A_386] {strides = array<i32>} : memref<64x128xf32, #tpu.memory_space<vmem>>, vector<16xf32>,
        %mul3A_388 = arith.mulf %get3A_387, %gather3A_377 : vector<16xf32>
        %swap3A_389 = arith.index_cast %add3A_375 : i32 to index
        %swap3A_390 = arith.constant 16 : index
        %swap3A_391 = tpu.vector_load %arg32[%swap3A_389, %swap3A_390] {strides = array<i32>} : memref<64x128xf32, #tpu.memory_space<vmem>>, vector<16xf32>,
        tpu.vector_store %arg32[%swap3A_389, %swap3A_390], %mul3A_388 {strides = array<i32>} : memref<64x128xf32, #tpu.memory_space<vmem>>, vector<16xf32>,
        %get3A_392 = arith.index_cast %add3A_375 : i32 to index
        %get3A_393 = arith.constant 32 : index
        %get3A_394 = tpu.vector_load %arg32[%get3A_392, %get3A_393] {strides = array<i32>} : memref<64x128xf32, #tpu.memory_space<vmem>>, vector<16xf32>,
        %mul3A_395 = arith.mulf %get3A_394, %gather3A_377 : vector<16xf32>
        %swap3A_396 = arith.index_cast %add3A_375 : i32 to index
        %swap3A_397 = arith.constant 32 : index
        %swap3A_398 = tpu.vector_load %arg32[%swap3A_396, %swap3A_397] {strides = array<i32>} : memref<64x128xf32, #tpu.memory_space<vmem>>, vector<16xf32>,
        tpu.vector_store %arg32[%swap3A_396, %swap3A_397], %mul3A_395 {strides = array<i32>} : memref<64x128xf32, #tpu.memory_space<vmem>>, vector<16xf32>,
        %get3A_399 = arith.index_cast %add3A_375 : i32 to index
        %get3A_400 = arith.constant 48 : index
        %get3A_401 = tpu.vector_load %arg32[%get3A_399, %get3A_400] {strides = array<i32>} : memref<64x128xf32, #tpu.memory_space<vmem>>, vector<16xf32>,
        %mul3A_402 = arith.mulf %get3A_401, %gather3A_377 : vector<16xf32>
        %swap3A_403 = arith.index_cast %add3A_375 : i32 to index
        %swap3A_404 = arith.constant 48 : index
        %swap3A_405 = tpu.vector_load %arg32[%swap3A_403, %swap3A_404] {strides = array<i32>} : memref<64x128xf32, #tpu.memory_space<vmem>>, vector<16xf32>,
        tpu.vector_store %arg32[%swap3A_403, %swap3A_404], %mul3A_402 {strides = array<i32>} : memref<64x128xf32, #tpu.memory_space<vmem>>, vector<16xf32>,
        %get3A_406 = arith.index_cast %add3A_375 : i32 to index
        %get3A_407 = arith.constant 64 : index
        %get3A_408 = tpu.vector_load %arg32[%get3A_406, %get3A_407] {strides = array<i32>} : memref<64x128xf32, #tpu.memory_space<vmem>>, vector<16xf32>,
        %mul3A_409 = arith.mulf %get3A_408, %gather3A_377 : vector<16xf32>
        %swap3A_410 = arith.index_cast %add3A_375 : i32 to index
        %swap3A_411 = arith.constant 64 : index
        %swap3A_412 = tpu.vector_load %arg32[%swap3A_410, %swap3A_411] {strides = array<i32>} : memref<64x128xf32, #tpu.memory_space<vmem>>, vector<16xf32>,
        tpu.vector_store %arg32[%swap3A_410, %swap3A_411], %mul3A_409 {strides = array<i32>} : memref<64x128xf32, #tpu.memory_space<vmem>>, vector<16xf32>,
        %get3A_413 = arith.index_cast %add3A_375 : i32 to index
        %get3A_414 = arith.constant 80 : index
        %get3A_415 = tpu.vector_load %arg32[%get3A_413, %get3A_414] {strides = array<i32>} : memref<64x128xf32, #tpu.memory_space<vmem>>, vector<16xf32>,
        %mul3A_416 = arith.mulf %get3A_415, %gather3A_377 : vector<16xf32>
        %swap3A_417 = arith.index_cast %add3A_375 : i32 to index
        %swap3A_418 = arith.constant 80 : index
        %swap3A_419 = tpu.vector_load %arg32[%swap3A_417, %swap3A_418] {strides = array<i32>} : memref<64x128xf32, #tpu.memory_space<vmem>>, vector<16xf32>,
        tpu.vector_store %arg32[%swap3A_417, %swap3A_418], %mul3A_416 {strides = array<i32>} : memref<64x128xf32, #tpu.memory_space<vmem>>, vector<16xf32>,
        %get3A_420 = arith.index_cast %add3A_375 : i32 to index
        %get3A_421 = arith.constant 96 : index
        %get3A_422 = tpu.vector_load %arg32[%get3A_420, %get3A_421] {strides = array<i32>} : memref<64x128xf32, #tpu.memory_space<vmem>>, vector<16xf32>,
        %mul3A_423 = arith.mulf %get3A_422, %gather3A_377 : vector<16xf32>
        %swap3A_424 = arith.index_cast %add3A_375 : i32 to index
        %swap3A_425 = arith.constant 96 : index
        %swap3A_426 = tpu.vector_load %arg32[%swap3A_424, %swap3A_425] {strides = array<i32>} : memref<64x128xf32, #tpu.memory_space<vmem>>, vector<16xf32>,
        tpu.vector_store %arg32[%swap3A_424, %swap3A_425], %mul3A_423 {strides = array<i32>} : memref<64x128xf32, #tpu.memory_space<vmem>>, vector<16xf32>,
        %get3A_427 = arith.index_cast %add3A_375 : i32 to index
        %get3A_428 = arith.constant 112 : index
        %get3A_429 = tpu.vector_load %arg32[%get3A_427, %get3A_428] {strides = array<i32>} : memref<64x128xf32, #tpu.memory_space<vmem>>, vector<16xf32>,
        %mul3A_430 = arith.mulf %get3A_429, %gather3A_377 : vector<16xf32>
        %swap3A_431 = arith.index_cast %add3A_375 : i32 to index
        %swap3A_432 = arith.constant 112 : index
        %swap3A_433 = tpu.vector_load %arg32[%swap3A_431, %swap3A_432] {strides = array<i32>} : memref<64x128xf32, #tpu.memory_space<vmem>>, vector<16xf32>,
        tpu.vector_store %arg32[%swap3A_431, %swap3A_432], %mul3A_430 {strides = array<i32>} : memref<64x128xf32, #tpu.memory_space<vmem>>, vector<16xf32>,
      }
      %scan3A_257 = arith.constant 64 : i32
      %dma_start3A_258 = arith.constant 0 : i32
      %dma_start3A_259 = arith.constant 0 : i32
      %dma_start3A_260 = tpu.memref_slice %arg51[%dma_start3A_258, %dma_start3A_259] : memref<10240x128xf32, #tpu.memory_space<vmem_shared>> -> memref<10240x128xf32, #tpu.memory_space<vmem_shared>>
      tpu.enqueue_indirect_dma source(%arg32 : memref<64x128xf32, #tpu.memory_space<vmem>>) target(%dma_start3A_260 : memref<10240x128xf32, #tpu.memory_space<vmem_shared>>) offsets(%arg20 : memref<64xi32, #tpu.memory_space<vmem>>) semaphore(%arg48 : memref<!tpu.dma_semaphore, #tpu.memory_space<semaphore_mem>>) {add = true}
      %add3A_261 = arith.constant 6 : i32
      %add3A_262 = arith.addi %add3A_113, %add3A_261 : i32
      %dma_wait3A_263 = arith.constant 0 : i32
      %dma_wait3A_264 = arith.constant 0 : i32
      %dma_wait3A_265 = tpu.memref_slice %arg5[%dma_wait3A_263, %dma_wait3A_264] : memref<10240x128xf32, #tpu.memory_space<hbm>> -> memref<10240x128xf32, #tpu.memory_space<hbm>>
      tpu.wait_indirect_dma semaphore(%arg45 : memref<!tpu.dma_semaphore, #tpu.memory_space<semaphore_mem>>) src(%dma_wait3A_265 : memref<10240x128xf32, #tpu.memory_space<hbm>>) dst(%arg33 : memref<64x128xf32, #tpu.memory_space<vmem>>)
      %add3A_266 = arith.constant 2 : i32
      %add3A_267 = arith.addi %add3A_262, %add3A_266 : i32
      %lt3A_268 = arith.cmpi slt, %add3A_267, %select_n3A : i32
      %convert_element_type3A_269 = arith.extui %lt3A_268 : i1 to i32
      %cond3A_270 = arith.constant 0 : i32
      %cond3A_271 = arith.cmpi ne, %convert_element_type3A_269, %cond3A_270 : i32
      scf.if %cond3A_271 {
        %ge3A = arith.constant 2 : i32
        %ge3A_311 = arith.cmpi sge, %add3A_262, %ge3A : i32
        %convert_element_type3A_312 = arith.extui %ge3A_311 : i1 to i32
        %cond3A_313 = arith.constant 0 : i32
        %cond3A_314 = arith.cmpi ne, %convert_element_type3A_312, %cond3A_313 : i32
        scf.if %cond3A_314 {
          %dma_wait3A_330 = arith.constant 0 : i32
          %dma_wait3A_331 = arith.constant 0 : i32
          %dma_wait3A_332 = tpu.memref_slice %arg51[%dma_wait3A_330, %dma_wait3A_331] : memref<10240x128xf32, #tpu.memory_space<vmem_shared>> -> memref<10240x128xf32, #tpu.memory_space<vmem_shared>>
          tpu.wait_indirect_dma semaphore(%arg47 : memref<!tpu.dma_semaphore, #tpu.memory_space<semaphore_mem>>) src(%arg31 : memref<64x128xf32, #tpu.memory_space<vmem>>) dst(%dma_wait3A_332 : memref<10240x128xf32, #tpu.memory_space<vmem_shared>>)
        } else {
        }
        %dma_wait3A_315 = arith.constant 0 : i32
        %dma_wait3A_316 = tpu.memref_slice %arg2[%dma_wait3A_315] : memref<327680xi32, #tpu.memory_space<hbm>> -> memref<64xi32, #tpu.memory_space<hbm>>
        %dma_wait3A_317 = arith.constant 0 : i32
        %dma_wait3A_318 = tpu.memref_slice %arg2[%dma_wait3A_317] : memref<327680xi32, #tpu.memory_space<hbm>> -> memref<64xi32, #tpu.memory_space<hbm>>
        tpu.wait_dma2 semaphore(%arg35 : memref<!tpu.dma_semaphore, #tpu.memory_space<semaphore_mem>>) src(%dma_wait3A_318 : memref<64xi32, #tpu.memory_space<hbm>>) dst(%arg7 : memref<64xi32, #tpu.memory_space<vmem>>)
        %dma_wait3A_319 = arith.constant 0 : i32
        %dma_wait3A_320 = tpu.memref_slice %arg3[%dma_wait3A_319] : memref<327680xi32, #tpu.memory_space<hbm>> -> memref<64xi32, #tpu.memory_space<hbm>>
        %dma_wait3A_321 = arith.constant 0 : i32
        %dma_wait3A_322 = tpu.memref_slice %arg3[%dma_wait3A_321] : memref<327680xi32, #tpu.memory_space<hbm>> -> memref<64xi32, #tpu.memory_space<hbm>>
        tpu.wait_dma2 semaphore(%arg35 : memref<!tpu.dma_semaphore, #tpu.memory_space<semaphore_mem>>) src(%dma_wait3A_322 : memref<64xi32, #tpu.memory_space<hbm>>) dst(%arg15 : memref<64xi32, #tpu.memory_space<vmem>>)
        %dma_wait3A_323 = arith.constant 0 : i32
        %dma_wait3A_324 = tpu.memref_slice %arg4[%dma_wait3A_323] : memref<327680xf32, #tpu.memory_space<hbm>> -> memref<64xf32, #tpu.memory_space<hbm>>
        %dma_wait3A_325 = arith.constant 0 : i32
        %dma_wait3A_326 = tpu.memref_slice %arg4[%dma_wait3A_325] : memref<327680xf32, #tpu.memory_space<hbm>> -> memref<64xf32, #tpu.memory_space<hbm>>
        tpu.wait_dma2 semaphore(%arg35 : memref<!tpu.dma_semaphore, #tpu.memory_space<semaphore_mem>>) src(%dma_wait3A_326 : memref<64xf32, #tpu.memory_space<hbm>>) dst(%arg23 : memref<64xf32, #tpu.memory_space<vmem>>)
        %dma_start3A_327 = arith.constant 0 : i32
        %dma_start3A_328 = arith.constant 0 : i32
        %dma_start3A_329 = tpu.memref_slice %arg5[%dma_start3A_327, %dma_start3A_328] : memref<10240x128xf32, #tpu.memory_space<hbm>> -> memref<10240x128xf32, #tpu.memory_space<hbm>>
        tpu.enqueue_indirect_dma source(%dma_start3A_329 : memref<10240x128xf32, #tpu.memory_space<hbm>>) target(%arg31 : memref<64x128xf32, #tpu.memory_space<vmem>>) offsets(%arg7 : memref<64xi32, #tpu.memory_space<vmem>>) semaphore(%arg43 : memref<!tpu.dma_semaphore, #tpu.memory_space<semaphore_mem>>)
      } else {
      }
      %add3A_272 = arith.constant 4 : i32
      %add3A_273 = arith.addi %add3A_262, %add3A_272 : i32
      %lt3A_274 = arith.cmpi slt, %add3A_273, %select_n3A : i32
      %convert_element_type3A_275 = arith.extui %lt3A_274 : i1 to i32
      %cond3A_276 = arith.constant 0 : i32
      %cond3A_277 = arith.cmpi ne, %convert_element_type3A_275, %cond3A_276 : i32
      scf.if %cond3A_277 {
        %add3A_311 = arith.constant 4 : i32
        %add3A_312 = arith.addi %add3A_262, %add3A_311 : i32
        %mul3A_313 = arith.constant 64 : i32
        %mul3A_314 = arith.muli %add3A_312, %mul3A_313 : i32
        %add3A_315 = arith.addi %select_n3A_8, %mul3A_314 : i32
        %dma_start3A_316 = tpu.memref_slice %arg2[%add3A_315] : memref<327680xi32, #tpu.memory_space<hbm>> -> memref<64xi32, #tpu.memory_space<hbm>>
        %dma_start3A_317 = tpu.memref_slice %arg2[%add3A_315] : memref<327680xi32, #tpu.memory_space<hbm>> -> memref<64xi32, #tpu.memory_space<hbm>>
        tpu.enqueue_dma source(%dma_start3A_317 : memref<64xi32, #tpu.memory_space<hbm>>) target(%arg9 : memref<64xi32, #tpu.memory_space<vmem>>) target_semaphore(%arg37 : memref<!tpu.dma_semaphore, #tpu.memory_space<semaphore_mem>>)
        %dma_start3A_318 = tpu.memref_slice %arg3[%add3A_315] : memref<327680xi32, #tpu.memory_space<hbm>> -> memref<64xi32, #tpu.memory_space<hbm>>
        %dma_start3A_319 = tpu.memref_slice %arg3[%add3A_315] : memref<327680xi32, #tpu.memory_space<hbm>> -> memref<64xi32, #tpu.memory_space<hbm>>
        tpu.enqueue_dma source(%dma_start3A_319 : memref<64xi32, #tpu.memory_space<hbm>>) target(%arg17 : memref<64xi32, #tpu.memory_space<vmem>>) target_semaphore(%arg37 : memref<!tpu.dma_semaphore, #tpu.memory_space<semaphore_mem>>)
        %dma_start3A_320 = tpu.memref_slice %arg4[%add3A_315] : memref<327680xf32, #tpu.memory_space<hbm>> -> memref<64xf32, #tpu.memory_space<hbm>>
        %dma_start3A_321 = tpu.memref_slice %arg4[%add3A_315] : memref<327680xf32, #tpu.memory_space<hbm>> -> memref<64xf32, #tpu.memory_space<hbm>>
        tpu.enqueue_dma source(%dma_start3A_321 : memref<64xf32, #tpu.memory_space<hbm>>) target(%arg25 : memref<64xf32, #tpu.memory_space<vmem>>) target_semaphore(%arg37 : memref<!tpu.dma_semaphore, #tpu.memory_space<semaphore_mem>>)
      } else {
      }
      %scan3A_278 = arith.constant 0 : i32
      %scan3A_279 = arith.constant 64 : i32
      %scan3A_280 = arith.addi %scan3A_278, %scan3A_279 : i32
      %scan3A_281 = arith.constant 2 : i32
      scf.for %scan3A_311 = %scan3A_278 to %scan3A_280 step %scan3A_281  : i32 {
        %mul3A_312 = arith.constant 1 : i32
        %mul3A_313 = arith.muli %scan3A_311, %mul3A_312 : i32
        %add3A_314 = arith.constant 0 : i32
        %add3A_315 = arith.addi %add3A_314, %mul3A_313 : i32
        %broadcast_in_dim3A = vector.broadcast %add3A_315 : i32 to vector<16xi32>
        %gather3A = tpu.vector_load_idx %arg29[%broadcast_in_dim3A] : memref<64xf32, #tpu.memory_space<vmem>>[vector<16xi32>], vector<16xf32>,
        %get3A = arith.index_cast %add3A_315 : i32 to index
        %get3A_316 = arith.constant 0 : index
        %get3A_317 = tpu.vector_load %arg33[%get3A, %get3A_316] {strides = array<i32>} : memref<64x128xf32, #tpu.memory_space<vmem>>, vector<16xf32>,
        %mul3A_318 = arith.mulf %get3A_317, %gather3A : vector<16xf32>
        %swap3A = arith.index_cast %add3A_315 : i32 to index
        %swap3A_319 = arith.constant 0 : index
        %swap3A_320 = tpu.vector_load %arg33[%swap3A, %swap3A_319] {strides = array<i32>} : memref<64x128xf32, #tpu.memory_space<vmem>>, vector<16xf32>,
        tpu.vector_store %arg33[%swap3A, %swap3A_319], %mul3A_318 {strides = array<i32>} : memref<64x128xf32, #tpu.memory_space<vmem>>, vector<16xf32>,
        %get3A_321 = arith.index_cast %add3A_315 : i32 to index
        %get3A_322 = arith.constant 16 : index
        %get3A_323 = tpu.vector_load %arg33[%get3A_321, %get3A_322] {strides = array<i32>} : memref<64x128xf32, #tpu.memory_space<vmem>>, vector<16xf32>,
        %mul3A_324 = arith.mulf %get3A_323, %gather3A : vector<16xf32>
        %swap3A_325 = arith.index_cast %add3A_315 : i32 to index
        %swap3A_326 = arith.constant 16 : index
        %swap3A_327 = tpu.vector_load %arg33[%swap3A_325, %swap3A_326] {strides = array<i32>} : memref<64x128xf32, #tpu.memory_space<vmem>>, vector<16xf32>,
        tpu.vector_store %arg33[%swap3A_325, %swap3A_326], %mul3A_324 {strides = array<i32>} : memref<64x128xf32, #tpu.memory_space<vmem>>, vector<16xf32>,
        %get3A_328 = arith.index_cast %add3A_315 : i32 to index
        %get3A_329 = arith.constant 32 : index
        %get3A_330 = tpu.vector_load %arg33[%get3A_328, %get3A_329] {strides = array<i32>} : memref<64x128xf32, #tpu.memory_space<vmem>>, vector<16xf32>,
        %mul3A_331 = arith.mulf %get3A_330, %gather3A : vector<16xf32>
        %swap3A_332 = arith.index_cast %add3A_315 : i32 to index
        %swap3A_333 = arith.constant 32 : index
        %swap3A_334 = tpu.vector_load %arg33[%swap3A_332, %swap3A_333] {strides = array<i32>} : memref<64x128xf32, #tpu.memory_space<vmem>>, vector<16xf32>,
        tpu.vector_store %arg33[%swap3A_332, %swap3A_333], %mul3A_331 {strides = array<i32>} : memref<64x128xf32, #tpu.memory_space<vmem>>, vector<16xf32>,
        %get3A_335 = arith.index_cast %add3A_315 : i32 to index
        %get3A_336 = arith.constant 48 : index
        %get3A_337 = tpu.vector_load %arg33[%get3A_335, %get3A_336] {strides = array<i32>} : memref<64x128xf32, #tpu.memory_space<vmem>>, vector<16xf32>,
        %mul3A_338 = arith.mulf %get3A_337, %gather3A : vector<16xf32>
        %swap3A_339 = arith.index_cast %add3A_315 : i32 to index
        %swap3A_340 = arith.constant 48 : index
        %swap3A_341 = tpu.vector_load %arg33[%swap3A_339, %swap3A_340] {strides = array<i32>} : memref<64x128xf32, #tpu.memory_space<vmem>>, vector<16xf32>,
        tpu.vector_store %arg33[%swap3A_339, %swap3A_340], %mul3A_338 {strides = array<i32>} : memref<64x128xf32, #tpu.memory_space<vmem>>, vector<16xf32>,
        %get3A_342 = arith.index_cast %add3A_315 : i32 to index
        %get3A_343 = arith.constant 64 : index
        %get3A_344 = tpu.vector_load %arg33[%get3A_342, %get3A_343] {strides = array<i32>} : memref<64x128xf32, #tpu.memory_space<vmem>>, vector<16xf32>,
        %mul3A_345 = arith.mulf %get3A_344, %gather3A : vector<16xf32>
        %swap3A_346 = arith.index_cast %add3A_315 : i32 to index
        %swap3A_347 = arith.constant 64 : index
        %swap3A_348 = tpu.vector_load %arg33[%swap3A_346, %swap3A_347] {strides = array<i32>} : memref<64x128xf32, #tpu.memory_space<vmem>>, vector<16xf32>,
        tpu.vector_store %arg33[%swap3A_346, %swap3A_347], %mul3A_345 {strides = array<i32>} : memref<64x128xf32, #tpu.memory_space<vmem>>, vector<16xf32>,
        %get3A_349 = arith.index_cast %add3A_315 : i32 to index
        %get3A_350 = arith.constant 80 : index
        %get3A_351 = tpu.vector_load %arg33[%get3A_349, %get3A_350] {strides = array<i32>} : memref<64x128xf32, #tpu.memory_space<vmem>>, vector<16xf32>,
        %mul3A_352 = arith.mulf %get3A_351, %gather3A : vector<16xf32>
        %swap3A_353 = arith.index_cast %add3A_315 : i32 to index
        %swap3A_354 = arith.constant 80 : index
        %swap3A_355 = tpu.vector_load %arg33[%swap3A_353, %swap3A_354] {strides = array<i32>} : memref<64x128xf32, #tpu.memory_space<vmem>>, vector<16xf32>,
        tpu.vector_store %arg33[%swap3A_353, %swap3A_354], %mul3A_352 {strides = array<i32>} : memref<64x128xf32, #tpu.memory_space<vmem>>, vector<16xf32>,
        %get3A_356 = arith.index_cast %add3A_315 : i32 to index
        %get3A_357 = arith.constant 96 : index
        %get3A_358 = tpu.vector_load %arg33[%get3A_356, %get3A_357] {strides = array<i32>} : memref<64x128xf32, #tpu.memory_space<vmem>>, vector<16xf32>,
        %mul3A_359 = arith.mulf %get3A_358, %gather3A : vector<16xf32>
        %swap3A_360 = arith.index_cast %add3A_315 : i32 to index
        %swap3A_361 = arith.constant 96 : index
        %swap3A_362 = tpu.vector_load %arg33[%swap3A_360, %swap3A_361] {strides = array<i32>} : memref<64x128xf32, #tpu.memory_space<vmem>>, vector<16xf32>,
        tpu.vector_store %arg33[%swap3A_360, %swap3A_361], %mul3A_359 {strides = array<i32>} : memref<64x128xf32, #tpu.memory_space<vmem>>, vector<16xf32>,
        %get3A_363 = arith.index_cast %add3A_315 : i32 to index
        %get3A_364 = arith.constant 112 : index
        %get3A_365 = tpu.vector_load %arg33[%get3A_363, %get3A_364] {strides = array<i32>} : memref<64x128xf32, #tpu.memory_space<vmem>>, vector<16xf32>,
        %mul3A_366 = arith.mulf %get3A_365, %gather3A : vector<16xf32>
        %swap3A_367 = arith.index_cast %add3A_315 : i32 to index
        %swap3A_368 = arith.constant 112 : index
        %swap3A_369 = tpu.vector_load %arg33[%swap3A_367, %swap3A_368] {strides = array<i32>} : memref<64x128xf32, #tpu.memory_space<vmem>>, vector<16xf32>,
        tpu.vector_store %arg33[%swap3A_367, %swap3A_368], %mul3A_366 {strides = array<i32>} : memref<64x128xf32, #tpu.memory_space<vmem>>, vector<16xf32>,
        %scan3A_370 = arith.constant 1 : i32
        %scan3A_371 = arith.addi %scan3A_311, %scan3A_370 : i32
        %mul3A_372 = arith.constant 1 : i32
        %mul3A_373 = arith.muli %scan3A_371, %mul3A_372 : i32
        %add3A_374 = arith.constant 0 : i32
        %add3A_375 = arith.addi %add3A_374, %mul3A_373 : i32
        %broadcast_in_dim3A_376 = vector.broadcast %add3A_375 : i32 to vector<16xi32>
        %gather3A_377 = tpu.vector_load_idx %arg29[%broadcast_in_dim3A_376] : memref<64xf32, #tpu.memory_space<vmem>>[vector<16xi32>], vector<16xf32>,
        %get3A_378 = arith.index_cast %add3A_375 : i32 to index
        %get3A_379 = arith.constant 0 : index
        %get3A_380 = tpu.vector_load %arg33[%get3A_378, %get3A_379] {strides = array<i32>} : memref<64x128xf32, #tpu.memory_space<vmem>>, vector<16xf32>,
        %mul3A_381 = arith.mulf %get3A_380, %gather3A_377 : vector<16xf32>
        %swap3A_382 = arith.index_cast %add3A_375 : i32 to index
        %swap3A_383 = arith.constant 0 : index
        %swap3A_384 = tpu.vector_load %arg33[%swap3A_382, %swap3A_383] {strides = array<i32>} : memref<64x128xf32, #tpu.memory_space<vmem>>, vector<16xf32>,
        tpu.vector_store %arg33[%swap3A_382, %swap3A_383], %mul3A_381 {strides = array<i32>} : memref<64x128xf32, #tpu.memory_space<vmem>>, vector<16xf32>,
        %get3A_385 = arith.index_cast %add3A_375 : i32 to index
        %get3A_386 = arith.constant 16 : index
        %get3A_387 = tpu.vector_load %arg33[%get3A_385, %get3A_386] {strides = array<i32>} : memref<64x128xf32, #tpu.memory_space<vmem>>, vector<16xf32>,
        %mul3A_388 = arith.mulf %get3A_387, %gather3A_377 : vector<16xf32>
        %swap3A_389 = arith.index_cast %add3A_375 : i32 to index
        %swap3A_390 = arith.constant 16 : index
        %swap3A_391 = tpu.vector_load %arg33[%swap3A_389, %swap3A_390] {strides = array<i32>} : memref<64x128xf32, #tpu.memory_space<vmem>>, vector<16xf32>,
        tpu.vector_store %arg33[%swap3A_389, %swap3A_390], %mul3A_388 {strides = array<i32>} : memref<64x128xf32, #tpu.memory_space<vmem>>, vector<16xf32>,
        %get3A_392 = arith.index_cast %add3A_375 : i32 to index
        %get3A_393 = arith.constant 32 : index
        %get3A_394 = tpu.vector_load %arg33[%get3A_392, %get3A_393] {strides = array<i32>} : memref<64x128xf32, #tpu.memory_space<vmem>>, vector<16xf32>,
        %mul3A_395 = arith.mulf %get3A_394, %gather3A_377 : vector<16xf32>
        %swap3A_396 = arith.index_cast %add3A_375 : i32 to index
        %swap3A_397 = arith.constant 32 : index
        %swap3A_398 = tpu.vector_load %arg33[%swap3A_396, %swap3A_397] {strides = array<i32>} : memref<64x128xf32, #tpu.memory_space<vmem>>, vector<16xf32>,
        tpu.vector_store %arg33[%swap3A_396, %swap3A_397], %mul3A_395 {strides = array<i32>} : memref<64x128xf32, #tpu.memory_space<vmem>>, vector<16xf32>,
        %get3A_399 = arith.index_cast %add3A_375 : i32 to index
        %get3A_400 = arith.constant 48 : index
        %get3A_401 = tpu.vector_load %arg33[%get3A_399, %get3A_400] {strides = array<i32>} : memref<64x128xf32, #tpu.memory_space<vmem>>, vector<16xf32>,
        %mul3A_402 = arith.mulf %get3A_401, %gather3A_377 : vector<16xf32>
        %swap3A_403 = arith.index_cast %add3A_375 : i32 to index
        %swap3A_404 = arith.constant 48 : index
        %swap3A_405 = tpu.vector_load %arg33[%swap3A_403, %swap3A_404] {strides = array<i32>} : memref<64x128xf32, #tpu.memory_space<vmem>>, vector<16xf32>,
        tpu.vector_store %arg33[%swap3A_403, %swap3A_404], %mul3A_402 {strides = array<i32>} : memref<64x128xf32, #tpu.memory_space<vmem>>, vector<16xf32>,
        %get3A_406 = arith.index_cast %add3A_375 : i32 to index
        %get3A_407 = arith.constant 64 : index
        %get3A_408 = tpu.vector_load %arg33[%get3A_406, %get3A_407] {strides = array<i32>} : memref<64x128xf32, #tpu.memory_space<vmem>>, vector<16xf32>,
        %mul3A_409 = arith.mulf %get3A_408, %gather3A_377 : vector<16xf32>
        %swap3A_410 = arith.index_cast %add3A_375 : i32 to index
        %swap3A_411 = arith.constant 64 : index
        %swap3A_412 = tpu.vector_load %arg33[%swap3A_410, %swap3A_411] {strides = array<i32>} : memref<64x128xf32, #tpu.memory_space<vmem>>, vector<16xf32>,
        tpu.vector_store %arg33[%swap3A_410, %swap3A_411], %mul3A_409 {strides = array<i32>} : memref<64x128xf32, #tpu.memory_space<vmem>>, vector<16xf32>,
        %get3A_413 = arith.index_cast %add3A_375 : i32 to index
        %get3A_414 = arith.constant 80 : index
        %get3A_415 = tpu.vector_load %arg33[%get3A_413, %get3A_414] {strides = array<i32>} : memref<64x128xf32, #tpu.memory_space<vmem>>, vector<16xf32>,
        %mul3A_416 = arith.mulf %get3A_415, %gather3A_377 : vector<16xf32>
        %swap3A_417 = arith.index_cast %add3A_375 : i32 to index
        %swap3A_418 = arith.constant 80 : index
        %swap3A_419 = tpu.vector_load %arg33[%swap3A_417, %swap3A_418] {strides = array<i32>} : memref<64x128xf32, #tpu.memory_space<vmem>>, vector<16xf32>,
        tpu.vector_store %arg33[%swap3A_417, %swap3A_418], %mul3A_416 {strides = array<i32>} : memref<64x128xf32, #tpu.memory_space<vmem>>, vector<16xf32>,
        %get3A_420 = arith.index_cast %add3A_375 : i32 to index
        %get3A_421 = arith.constant 96 : index
        %get3A_422 = tpu.vector_load %arg33[%get3A_420, %get3A_421] {strides = array<i32>} : memref<64x128xf32, #tpu.memory_space<vmem>>, vector<16xf32>,
        %mul3A_423 = arith.mulf %get3A_422, %gather3A_377 : vector<16xf32>
        %swap3A_424 = arith.index_cast %add3A_375 : i32 to index
        %swap3A_425 = arith.constant 96 : index
        %swap3A_426 = tpu.vector_load %arg33[%swap3A_424, %swap3A_425] {strides = array<i32>} : memref<64x128xf32, #tpu.memory_space<vmem>>, vector<16xf32>,
        tpu.vector_store %arg33[%swap3A_424, %swap3A_425], %mul3A_423 {strides = array<i32>} : memref<64x128xf32, #tpu.memory_space<vmem>>, vector<16xf32>,
        %get3A_427 = arith.index_cast %add3A_375 : i32 to index
        %get3A_428 = arith.constant 112 : index
        %get3A_429 = tpu.vector_load %arg33[%get3A_427, %get3A_428] {strides = array<i32>} : memref<64x128xf32, #tpu.memory_space<vmem>>, vector<16xf32>,
        %mul3A_430 = arith.mulf %get3A_429, %gather3A_377 : vector<16xf32>
        %swap3A_431 = arith.index_cast %add3A_375 : i32 to index
        %swap3A_432 = arith.constant 112 : index
        %swap3A_433 = tpu.vector_load %arg33[%swap3A_431, %swap3A_432] {strides = array<i32>} : memref<64x128xf32, #tpu.memory_space<vmem>>, vector<16xf32>,
        tpu.vector_store %arg33[%swap3A_431, %swap3A_432], %mul3A_430 {strides = array<i32>} : memref<64x128xf32, #tpu.memory_space<vmem>>, vector<16xf32>,
      }
      %scan3A_282 = arith.constant 64 : i32
      %dma_start3A_283 = arith.constant 0 : i32
      %dma_start3A_284 = arith.constant 0 : i32
      %dma_start3A_285 = tpu.memref_slice %arg51[%dma_start3A_283, %dma_start3A_284] : memref<10240x128xf32, #tpu.memory_space<vmem_shared>> -> memref<10240x128xf32, #tpu.memory_space<vmem_shared>>
      tpu.enqueue_indirect_dma source(%arg33 : memref<64x128xf32, #tpu.memory_space<vmem>>) target(%dma_start3A_285 : memref<10240x128xf32, #tpu.memory_space<vmem_shared>>) offsets(%arg21 : memref<64xi32, #tpu.memory_space<vmem>>) semaphore(%arg49 : memref<!tpu.dma_semaphore, #tpu.memory_space<semaphore_mem>>) {add = true}
      %add3A_286 = arith.constant 7 : i32
      %add3A_287 = arith.addi %add3A_113, %add3A_286 : i32
      %dma_wait3A_288 = arith.constant 0 : i32
      %dma_wait3A_289 = arith.constant 0 : i32
      %dma_wait3A_290 = tpu.memref_slice %arg5[%dma_wait3A_288, %dma_wait3A_289] : memref<10240x128xf32, #tpu.memory_space<hbm>> -> memref<10240x128xf32, #tpu.memory_space<hbm>>
      tpu.wait_indirect_dma semaphore(%arg46 : memref<!tpu.dma_semaphore, #tpu.memory_space<semaphore_mem>>) src(%dma_wait3A_290 : memref<10240x128xf32, #tpu.memory_space<hbm>>) dst(%arg34 : memref<64x128xf32, #tpu.memory_space<vmem>>)
      %add3A_291 = arith.constant 2 : i32
      %add3A_292 = arith.addi %add3A_287, %add3A_291 : i32
      %lt3A_293 = arith.cmpi slt, %add3A_292, %select_n3A : i32
      %convert_element_type3A_294 = arith.extui %lt3A_293 : i1 to i32
      %cond3A_295 = arith.constant 0 : i32
      %cond3A_296 = arith.cmpi ne, %convert_element_type3A_294, %cond3A_295 : i32
      scf.if %cond3A_296 {
        %ge3A = arith.constant 2 : i32
        %ge3A_311 = arith.cmpi sge, %add3A_287, %ge3A : i32
        %convert_element_type3A_312 = arith.extui %ge3A_311 : i1 to i32
        %cond3A_313 = arith.constant 0 : i32
        %cond3A_314 = arith.cmpi ne, %convert_element_type3A_312, %cond3A_313 : i32
        scf.if %cond3A_314 {
          %dma_wait3A_330 = arith.constant 0 : i32
          %dma_wait3A_331 = arith.constant 0 : i32
          %dma_wait3A_332 = tpu.memref_slice %arg51[%dma_wait3A_330, %dma_wait3A_331] : memref<10240x128xf32, #tpu.memory_space<vmem_shared>> -> memref<10240x128xf32, #tpu.memory_space<vmem_shared>>
          tpu.wait_indirect_dma semaphore(%arg48 : memref<!tpu.dma_semaphore, #tpu.memory_space<semaphore_mem>>) src(%arg32 : memref<64x128xf32, #tpu.memory_space<vmem>>) dst(%dma_wait3A_332 : memref<10240x128xf32, #tpu.memory_space<vmem_shared>>)
        } else {
        }
        %dma_wait3A_315 = arith.constant 0 : i32
        %dma_wait3A_316 = tpu.memref_slice %arg2[%dma_wait3A_315] : memref<327680xi32, #tpu.memory_space<hbm>> -> memref<64xi32, #tpu.memory_space<hbm>>
        %dma_wait3A_317 = arith.constant 0 : i32
        %dma_wait3A_318 = tpu.memref_slice %arg2[%dma_wait3A_317] : memref<327680xi32, #tpu.memory_space<hbm>> -> memref<64xi32, #tpu.memory_space<hbm>>
        tpu.wait_dma2 semaphore(%arg36 : memref<!tpu.dma_semaphore, #tpu.memory_space<semaphore_mem>>) src(%dma_wait3A_318 : memref<64xi32, #tpu.memory_space<hbm>>) dst(%arg8 : memref<64xi32, #tpu.memory_space<vmem>>)
        %dma_wait3A_319 = arith.constant 0 : i32
        %dma_wait3A_320 = tpu.memref_slice %arg3[%dma_wait3A_319] : memref<327680xi32, #tpu.memory_space<hbm>> -> memref<64xi32, #tpu.memory_space<hbm>>
        %dma_wait3A_321 = arith.constant 0 : i32
        %dma_wait3A_322 = tpu.memref_slice %arg3[%dma_wait3A_321] : memref<327680xi32, #tpu.memory_space<hbm>> -> memref<64xi32, #tpu.memory_space<hbm>>
        tpu.wait_dma2 semaphore(%arg36 : memref<!tpu.dma_semaphore, #tpu.memory_space<semaphore_mem>>) src(%dma_wait3A_322 : memref<64xi32, #tpu.memory_space<hbm>>) dst(%arg16 : memref<64xi32, #tpu.memory_space<vmem>>)
        %dma_wait3A_323 = arith.constant 0 : i32
        %dma_wait3A_324 = tpu.memref_slice %arg4[%dma_wait3A_323] : memref<327680xf32, #tpu.memory_space<hbm>> -> memref<64xf32, #tpu.memory_space<hbm>>
        %dma_wait3A_325 = arith.constant 0 : i32
        %dma_wait3A_326 = tpu.memref_slice %arg4[%dma_wait3A_325] : memref<327680xf32, #tpu.memory_space<hbm>> -> memref<64xf32, #tpu.memory_space<hbm>>
        tpu.wait_dma2 semaphore(%arg36 : memref<!tpu.dma_semaphore, #tpu.memory_space<semaphore_mem>>) src(%dma_wait3A_326 : memref<64xf32, #tpu.memory_space<hbm>>) dst(%arg24 : memref<64xf32, #tpu.memory_space<vmem>>)
        %dma_start3A_327 = arith.constant 0 : i32
        %dma_start3A_328 = arith.constant 0 : i32
        %dma_start3A_329 = tpu.memref_slice %arg5[%dma_start3A_327, %dma_start3A_328] : memref<10240x128xf32, #tpu.memory_space<hbm>> -> memref<10240x128xf32, #tpu.memory_space<hbm>>
        tpu.enqueue_indirect_dma source(%dma_start3A_329 : memref<10240x128xf32, #tpu.memory_space<hbm>>) target(%arg32 : memref<64x128xf32, #tpu.memory_space<vmem>>) offsets(%arg8 : memref<64xi32, #tpu.memory_space<vmem>>) semaphore(%arg44 : memref<!tpu.dma_semaphore, #tpu.memory_space<semaphore_mem>>)
      } else {
      }
      %add3A_297 = arith.constant 4 : i32
      %add3A_298 = arith.addi %add3A_287, %add3A_297 : i32
      %lt3A_299 = arith.cmpi slt, %add3A_298, %select_n3A : i32
      %convert_element_type3A_300 = arith.extui %lt3A_299 : i1 to i32
      %cond3A_301 = arith.constant 0 : i32
      %cond3A_302 = arith.cmpi ne, %convert_element_type3A_300, %cond3A_301 : i32
      scf.if %cond3A_302 {
        %add3A_311 = arith.constant 4 : i32
        %add3A_312 = arith.addi %add3A_287, %add3A_311 : i32
        %mul3A_313 = arith.constant 64 : i32
        %mul3A_314 = arith.muli %add3A_312, %mul3A_313 : i32
        %add3A_315 = arith.addi %select_n3A_8, %mul3A_314 : i32
        %dma_start3A_316 = tpu.memref_slice %arg2[%add3A_315] : memref<327680xi32, #tpu.memory_space<hbm>> -> memref<64xi32, #tpu.memory_space<hbm>>
        %dma_start3A_317 = tpu.memref_slice %arg2[%add3A_315] : memref<327680xi32, #tpu.memory_space<hbm>> -> memref<64xi32, #tpu.memory_space<hbm>>
        tpu.enqueue_dma source(%dma_start3A_317 : memref<64xi32, #tpu.memory_space<hbm>>) target(%arg10 : memref<64xi32, #tpu.memory_space<vmem>>) target_semaphore(%arg38 : memref<!tpu.dma_semaphore, #tpu.memory_space<semaphore_mem>>)
        %dma_start3A_318 = tpu.memref_slice %arg3[%add3A_315] : memref<327680xi32, #tpu.memory_space<hbm>> -> memref<64xi32, #tpu.memory_space<hbm>>
        %dma_start3A_319 = tpu.memref_slice %arg3[%add3A_315] : memref<327680xi32, #tpu.memory_space<hbm>> -> memref<64xi32, #tpu.memory_space<hbm>>
        tpu.enqueue_dma source(%dma_start3A_319 : memref<64xi32, #tpu.memory_space<hbm>>) target(%arg18 : memref<64xi32, #tpu.memory_space<vmem>>) target_semaphore(%arg38 : memref<!tpu.dma_semaphore, #tpu.memory_space<semaphore_mem>>)
        %dma_start3A_320 = tpu.memref_slice %arg4[%add3A_315] : memref<327680xf32, #tpu.memory_space<hbm>> -> memref<64xf32, #tpu.memory_space<hbm>>
        %dma_start3A_321 = tpu.memref_slice %arg4[%add3A_315] : memref<327680xf32, #tpu.memory_space<hbm>> -> memref<64xf32, #tpu.memory_space<hbm>>
        tpu.enqueue_dma source(%dma_start3A_321 : memref<64xf32, #tpu.memory_space<hbm>>) target(%arg26 : memref<64xf32, #tpu.memory_space<vmem>>) target_semaphore(%arg38 : memref<!tpu.dma_semaphore, #tpu.memory_space<semaphore_mem>>)
      } else {
      }
      %scan3A_303 = arith.constant 0 : i32
      %scan3A_304 = arith.constant 64 : i32
      %scan3A_305 = arith.addi %scan3A_303, %scan3A_304 : i32
      %scan3A_306 = arith.constant 2 : i32
      scf.for %scan3A_311 = %scan3A_303 to %scan3A_305 step %scan3A_306  : i32 {
        %mul3A_312 = arith.constant 1 : i32
        %mul3A_313 = arith.muli %scan3A_311, %mul3A_312 : i32
        %add3A_314 = arith.constant 0 : i32
        %add3A_315 = arith.addi %add3A_314, %mul3A_313 : i32
        %broadcast_in_dim3A = vector.broadcast %add3A_315 : i32 to vector<16xi32>
        %gather3A = tpu.vector_load_idx %arg30[%broadcast_in_dim3A] : memref<64xf32, #tpu.memory_space<vmem>>[vector<16xi32>], vector<16xf32>,
        %get3A = arith.index_cast %add3A_315 : i32 to index
        %get3A_316 = arith.constant 0 : index
        %get3A_317 = tpu.vector_load %arg34[%get3A, %get3A_316] {strides = array<i32>} : memref<64x128xf32, #tpu.memory_space<vmem>>, vector<16xf32>,
        %mul3A_318 = arith.mulf %get3A_317, %gather3A : vector<16xf32>
        %swap3A = arith.index_cast %add3A_315 : i32 to index
        %swap3A_319 = arith.constant 0 : index
        %swap3A_320 = tpu.vector_load %arg34[%swap3A, %swap3A_319] {strides = array<i32>} : memref<64x128xf32, #tpu.memory_space<vmem>>, vector<16xf32>,
        tpu.vector_store %arg34[%swap3A, %swap3A_319], %mul3A_318 {strides = array<i32>} : memref<64x128xf32, #tpu.memory_space<vmem>>, vector<16xf32>,
        %get3A_321 = arith.index_cast %add3A_315 : i32 to index
        %get3A_322 = arith.constant 16 : index
        %get3A_323 = tpu.vector_load %arg34[%get3A_321, %get3A_322] {strides = array<i32>} : memref<64x128xf32, #tpu.memory_space<vmem>>, vector<16xf32>,
        %mul3A_324 = arith.mulf %get3A_323, %gather3A : vector<16xf32>
        %swap3A_325 = arith.index_cast %add3A_315 : i32 to index
        %swap3A_326 = arith.constant 16 : index
        %swap3A_327 = tpu.vector_load %arg34[%swap3A_325, %swap3A_326] {strides = array<i32>} : memref<64x128xf32, #tpu.memory_space<vmem>>, vector<16xf32>,
        tpu.vector_store %arg34[%swap3A_325, %swap3A_326], %mul3A_324 {strides = array<i32>} : memref<64x128xf32, #tpu.memory_space<vmem>>, vector<16xf32>,
        %get3A_328 = arith.index_cast %add3A_315 : i32 to index
        %get3A_329 = arith.constant 32 : index
        %get3A_330 = tpu.vector_load %arg34[%get3A_328, %get3A_329] {strides = array<i32>} : memref<64x128xf32, #tpu.memory_space<vmem>>, vector<16xf32>,
        %mul3A_331 = arith.mulf %get3A_330, %gather3A : vector<16xf32>
        %swap3A_332 = arith.index_cast %add3A_315 : i32 to index
        %swap3A_333 = arith.constant 32 : index
        %swap3A_334 = tpu.vector_load %arg34[%swap3A_332, %swap3A_333] {strides = array<i32>} : memref<64x128xf32, #tpu.memory_space<vmem>>, vector<16xf32>,
        tpu.vector_store %arg34[%swap3A_332, %swap3A_333], %mul3A_331 {strides = array<i32>} : memref<64x128xf32, #tpu.memory_space<vmem>>, vector<16xf32>,
        %get3A_335 = arith.index_cast %add3A_315 : i32 to index
        %get3A_336 = arith.constant 48 : index
        %get3A_337 = tpu.vector_load %arg34[%get3A_335, %get3A_336] {strides = array<i32>} : memref<64x128xf32, #tpu.memory_space<vmem>>, vector<16xf32>,
        %mul3A_338 = arith.mulf %get3A_337, %gather3A : vector<16xf32>
        %swap3A_339 = arith.index_cast %add3A_315 : i32 to index
        %swap3A_340 = arith.constant 48 : index
        %swap3A_341 = tpu.vector_load %arg34[%swap3A_339, %swap3A_340] {strides = array<i32>} : memref<64x128xf32, #tpu.memory_space<vmem>>, vector<16xf32>,
        tpu.vector_store %arg34[%swap3A_339, %swap3A_340], %mul3A_338 {strides = array<i32>} : memref<64x128xf32, #tpu.memory_space<vmem>>, vector<16xf32>,
        %get3A_342 = arith.index_cast %add3A_315 : i32 to index
        %get3A_343 = arith.constant 64 : index
        %get3A_344 = tpu.vector_load %arg34[%get3A_342, %get3A_343] {strides = array<i32>} : memref<64x128xf32, #tpu.memory_space<vmem>>, vector<16xf32>,
        %mul3A_345 = arith.mulf %get3A_344, %gather3A : vector<16xf32>
        %swap3A_346 = arith.index_cast %add3A_315 : i32 to index
        %swap3A_347 = arith.constant 64 : index
        %swap3A_348 = tpu.vector_load %arg34[%swap3A_346, %swap3A_347] {strides = array<i32>} : memref<64x128xf32, #tpu.memory_space<vmem>>, vector<16xf32>,
        tpu.vector_store %arg34[%swap3A_346, %swap3A_347], %mul3A_345 {strides = array<i32>} : memref<64x128xf32, #tpu.memory_space<vmem>>, vector<16xf32>,
        %get3A_349 = arith.index_cast %add3A_315 : i32 to index
        %get3A_350 = arith.constant 80 : index
        %get3A_351 = tpu.vector_load %arg34[%get3A_349, %get3A_350] {strides = array<i32>} : memref<64x128xf32, #tpu.memory_space<vmem>>, vector<16xf32>,
        %mul3A_352 = arith.mulf %get3A_351, %gather3A : vector<16xf32>
        %swap3A_353 = arith.index_cast %add3A_315 : i32 to index
        %swap3A_354 = arith.constant 80 : index
        %swap3A_355 = tpu.vector_load %arg34[%swap3A_353, %swap3A_354] {strides = array<i32>} : memref<64x128xf32, #tpu.memory_space<vmem>>, vector<16xf32>,
        tpu.vector_store %arg34[%swap3A_353, %swap3A_354], %mul3A_352 {strides = array<i32>} : memref<64x128xf32, #tpu.memory_space<vmem>>, vector<16xf32>,
        %get3A_356 = arith.index_cast %add3A_315 : i32 to index
        %get3A_357 = arith.constant 96 : index
        %get3A_358 = tpu.vector_load %arg34[%get3A_356, %get3A_357] {strides = array<i32>} : memref<64x128xf32, #tpu.memory_space<vmem>>, vector<16xf32>,
        %mul3A_359 = arith.mulf %get3A_358, %gather3A : vector<16xf32>
        %swap3A_360 = arith.index_cast %add3A_315 : i32 to index
        %swap3A_361 = arith.constant 96 : index
        %swap3A_362 = tpu.vector_load %arg34[%swap3A_360, %swap3A_361] {strides = array<i32>} : memref<64x128xf32, #tpu.memory_space<vmem>>, vector<16xf32>,
        tpu.vector_store %arg34[%swap3A_360, %swap3A_361], %mul3A_359 {strides = array<i32>} : memref<64x128xf32, #tpu.memory_space<vmem>>, vector<16xf32>,
        %get3A_363 = arith.index_cast %add3A_315 : i32 to index
        %get3A_364 = arith.constant 112 : index
        %get3A_365 = tpu.vector_load %arg34[%get3A_363, %get3A_364] {strides = array<i32>} : memref<64x128xf32, #tpu.memory_space<vmem>>, vector<16xf32>,
        %mul3A_366 = arith.mulf %get3A_365, %gather3A : vector<16xf32>
        %swap3A_367 = arith.index_cast %add3A_315 : i32 to index
        %swap3A_368 = arith.constant 112 : index
        %swap3A_369 = tpu.vector_load %arg34[%swap3A_367, %swap3A_368] {strides = array<i32>} : memref<64x128xf32, #tpu.memory_space<vmem>>, vector<16xf32>,
        tpu.vector_store %arg34[%swap3A_367, %swap3A_368], %mul3A_366 {strides = array<i32>} : memref<64x128xf32, #tpu.memory_space<vmem>>, vector<16xf32>,
        %scan3A_370 = arith.constant 1 : i32
        %scan3A_371 = arith.addi %scan3A_311, %scan3A_370 : i32
        %mul3A_372 = arith.constant 1 : i32
        %mul3A_373 = arith.muli %scan3A_371, %mul3A_372 : i32
        %add3A_374 = arith.constant 0 : i32
        %add3A_375 = arith.addi %add3A_374, %mul3A_373 : i32
        %broadcast_in_dim3A_376 = vector.broadcast %add3A_375 : i32 to vector<16xi32>
        %gather3A_377 = tpu.vector_load_idx %arg30[%broadcast_in_dim3A_376] : memref<64xf32, #tpu.memory_space<vmem>>[vector<16xi32>], vector<16xf32>,
        %get3A_378 = arith.index_cast %add3A_375 : i32 to index
        %get3A_379 = arith.constant 0 : index
        %get3A_380 = tpu.vector_load %arg34[%get3A_378, %get3A_379] {strides = array<i32>} : memref<64x128xf32, #tpu.memory_space<vmem>>, vector<16xf32>,
        %mul3A_381 = arith.mulf %get3A_380, %gather3A_377 : vector<16xf32>
        %swap3A_382 = arith.index_cast %add3A_375 : i32 to index
        %swap3A_383 = arith.constant 0 : index
        %swap3A_384 = tpu.vector_load %arg34[%swap3A_382, %swap3A_383] {strides = array<i32>} : memref<64x128xf32, #tpu.memory_space<vmem>>, vector<16xf32>,
        tpu.vector_store %arg34[%swap3A_382, %swap3A_383], %mul3A_381 {strides = array<i32>} : memref<64x128xf32, #tpu.memory_space<vmem>>, vector<16xf32>,
        %get3A_385 = arith.index_cast %add3A_375 : i32 to index
        %get3A_386 = arith.constant 16 : index
        %get3A_387 = tpu.vector_load %arg34[%get3A_385, %get3A_386] {strides = array<i32>} : memref<64x128xf32, #tpu.memory_space<vmem>>, vector<16xf32>,
        %mul3A_388 = arith.mulf %get3A_387, %gather3A_377 : vector<16xf32>
        %swap3A_389 = arith.index_cast %add3A_375 : i32 to index
        %swap3A_390 = arith.constant 16 : index
        %swap3A_391 = tpu.vector_load %arg34[%swap3A_389, %swap3A_390] {strides = array<i32>} : memref<64x128xf32, #tpu.memory_space<vmem>>, vector<16xf32>,
        tpu.vector_store %arg34[%swap3A_389, %swap3A_390], %mul3A_388 {strides = array<i32>} : memref<64x128xf32, #tpu.memory_space<vmem>>, vector<16xf32>,
        %get3A_392 = arith.index_cast %add3A_375 : i32 to index
        %get3A_393 = arith.constant 32 : index
        %get3A_394 = tpu.vector_load %arg34[%get3A_392, %get3A_393] {strides = array<i32>} : memref<64x128xf32, #tpu.memory_space<vmem>>, vector<16xf32>,
        %mul3A_395 = arith.mulf %get3A_394, %gather3A_377 : vector<16xf32>
        %swap3A_396 = arith.index_cast %add3A_375 : i32 to index
        %swap3A_397 = arith.constant 32 : index
        %swap3A_398 = tpu.vector_load %arg34[%swap3A_396, %swap3A_397] {strides = array<i32>} : memref<64x128xf32, #tpu.memory_space<vmem>>, vector<16xf32>,
        tpu.vector_store %arg34[%swap3A_396, %swap3A_397], %mul3A_395 {strides = array<i32>} : memref<64x128xf32, #tpu.memory_space<vmem>>, vector<16xf32>,
        %get3A_399 = arith.index_cast %add3A_375 : i32 to index
        %get3A_400 = arith.constant 48 : index
        %get3A_401 = tpu.vector_load %arg34[%get3A_399, %get3A_400] {strides = array<i32>} : memref<64x128xf32, #tpu.memory_space<vmem>>, vector<16xf32>,
        %mul3A_402 = arith.mulf %get3A_401, %gather3A_377 : vector<16xf32>
        %swap3A_403 = arith.index_cast %add3A_375 : i32 to index
        %swap3A_404 = arith.constant 48 : index
        %swap3A_405 = tpu.vector_load %arg34[%swap3A_403, %swap3A_404] {strides = array<i32>} : memref<64x128xf32, #tpu.memory_space<vmem>>, vector<16xf32>,
        tpu.vector_store %arg34[%swap3A_403, %swap3A_404], %mul3A_402 {strides = array<i32>} : memref<64x128xf32, #tpu.memory_space<vmem>>, vector<16xf32>,
        %get3A_406 = arith.index_cast %add3A_375 : i32 to index
        %get3A_407 = arith.constant 64 : index
        %get3A_408 = tpu.vector_load %arg34[%get3A_406, %get3A_407] {strides = array<i32>} : memref<64x128xf32, #tpu.memory_space<vmem>>, vector<16xf32>,
        %mul3A_409 = arith.mulf %get3A_408, %gather3A_377 : vector<16xf32>
        %swap3A_410 = arith.index_cast %add3A_375 : i32 to index
        %swap3A_411 = arith.constant 64 : index
        %swap3A_412 = tpu.vector_load %arg34[%swap3A_410, %swap3A_411] {strides = array<i32>} : memref<64x128xf32, #tpu.memory_space<vmem>>, vector<16xf32>,
        tpu.vector_store %arg34[%swap3A_410, %swap3A_411], %mul3A_409 {strides = array<i32>} : memref<64x128xf32, #tpu.memory_space<vmem>>, vector<16xf32>,
        %get3A_413 = arith.index_cast %add3A_375 : i32 to index
        %get3A_414 = arith.constant 80 : index
        %get3A_415 = tpu.vector_load %arg34[%get3A_413, %get3A_414] {strides = array<i32>} : memref<64x128xf32, #tpu.memory_space<vmem>>, vector<16xf32>,
        %mul3A_416 = arith.mulf %get3A_415, %gather3A_377 : vector<16xf32>
        %swap3A_417 = arith.index_cast %add3A_375 : i32 to index
        %swap3A_418 = arith.constant 80 : index
        %swap3A_419 = tpu.vector_load %arg34[%swap3A_417, %swap3A_418] {strides = array<i32>} : memref<64x128xf32, #tpu.memory_space<vmem>>, vector<16xf32>,
        tpu.vector_store %arg34[%swap3A_417, %swap3A_418], %mul3A_416 {strides = array<i32>} : memref<64x128xf32, #tpu.memory_space<vmem>>, vector<16xf32>,
        %get3A_420 = arith.index_cast %add3A_375 : i32 to index
        %get3A_421 = arith.constant 96 : index
        %get3A_422 = tpu.vector_load %arg34[%get3A_420, %get3A_421] {strides = array<i32>} : memref<64x128xf32, #tpu.memory_space<vmem>>, vector<16xf32>,
        %mul3A_423 = arith.mulf %get3A_422, %gather3A_377 : vector<16xf32>
        %swap3A_424 = arith.index_cast %add3A_375 : i32 to index
        %swap3A_425 = arith.constant 96 : index
        %swap3A_426 = tpu.vector_load %arg34[%swap3A_424, %swap3A_425] {strides = array<i32>} : memref<64x128xf32, #tpu.memory_space<vmem>>, vector<16xf32>,
        tpu.vector_store %arg34[%swap3A_424, %swap3A_425], %mul3A_423 {strides = array<i32>} : memref<64x128xf32, #tpu.memory_space<vmem>>, vector<16xf32>,
        %get3A_427 = arith.index_cast %add3A_375 : i32 to index
        %get3A_428 = arith.constant 112 : index
        %get3A_429 = tpu.vector_load %arg34[%get3A_427, %get3A_428] {strides = array<i32>} : memref<64x128xf32, #tpu.memory_space<vmem>>, vector<16xf32>,
        %mul3A_430 = arith.mulf %get3A_429, %gather3A_377 : vector<16xf32>
        %swap3A_431 = arith.index_cast %add3A_375 : i32 to index
        %swap3A_432 = arith.constant 112 : index
        %swap3A_433 = tpu.vector_load %arg34[%swap3A_431, %swap3A_432] {strides = array<i32>} : memref<64x128xf32, #tpu.memory_space<vmem>>, vector<16xf32>,
        tpu.vector_store %arg34[%swap3A_431, %swap3A_432], %mul3A_430 {strides = array<i32>} : memref<64x128xf32, #tpu.memory_space<vmem>>, vector<16xf32>,
      }
      %scan3A_307 = arith.constant 64 : i32
      %dma_start3A_308 = arith.constant 0 : i32
      %dma_start3A_309 = arith.constant 0 : i32
      %dma_start3A_310 = tpu.memref_slice %arg51[%dma_start3A_308, %dma_start3A_309] : memref<10240x128xf32, #tpu.memory_space<vmem_shared>> -> memref<10240x128xf32, #tpu.memory_space<vmem_shared>>
      tpu.enqueue_indirect_dma source(%arg34 : memref<64x128xf32, #tpu.memory_space<vmem>>) target(%dma_start3A_310 : memref<10240x128xf32, #tpu.memory_space<vmem_shared>>) offsets(%arg22 : memref<64xi32, #tpu.memory_space<vmem>>) semaphore(%arg50 : memref<!tpu.dma_semaphore, #tpu.memory_space<semaphore_mem>>) {add = true}
    }
    %dma_wait3A_94 = arith.constant 0 : i32
    %dma_wait3A_95 = arith.constant 0 : i32
    %dma_wait3A_96 = tpu.memref_slice %arg51[%dma_wait3A_94, %dma_wait3A_95] : memref<10240x128xf32, #tpu.memory_space<vmem_shared>> -> memref<10240x128xf32, #tpu.memory_space<vmem_shared>>
    tpu.wait_indirect_dma semaphore(%arg47 : memref<!tpu.dma_semaphore, #tpu.memory_space<semaphore_mem>>) src(%arg31 : memref<64x128xf32, #tpu.memory_space<vmem>>) dst(%dma_wait3A_96 : memref<10240x128xf32, #tpu.memory_space<vmem_shared>>)
    %dma_wait3A_97 = arith.constant 0 : i32
    %dma_wait3A_98 = arith.constant 0 : i32
    %dma_wait3A_99 = tpu.memref_slice %arg51[%dma_wait3A_97, %dma_wait3A_98] : memref<10240x128xf32, #tpu.memory_space<vmem_shared>> -> memref<10240x128xf32, #tpu.memory_space<vmem_shared>>
    tpu.wait_indirect_dma semaphore(%arg48 : memref<!tpu.dma_semaphore, #tpu.memory_space<semaphore_mem>>) src(%arg32 : memref<64x128xf32, #tpu.memory_space<vmem>>) dst(%dma_wait3A_99 : memref<10240x128xf32, #tpu.memory_space<vmem_shared>>)
    %dma_wait3A_100 = arith.constant 0 : i32
    %dma_wait3A_101 = arith.constant 0 : i32
    %dma_wait3A_102 = tpu.memref_slice %arg51[%dma_wait3A_100, %dma_wait3A_101] : memref<10240x128xf32, #tpu.memory_space<vmem_shared>> -> memref<10240x128xf32, #tpu.memory_space<vmem_shared>>
    tpu.wait_indirect_dma semaphore(%arg49 : memref<!tpu.dma_semaphore, #tpu.memory_space<semaphore_mem>>) src(%arg33 : memref<64x128xf32, #tpu.memory_space<vmem>>) dst(%dma_wait3A_102 : memref<10240x128xf32, #tpu.memory_space<vmem_shared>>)
    %dma_wait3A_103 = arith.constant 0 : i32
    %dma_wait3A_104 = arith.constant 0 : i32
    %dma_wait3A_105 = tpu.memref_slice %arg51[%dma_wait3A_103, %dma_wait3A_104] : memref<10240x128xf32, #tpu.memory_space<vmem_shared>> -> memref<10240x128xf32, #tpu.memory_space<vmem_shared>>
    tpu.wait_indirect_dma semaphore(%arg50 : memref<!tpu.dma_semaphore, #tpu.memory_space<semaphore_mem>>) src(%arg34 : memref<64x128xf32, #tpu.memory_space<vmem>>) dst(%dma_wait3A_105 : memref<10240x128xf32, #tpu.memory_space<vmem_shared>>)
    %barrier3A_106 = arith.constant 0 : index
    tpu.barrier barrier_id(%barrier3A_106)
    %mul3A_107 = arith.constant 640 : i32
    %mul3A_108 = arith.muli %arg1, %mul3A_107 : i32
    %mul3A_109 = arith.constant 640 : i32
    %mul3A_110 = arith.muli %arg1, %mul3A_109 : i32
    "tpu.region"() ({
      %run_scoped3A = tpu.sem_alloc : memref<!tpu.dma_semaphore, #tpu.memory_space<semaphore_mem>>
      %dma_start3A_111 = arith.constant 0 : i32
      %dma_start3A_112 = tpu.memref_slice %arg6[%arg0, %mul3A_110, %dma_start3A_111] : memref<2x10240x128xf32, #tpu.memory_space<hbm>> -> memref<1x640x128xf32, #tpu.memory_space<hbm>>
      %dma_start3A_113 = tpu.memref_squeeze %dma_start3A_112 : memref<1x640x128xf32, #tpu.memory_space<hbm>> -> memref<640x128xf32, #tpu.memory_space<hbm>>
      %dma_start3A_114 = arith.constant 0 : i32
      %dma_start3A_115 = tpu.memref_slice %arg51[%mul3A_108, %dma_start3A_114] : memref<10240x128xf32, #tpu.memory_space<vmem_shared>> -> memref<640x128xf32, #tpu.memory_space<vmem_shared>>
      tpu.enqueue_dma source(%dma_start3A_115 : memref<640x128xf32, #tpu.memory_space<vmem_shared>>) target(%dma_start3A_113 : memref<640x128xf32, #tpu.memory_space<hbm>>) target_semaphore(%run_scoped3A : memref<!tpu.dma_semaphore, #tpu.memory_space<semaphore_mem>>)
      %dma_wait3A_116 = arith.constant 0 : i32
      %dma_wait3A_117 = tpu.memref_slice %arg6[%arg0, %mul3A_110, %dma_wait3A_116] : memref<2x10240x128xf32, #tpu.memory_space<hbm>> -> memref<1x640x128xf32, #tpu.memory_space<hbm>>
      %dma_wait3A_118 = tpu.memref_squeeze %dma_wait3A_117 : memref<1x640x128xf32, #tpu.memory_space<hbm>> -> memref<640x128xf32, #tpu.memory_space<hbm>>
      %dma_wait3A_119 = arith.constant 0 : i32
      %dma_wait3A_120 = tpu.memref_slice %arg51[%mul3A_108, %dma_wait3A_119] : memref<10240x128xf32, #tpu.memory_space<vmem_shared>> -> memref<640x128xf32, #tpu.memory_space<vmem_shared>>
      tpu.wait_dma2 semaphore(%run_scoped3A : memref<!tpu.dma_semaphore, #tpu.memory_space<semaphore_mem>>) src(%dma_wait3A_120 : memref<640x128xf32, #tpu.memory_space<vmem_shared>>) dst(%dma_wait3A_118 : memref<640x128xf32, #tpu.memory_space<hbm>>)
      tpu.yield
    }) : () -> ()
    return
  }
}

#map = affine_map<(d0, d1) -> (0)>
#map1 = affine_map<(d0, d1) -> (0, 0)>
module attributes {stable_mosaic.version = 14 : i64} {
  func.func @deg_kernel(%arg0: i32, %arg1: i32, %arg2: memref<327680xi32, #tpu.memory_space<hbm>>, %arg3: memref<327680xf32, #tpu.memory_space<hbm>>, %arg4: memref<2x10240xf32, #tpu.memory_space<hbm>>, %arg5: memref<128xi32, #tpu.memory_space<vmem>>, %arg6: memref<128xi32, #tpu.memory_space<vmem>>, %arg7: memref<128xi32, #tpu.memory_space<vmem>>, %arg8: memref<128xi32, #tpu.memory_space<vmem>>, %arg9: memref<128xf32, #tpu.memory_space<vmem>>, %arg10: memref<128xf32, #tpu.memory_space<vmem>>, %arg11: memref<128xf32, #tpu.memory_space<vmem>>, %arg12: memref<128xf32, #tpu.memory_space<vmem>>, %arg13: memref<640xf32, #tpu.memory_space<vmem>>, %arg14: memref<!tpu.dma_semaphore, #tpu.memory_space<semaphore_mem>>, %arg15: memref<!tpu.dma_semaphore, #tpu.memory_space<semaphore_mem>>, %arg16: memref<!tpu.dma_semaphore, #tpu.memory_space<semaphore_mem>>, %arg17: memref<!tpu.dma_semaphore, #tpu.memory_space<semaphore_mem>>, %arg18: memref<!tpu.dma_semaphore, #tpu.memory_space<semaphore_mem>>, %arg19: memref<!tpu.dma_semaphore, #tpu.memory_space<semaphore_mem>>, %arg20: memref<!tpu.dma_semaphore, #tpu.memory_space<semaphore_mem>>, %arg21: memref<!tpu.dma_semaphore, #tpu.memory_space<semaphore_mem>>, %arg22: memref<10240xf32, #tpu.memory_space<vmem_shared>>) attributes {dimension_semantics = [#tpu.dimension_semantics<core_parallel>, #tpu.dimension_semantics<subcore_parallel>], iteration_bounds = array<i64: 2, 16>, scalar_prefetch = 0 : i64, scratch_operands = 18 : i64, tpu.core_type = #tpu.core_type<sc_vector_subcore>, window_params = [{transform_indices = #map}, {transform_indices = #map}, {transform_indices = #map1}]} {
    %mul3A = arith.constant 16 : i32
    %mul3A_0 = arith.muli %arg0, %mul3A : i32
    %add3A = arith.addi %mul3A_0, %arg1 : i32
    %mul3A_1 = arith.constant 80 : i32
    %mul3A_2 = arith.muli %add3A, %mul3A_1 : i32
    %mul3A_3 = arith.constant 128 : i32
    %mul3A_4 = arith.muli %mul3A_2, %mul3A_3 : i32
    %scan3A = arith.constant 0 : i32
    %scan3A_5 = arith.constant 40 : i32
    %scan3A_6 = arith.addi %scan3A, %scan3A_5 : i32
    %scan3A_7 = arith.constant 1 : i32
    scf.for %scan3A_39 = %scan3A to %scan3A_6 step %scan3A_7  : i32 {
      %mul3A_40 = arith.constant 1 : i32
      %mul3A_41 = arith.muli %scan3A_39, %mul3A_40 : i32
      %add3A_42 = arith.constant 0 : i32
      %add3A_43 = arith.addi %add3A_42, %mul3A_41 : i32
      %broadcast_in_dim3A = arith.constant 0.000000e+00 : f32
      %broadcast_in_dim3A_44 = vector.broadcast %broadcast_in_dim3A : f32 to vector<16xf32>
      %mul3A_45 = arith.constant 16 : i32
      %mul3A_46 = arith.muli %add3A_43, %mul3A_45 : i32
      %swap3A = arith.index_cast %mul3A_46 : i32 to index
      %swap3A_47 = tpu.vector_load %arg13[%swap3A] {strides = array<i32>} : memref<640xf32, #tpu.memory_space<vmem>>, vector<16xf32>,
      tpu.vector_store %arg13[%swap3A], %broadcast_in_dim3A_44 {strides = array<i32>} : memref<640xf32, #tpu.memory_space<vmem>>, vector<16xf32>,
    }
    %scan3A_8 = arith.constant 40 : i32
    %mul3A_9 = arith.constant 640 : i32
    %mul3A_10 = arith.muli %arg1, %mul3A_9 : i32
    "tpu.region"() ({
      %run_scoped3A = tpu.sem_alloc : memref<!tpu.dma_semaphore, #tpu.memory_space<semaphore_mem>>
      %dma_start3A_39 = tpu.memref_slice %arg22[%mul3A_10] : memref<10240xf32, #tpu.memory_space<vmem_shared>> -> memref<640xf32, #tpu.memory_space<vmem_shared>>
      %dma_start3A_40 = tpu.memref_slice %arg22[%mul3A_10] : memref<10240xf32, #tpu.memory_space<vmem_shared>> -> memref<640xf32, #tpu.memory_space<vmem_shared>>
      tpu.enqueue_dma source(%arg13 : memref<640xf32, #tpu.memory_space<vmem>>) target(%dma_start3A_40 : memref<640xf32, #tpu.memory_space<vmem_shared>>) target_semaphore(%run_scoped3A : memref<!tpu.dma_semaphore, #tpu.memory_space<semaphore_mem>>)
      %dma_wait3A_41 = tpu.memref_slice %arg22[%mul3A_10] : memref<10240xf32, #tpu.memory_space<vmem_shared>> -> memref<640xf32, #tpu.memory_space<vmem_shared>>
      %dma_wait3A_42 = tpu.memref_slice %arg22[%mul3A_10] : memref<10240xf32, #tpu.memory_space<vmem_shared>> -> memref<640xf32, #tpu.memory_space<vmem_shared>>
      tpu.wait_dma2 semaphore(%run_scoped3A : memref<!tpu.dma_semaphore, #tpu.memory_space<semaphore_mem>>) src(%arg13 : memref<640xf32, #tpu.memory_space<vmem>>) dst(%dma_wait3A_42 : memref<640xf32, #tpu.memory_space<vmem_shared>>)
      tpu.yield
    }) : () -> ()
    %barrier3A = arith.constant 0 : index
    tpu.barrier barrier_id(%barrier3A)
    %add3A_11 = arith.constant 0 : i32
    %add3A_12 = arith.addi %mul3A_4, %add3A_11 : i32
    %dma_start3A = tpu.memref_slice %arg2[%add3A_12] : memref<327680xi32, #tpu.memory_space<hbm>> -> memref<128xi32, #tpu.memory_space<hbm>>
    %dma_start3A_13 = tpu.memref_slice %arg2[%add3A_12] : memref<327680xi32, #tpu.memory_space<hbm>> -> memref<128xi32, #tpu.memory_space<hbm>>
    tpu.enqueue_dma source(%dma_start3A_13 : memref<128xi32, #tpu.memory_space<hbm>>) target(%arg5 : memref<128xi32, #tpu.memory_space<vmem>>) target_semaphore(%arg14 : memref<!tpu.dma_semaphore, #tpu.memory_space<semaphore_mem>>)
    %dma_start3A_14 = tpu.memref_slice %arg3[%add3A_12] : memref<327680xf32, #tpu.memory_space<hbm>> -> memref<128xf32, #tpu.memory_space<hbm>>
    %dma_start3A_15 = tpu.memref_slice %arg3[%add3A_12] : memref<327680xf32, #tpu.memory_space<hbm>> -> memref<128xf32, #tpu.memory_space<hbm>>
    tpu.enqueue_dma source(%dma_start3A_15 : memref<128xf32, #tpu.memory_space<hbm>>) target(%arg9 : memref<128xf32, #tpu.memory_space<vmem>>) target_semaphore(%arg14 : memref<!tpu.dma_semaphore, #tpu.memory_space<semaphore_mem>>)
    %add3A_16 = arith.constant 128 : i32
    %add3A_17 = arith.addi %mul3A_4, %add3A_16 : i32
    %dma_start3A_18 = tpu.memref_slice %arg2[%add3A_17] : memref<327680xi32, #tpu.memory_space<hbm>> -> memref<128xi32, #tpu.memory_space<hbm>>
    %dma_start3A_19 = tpu.memref_slice %arg2[%add3A_17] : memref<327680xi32, #tpu.memory_space<hbm>> -> memref<128xi32, #tpu.memory_space<hbm>>
    tpu.enqueue_dma source(%dma_start3A_19 : memref<128xi32, #tpu.memory_space<hbm>>) target(%arg6 : memref<128xi32, #tpu.memory_space<vmem>>) target_semaphore(%arg15 : memref<!tpu.dma_semaphore, #tpu.memory_space<semaphore_mem>>)
    %dma_start3A_20 = tpu.memref_slice %arg3[%add3A_17] : memref<327680xf32, #tpu.memory_space<hbm>> -> memref<128xf32, #tpu.memory_space<hbm>>
    %dma_start3A_21 = tpu.memref_slice %arg3[%add3A_17] : memref<327680xf32, #tpu.memory_space<hbm>> -> memref<128xf32, #tpu.memory_space<hbm>>
    tpu.enqueue_dma source(%dma_start3A_21 : memref<128xf32, #tpu.memory_space<hbm>>) target(%arg10 : memref<128xf32, #tpu.memory_space<vmem>>) target_semaphore(%arg15 : memref<!tpu.dma_semaphore, #tpu.memory_space<semaphore_mem>>)
    %scan3A_22 = arith.constant 0 : i32
    %scan3A_23 = arith.constant 20 : i32
    %scan3A_24 = arith.addi %scan3A_22, %scan3A_23 : i32
    %scan3A_25 = arith.constant 1 : i32
    scf.for %scan3A_39 = %scan3A_22 to %scan3A_24 step %scan3A_25  : i32 {
      %mul3A_40 = arith.constant 4 : i32
      %mul3A_41 = arith.muli %scan3A_39, %mul3A_40 : i32
      %add3A_42 = arith.constant 0 : i32
      %add3A_43 = arith.addi %add3A_42, %mul3A_41 : i32
      %add3A_44 = arith.constant 0 : i32
      %add3A_45 = arith.addi %add3A_43, %add3A_44 : i32
      %add3A_46 = arith.constant 2 : i32
      %add3A_47 = arith.addi %add3A_45, %add3A_46 : i32
      %lt3A = arith.constant 80 : i32
      %lt3A_48 = arith.cmpi slt, %add3A_47, %lt3A : i32
      %convert_element_type3A = arith.extui %lt3A_48 : i1 to i32
      %cond3A = arith.constant 0 : i32
      %cond3A_49 = arith.cmpi ne, %convert_element_type3A, %cond3A : i32
      scf.if %cond3A_49 {
        %ge3A = arith.constant 2 : i32
        %ge3A_117 = arith.cmpi sge, %add3A_45, %ge3A : i32
        %convert_element_type3A_118 = arith.extui %ge3A_117 : i1 to i32
        %cond3A_119 = arith.constant 0 : i32
        %cond3A_120 = arith.cmpi ne, %convert_element_type3A_118, %cond3A_119 : i32
        scf.if %cond3A_120 {
          %dma_wait3A_130 = arith.constant 0 : i32
          %dma_wait3A_131 = tpu.memref_slice %arg22[%dma_wait3A_130] : memref<10240xf32, #tpu.memory_space<vmem_shared>> -> memref<10240xf32, #tpu.memory_space<vmem_shared>>
          tpu.wait_indirect_dma semaphore(%arg20 : memref<!tpu.dma_semaphore, #tpu.memory_space<semaphore_mem>>) src(%arg11 : memref<128xf32, #tpu.memory_space<vmem>>) dst(%dma_wait3A_131 : memref<10240xf32, #tpu.memory_space<vmem_shared>>)
        } else {
        }
        %add3A_121 = arith.constant 2 : i32
        %add3A_122 = arith.addi %add3A_45, %add3A_121 : i32
        %mul3A_123 = arith.constant 128 : i32
        %mul3A_124 = arith.muli %add3A_122, %mul3A_123 : i32
        %add3A_125 = arith.addi %mul3A_4, %mul3A_124 : i32
        %dma_start3A_126 = tpu.memref_slice %arg2[%add3A_125] : memref<327680xi32, #tpu.memory_space<hbm>> -> memref<128xi32, #tpu.memory_space<hbm>>
        %dma_start3A_127 = tpu.memref_slice %arg2[%add3A_125] : memref<327680xi32, #tpu.memory_space<hbm>> -> memref<128xi32, #tpu.memory_space<hbm>>
        tpu.enqueue_dma source(%dma_start3A_127 : memref<128xi32, #tpu.memory_space<hbm>>) target(%arg7 : memref<128xi32, #tpu.memory_space<vmem>>) target_semaphore(%arg16 : memref<!tpu.dma_semaphore, #tpu.memory_space<semaphore_mem>>)
        %dma_start3A_128 = tpu.memref_slice %arg3[%add3A_125] : memref<327680xf32, #tpu.memory_space<hbm>> -> memref<128xf32, #tpu.memory_space<hbm>>
        %dma_start3A_129 = tpu.memref_slice %arg3[%add3A_125] : memref<327680xf32, #tpu.memory_space<hbm>> -> memref<128xf32, #tpu.memory_space<hbm>>
        tpu.enqueue_dma source(%dma_start3A_129 : memref<128xf32, #tpu.memory_space<hbm>>) target(%arg11 : memref<128xf32, #tpu.memory_space<vmem>>) target_semaphore(%arg16 : memref<!tpu.dma_semaphore, #tpu.memory_space<semaphore_mem>>)
      } else {
      }
      %dma_wait3A_50 = arith.constant 0 : i32
      %dma_wait3A_51 = tpu.memref_slice %arg2[%dma_wait3A_50] : memref<327680xi32, #tpu.memory_space<hbm>> -> memref<128xi32, #tpu.memory_space<hbm>>
      %dma_wait3A_52 = arith.constant 0 : i32
      %dma_wait3A_53 = tpu.memref_slice %arg2[%dma_wait3A_52] : memref<327680xi32, #tpu.memory_space<hbm>> -> memref<128xi32, #tpu.memory_space<hbm>>
      tpu.wait_dma2 semaphore(%arg14 : memref<!tpu.dma_semaphore, #tpu.memory_space<semaphore_mem>>) src(%dma_wait3A_53 : memref<128xi32, #tpu.memory_space<hbm>>) dst(%arg5 : memref<128xi32, #tpu.memory_space<vmem>>)
      %dma_wait3A_54 = arith.constant 0 : i32
      %dma_wait3A_55 = tpu.memref_slice %arg3[%dma_wait3A_54] : memref<327680xf32, #tpu.memory_space<hbm>> -> memref<128xf32, #tpu.memory_space<hbm>>
      %dma_wait3A_56 = arith.constant 0 : i32
      %dma_wait3A_57 = tpu.memref_slice %arg3[%dma_wait3A_56] : memref<327680xf32, #tpu.memory_space<hbm>> -> memref<128xf32, #tpu.memory_space<hbm>>
      tpu.wait_dma2 semaphore(%arg14 : memref<!tpu.dma_semaphore, #tpu.memory_space<semaphore_mem>>) src(%dma_wait3A_57 : memref<128xf32, #tpu.memory_space<hbm>>) dst(%arg9 : memref<128xf32, #tpu.memory_space<vmem>>)
      %dma_start3A_58 = arith.constant 0 : i32
      %dma_start3A_59 = tpu.memref_slice %arg22[%dma_start3A_58] : memref<10240xf32, #tpu.memory_space<vmem_shared>> -> memref<10240xf32, #tpu.memory_space<vmem_shared>>
      tpu.enqueue_indirect_dma source(%arg9 : memref<128xf32, #tpu.memory_space<vmem>>) target(%dma_start3A_59 : memref<10240xf32, #tpu.memory_space<vmem_shared>>) offsets(%arg5 : memref<128xi32, #tpu.memory_space<vmem>>) semaphore(%arg18 : memref<!tpu.dma_semaphore, #tpu.memory_space<semaphore_mem>>) {add = true}
      %add3A_60 = arith.constant 1 : i32
      %add3A_61 = arith.addi %add3A_43, %add3A_60 : i32
      %add3A_62 = arith.constant 2 : i32
      %add3A_63 = arith.addi %add3A_61, %add3A_62 : i32
      %lt3A_64 = arith.constant 80 : i32
      %lt3A_65 = arith.cmpi slt, %add3A_63, %lt3A_64 : i32
      %convert_element_type3A_66 = arith.extui %lt3A_65 : i1 to i32
      %cond3A_67 = arith.constant 0 : i32
      %cond3A_68 = arith.cmpi ne, %convert_element_type3A_66, %cond3A_67 : i32
      scf.if %cond3A_68 {
        %ge3A = arith.constant 2 : i32
        %ge3A_117 = arith.cmpi sge, %add3A_61, %ge3A : i32
        %convert_element_type3A_118 = arith.extui %ge3A_117 : i1 to i32
        %cond3A_119 = arith.constant 0 : i32
        %cond3A_120 = arith.cmpi ne, %convert_element_type3A_118, %cond3A_119 : i32
        scf.if %cond3A_120 {
          %dma_wait3A_130 = arith.constant 0 : i32
          %dma_wait3A_131 = tpu.memref_slice %arg22[%dma_wait3A_130] : memref<10240xf32, #tpu.memory_space<vmem_shared>> -> memref<10240xf32, #tpu.memory_space<vmem_shared>>
          tpu.wait_indirect_dma semaphore(%arg21 : memref<!tpu.dma_semaphore, #tpu.memory_space<semaphore_mem>>) src(%arg12 : memref<128xf32, #tpu.memory_space<vmem>>) dst(%dma_wait3A_131 : memref<10240xf32, #tpu.memory_space<vmem_shared>>)
        } else {
        }
        %add3A_121 = arith.constant 2 : i32
        %add3A_122 = arith.addi %add3A_61, %add3A_121 : i32
        %mul3A_123 = arith.constant 128 : i32
        %mul3A_124 = arith.muli %add3A_122, %mul3A_123 : i32
        %add3A_125 = arith.addi %mul3A_4, %mul3A_124 : i32
        %dma_start3A_126 = tpu.memref_slice %arg2[%add3A_125] : memref<327680xi32, #tpu.memory_space<hbm>> -> memref<128xi32, #tpu.memory_space<hbm>>
        %dma_start3A_127 = tpu.memref_slice %arg2[%add3A_125] : memref<327680xi32, #tpu.memory_space<hbm>> -> memref<128xi32, #tpu.memory_space<hbm>>
        tpu.enqueue_dma source(%dma_start3A_127 : memref<128xi32, #tpu.memory_space<hbm>>) target(%arg8 : memref<128xi32, #tpu.memory_space<vmem>>) target_semaphore(%arg17 : memref<!tpu.dma_semaphore, #tpu.memory_space<semaphore_mem>>)
        %dma_start3A_128 = tpu.memref_slice %arg3[%add3A_125] : memref<327680xf32, #tpu.memory_space<hbm>> -> memref<128xf32, #tpu.memory_space<hbm>>
        %dma_start3A_129 = tpu.memref_slice %arg3[%add3A_125] : memref<327680xf32, #tpu.memory_space<hbm>> -> memref<128xf32, #tpu.memory_space<hbm>>
        tpu.enqueue_dma source(%dma_start3A_129 : memref<128xf32, #tpu.memory_space<hbm>>) target(%arg12 : memref<128xf32, #tpu.memory_space<vmem>>) target_semaphore(%arg17 : memref<!tpu.dma_semaphore, #tpu.memory_space<semaphore_mem>>)
      } else {
      }
      %dma_wait3A_69 = arith.constant 0 : i32
      %dma_wait3A_70 = tpu.memref_slice %arg2[%dma_wait3A_69] : memref<327680xi32, #tpu.memory_space<hbm>> -> memref<128xi32, #tpu.memory_space<hbm>>
      %dma_wait3A_71 = arith.constant 0 : i32
      %dma_wait3A_72 = tpu.memref_slice %arg2[%dma_wait3A_71] : memref<327680xi32, #tpu.memory_space<hbm>> -> memref<128xi32, #tpu.memory_space<hbm>>
      tpu.wait_dma2 semaphore(%arg15 : memref<!tpu.dma_semaphore, #tpu.memory_space<semaphore_mem>>) src(%dma_wait3A_72 : memref<128xi32, #tpu.memory_space<hbm>>) dst(%arg6 : memref<128xi32, #tpu.memory_space<vmem>>)
      %dma_wait3A_73 = arith.constant 0 : i32
      %dma_wait3A_74 = tpu.memref_slice %arg3[%dma_wait3A_73] : memref<327680xf32, #tpu.memory_space<hbm>> -> memref<128xf32, #tpu.memory_space<hbm>>
      %dma_wait3A_75 = arith.constant 0 : i32
      %dma_wait3A_76 = tpu.memref_slice %arg3[%dma_wait3A_75] : memref<327680xf32, #tpu.memory_space<hbm>> -> memref<128xf32, #tpu.memory_space<hbm>>
      tpu.wait_dma2 semaphore(%arg15 : memref<!tpu.dma_semaphore, #tpu.memory_space<semaphore_mem>>) src(%dma_wait3A_76 : memref<128xf32, #tpu.memory_space<hbm>>) dst(%arg10 : memref<128xf32, #tpu.memory_space<vmem>>)
      %dma_start3A_77 = arith.constant 0 : i32
      %dma_start3A_78 = tpu.memref_slice %arg22[%dma_start3A_77] : memref<10240xf32, #tpu.memory_space<vmem_shared>> -> memref<10240xf32, #tpu.memory_space<vmem_shared>>
      tpu.enqueue_indirect_dma source(%arg10 : memref<128xf32, #tpu.memory_space<vmem>>) target(%dma_start3A_78 : memref<10240xf32, #tpu.memory_space<vmem_shared>>) offsets(%arg6 : memref<128xi32, #tpu.memory_space<vmem>>) semaphore(%arg19 : memref<!tpu.dma_semaphore, #tpu.memory_space<semaphore_mem>>) {add = true}
      %add3A_79 = arith.constant 2 : i32
      %add3A_80 = arith.addi %add3A_43, %add3A_79 : i32
      %add3A_81 = arith.constant 2 : i32
      %add3A_82 = arith.addi %add3A_80, %add3A_81 : i32
      %lt3A_83 = arith.constant 80 : i32
      %lt3A_84 = arith.cmpi slt, %add3A_82, %lt3A_83 : i32
      %convert_element_type3A_85 = arith.extui %lt3A_84 : i1 to i32
      %cond3A_86 = arith.constant 0 : i32
      %cond3A_87 = arith.cmpi ne, %convert_element_type3A_85, %cond3A_86 : i32
      scf.if %cond3A_87 {
        %ge3A = arith.constant 2 : i32
        %ge3A_117 = arith.cmpi sge, %add3A_80, %ge3A : i32
        %convert_element_type3A_118 = arith.extui %ge3A_117 : i1 to i32
        %cond3A_119 = arith.constant 0 : i32
        %cond3A_120 = arith.cmpi ne, %convert_element_type3A_118, %cond3A_119 : i32
        scf.if %cond3A_120 {
          %dma_wait3A_130 = arith.constant 0 : i32
          %dma_wait3A_131 = tpu.memref_slice %arg22[%dma_wait3A_130] : memref<10240xf32, #tpu.memory_space<vmem_shared>> -> memref<10240xf32, #tpu.memory_space<vmem_shared>>
          tpu.wait_indirect_dma semaphore(%arg18 : memref<!tpu.dma_semaphore, #tpu.memory_space<semaphore_mem>>) src(%arg9 : memref<128xf32, #tpu.memory_space<vmem>>) dst(%dma_wait3A_131 : memref<10240xf32, #tpu.memory_space<vmem_shared>>)
        } else {
        }
        %add3A_121 = arith.constant 2 : i32
        %add3A_122 = arith.addi %add3A_80, %add3A_121 : i32
        %mul3A_123 = arith.constant 128 : i32
        %mul3A_124 = arith.muli %add3A_122, %mul3A_123 : i32
        %add3A_125 = arith.addi %mul3A_4, %mul3A_124 : i32
        %dma_start3A_126 = tpu.memref_slice %arg2[%add3A_125] : memref<327680xi32, #tpu.memory_space<hbm>> -> memref<128xi32, #tpu.memory_space<hbm>>
        %dma_start3A_127 = tpu.memref_slice %arg2[%add3A_125] : memref<327680xi32, #tpu.memory_space<hbm>> -> memref<128xi32, #tpu.memory_space<hbm>>
        tpu.enqueue_dma source(%dma_start3A_127 : memref<128xi32, #tpu.memory_space<hbm>>) target(%arg5 : memref<128xi32, #tpu.memory_space<vmem>>) target_semaphore(%arg14 : memref<!tpu.dma_semaphore, #tpu.memory_space<semaphore_mem>>)
        %dma_start3A_128 = tpu.memref_slice %arg3[%add3A_125] : memref<327680xf32, #tpu.memory_space<hbm>> -> memref<128xf32, #tpu.memory_space<hbm>>
        %dma_start3A_129 = tpu.memref_slice %arg3[%add3A_125] : memref<327680xf32, #tpu.memory_space<hbm>> -> memref<128xf32, #tpu.memory_space<hbm>>
        tpu.enqueue_dma source(%dma_start3A_129 : memref<128xf32, #tpu.memory_space<hbm>>) target(%arg9 : memref<128xf32, #tpu.memory_space<vmem>>) target_semaphore(%arg14 : memref<!tpu.dma_semaphore, #tpu.memory_space<semaphore_mem>>)
      } else {
      }
      %dma_wait3A_88 = arith.constant 0 : i32
      %dma_wait3A_89 = tpu.memref_slice %arg2[%dma_wait3A_88] : memref<327680xi32, #tpu.memory_space<hbm>> -> memref<128xi32, #tpu.memory_space<hbm>>
      %dma_wait3A_90 = arith.constant 0 : i32
      %dma_wait3A_91 = tpu.memref_slice %arg2[%dma_wait3A_90] : memref<327680xi32, #tpu.memory_space<hbm>> -> memref<128xi32, #tpu.memory_space<hbm>>
      tpu.wait_dma2 semaphore(%arg16 : memref<!tpu.dma_semaphore, #tpu.memory_space<semaphore_mem>>) src(%dma_wait3A_91 : memref<128xi32, #tpu.memory_space<hbm>>) dst(%arg7 : memref<128xi32, #tpu.memory_space<vmem>>)
      %dma_wait3A_92 = arith.constant 0 : i32
      %dma_wait3A_93 = tpu.memref_slice %arg3[%dma_wait3A_92] : memref<327680xf32, #tpu.memory_space<hbm>> -> memref<128xf32, #tpu.memory_space<hbm>>
      %dma_wait3A_94 = arith.constant 0 : i32
      %dma_wait3A_95 = tpu.memref_slice %arg3[%dma_wait3A_94] : memref<327680xf32, #tpu.memory_space<hbm>> -> memref<128xf32, #tpu.memory_space<hbm>>
      tpu.wait_dma2 semaphore(%arg16 : memref<!tpu.dma_semaphore, #tpu.memory_space<semaphore_mem>>) src(%dma_wait3A_95 : memref<128xf32, #tpu.memory_space<hbm>>) dst(%arg11 : memref<128xf32, #tpu.memory_space<vmem>>)
      %dma_start3A_96 = arith.constant 0 : i32
      %dma_start3A_97 = tpu.memref_slice %arg22[%dma_start3A_96] : memref<10240xf32, #tpu.memory_space<vmem_shared>> -> memref<10240xf32, #tpu.memory_space<vmem_shared>>
      tpu.enqueue_indirect_dma source(%arg11 : memref<128xf32, #tpu.memory_space<vmem>>) target(%dma_start3A_97 : memref<10240xf32, #tpu.memory_space<vmem_shared>>) offsets(%arg7 : memref<128xi32, #tpu.memory_space<vmem>>) semaphore(%arg20 : memref<!tpu.dma_semaphore, #tpu.memory_space<semaphore_mem>>) {add = true}
      %add3A_98 = arith.constant 3 : i32
      %add3A_99 = arith.addi %add3A_43, %add3A_98 : i32
      %add3A_100 = arith.constant 2 : i32
      %add3A_101 = arith.addi %add3A_99, %add3A_100 : i32
      %lt3A_102 = arith.constant 80 : i32
      %lt3A_103 = arith.cmpi slt, %add3A_101, %lt3A_102 : i32
      %convert_element_type3A_104 = arith.extui %lt3A_103 : i1 to i32
      %cond3A_105 = arith.constant 0 : i32
      %cond3A_106 = arith.cmpi ne, %convert_element_type3A_104, %cond3A_105 : i32
      scf.if %cond3A_106 {
        %ge3A = arith.constant 2 : i32
        %ge3A_117 = arith.cmpi sge, %add3A_99, %ge3A : i32
        %convert_element_type3A_118 = arith.extui %ge3A_117 : i1 to i32
        %cond3A_119 = arith.constant 0 : i32
        %cond3A_120 = arith.cmpi ne, %convert_element_type3A_118, %cond3A_119 : i32
        scf.if %cond3A_120 {
          %dma_wait3A_130 = arith.constant 0 : i32
          %dma_wait3A_131 = tpu.memref_slice %arg22[%dma_wait3A_130] : memref<10240xf32, #tpu.memory_space<vmem_shared>> -> memref<10240xf32, #tpu.memory_space<vmem_shared>>
          tpu.wait_indirect_dma semaphore(%arg19 : memref<!tpu.dma_semaphore, #tpu.memory_space<semaphore_mem>>) src(%arg10 : memref<128xf32, #tpu.memory_space<vmem>>) dst(%dma_wait3A_131 : memref<10240xf32, #tpu.memory_space<vmem_shared>>)
        } else {
        }
        %add3A_121 = arith.constant 2 : i32
        %add3A_122 = arith.addi %add3A_99, %add3A_121 : i32
        %mul3A_123 = arith.constant 128 : i32
        %mul3A_124 = arith.muli %add3A_122, %mul3A_123 : i32
        %add3A_125 = arith.addi %mul3A_4, %mul3A_124 : i32
        %dma_start3A_126 = tpu.memref_slice %arg2[%add3A_125] : memref<327680xi32, #tpu.memory_space<hbm>> -> memref<128xi32, #tpu.memory_space<hbm>>
        %dma_start3A_127 = tpu.memref_slice %arg2[%add3A_125] : memref<327680xi32, #tpu.memory_space<hbm>> -> memref<128xi32, #tpu.memory_space<hbm>>
        tpu.enqueue_dma source(%dma_start3A_127 : memref<128xi32, #tpu.memory_space<hbm>>) target(%arg6 : memref<128xi32, #tpu.memory_space<vmem>>) target_semaphore(%arg15 : memref<!tpu.dma_semaphore, #tpu.memory_space<semaphore_mem>>)
        %dma_start3A_128 = tpu.memref_slice %arg3[%add3A_125] : memref<327680xf32, #tpu.memory_space<hbm>> -> memref<128xf32, #tpu.memory_space<hbm>>
        %dma_start3A_129 = tpu.memref_slice %arg3[%add3A_125] : memref<327680xf32, #tpu.memory_space<hbm>> -> memref<128xf32, #tpu.memory_space<hbm>>
        tpu.enqueue_dma source(%dma_start3A_129 : memref<128xf32, #tpu.memory_space<hbm>>) target(%arg10 : memref<128xf32, #tpu.memory_space<vmem>>) target_semaphore(%arg15 : memref<!tpu.dma_semaphore, #tpu.memory_space<semaphore_mem>>)
      } else {
      }
      %dma_wait3A_107 = arith.constant 0 : i32
      %dma_wait3A_108 = tpu.memref_slice %arg2[%dma_wait3A_107] : memref<327680xi32, #tpu.memory_space<hbm>> -> memref<128xi32, #tpu.memory_space<hbm>>
      %dma_wait3A_109 = arith.constant 0 : i32
      %dma_wait3A_110 = tpu.memref_slice %arg2[%dma_wait3A_109] : memref<327680xi32, #tpu.memory_space<hbm>> -> memref<128xi32, #tpu.memory_space<hbm>>
      tpu.wait_dma2 semaphore(%arg17 : memref<!tpu.dma_semaphore, #tpu.memory_space<semaphore_mem>>) src(%dma_wait3A_110 : memref<128xi32, #tpu.memory_space<hbm>>) dst(%arg8 : memref<128xi32, #tpu.memory_space<vmem>>)
      %dma_wait3A_111 = arith.constant 0 : i32
      %dma_wait3A_112 = tpu.memref_slice %arg3[%dma_wait3A_111] : memref<327680xf32, #tpu.memory_space<hbm>> -> memref<128xf32, #tpu.memory_space<hbm>>
      %dma_wait3A_113 = arith.constant 0 : i32
      %dma_wait3A_114 = tpu.memref_slice %arg3[%dma_wait3A_113] : memref<327680xf32, #tpu.memory_space<hbm>> -> memref<128xf32, #tpu.memory_space<hbm>>
      tpu.wait_dma2 semaphore(%arg17 : memref<!tpu.dma_semaphore, #tpu.memory_space<semaphore_mem>>) src(%dma_wait3A_114 : memref<128xf32, #tpu.memory_space<hbm>>) dst(%arg12 : memref<128xf32, #tpu.memory_space<vmem>>)
      %dma_start3A_115 = arith.constant 0 : i32
      %dma_start3A_116 = tpu.memref_slice %arg22[%dma_start3A_115] : memref<10240xf32, #tpu.memory_space<vmem_shared>> -> memref<10240xf32, #tpu.memory_space<vmem_shared>>
      tpu.enqueue_indirect_dma source(%arg12 : memref<128xf32, #tpu.memory_space<vmem>>) target(%dma_start3A_116 : memref<10240xf32, #tpu.memory_space<vmem_shared>>) offsets(%arg8 : memref<128xi32, #tpu.memory_space<vmem>>) semaphore(%arg21 : memref<!tpu.dma_semaphore, #tpu.memory_space<semaphore_mem>>) {add = true}
    }
    %scan3A_26 = arith.constant 20 : i32
    %dma_wait3A = arith.constant 0 : i32
    %dma_wait3A_27 = tpu.memref_slice %arg22[%dma_wait3A] : memref<10240xf32, #tpu.memory_space<vmem_shared>> -> memref<10240xf32, #tpu.memory_space<vmem_shared>>
    tpu.wait_indirect_dma semaphore(%arg18 : memref<!tpu.dma_semaphore, #tpu.memory_space<semaphore_mem>>) src(%arg9 : memref<128xf32, #tpu.memory_space<vmem>>) dst(%dma_wait3A_27 : memref<10240xf32, #tpu.memory_space<vmem_shared>>)
    %dma_wait3A_28 = arith.constant 0 : i32
    %dma_wait3A_29 = tpu.memref_slice %arg22[%dma_wait3A_28] : memref<10240xf32, #tpu.memory_space<vmem_shared>> -> memref<10240xf32, #tpu.memory_space<vmem_shared>>
    tpu.wait_indirect_dma semaphore(%arg19 : memref<!tpu.dma_semaphore, #tpu.memory_space<semaphore_mem>>) src(%arg10 : memref<128xf32, #tpu.memory_space<vmem>>) dst(%dma_wait3A_29 : memref<10240xf32, #tpu.memory_space<vmem_shared>>)
    %dma_wait3A_30 = arith.constant 0 : i32
    %dma_wait3A_31 = tpu.memref_slice %arg22[%dma_wait3A_30] : memref<10240xf32, #tpu.memory_space<vmem_shared>> -> memref<10240xf32, #tpu.memory_space<vmem_shared>>
    tpu.wait_indirect_dma semaphore(%arg20 : memref<!tpu.dma_semaphore, #tpu.memory_space<semaphore_mem>>) src(%arg11 : memref<128xf32, #tpu.memory_space<vmem>>) dst(%dma_wait3A_31 : memref<10240xf32, #tpu.memory_space<vmem_shared>>)
    %dma_wait3A_32 = arith.constant 0 : i32
    %dma_wait3A_33 = tpu.memref_slice %arg22[%dma_wait3A_32] : memref<10240xf32, #tpu.memory_space<vmem_shared>> -> memref<10240xf32, #tpu.memory_space<vmem_shared>>
    tpu.wait_indirect_dma semaphore(%arg21 : memref<!tpu.dma_semaphore, #tpu.memory_space<semaphore_mem>>) src(%arg12 : memref<128xf32, #tpu.memory_space<vmem>>) dst(%dma_wait3A_33 : memref<10240xf32, #tpu.memory_space<vmem_shared>>)
    %barrier3A_34 = arith.constant 0 : index
    tpu.barrier barrier_id(%barrier3A_34)
    %mul3A_35 = arith.constant 640 : i32
    %mul3A_36 = arith.muli %arg1, %mul3A_35 : i32
    %mul3A_37 = arith.constant 640 : i32
    %mul3A_38 = arith.muli %arg1, %mul3A_37 : i32
    "tpu.region"() ({
      %run_scoped3A = tpu.sem_alloc : memref<!tpu.dma_semaphore, #tpu.memory_space<semaphore_mem>>
      %dma_start3A_39 = tpu.memref_slice %arg4[%arg0, %mul3A_38] : memref<2x10240xf32, #tpu.memory_space<hbm>> -> memref<1x640xf32, #tpu.memory_space<hbm>>
      %dma_start3A_40 = tpu.memref_squeeze %dma_start3A_39 : memref<1x640xf32, #tpu.memory_space<hbm>> -> memref<640xf32, #tpu.memory_space<hbm>>
      %dma_start3A_41 = tpu.memref_slice %arg22[%mul3A_36] : memref<10240xf32, #tpu.memory_space<vmem_shared>> -> memref<640xf32, #tpu.memory_space<vmem_shared>>
      tpu.enqueue_dma source(%dma_start3A_41 : memref<640xf32, #tpu.memory_space<vmem_shared>>) target(%dma_start3A_40 : memref<640xf32, #tpu.memory_space<hbm>>) target_semaphore(%run_scoped3A : memref<!tpu.dma_semaphore, #tpu.memory_space<semaphore_mem>>)
      %dma_wait3A_42 = tpu.memref_slice %arg4[%arg0, %mul3A_38] : memref<2x10240xf32, #tpu.memory_space<hbm>> -> memref<1x640xf32, #tpu.memory_space<hbm>>
      %dma_wait3A_43 = tpu.memref_squeeze %dma_wait3A_42 : memref<1x640xf32, #tpu.memory_space<hbm>> -> memref<640xf32, #tpu.memory_space<hbm>>
      %dma_wait3A_44 = tpu.memref_slice %arg22[%mul3A_36] : memref<10240xf32, #tpu.memory_space<vmem_shared>> -> memref<640xf32, #tpu.memory_space<vmem_shared>>
      tpu.wait_dma2 semaphore(%run_scoped3A : memref<!tpu.dma_semaphore, #tpu.memory_space<semaphore_mem>>) src(%dma_wait3A_44 : memref<640xf32, #tpu.memory_space<vmem_shared>>) dst(%dma_wait3A_43 : memref<640xf32, #tpu.memory_space<hbm>>)
      tpu.yield
    }) : () -> ()
    return
  }
}

module attributes {stable_mosaic.version = 14 : i64} {
  func.func @body(%arg0: i32, %arg1: memref<1024x128xf32, #tpu.memory_space<vmem>>, %arg2: memref<128x128xf32, #tpu.memory_space<vmem>>, %arg3: memref<1024x128xf32, #tpu.memory_space<vmem>>) attributes {dimension_semantics = [#tpu.dimension_semantics<arbitrary>], iteration_bounds = array<i64: 10>, scalar_prefetch = 0 : i64, scratch_operands = 0 : i64, tpu.core_type = #tpu.core_type<tc>, window_params = [{transform_indices = @transform_0, window_bounds = array<i64: 1024, 128>}, {pipeline_mode = #tpu.pipeline_mode<synchronous>, transform_indices = @transform_1, window_bounds = array<i64: 128, 128>}, {transform_indices = @transform_2, window_bounds = array<i64: 1024, 128>}]} {
    %get3A = arith.constant 0 : index
    %get3A_0 = arith.constant 0 : index
    %get3A_1 = vector.load %arg1[%get3A, %get3A_0] : memref<1024x128xf32, #tpu.memory_space<vmem>>, vector<1024x128xf32>
    %get3A_2 = arith.constant 0 : index
    %get3A_3 = arith.constant 0 : index
    %get3A_4 = vector.load %arg2[%get3A_2, %get3A_3] : memref<128x128xf32, #tpu.memory_space<vmem>>, vector<128x128xf32>
    %dot_general3A = arith.constant dense<0.000000e+00> : vector<1024x128xf32>
    %dot_general3A_5 = tpu.matmul %get3A_1, %get3A_4, %dot_general3A {dimension_numbers = #tpu.dot_dimension_numbers<[1], [0], [0], [1], [0, 0, 1, 1], [], []>, transpose_lhs_hint = false} : vector<1024x128xf32>, vector<128x128xf32>, vector<1024x128xf32> -> vector<1024x128xf32>
    %swap3A = arith.constant 0 : index
    %swap3A_6 = arith.constant 0 : index
    %swap3A_7 = vector.load %arg3[%swap3A, %swap3A_6] : memref<1024x128xf32, #tpu.memory_space<vmem>>, vector<1024x128xf32>
    tpu.vector_store %arg3[%swap3A, %swap3A_6], %dot_general3A_5 {strides = array<i32>} : memref<1024x128xf32, #tpu.memory_space<vmem>>, vector<1024x128xf32>,
    return
  }
  func.func @transform_0(%arg0: i32) -> (i32, i32) {
    %c0_i32 = arith.constant 0 : i32
    %c0_i32_0 = arith.constant 0 : i32
    return %arg0, %c0_i32 : i32, i32
  }
  func.func @transform_1(%arg0: i32) -> (i32, i32) {
    %c0_i32 = arith.constant 0 : i32
    %c0_i32_0 = arith.constant 0 : i32
    %c0_i32_1 = arith.constant 0 : i32
    return %c0_i32, %c0_i32_0 : i32, i32
  }
  func.func @transform_2(%arg0: i32) -> (i32, i32) {
    %c0_i32 = arith.constant 0 : i32
    %c0_i32_0 = arith.constant 0 : i32
    return %arg0, %c0_i32 : i32, i32
  }
}

module attributes {stable_mosaic.version = 14 : i64} {
  func.func @body(%arg0: i32, %arg1: memref<2x1024x128xf32, #tpu.memory_space<vmem>>, %arg2: memref<1024x128xf32, #tpu.memory_space<vmem>>, %arg3: memref<1024x1xf32, #tpu.memory_space<vmem>>, %arg4: memref<1x128xf32, #tpu.memory_space<vmem>>, %arg5: memref<1024x128xf32, #tpu.memory_space<vmem>>) attributes {dimension_semantics = [#tpu.dimension_semantics<arbitrary>], iteration_bounds = array<i64: 10>, scalar_prefetch = 0 : i64, scratch_operands = 0 : i64, tpu.core_type = #tpu.core_type<tc>, window_params = [{transform_indices = @transform_0, window_bounds = array<i64: 2, 1024, 128>}, {transform_indices = @transform_1, window_bounds = array<i64: 1024, 128>}, {transform_indices = @transform_2, window_bounds = array<i64: 1024, 1>}, {pipeline_mode = #tpu.pipeline_mode<synchronous>, transform_indices = @transform_3, window_bounds = array<i64: 1, 128>}, {transform_indices = @transform_4, window_bounds = array<i64: 1024, 128>}]} {
    %get3A = arith.constant 0 : index
    %get3A_0 = arith.constant 0 : index
    %get3A_1 = arith.constant 0 : index
    %get3A_2 = vector.load %arg1[%get3A, %get3A_0, %get3A_1] : memref<2x1024x128xf32, #tpu.memory_space<vmem>>, vector<1x1024x128xf32>
    %get3A_3 = vector.shape_cast %get3A_2 : vector<1x1024x128xf32> to vector<1024x128xf32>
    %get3A_4 = arith.constant 1 : index
    %get3A_5 = arith.constant 0 : index
    %get3A_6 = arith.constant 0 : index
    %get3A_7 = vector.load %arg1[%get3A_4, %get3A_5, %get3A_6] : memref<2x1024x128xf32, #tpu.memory_space<vmem>>, vector<1x1024x128xf32>
    %get3A_8 = vector.shape_cast %get3A_7 : vector<1x1024x128xf32> to vector<1024x128xf32>
    %add3A = arith.addf %get3A_3, %get3A_8 : vector<1024x128xf32>
    %get3A_9 = arith.constant 0 : index
    %get3A_10 = arith.constant 0 : index
    %get3A_11 = vector.load %arg2[%get3A_9, %get3A_10] : memref<1024x128xf32, #tpu.memory_space<vmem>>, vector<1024x128xf32>
    %add3A_12 = arith.addf %add3A, %get3A_11 : vector<1024x128xf32>
    %get3A_13 = arith.constant 0 : index
    %get3A_14 = arith.constant 0 : index
    %get3A_15 = vector.load %arg3[%get3A_13, %get3A_14] : memref<1024x1xf32, #tpu.memory_space<vmem>>, vector<1024x1xf32>
    %mul3A = vector.broadcast %get3A_15 : vector<1024x1xf32> to vector<1024x128xf32>
    %mul3A_16 = arith.mulf %add3A_12, %mul3A : vector<1024x128xf32>
    %get3A_17 = arith.constant 0 : index
    %get3A_18 = arith.constant 0 : index
    %get3A_19 = vector.load %arg4[%get3A_17, %get3A_18] : memref<1x128xf32, #tpu.memory_space<vmem>>, vector<1x128xf32>
    %add3A_20 = vector.broadcast %get3A_19 : vector<1x128xf32> to vector<1024x128xf32>
    %add3A_21 = arith.addf %mul3A_16, %add3A_20 : vector<1024x128xf32>
    %max3A = arith.constant 0.000000e+00 : f32
    %max3A_22 = vector.broadcast %max3A : f32 to vector<1024x128xf32>
    %max3A_23 = arith.maximumf %add3A_21, %max3A_22 : vector<1024x128xf32>
    %swap3A = arith.constant 0 : index
    %swap3A_24 = arith.constant 0 : index
    %swap3A_25 = vector.load %arg5[%swap3A, %swap3A_24] : memref<1024x128xf32, #tpu.memory_space<vmem>>, vector<1024x128xf32>
    tpu.vector_store %arg5[%swap3A, %swap3A_24], %max3A_23 {strides = array<i32>} : memref<1024x128xf32, #tpu.memory_space<vmem>>, vector<1024x128xf32>,
    return
  }
  func.func @transform_0(%arg0: i32) -> (i32, i32, i32) {
    %c0_i32 = arith.constant 0 : i32
    %c0_i32_0 = arith.constant 0 : i32
    %c0_i32_1 = arith.constant 0 : i32
    return %c0_i32, %arg0, %c0_i32_0 : i32, i32, i32
  }
  func.func @transform_1(%arg0: i32) -> (i32, i32) {
    %c0_i32 = arith.constant 0 : i32
    %c0_i32_0 = arith.constant 0 : i32
    return %arg0, %c0_i32 : i32, i32
  }
  func.func @transform_2(%arg0: i32) -> (i32, i32) {
    %c0_i32 = arith.constant 0 : i32
    %c0_i32_0 = arith.constant 0 : i32
    return %arg0, %c0_i32 : i32, i32
  }
  func.func @transform_3(%arg0: i32) -> (i32, i32) {
    %c0_i32 = arith.constant 0 : i32
    %c0_i32_0 = arith.constant 0 : i32
    %c0_i32_1 = arith.constant 0 : i32
    return %c0_i32, %c0_i32_0 : i32, i32
  }
  func.func @transform_4(%arg0: i32) -> (i32, i32) {
    %c0_i32 = arith.constant 0 : i32
    %c0_i32_0 = arith.constant 0 : i32
    return %arg0, %c0_i32 : i32, i32
  }
}

module attributes {stable_mosaic.version = 14 : i64} {
  func.func @body(%arg0: i32, %arg1: memref<1024x128xf32, #tpu.memory_space<vmem>>, %arg2: memref<2x1024xf32, #tpu.memory_space<vmem>>, %arg3: memref<1024x128xf32, #tpu.memory_space<vmem>>, %arg4: memref<1024x1xf32, #tpu.memory_space<vmem>>) attributes {dimension_semantics = [#tpu.dimension_semantics<arbitrary>], iteration_bounds = array<i64: 10>, scalar_prefetch = 0 : i64, scratch_operands = 0 : i64, tpu.core_type = #tpu.core_type<tc>, window_params = [{transform_indices = @transform_0, window_bounds = array<i64: 1024, 128>}, {transform_indices = @transform_1, window_bounds = array<i64: 2, 1024>}, {transform_indices = @transform_2, window_bounds = array<i64: 1024, 128>}, {transform_indices = @transform_3, window_bounds = array<i64: 1024, 1>}]} {
    %get3A = arith.constant 0 : index
    %get3A_0 = arith.constant 0 : index
    %get3A_1 = vector.load %arg2[%get3A, %get3A_0] : memref<2x1024xf32, #tpu.memory_space<vmem>>, vector<1x1024xf32>
    %get3A_2 = vector.shape_cast %get3A_1 : vector<1x1024xf32> to vector<1024xf32>
    %get3A_3 = arith.constant 1 : index
    %get3A_4 = arith.constant 0 : index
    %get3A_5 = vector.load %arg2[%get3A_3, %get3A_4] : memref<2x1024xf32, #tpu.memory_space<vmem>>, vector<1x1024xf32>
    %get3A_6 = vector.shape_cast %get3A_5 : vector<1x1024xf32> to vector<1024xf32>
    %add3A = arith.addf %get3A_2, %get3A_6 : vector<1024xf32>
    %add3A_7 = arith.constant 1.000000e+00 : f32
    %add3A_8 = vector.broadcast %add3A_7 : f32 to vector<1024xf32>
    %add3A_9 = arith.addf %add3A, %add3A_8 : vector<1024xf32>
    %gt3A = arith.constant 0.000000e+00 : f32
    %gt3A_10 = vector.broadcast %gt3A : f32 to vector<1024xf32>
    %gt3A_11 = arith.cmpf ogt, %add3A_9, %gt3A_10 : vector<1024xf32>
    %rsqrt3A = math.rsqrt %add3A_9 : vector<1024xf32>
    %jit3A = arith.constant 0.000000e+00 : f32
    %broadcast_in_dim3A = vector.broadcast %jit3A : f32 to vector<1024xf32>
    %select_n3A = arith.select %gt3A_11, %rsqrt3A, %broadcast_in_dim3A : vector<1024xi1>, vector<1024xf32>
    %reshape3A = vector.shape_cast %select_n3A : vector<1024xf32> to vector<1024x1xf32>
    %get3A_12 = arith.constant 0 : index
    %get3A_13 = arith.constant 0 : index
    %get3A_14 = vector.load %arg1[%get3A_12, %get3A_13] : memref<1024x128xf32, #tpu.memory_space<vmem>>, vector<1024x128xf32>
    %mul3A = vector.broadcast %reshape3A : vector<1024x1xf32> to vector<1024x128xf32>
    %mul3A_15 = arith.mulf %get3A_14, %mul3A : vector<1024x128xf32>
    %swap3A = arith.constant 0 : index
    %swap3A_16 = arith.constant 0 : index
    %swap3A_17 = vector.load %arg3[%swap3A, %swap3A_16] : memref<1024x128xf32, #tpu.memory_space<vmem>>, vector<1024x128xf32>
    tpu.vector_store %arg3[%swap3A, %swap3A_16], %mul3A_15 {strides = array<i32>} : memref<1024x128xf32, #tpu.memory_space<vmem>>, vector<1024x128xf32>,
    %swap3A_18 = arith.constant 0 : index
    %swap3A_19 = arith.constant 0 : index
    %swap3A_20 = vector.load %arg4[%swap3A_18, %swap3A_19] : memref<1024x1xf32, #tpu.memory_space<vmem>>, vector<1024x1xf32>
    tpu.vector_store %arg4[%swap3A_18, %swap3A_19], %reshape3A {strides = array<i32>} : memref<1024x1xf32, #tpu.memory_space<vmem>>, vector<1024x1xf32>,
    return
  }
  func.func @transform_0(%arg0: i32) -> (i32, i32) {
    %c0_i32 = arith.constant 0 : i32
    %c0_i32_0 = arith.constant 0 : i32
    return %arg0, %c0_i32 : i32, i32
  }
  func.func @transform_1(%arg0: i32) -> (i32, i32) {
    %c0_i32 = arith.constant 0 : i32
    %c0_i32_0 = arith.constant 0 : i32
    return %c0_i32, %arg0 : i32, i32
  }
  func.func @transform_2(%arg0: i32) -> (i32, i32) {
    %c0_i32 = arith.constant 0 : i32
    %c0_i32_0 = arith.constant 0 : i32
    return %arg0, %c0_i32 : i32, i32
  }
  func.func @transform_3(%arg0: i32) -> (i32, i32) {
    %c0_i32 = arith.constant 0 : i32
    %c0_i32_0 = arith.constant 0 : i32
    return %arg0, %c0_i32 : i32, i32
  }
}

</mosaic_0001>

<sc_bundles>
// kernel: kernel.10.cloned.1.call-start
scs
__scs_entry_jumppad:
0x0: {  	(pc) =	sbr.rel $0x88, $3  }
0x1: {  	(tag) =	ssettag $0x0;
	lr =	simm.s32 $0x1  }
0x2: {  	[smem:$0x3F9C] =	sst lr;
	_ =	strace $0xD0000000  }
0x3: {  	_ = 	snop  }
0x4: {  	_ = 	snop  }
0x5: {  	_ = 	snop  }
0x6: {  	_ = 	snop  }
0x7: {  	_ = 	snop  }
__scs_overlays_trampoline_lowered:
0x8: {  	[smem:$0x3FAB] =	sst s0  }
0x9: {  	[smem:$0x3FAC] =	sst s1  }
0xa: {  	[smem:$0x3FAD] =	sst s2  }
0xb: {  	[smem:$0x3FAE] =	sst s3  }
0xc: {  	[smem:$0x3FAF] =	sst s4  }
0xd: {  	[smem:$0x3FB0] =	sst s5  }
0xe: {  	[smem:$0x3FB1] =	sst s6  }
0xf: {  	[smem:$0x3FB2] =	sst s7  }
0x10: {  	[smem:$0x3FB3] =	sst s8  }
0x11: {  	[smem:$0x3FB4] =	sst s9;
	s0 =	simm.s32 @!p0 $0x0  }
0x12: {  	s1 =	sld [smem:$0x3F9A];
	s0 =	simm.s32 @p0 $0x1  }
0x13: {  	[smem:$0x3FB5] =	sst s0;
	s0 =	simm.s32 @!p1 $0x0  }
0x14: {  	s2 =	sld [smem:$0x3F99];
	s0 =	simm.s32 @p1 $0x1  }
0x15: {  	[smem:$0x3FB6] =	sst s0;
	s0 =	simm.s32 @!p2 $0x0  }
0x16: {  	s3 =	sld [smem:$0x3FDB];
	s0 =	simm.s32 @p2 $0x1  }
0x17: {  	s4 =	simm.s32 $0x1BF5;
	[smem:$0x3FB8] =	sst s0  }
0x18: {  	s0 =	sld [smem:$0x3F9B];
	_ =	swait.ge [sflag:s4], $0x0  }
0x19: {  	s7 =	sld [smem:$0x3F9C]  }
0x1a: {  	s8 =	sadd.s32 $0xFFFFE003, lr  }
0x1b: {  	s9 =	sadd.s32 $0xFFFFFEF7, lr;
	s5 =	simm.s32 $0xFFFFFFFF;
	p2 =	slt.u32 s8, $0xFFFFF086  }
0x1c: {  	p1 =	slt.u32 s9, $0xF7A;
	s5 =	simm.s32 @!p2 $0x0  }
0x1d: {  	s5 =	simm.s32 @p1 $0x1;
	p0 =	seq.s32 s7, s2  }
0x1e: {  	s7 =	smul.u32 @!p0 $0xF7A, s2;
	p2 =	seq.s32 @!p0 s5, $0x0  }
0x1f: {  	s9 =	smul.u32 $0xF7A, s1;
	s8 =	simm.s32 @!p0 $0x1BF5;
	p2 =	por !p2, p0  }
0x20: {  	[sflag:s8] =	ssyncset.s32 @!p0 $0xFFFFF086;
	s6 =	sadd.s32 @!p0 s3, s7;
	s7 =	simm.s32 @!p0 $0x108  }
0x21: {  	s3 =	sadd.s32 s3, s9;
	s6 =	sadd.s32 @!p0 $0x88, s6;
	s7 =	simm.s32 @p2 $0x1082  }
0x22: {  	[simem:s7], [sflag:s8] =	dma.local @!p0 [hbm:s6], $0xF7A  }
0x23: {  	s9 =	sor.u32 $0xD0000000, s2;
	s6 =	simm.s32 $0x108;
	_ =	swait.ge @!p0 [sflag:s8], $0x0  }
0x24: {  	s3 =	sadd.s32 $0x88, s3;
	s6 =	simm.s32 @!p1 $0x1082;
	[sflag:s4] =	ssyncset.s32 $0xFFFFF086  }
0x25: {  	[simem:s6], [sflag:s4] =	dma.local [hbm:s3], $0xF7A  }
0x26: {  	[smem:$0x3F9C] =	sst s1;
	(tag) =	ssettag s2;
	_ =	strace s9  }
0x27: {  	s1 =	sld [smem:$0x3FAC]  }
0x28: {  	s2 =	sld [smem:$0x3FAD]  }
0x29: {  	s4 =	sld [smem:$0x3FAF]  }
0x2a: {  	p0 =	seq.s32 s5, $0x0;
	s5 =	sld [smem:$0x3FB0]  }
0x2b: {  	s6 =	sld [smem:$0x3FB1]  }
0x2c: {  	s7 =	sld [smem:$0x3FB2]  }
0x2d: {  	s3 =	simm.s32 $0x108;
	s8 =	sld [smem:$0x3FB3]  }
0x2e: {  	s3 =	simm.s32 @!p0 $0x1082;
	s9 =	sld [smem:$0x3FB4]  }
0x2f: {  	lr =	sadd.s32 s0, s3;
	s0 =	sld [smem:$0x3FAB]  }
0x30: {  	s3 =	sld [smem:$0x3FAE]  }
0x31: {  	[smem:$0x3FB7] =	sst s10  }
0x32: {  	s10 =	sld [smem:$0x3FB5];
	_ =	sdelay $0x3  }
0x33: {  	p0 =	seq.s32 s10, $0x1;
	s10 =	sld [smem:$0x3FB7];
	_ =	sdelay $0x3  }
0x34: {  	[smem:$0x3FB7] =	sst s10  }
0x35: {  	s10 =	sld [smem:$0x3FB6];
	_ =	sdelay $0x3  }
0x36: {  	p1 =	seq.s32 s10, $0x1;
	s10 =	sld [smem:$0x3FB7];
	_ =	sdelay $0x3  }
0x37: {  	[smem:$0x3FB7] =	sst s10  }
0x38: {  	s10 =	sld [smem:$0x3FB8]  }
0x39: {  	_ = 	snop;
	(pc) =	sbr.ind lr, $3  }
0x3a: {  	_ = 	snop  }
0x3b: {  	_ = 	snop  }
0x3c: {  	p2 =	seq.s32 s10, $0x1;
	s10 =	sld [smem:$0x3FB7]  }
0x3d: {  	_ =	shalt  }
0x3e: {  	_ =	shalt  }
0x3f: {  	_ =	shalt  }
0x40: {  	_ =	shalt  }
0x41: {  	_ =	shalt  }
0x42: {  	_ =	shalt  }
0x43: {  	_ =	shalt  }
0x44: {  	_ =	shalt  }
0x45: {  	_ =	shalt  }
0x46: {  	_ =	shalt  }
0x47: {  	_ =	shalt  }
0x48: {  	_ =	shalt  }
0x49: {  	_ =	shalt  }
0x4a: {  	_ =	shalt  }
0x4b: {  	_ =	shalt  }
0x4c: {  	_ =	shalt  }
0x4d: {  	_ =	shalt  }
0x4e: {  	_ =	shalt  }
0x4f: {  	_ =	shalt  }
0x50: {  	_ =	shalt  }
0x51: {  	_ =	shalt  }
0x52: {  	_ =	shalt  }
0x53: {  	_ =	shalt  }
0x54: {  	_ =	shalt  }
0x55: {  	_ =	shalt  }
0x56: {  	_ =	shalt  }
0x57: {  	_ =	shalt  }
0x58: {  	_ =	shalt  }
0x59: {  	_ =	shalt  }
0x5a: {  	_ =	shalt  }
0x5b: {  	_ =	shalt  }
0x5c: {  	_ =	shalt  }
0x5d: {  	_ =	shalt  }
0x5e: {  	_ =	shalt  }
0x5f: {  	_ =	shalt  }
0x60: {  	_ =	shalt  }
0x61: {  	_ =	shalt  }
0x62: {  	_ =	shalt  }
0x63: {  	_ =	shalt  }
0x64: {  	_ =	shalt  }
0x65: {  	_ =	shalt  }
0x66: {  	_ =	shalt  }
0x67: {  	_ =	shalt  }
0x68: {  	_ =	shalt  }
0x69: {  	_ =	shalt  }
0x6a: {  	_ =	shalt  }
0x6b: {  	_ =	shalt  }
0x6c: {  	_ =	shalt  }
0x6d: {  	_ =	shalt  }
0x6e: {  	_ =	shalt  }
0x6f: {  	_ =	shalt  }
0x70: {  	_ =	shalt  }
0x71: {  	_ =	shalt  }
0x72: {  	_ =	shalt  }
0x73: {  	_ =	shalt  }
0x74: {  	_ =	shalt  }
0x75: {  	_ =	shalt  }
0x76: {  	_ =	shalt  }
0x77: {  	_ =	shalt  }
0x78: {  	_ =	shalt  }
0x79: {  	_ =	shalt  }
0x7a: {  	_ =	shalt  }
0x7b: {  	_ =	shalt  }
0x7c: {  	_ =	shalt  }
0x7d: {  	_ =	shalt  }
0x7e: {  	_ =	shalt  }
0x7f: {  	_ =	shalt  }
0x80: {  	_ =	shalt  }
0x81: {  	_ =	shalt  }
0x82: {  	_ =	shalt  }
0x83: {  	_ =	shalt  }
0x84: {  	_ =	shalt  }
0x85: {  	_ =	shalt  }
0x86: {  	_ =	shalt  }
0x87: {  	_ =	shalt  }
.Lfunc_end0:
.L_simem_size_0:
called_computation.1_lowered:
.L_overlay_start_0:
0x88: {  	s2 =	sld [smem:$0x3FD9]  }
0x89: {  	s3 =	sld [smem:$0x3FFE];
	_ =	sdelay $0x1  }
0x8a: {  	s1 =	srdreg.scid  }
0x8b: {  	s0 =	sand.u32 $0x1, s1  }
0x8c: {  	s17 =	sshll.u32 s0, $0xA;
	s2 =	sadd.s32 s3, s2  }
0x8d: {  	s2 =	sadd.s32 s2, s17  }
0x8e: {  	[smem:$0x3FC3] =	sst s2  }
0x8f: {  	_ = 	snop  }
0x90: {  	s2 =	sld [smem:$0x3FD0];
	(tm) =	ssettm $0x1  }
0x91: {  	s18 =	sld [smem:$0x3FFB];
	_ =	sdelay $0x3  }
0x92: {  	_ =	strace s18  }
0x93: {  	s3 =	sld [smem:$0x3FFC];
	_ =	sdelay $0x3  }
0x94: {  	_ =	strace s3  }
0x95: {  	s3 =	sld [smem:$0x3FFD];
	_ =	sdelay $0x3  }
0x96: {  	_ =	strace s3  }
0x97: {  	_ =	strace $0x8FFFFFFF  }
0x98: {  	s19 =	sld [smem:$0x3FDB];
	_ =	sdelay $0x1  }
0x99: {  	s4 =	simm.s32 $_scs_section_size  }
0x9a: {  	s5 =	simm.s32 $_size__tile_overlayer_lowered;
	s6 =	simm.s32 $_tile_overlayer_lowered  }
0x9b: {  	s22 =	simm.s32 $0x1BFF;
	s21 =	sshll.u32 s6, $0x1;
	s3 =	sadd.s32 s4, s19  }
0x9c: {  	s7 =	simm.s32 $0x0;
	s20 =	sshll.u32 s5, $0x1;
	s5 =	sadd.s32 s21, s3  }
0x9d: {  	[timem:s7], [sflag:s22] =	dma.local [hbm:s5], s20  }
0x9e: {  	_ =	swait.ge [sflag:s22], s20  }
0x9f: {  	s4 =	ssub.s32 $0x0, s20;
	[sflag:s22] =	ssyncset.done $0x0  }
0xa0: {  	[sflag:s22] =	ssyncadd.s32 s4;
	_ =	sdelay $0x1  }
0xa1: {  	s23 =	simm.s32 $0x1B8B  }
0xa2: {  	_ =	swait.ge [sflag:s23], $0x1  }
0xa3: {  	[sflag:s23] =	ssyncset.done $0x0  }
0xa4: {  	s25 =	simm.s32 $0x1B8E;
	s24 =	sld [smem:$0x3FFE];
	[sflag:s23] =	ssyncadd.s32 $0xFFFFFFFF  }
0xa5: {  	s26 =	simm.s32 $execute0_lowered;
	[smem:$0x3FD2] =	sst s25  }
0xa6: {  	s5 =	sshll.u32 s26, $0x1;
	_ =	strace $0x80000049;
	[dreg:$0x1] =	wrdreg $0xFFFFFFFF  }
0xa7: {  	s28 =	simm.s32 $_size_execute0_lowered;
	s3 =	sadd.s32 s3, s5;
	[dreg:$0x0] =	wrdreg $0x0  }
0xa8: {  	s5 =	sshll.u32 s28, $0x1;
	[dreg:$0x2] =	wrdreg s3  }
0xa9: {  	[dreg:$0x3] =	wrdreg s5  }
0xaa: {  	[dreg:$0x4] =	wrdreg $0xC0  }
0xab: {  	_ =	task [dreg:s7], $0x5FFFF  }
0xac: {  	[dreg:$0x1] =	wrdreg $0xFFFFFFFF  }
0xad: {  	[dreg:$0x0] =	wrdreg $0x60  }
0xae: {  	[dreg:$0x2] =	wrdreg s24  }
0xaf: {  	[dreg:$0x3] =	wrdreg s2  }
0xb0: {  	[dreg:$0x4] =	wrdreg $0x8C000  }
0xb1: {  	[dreg:$0x5] =	wrdreg $0x9  }
0xb2: {  	_ =	task.clear_ibuf [dreg:s7], $0x6FFFF;
	_ =	strace $0x90000049  }
0xb3: {  	s29 =	simm.s32 $0x9;
	_ =	strace $0x8000004B  }
0xb4: {  	_ =	swait.ge [sflag:s29], $0x1  }
0xb5: {  	[sflag:s29] =	ssyncadd.s32 $0xFFFFFFFF  }
0xb6: {  	_ =	strace $0x9000004B  }
0xb7: {  	_ =	sfence  }
0xb8: {  	s30 =	sld [smem:$0x0];
	_ =	sdelay $0x2  }
0xb9: {  	s31 =	sshll.u32 s1, $0xD;
	s1 =	sshrl.u32 s1, $0x2  }
0xba: {  	s3 =	sand.u32 $0x4000, s31;
	s1 =	sadd.s32 s1, s30  }
0xbb: {  	s0 =	sor.u32 s3, s0;
	s1 =	sshll.u32 s1, $0x11  }
0xbc: {  	s0 =	sor.u32 s1, s0  }
0xbd: {  	s0 =	sadd.s32 $0x8F2B, s0  }
0xbe: {  	[sflag:s0] =	ssyncadd.remote.s32 $0x1  }
0xbf: {  	_ =	sfence.sel $0xFFFF  }
0xc0: {  	[dreg:$0x0] =	wrdreg $0xFFFFFFFF;
	(pc) =	sbr.abs _section_cstart, $3  }
0xc1: {  	[dreg:$0x1] =	wrdreg $0xFFFFFFFF  }
0xc2: {  	_ =	task.clear_ibuf [dreg:s7], $0x2FFFF;
	_ =	strace $0x9FFFFFFF  }
0xc3: {  	(tm) =	ssettm $0x7FFFFFFF  }
tec
execute0_lowered:
.L_overlay_start_1:
0x0: {  	(tag) =	ssettag $0x1  }
0x1: {  	s0 =	rddreg [dreg:$0x0]  }
0x2: {  	s1 =	rddreg [dreg:$0x1];
	s10 =	stileid.u32  }
0x3: {  	s2 =	rddreg [dreg:$0x2];
	s6 =	smul.u32 $0x14000, s10  }
0x4: {  	s3 =	srdreg.scid;
	s8 =	smul.u32 $0x2800, s10  }
0x5: {  	s14 =	simm.s32 $0x0;
	s3 =	sand.u32 $0x1, s3;
	s10 =	smul.u32 $0x50000, s10  }
0x6: {  	[smem:$0x7FF] =	sst s14;
	s5 =	sadd.s32 $0xC000, s0;
	s4 =	smul.u32 $0x140000, s3  }
0x7: {  	p0 =	seq.s32 s3, $0x0;
	s9 =	sadd.s32 $0x28000, s8;
	s25 =	sshrl.u32 s10, $0x2  }
0x8: {  	_ =	strace $0x8000004A;
	s9 =	smov.u32 @p0 s8;
	s16 =	sadd.s32 s25, s2  }
0x9: {  	s4 =	sadd.s32 s6, s4;
	s25 =	sor.u32 $0x100, s9;
	[dreg:$0x5] =	wrdreg s16  }
0xa: {  	s26 =	sshrl.u32 s9, $0x3;
	s10 =	sor.u32 $0x1C0, s9;
	[dreg:$0x12] =	wrdreg s25  }
0xb: {  	s6 =	sadd.s32 $0x2000, s0;
	s11 =	sadd.s32 s5, s26;
	[dreg:$0x15] =	wrdreg s10  }
0xc: {  	s12 =	sadd.s32 s1, s26;
	s13 =	sadd.s32 s6, s26;
	[dreg:$0x6] =	wrdreg s11  }
0xd: {  	s15 =	sor.u32 $0x8, s26;
	s19 =	sor.u32 $0x10, s26;
	[dreg:$0x7] =	wrdreg s12  }
0xe: {  	s21 =	sor.u32 $0x18, s26;
	s26 =	sor.u32 $0x140, s9;
	[dreg:$0x8] =	wrdreg s13  }
0xf: {  	s25 =	sadd.s32 $0x10000, s16;
	[dreg:$0x13] =	wrdreg s26  }
0x10: {  	s7 =	sadd.s32 $0x16000, s0;
	s17 =	sadd.s32 s5, s15;
	[smem:$0x7FC] =	sst s25  }
0x11: {  	s4 =	sshrl.u32 s4, $0x3;
	s18 =	sadd.s32 s1, s15;
	[dreg:$0x9] =	wrdreg s17  }
0x12: {  	s0 =	sadd.s32 s4, s0;
	s4 =	sadd.s32 s6, s15;
	[dreg:$0xa] =	wrdreg s18  }
0x13: {  	s20 =	sadd.s32 s5, s19;
	[dreg:$0xb] =	wrdreg s4  }
0x14: {  	s22 =	sadd.s32 s1, s19;
	[dreg:$0xc] =	wrdreg s20  }
0x15: {  	s3 =	ssub.s32 $0x2, s3;
	s8 =	sadd.s32 s6, s19;
	[dreg:$0xd] =	wrdreg s22  }
0x16: {  	s24 =	sshrl.u32 s3, $0x1;
	s23 =	sadd.s32 s5, s21;
	[dreg:$0xe] =	wrdreg s8  }
0x17: {  	s3 =	ssub.s32 s3, s24;
	s24 =	sadd.s32 s1, s21;
	[dreg:$0xf] =	wrdreg s23  }
0x18: {  	s11 =	sor.u32 $0x200, s9;
	[dreg:$0x10] =	wrdreg s24  }
0x19: {  	s12 =	sor.u32 $0x240, s9;
	[dreg:$0x16] =	wrdreg s11  }
0x1a: {  	s13 =	sor.u32 $0x280, s9;
	[dreg:$0x17] =	wrdreg s12  }
0x1b: {  	s30 =	simm.s32 $0x880;
	s15 =	sor.u32 $0x2C0, s9;
	[dreg:$0x18] =	wrdreg s13  }
0x1c: {  	s31 =	simm.s32 $0x4;
	s0 =	sadd.s32 $0x3E000, s0;
	[dreg:$0x19] =	wrdreg s15  }
0x1d: {  	s28 =	simm.s32 $0xB00;
	s19 =	sadd.s32 $0x4000, s16;
	[dreg:$0x1a] =	wrdreg s0  }
0x1e: {  	s29 =	simm.s32 $0xC;
	s26 =	sadd.s32 $0x12000, s16;
	[dreg:$0x1d] =	wrdreg s19  }
0x1f: {  	s10 =	simm.s32 $0x11;
	s4 =	sadd.s32 s6, s21;
	[smem:$0x7FD] =	sst s26  }
0x20: {  	s25 =	simm.s32 $0xB80;
	s8 =	sor.u32 $0x180, s9;
	[dreg:$0x11] =	wrdreg s4  }
0x21: {  	s17 =	smax.u32 s3, $0x1;
	s18 =	sadd.s32 $0x2000, s16;
	[dreg:$0x14] =	wrdreg s8  }
0x22: {  	s20 =	sadd.s32 $0x6000, s16;
	s21 =	sadd.s32 $0x8000, s16;
	[dreg:$0x1b] =	wrdreg s17  }
0x23: {  	s22 =	sadd.s32 $0xA000, s16;
	s23 =	sadd.s32 $0xC000, s16;
	[dreg:$0x1c] =	wrdreg s18  }
0x24: {  	s24 =	sadd.s32 $0xE000, s16;
	s19 =	simm.s32 $0x800;
	[dreg:$0x1e] =	wrdreg s20  }
0x25: {  	s3 =	simm.s32 $0x900;
	s11 =	simm.s32 $0x980;
	[dreg:$0x1f] =	wrdreg s21  }
0x26: {  	s13 =	simm.s32 $0x40;
	s12 =	simm.s32 $0x3;
	[smem:$0x7F9] =	sst s22  }
0x27: {  	s9 =	simm.s32 $0x7;
	s15 =	simm.s32 $0x8;
	[smem:$0x7FA] =	sst s23  }
0x28: {  	[smem:$0x7FB] =	sst s24;
	s8 =	simm.s32 $0x9;
	s23 =	simm.s32 $0x4C00  }
0x29: {  	s18 =	simm.s32 $0xA00;
	s20 =	simm.s32 $0xA;
	s21 =	simm.s32 $0xA80  }
0x2a: {  	v0 =	vimm.f32 $0.0e+00;
	s22 =	simm.s32 $0xB;
	s24 =	simm.s32 $0x5;
	s17 =	simm.s32 $0x6  }
.LBB2_1:
0x2b: {  	[dreg:$0x4] =	wrdreg s14;
	s0 =	simm.s32 $0x0;
	s4 =	simm.s32 $0x200  }
.LBB2_2:
0x2c: {  	p0 =	sne.s32 s4, $0x7E00;
	[tilespmem:s0+$0xC70] =	vst v0  }
0x2d: {  	[tilespmem:s0+$0xC00] =	vst v0  }
0x2e: {  	[tilespmem:s0+$0xC10] =	vst v0  }
.Ltmp0:
0x2f: {  	[tilespmem:s0+$0xC20] =	vst v0;
	(pc) =	sbr.rel @p0 .LBB2_2-.Ltmp0, $4  }
0x30: {  	[tilespmem:s0+$0xC30] =	vst v0  }
0x31: {  	[tilespmem:s0+$0xC40] =	vst v0  }
0x32: {  	[tilespmem:s0+$0xC50] =	vst v0  }
0x33: {  	[tilespmem:s0+$0xC60] =	vst v0;
	s0 =	sshra.s32 s4, $0x2;
	s4 =	sadd.s32 $0x200, s4  }
0x34: {  	[tilespmem:s0+$0xC70] =	vst v0  }
0x35: {  	[tilespmem:s0+$0xC00] =	vst v0  }
0x36: {  	[tilespmem:s0+$0xC10] =	vst v0  }
0x37: {  	[tilespmem:s0+$0xC20] =	vst v0  }
0x38: {  	[tilespmem:s0+$0xC30] =	vst v0  }
0x39: {  	[tilespmem:s0+$0xC40] =	vst v0  }
0x3a: {  	[tilespmem:s0+$0xC50] =	vst v0  }
0x3b: {  	[tilespmem:s0+$0xC60] =	vst v0;
	s4 =	simm.s32 $0xC00  }
0x3c: {  	[spmem:s16] =	stream.linear.scatter [tilespmem:s4], [sflag:$0x11], $0x2000, $0x38;
	[tilespmem:$0x1CC00] =	vst v63  }
0x3d: {  	_ =	swait.ge [sflag:s10], $0x2000  }
0x3e: {  	[sflag:s10] =	ssyncset.done $0x0  }
0x3f: {  	s14 =	rddreg [dreg:$0x1c];
	[sflag:s10] =	ssyncadd.s32 $0xFFFFE000  }
0x40: {  	[spmem:s14] =	stream.linear.scatter [tilespmem:s4], [sflag:$0x11], $0x2000, $0x38;
	[tilespmem:$0x1CC00] =	vst v63  }
0x41: {  	_ =	swait.ge [sflag:s10], $0x2000  }
0x42: {  	[sflag:s10] =	ssyncset.done $0x0  }
0x43: {  	s16 =	rddreg [dreg:$0x1d];
	[sflag:s10] =	ssyncadd.s32 $0xFFFFE000  }
0x44: {  	[spmem:s16] =	stream.linear.scatter [tilespmem:s4], [sflag:$0x11], $0x2000, $0x38;
	[tilespmem:$0x1CC00] =	vst v63  }
0x45: {  	_ =	swait.ge [sflag:s10], $0x2000  }
0x46: {  	[sflag:s10] =	ssyncset.done $0x0  }
0x47: {  	s26 =	rddreg [dreg:$0x1e];
	[sflag:s10] =	ssyncadd.s32 $0xFFFFE000  }
0x48: {  	[spmem:s26] =	stream.linear.scatter [tilespmem:s4], [sflag:$0x11], $0x2000, $0x38;
	[tilespmem:$0x1CC00] =	vst v63  }
0x49: {  	_ =	swait.ge [sflag:s10], $0x2000  }
0x4a: {  	[sflag:s10] =	ssyncset.done $0x0  }
0x4b: {  	s14 =	rddreg [dreg:$0x1f];
	[sflag:s10] =	ssyncadd.s32 $0xFFFFE000  }
0x4c: {  	[spmem:s14] =	stream.linear.scatter [tilespmem:s4], [sflag:$0x11], $0x2000, $0x38;
	[tilespmem:$0x1CC00] =	vst v63  }
0x4d: {  	_ =	swait.ge [sflag:s10], $0x2000  }
0x4e: {  	s16 =	sld [smem:$0x7F9]  }
0x4f: {  	[sflag:s10] =	ssyncset.done $0x0  }
0x50: {  	[sflag:s10] =	ssyncadd.s32 $0xFFFFE000  }
0x51: {  	[spmem:s16] =	stream.linear.scatter [tilespmem:s4], [sflag:$0x11], $0x2000, $0x38;
	[tilespmem:$0x1CC00] =	vst v63  }
0x52: {  	_ =	swait.ge [sflag:s10], $0x2000  }
0x53: {  	s26 =	sld [smem:$0x7FA]  }
0x54: {  	[sflag:s10] =	ssyncset.done $0x0  }
0x55: {  	[sflag:s10] =	ssyncadd.s32 $0xFFFFE000  }
0x56: {  	[spmem:s26] =	stream.linear.scatter [tilespmem:s4], [sflag:$0x11], $0x2000, $0x38;
	[tilespmem:$0x1CC00] =	vst v63  }
0x57: {  	_ =	swait.ge [sflag:s10], $0x2000  }
0x58: {  	s14 =	sld [smem:$0x7FB]  }
0x59: {  	[sflag:s10] =	ssyncset.done $0x0  }
0x5a: {  	[sflag:s10] =	ssyncadd.s32 $0xFFFFE000  }
0x5b: {  	[spmem:s14] =	stream.linear.scatter [tilespmem:s4], [sflag:$0x11], $0x2000, $0x38;
	[tilespmem:$0x1CC00] =	vst v63  }
0x5c: {  	_ =	swait.ge [sflag:s10], $0x2000  }
0x5d: {  	s16 =	sld [smem:$0x7FC]  }
0x5e: {  	[sflag:s10] =	ssyncset.done $0x0  }
0x5f: {  	[sflag:s10] =	ssyncadd.s32 $0xFFFFE000  }
0x60: {  	[spmem:s16] =	stream.linear.scatter [tilespmem:s4], [sflag:$0x11], $0x2000, $0x38;
	[tilespmem:$0x1CC00] =	vst v63  }
0x61: {  	_ =	swait.ge [sflag:s10], $0x2000  }
0x62: {  	s26 =	sld [smem:$0x7FD]  }
0x63: {  	[sflag:s10] =	ssyncset.done $0x0  }
0x64: {  	[sflag:s10] =	ssyncadd.s32 $0xFFFFE000  }
0x65: {  	[spmem:s26] =	stream.linear.scatter [tilespmem:s4], [sflag:$0x11], $0x2000, $0x38;
	[tilespmem:$0x1CC00] =	vst v63  }
0x66: {  	_ =	swait.ge [sflag:s10], $0x2000  }
0x67: {  	[sflag:s10] =	ssyncset.done $0x0  }
0x68: {  	[sflag:s10] =	ssyncadd.s32 $0xFFFFE000  }
0x69: {  	[bflag:$0x0] =	sbarrier.arrive $0xFFFF  }
0x6a: {  	s16 =	simm.s32 $0x0;
	s10 =	rddreg [dreg:$0x6]  }
0x6b: {  	[tilespmem:s16], [sflag:$0x1] =	stream.linear.gather [hbm4b:s10+s16], $0x40, $0x38;
	[tilespmem:$0x1CC00] =	vst v63  }
0x6c: {  	s26 =	simm.s32 $0x400;
	s14 =	rddreg [dreg:$0x7]  }
0x6d: {  	[tilespmem:s26], [sflag:$0x1] =	stream.linear.gather [hbm4b:s14+s16], $0x40, $0x38;
	[tilespmem:$0x1CC00] =	vst v63  }
0x6e: {  	s10 =	rddreg [dreg:$0x8]  }
0x6f: {  	[tilespmem:s19], [sflag:$0x1] =	stream.linear.gather [hbm4b:s10+s16], $0x40, $0x38;
	[tilespmem:$0x1CC00] =	vst v63  }
0x70: {  	s14 =	rddreg [dreg:$0x9];
	s10 =	simm.s32 $0x80  }
0x71: {  	[tilespmem:s10], [sflag:$0x2] =	stream.linear.gather [hbm4b:s14+s16], $0x40, $0x38;
	[tilespmem:$0x1CC00] =	vst v63  }
0x72: {  	s26 =	rddreg [dreg:$0xa];
	s14 =	simm.s32 $0x480  }
0x73: {  	[tilespmem:s14], [sflag:$0x2] =	stream.linear.gather [hbm4b:s26+s16], $0x40, $0x38;
	[tilespmem:$0x1CC00] =	vst v63  }
0x74: {  	s26 =	rddreg [dreg:$0xb]  }
0x75: {  	[tilespmem:s30], [sflag:$0x2] =	stream.linear.gather [hbm4b:s26+s16], $0x40, $0x38;
	[tilespmem:$0x1CC00] =	vst v63  }
0x76: {  	s14 =	rddreg [dreg:$0xc];
	s26 =	simm.s32 $0x100  }
0x77: {  	[tilespmem:s26], [sflag:$0x3] =	stream.linear.gather [hbm4b:s14+s16], $0x40, $0x38;
	[tilespmem:$0x1CC00] =	vst v63  }
0x78: {  	s14 =	rddreg [dreg:$0xd];
	s26 =	simm.s32 $0x500  }
0x79: {  	[tilespmem:s26], [sflag:$0x3] =	stream.linear.gather [hbm4b:s14+s16], $0x40, $0x38;
	[tilespmem:$0x1CC00] =	vst v63  }
0x7a: {  	s26 =	rddreg [dreg:$0xe]  }
0x7b: {  	[tilespmem:s3], [sflag:$0x3] =	stream.linear.gather [hbm4b:s26+s16], $0x40, $0x38;
	[tilespmem:$0x1CC00] =	vst v63  }
0x7c: {  	s14 =	rddreg [dreg:$0xf];
	s26 =	simm.s32 $0x180  }
0x7d: {  	[tilespmem:s26], [sflag:$0x4] =	stream.linear.gather [hbm4b:s14+s16], $0x40, $0x38;
	[tilespmem:$0x1CC00] =	vst v63  }
0x7e: {  	s14 =	rddreg [dreg:$0x10];
	s26 =	simm.s32 $0x580  }
0x7f: {  	[tilespmem:s26], [sflag:$0x4] =	stream.linear.gather [hbm4b:s14+s16], $0x40, $0x38;
	[tilespmem:$0x1CC00] =	vst v63  }
0x80: {  	s26 =	rddreg [dreg:$0x11];
	s14 =	simm.s32 $0x1  }
0x81: {  	[tilespmem:s11], [sflag:$0x4] =	stream.linear.gather [hbm4b:s26+s16], $0x40, $0x38;
	[tilespmem:$0x1CC00] =	vst v63  }
0x82: {  	_ =	swait.ge [sflag:s14], $0x40  }
0x83: {  	[sflag:s14] =	ssyncset.done $0x0  }
0x84: {  	[sflag:s14] =	ssyncadd.s32 $0xFFFFFFC0  }
0x85: {  	_ =	swait.ge [sflag:s14], $0x40  }
0x86: {  	[sflag:s14] =	ssyncset.done $0x0  }
0x87: {  	[sflag:s14] =	ssyncadd.s32 $0xFFFFFFC0  }
0x88: {  	_ =	swait.ge [sflag:s14], $0x40  }
0x89: {  	[sflag:s14] =	ssyncset.done $0x0  }
0x8a: {  	[sflag:s14] =	ssyncadd.s32 $0xFFFFFFC0  }
0x8b: {  	[tilespmem:s4], [sflag:$0x9] =	stream.indirect.gather [hbm4b:s7+s13], $0x80, s16, s13, $0xb8;
	[tilespmem:$0x1CC00] =	vst v63  }
0x8c: {  	s16 =	simm.s32 $0x2  }
0x8d: {  	_ =	swait.ge [sflag:s16], $0x40  }
0x8e: {  	[sflag:s16] =	ssyncset.done $0x0  }
0x8f: {  	[sflag:s16] =	ssyncadd.s32 $0xFFFFFFC0  }
0x90: {  	_ =	swait.ge [sflag:s16], $0x40  }
0x91: {  	[sflag:s16] =	ssyncset.done $0x0  }
0x92: {  	[sflag:s16] =	ssyncadd.s32 $0xFFFFFFC0  }
0x93: {  	_ =	swait.ge [sflag:s16], $0x40  }
0x94: {  	[sflag:s16] =	ssyncset.done $0x0  }
0x95: {  	s26 =	simm.s32 $0x2C00;
	s4 =	simm.s32 $0x0;
	[sflag:s16] =	ssyncadd.s32 $0xFFFFFFC0  }
0x96: {  	[tilespmem:s26], [sflag:$0xA] =	stream.indirect.gather [hbm4b:s7+s13], $0x80, s10, s13, $0xb8;
	[tilespmem:$0x1CC00] =	vst v63  }
.LBB2_4:
0x97: {  	_ =	swait.ge [sflag:s8], $0x2000  }
0x98: {  	p0 =	seq.s32 s4, $0x0;
	[sflag:s8] =	ssyncset.done $0x0  }
0x99: {  	s0 =	simm.s32 @!p0 $0xF;
	[sflag:s8] =	ssyncadd.s32 $0xFFFFE000  }
0x9a: {  	_ =	swait.ge @!p0 [sflag:s0], $0x2000  }
0x9b: {  	[sflag:s0] =	ssyncset.done @!p0 $0x0  }
0x9c: {  	[sflag:s0] =	ssyncadd.s32 @!p0 $0xFFFFE000  }
0x9d: {  	_ =	swait.ge [sflag:s12], $0x40  }
0x9e: {  	[sflag:s12] =	ssyncset.done $0x0  }
0x9f: {  	[sflag:s12] =	ssyncadd.s32 $0xFFFFFFC0  }
0xa0: {  	_ =	swait.ge [sflag:s12], $0x40  }
0xa1: {  	[sflag:s12] =	ssyncset.done $0x0  }
0xa2: {  	[sflag:s12] =	ssyncadd.s32 $0xFFFFFFC0  }
0xa3: {  	s26 =	sshll.u32 s4, $0x9;
	_ =	swait.ge [sflag:s12], $0x40  }
0xa4: {  	s10 =	simm.s32 $0x100;
	[sflag:s12] =	ssyncset.done $0x0;
	s14 =	rddreg [dreg:$0x12]  }
0xa5: {  	s16 =	simm.s32 $0x0;
	[sflag:s12] =	ssyncadd.s32 $0xFFFFFFC0;
	s0 =	sadd.s32 s26, s14  }
0xa6: {  	[tilespmem:s23], [sflag:$0xB] =	stream.indirect.gather [hbm4b:s7+s13], $0x80, s10, s13, $0xb8;
	[tilespmem:$0x1CC00] =	vst v63  }
0xa7: {  	v1 =	vmov s16;
	s0 =	sshrl.u32 s0, $0x3  }
0xa8: {  	v1 =	vand.u32 $0xFFFFFFFE, v1;
	s14 =	simm.s32 $0x200;
	s10 =	sadd.s32 s5, s0  }
0xa9: {  	v2 =	vbroadcast v1, $0x0;
	[tilespmem:s14], [sflag:$0x5] =	stream.linear.gather [hbm4b:s10+s16], $0x40, $0x38;
	[tilespmem:$0x1CC00] =	vst v63  }
0xaa: {  	s10 =	sadd.s32 s1, s0;
	s14 =	simm.s32 $0x600  }
0xab: {  	[tilespmem:s14], [sflag:$0x5] =	stream.linear.gather [hbm4b:s10+s16], $0x40, $0x38;
	[tilespmem:$0x1CC00] =	vst v63  }
0xac: {  	s0 =	sadd.s32 s6, s0;
	s10 =	simm.s32 $0xC80  }
0xad: {  	[tilespmem:s18], [sflag:$0x5] =	stream.linear.gather [hbm4b:s0+s16], $0x40, $0x38;
	[tilespmem:$0x1CC00] =	vst v63  }
0xae: {  	v5 =	vld [tilespmem:s10+$0xFFFFFFF0]  }
0xaf: {  	v6 =	vld.idx.msk [tilespmem:v2+s19+$0x0], $0xffff  }
0xb0: {  	v7 =	vld [tilespmem:s10+$0xFFFFFF80]  }
0xb1: {  	v8 =	vld [tilespmem:s10+$0xFFFFFFA0]  }
0xb2: {  	v4 =	vld [tilespmem:s10+$0xFFFFFFB0]  }
0xb3: {  	v3 =	vld [tilespmem:s10+$0xFFFFFFD0]  }
0xb4: {  	v10 =	vld [tilespmem:s10+$0xFFFFFF90];
	v5 =	vmul.f32 v5, v6  }
0xb5: {  	v9 =	vld [tilespmem:s10+$0xFFFFFFE0];
	v7 =	vmul.f32 v7, v6  }
0xb6: {  	v11 =	vld [tilespmem:s10+$0xFFFFFFC0];
	v8 =	vmul.f32 v8, v6;
	[tilespmem:s10+$0xFFFFFFF0] =	vst v5  }
0xb7: {  	v4 =	vmul.f32 v4, v6;
	[tilespmem:s10+$0xFFFFFF80] =	vst v7  }
0xb8: {  	s16 =	simm.s32 $0x1;
	v3 =	vmul.f32 v3, v6;
	[tilespmem:s10+$0xFFFFFFA0] =	vst v8  }
0xb9: {  	v5 =	vmul.f32 v10, v6;
	[tilespmem:s10+$0xFFFFFFB0] =	vst v4;
	v7 =	vmov s16  }
0xba: {  	v1 =	vld [tilespmem:s10+$0x0];
	v4 =	vmul.f32 v9, v6;
	[tilespmem:s10+$0xFFFFFFD0] =	vst v3  }
0xbb: {  	v2 =	vld [tilespmem:s10+$0x10];
	v3 =	vmul.f32 v11, v6;
	[tilespmem:s10+$0xFFFFFF90] =	vst v5  }
0xbc: {  	[tilespmem:s10+$0xFFFFFFE0] =	vst v4;
	v5 =	vld [tilespmem:s10+$0x30]  }
0xbd: {  	[tilespmem:s10+$0xFFFFFFC0] =	vst v3;
	v4 =	vld [tilespmem:s10+$0x70]  }
0xbe: {  	s14 =	simm.s32 $0xC80;
	s16 =	simm.s32 $0x2;
	v3 =	vld.idx.msk [tilespmem:v7+s19+$0x0], $0xffff  }
.LBB2_5:
0xbf: {  	p1 =	slt.u32 s16, $0x3E  }
0xc0: {  	v6 =	vld [tilespmem:s10+$0x20];
	s14 =	sadd.s32 $0x100, s14;
	s0 =	smov.u32 s16;
	s16 =	sadd.s32 $0x2, s16  }
0xc1: {  	v7 =	vld [tilespmem:s10+$0x40]  }
0xc2: {  	v8 =	vld [tilespmem:s10+$0x50]  }
0xc3: {  	v9 =	vld [tilespmem:s10+$0x60];
	_ =	sdelay $0x1  }
0xc4: {  	v1 =	vmul.f32 v1, v3;
	v2 =	vmul.f32 v2, v3  }
0xc5: {  	v5 =	vmul.f32 v5, v3;
	v6 =	vmul.f32 v6, v3  }
0xc6: {  	v10 =	vmov s0;
	v7 =	vmul.f32 v7, v3;
	[tilespmem:s10+$0x0] =	vst v1;
	v8 =	vmul.f32 v8, v3  }
0xc7: {  	v10 =	vand.u32 $0xFFFFFFFE, v10;
	v1 =	vld [tilespmem:s14+$0x0];
	[tilespmem:s10+$0x30] =	vst v5;
	v5 =	vmul.f32 v9, v3;
	v3 =	vmul.f32 v4, v3  }
0xc8: {  	v4 =	vbroadcast v10, $0x0;
	[tilespmem:s10+$0x10] =	vst v2  }
0xc9: {  	[tilespmem:s10+$0x70] =	vst v3  }
0xca: {  	v3 =	vld [tilespmem:s14+$0xFFFFFFD0];
	[tilespmem:s10+$0x20] =	vst v6  }
0xcb: {  	v6 =	vld [tilespmem:s14+$0xFFFFFFB0];
	[tilespmem:s10+$0x60] =	vst v5  }
0xcc: {  	v5 =	vld [tilespmem:s14+$0xFFFFFFE0];
	[tilespmem:s10+$0x40] =	vst v7  }
0xcd: {  	v7 =	vld [tilespmem:s14+$0xFFFFFFF0];
	[tilespmem:s10+$0x50] =	vst v8;
	s10 =	smov.u32 s14  }
0xce: {  	v4 =	vld.idx.msk [tilespmem:v4+s19+$0x0], $0xffff  }
0xcf: {  	v8 =	vld [tilespmem:s14+$0xFFFFFF80]  }
0xd0: {  	v9 =	vld [tilespmem:s14+$0xFFFFFFA0]  }
0xd1: {  	v10 =	vld [tilespmem:s14+$0xFFFFFF90]  }
0xd2: {  	v11 =	vld [tilespmem:s14+$0xFFFFFFC0]  }
0xd3: {  	v2 =	vld [tilespmem:s14+$0x10]  }
0xd4: {  	v7 =	vmul.f32 v7, v4;
	v8 =	vmul.f32 v8, v4  }
0xd5: {  	v5 =	vmul.f32 v5, v4;
	v9 =	vmul.f32 v9, v4  }
0xd6: {  	v6 =	vmul.f32 v6, v4;
	v10 =	vmul.f32 v10, v4;
	[tilespmem:s14+$0xFFFFFFF0] =	vst v7  }
0xd7: {  	v3 =	vmul.f32 v3, v4;
	[tilespmem:s14+$0xFFFFFF80] =	vst v8;
	v7 =	vmul.f32 v11, v4  }
0xd8: {  	s0 =	sadd.s32 $0x1, s0;
	[tilespmem:s14+$0xFFFFFFA0] =	vst v9  }
0xd9: {  	[tilespmem:s14+$0xFFFFFFB0] =	vst v6;
	v6 =	vmov s0  }
.Ltmp1:
0xda: {  	[tilespmem:s14+$0xFFFFFFD0] =	vst v3;
	(pc) =	sbr.rel @p1 .LBB2_5-.Ltmp1, $4  }
0xdb: {  	[tilespmem:s14+$0xFFFFFF90] =	vst v10  }
0xdc: {  	[tilespmem:s14+$0xFFFFFFE0] =	vst v5;
	v5 =	vld [tilespmem:s14+$0x30]  }
0xdd: {  	[tilespmem:s14+$0xFFFFFFC0] =	vst v7;
	v4 =	vld [tilespmem:s14+$0x70]  }
0xde: {  	v3 =	vld.idx.msk [tilespmem:v6+s19+$0x0], $0xffff  }
0xdf: {  	_ =	sdelay $0x2  }
0xe0: {  	v6 =	vld [tilespmem:s10+$0x20]  }
0xe1: {  	v7 =	vld [tilespmem:s10+$0x60];
	v1 =	vmul.f32 v1, v3  }
0xe2: {  	v8 =	vld [tilespmem:s10+$0x40];
	v5 =	vmul.f32 v5, v3  }
0xe3: {  	v9 =	vld [tilespmem:s10+$0x50];
	v2 =	vmul.f32 v2, v3;
	[tilespmem:s10+$0x0] =	vst v1  }
0xe4: {  	[tilespmem:s10+$0x30] =	vst v5;
	v1 =	vmul.f32 v4, v3  }
0xe5: {  	v4 =	vmul.f32 v6, v3;
	[tilespmem:s10+$0x10] =	vst v2  }
0xe6: {  	v2 =	vmul.f32 v7, v3;
	[tilespmem:s10+$0x70] =	vst v1  }
0xe7: {  	v1 =	vmul.f32 v8, v3;
	[tilespmem:s10+$0x20] =	vst v4  }
0xe8: {  	v3 =	vmul.f32 v9, v3;
	[tilespmem:s10+$0x60] =	vst v2  }
0xe9: {  	[tilespmem:s10+$0x40] =	vst v1  }
0xea: {  	s0 =	simm.s32 $0xC00;
	s16 =	simm.s32 $0x400;
	[tilespmem:s10+$0x50] =	vst v3  }
0xeb: {  	[spmem:s2] =	stream.indirect.scatter.add.f32 [tilespmem:s0], [sflag:$0xD], $0x80, s16, s13, $0xb8;
	[tilespmem:$0x1CC00] =	vst v63  }
0xec: {  	_ =	swait.ge [sflag:s20], $0x2000  }
0xed: {  	[sflag:s20] =	ssyncset.done $0x0  }
0xee: {  	s0 =	simm.s32 @!p0 $0x10;
	[sflag:s20] =	ssyncadd.s32 $0xFFFFE000  }
0xef: {  	_ =	swait.ge @!p0 [sflag:s0], $0x2000  }
0xf0: {  	[sflag:s0] =	ssyncset.done @!p0 $0x0  }
0xf1: {  	[sflag:s0] =	ssyncadd.s32 @!p0 $0xFFFFE000  }
0xf2: {  	_ =	swait.ge [sflag:s31], $0x40  }
0xf3: {  	[sflag:s31] =	ssyncset.done $0x0  }
0xf4: {  	[sflag:s31] =	ssyncadd.s32 $0xFFFFFFC0  }
0xf5: {  	_ =	swait.ge [sflag:s31], $0x40  }
0xf6: {  	[sflag:s31] =	ssyncset.done $0x0  }
0xf7: {  	[sflag:s31] =	ssyncadd.s32 $0xFFFFFFC0  }
0xf8: {  	_ =	swait.ge [sflag:s31], $0x40  }
0xf9: {  	[sflag:s31] =	ssyncset.done $0x0  }
0xfa: {  	s14 =	simm.s32 $0x180;
	s16 =	simm.s32 $0x6C00;
	[sflag:s31] =	ssyncadd.s32 $0xFFFFFFC0  }
0xfb: {  	[tilespmem:s16], [sflag:$0xC] =	stream.indirect.gather [hbm4b:s7+s13], $0x80, s14, s13, $0xb8;
	[tilespmem:$0x1CC00] =	vst v63  }
0xfc: {  	s14 =	rddreg [dreg:$0x13]  }
0xfd: {  	s0 =	sadd.s32 s26, s14;
	s14 =	simm.s32 $0x0  }
0xfe: {  	s0 =	sshrl.u32 s0, $0x3;
	v1 =	vmov s14  }
0xff: {  	s16 =	simm.s32 $0x280;
	s10 =	sadd.s32 s5, s0;
	v1 =	vand.u32 $0xFFFFFFFE, v1  }
0x100: {  	[tilespmem:s16], [sflag:$0x6] =	stream.linear.gather [hbm4b:s10+s14], $0x40, $0x38;
	v2 =	vbroadcast v1, $0x0;
	[tilespmem:$0x1CC00] =	vst v63  }
0x101: {  	s10 =	sadd.s32 s1, s0;
	s16 =	simm.s32 $0x680  }
0x102: {  	[tilespmem:s16], [sflag:$0x6] =	stream.linear.gather [hbm4b:s10+s14], $0x40, $0x38;
	[tilespmem:$0x1CC00] =	vst v63  }
0x103: {  	s0 =	sadd.s32 s6, s0;
	s10 =	simm.s32 $0x2C80  }
0x104: {  	[tilespmem:s21], [sflag:$0x6] =	stream.linear.gather [hbm4b:s0+s14], $0x40, $0x38;
	[tilespmem:$0x1CC00] =	vst v63  }
0x105: {  	v5 =	vld [tilespmem:s10+$0xFFFFFFF0]  }
0x106: {  	v6 =	vld.idx.msk [tilespmem:v2+s30+$0x0], $0xffff  }
0x107: {  	v7 =	vld [tilespmem:s10+$0xFFFFFF80]  }
0x108: {  	v62 =	vld [tilespmem:s10+$0xFFFFFFA0]  }
0x109: {  	v4 =	vld [tilespmem:s10+$0xFFFFFFB0]  }
0x10a: {  	v3 =	vld [tilespmem:s10+$0xFFFFFFD0]  }
0x10b: {  	v10 =	vld [tilespmem:s10+$0xFFFFFF90];
	v5 =	vmul.f32 v5, v6  }
0x10c: {  	v63 =	vld [tilespmem:s10+$0xFFFFFFE0];
	v7 =	vmul.f32 v7, v6  }
0x10d: {  	v11 =	vld [tilespmem:s10+$0xFFFFFFC0];
	v8 =	vmul.f32 v62, v6;
	[tilespmem:s10+$0xFFFFFFF0] =	vst v5  }
0x10e: {  	v4 =	vmul.f32 v4, v6;
	[tilespmem:s10+$0xFFFFFF80] =	vst v7  }
0x10f: {  	s16 =	simm.s32 $0x1;
	v3 =	vmul.f32 v3, v6;
	[tilespmem:s10+$0xFFFFFFA0] =	vst v8  }
0x110: {  	v5 =	vmul.f32 v10, v6;
	[tilespmem:s10+$0xFFFFFFB0] =	vst v4;
	v7 =	vmov s16  }
0x111: {  	v1 =	vld [tilespmem:s10+$0x0];
	v4 =	vmul.f32 v63, v6;
	[tilespmem:s10+$0xFFFFFFD0] =	vst v3  }
0x112: {  	v2 =	vld [tilespmem:s10+$0x10];
	v3 =	vmul.f32 v11, v6;
	[tilespmem:s10+$0xFFFFFF90] =	vst v5  }
0x113: {  	[tilespmem:s10+$0xFFFFFFE0] =	vst v4;
	v5 =	vld [tilespmem:s10+$0x30]  }
0x114: {  	[tilespmem:s10+$0xFFFFFFC0] =	vst v3;
	v4 =	vld [tilespmem:s10+$0x70]  }
0x115: {  	s14 =	simm.s32 $0x2C80;
	s16 =	simm.s32 $0x2;
	v3 =	vld.idx.msk [tilespmem:v7+s30+$0x0], $0xffff  }
.LBB2_7:
0x116: {  	p0 =	slt.u32 s16, $0x3E  }
0x117: {  	v6 =	vld [tilespmem:s10+$0x20];
	s14 =	sadd.s32 $0x100, s14;
	s0 =	smov.u32 s16;
	s16 =	sadd.s32 $0x2, s16  }
0x118: {  	v7 =	vld [tilespmem:s10+$0x40]  }
0x119: {  	v8 =	vld [tilespmem:s10+$0x50]  }
0x11a: {  	v9 =	vld [tilespmem:s10+$0x60];
	_ =	sdelay $0x1  }
0x11b: {  	v1 =	vmul.f32 v1, v3;
	v2 =	vmul.f32 v2, v3  }
0x11c: {  	v5 =	vmul.f32 v5, v3;
	v6 =	vmul.f32 v6, v3  }
0x11d: {  	v10 =	vmov s0;
	v7 =	vmul.f32 v7, v3;
	[tilespmem:s10+$0x0] =	vst v1;
	v8 =	vmul.f32 v8, v3  }
0x11e: {  	v10 =	vand.u32 $0xFFFFFFFE, v10;
	v1 =	vld [tilespmem:s14+$0x0];
	[tilespmem:s10+$0x30] =	vst v5;
	v5 =	vmul.f32 v9, v3;
	v3 =	vmul.f32 v4, v3  }
0x11f: {  	v4 =	vbroadcast v10, $0x0;
	[tilespmem:s10+$0x10] =	vst v2  }
0x120: {  	[tilespmem:s10+$0x70] =	vst v3  }
0x121: {  	v3 =	vld [tilespmem:s14+$0xFFFFFFD0];
	[tilespmem:s10+$0x20] =	vst v6  }
0x122: {  	v6 =	vld [tilespmem:s14+$0xFFFFFFB0];
	[tilespmem:s10+$0x60] =	vst v5  }
0x123: {  	v5 =	vld [tilespmem:s14+$0xFFFFFFE0];
	[tilespmem:s10+$0x40] =	vst v7  }
0x124: {  	v7 =	vld [tilespmem:s14+$0xFFFFFFF0];
	[tilespmem:s10+$0x50] =	vst v8;
	s10 =	smov.u32 s14  }
0x125: {  	v4 =	vld.idx.msk [tilespmem:v4+s30+$0x0], $0xffff  }
0x126: {  	v8 =	vld [tilespmem:s14+$0xFFFFFF80]  }
0x127: {  	v9 =	vld [tilespmem:s14+$0xFFFFFFA0]  }
0x128: {  	v10 =	vld [tilespmem:s14+$0xFFFFFF90]  }
0x129: {  	v11 =	vld [tilespmem:s14+$0xFFFFFFC0]  }
0x12a: {  	v2 =	vld [tilespmem:s14+$0x10]  }
0x12b: {  	v7 =	vmul.f32 v7, v4;
	v8 =	vmul.f32 v8, v4  }
0x12c: {  	v5 =	vmul.f32 v5, v4;
	v9 =	vmul.f32 v9, v4  }
0x12d: {  	v6 =	vmul.f32 v6, v4;
	v10 =	vmul.f32 v10, v4;
	[tilespmem:s14+$0xFFFFFFF0] =	vst v7  }
0x12e: {  	v3 =	vmul.f32 v3, v4;
	[tilespmem:s14+$0xFFFFFF80] =	vst v8;
	v7 =	vmul.f32 v11, v4  }
0x12f: {  	s0 =	sadd.s32 $0x1, s0;
	[tilespmem:s14+$0xFFFFFFA0] =	vst v9  }
0x130: {  	[tilespmem:s14+$0xFFFFFFB0] =	vst v6;
	v6 =	vmov s0  }
.Ltmp2:
0x131: {  	[tilespmem:s14+$0xFFFFFFD0] =	vst v3;
	(pc) =	sbr.rel @p0 .LBB2_7-.Ltmp2, $4  }
0x132: {  	[tilespmem:s14+$0xFFFFFF90] =	vst v10  }
0x133: {  	[tilespmem:s14+$0xFFFFFFE0] =	vst v5;
	v5 =	vld [tilespmem:s14+$0x30]  }
0x134: {  	[tilespmem:s14+$0xFFFFFFC0] =	vst v7;
	v4 =	vld [tilespmem:s14+$0x70]  }
0x135: {  	v3 =	vld.idx.msk [tilespmem:v6+s30+$0x0], $0xffff  }
0x136: {  	_ =	sdelay $0x2  }
0x137: {  	v6 =	vld [tilespmem:s10+$0x20]  }
0x138: {  	v7 =	vld [tilespmem:s10+$0x60];
	v1 =	vmul.f32 v1, v3  }
0x139: {  	v8 =	vld [tilespmem:s10+$0x40];
	v5 =	vmul.f32 v5, v3  }
0x13a: {  	v9 =	vld [tilespmem:s10+$0x50];
	v2 =	vmul.f32 v2, v3;
	[tilespmem:s10+$0x0] =	vst v1  }
0x13b: {  	[tilespmem:s10+$0x30] =	vst v5;
	v1 =	vmul.f32 v4, v3  }
0x13c: {  	v4 =	vmul.f32 v6, v3;
	[tilespmem:s10+$0x10] =	vst v2  }
0x13d: {  	v2 =	vmul.f32 v7, v3;
	[tilespmem:s10+$0x70] =	vst v1  }
0x13e: {  	v1 =	vmul.f32 v8, v3;
	[tilespmem:s10+$0x20] =	vst v4  }
0x13f: {  	v3 =	vmul.f32 v9, v3;
	[tilespmem:s10+$0x60] =	vst v2  }
0x140: {  	[tilespmem:s10+$0x40] =	vst v1  }
0x141: {  	s0 =	simm.s32 $0x480;
	s16 =	simm.s32 $0x2C00;
	[tilespmem:s10+$0x50] =	vst v3  }
0x142: {  	[spmem:s2] =	stream.indirect.scatter.add.f32 [tilespmem:s16], [sflag:$0xE], $0x80, s0, s13, $0xb8;
	[tilespmem:$0x1CC00] =	vst v63  }
0x143: {  	_ =	swait.ge [sflag:s22], $0x2000  }
0x144: {  	[sflag:s22] =	ssyncset.done $0x0  }
0x145: {  	s10 =	simm.s32 $0xD;
	[sflag:s22] =	ssyncadd.s32 $0xFFFFE000  }
0x146: {  	_ =	swait.ge [sflag:s10], $0x2000  }
0x147: {  	[sflag:s10] =	ssyncset.done $0x0  }
0x148: {  	[sflag:s10] =	ssyncadd.s32 $0xFFFFE000  }
0x149: {  	_ =	swait.ge [sflag:s24], $0x40  }
0x14a: {  	[sflag:s24] =	ssyncset.done $0x0  }
0x14b: {  	[sflag:s24] =	ssyncadd.s32 $0xFFFFFFC0  }
0x14c: {  	_ =	swait.ge [sflag:s24], $0x40  }
0x14d: {  	[sflag:s24] =	ssyncset.done $0x0  }
0x14e: {  	[sflag:s24] =	ssyncadd.s32 $0xFFFFFFC0  }
0x14f: {  	_ =	swait.ge [sflag:s24], $0x40  }
0x150: {  	[sflag:s24] =	ssyncset.done $0x0  }
0x151: {  	s14 =	simm.s32 $0xC00;
	s16 =	simm.s32 $0x200;
	[sflag:s24] =	ssyncadd.s32 $0xFFFFFFC0  }
0x152: {  	[tilespmem:s14], [sflag:$0x9] =	stream.indirect.gather [hbm4b:s7+s13], $0x80, s16, s13, $0xb8;
	[tilespmem:$0x1CC00] =	vst v63  }
0x153: {  	s14 =	rddreg [dreg:$0x14]  }
0x154: {  	s0 =	sadd.s32 s26, s14;
	s14 =	simm.s32 $0x0  }
0x155: {  	s0 =	sshrl.u32 s0, $0x3;
	v1 =	vmov s14  }
0x156: {  	s16 =	simm.s32 $0x300;
	s10 =	sadd.s32 s5, s0;
	v1 =	vand.u32 $0xFFFFFFFE, v1  }
0x157: {  	[tilespmem:s16], [sflag:$0x7] =	stream.linear.gather [hbm4b:s10+s14], $0x40, $0x38;
	v2 =	vbroadcast v1, $0x0;
	[tilespmem:$0x1CC00] =	vst v63  }
0x158: {  	s10 =	sadd.s32 s1, s0;
	s16 =	simm.s32 $0x700  }
0x159: {  	[tilespmem:s16], [sflag:$0x7] =	stream.linear.gather [hbm4b:s10+s14], $0x40, $0x38;
	[tilespmem:$0x1CC00] =	vst v63  }
0x15a: {  	s0 =	sadd.s32 s6, s0;
	s10 =	simm.s32 $0x4C80  }
0x15b: {  	[tilespmem:s28], [sflag:$0x7] =	stream.linear.gather [hbm4b:s0+s14], $0x40, $0x38;
	[tilespmem:$0x1CC00] =	vst v63  }
0x15c: {  	v5 =	vld [tilespmem:s10+$0xFFFFFFF0]  }
0x15d: {  	v6 =	vld.idx.msk [tilespmem:v2+s3+$0x0], $0xffff  }
0x15e: {  	v7 =	vld [tilespmem:s10+$0xFFFFFF80]  }
0x15f: {  	v62 =	vld [tilespmem:s10+$0xFFFFFFA0]  }
0x160: {  	v4 =	vld [tilespmem:s10+$0xFFFFFFB0]  }
0x161: {  	v3 =	vld [tilespmem:s10+$0xFFFFFFD0]  }
0x162: {  	v10 =	vld [tilespmem:s10+$0xFFFFFF90];
	v5 =	vmul.f32 v5, v6  }
0x163: {  	v63 =	vld [tilespmem:s10+$0xFFFFFFE0];
	v7 =	vmul.f32 v7, v6  }
0x164: {  	v11 =	vld [tilespmem:s10+$0xFFFFFFC0];
	v8 =	vmul.f32 v62, v6;
	[tilespmem:s10+$0xFFFFFFF0] =	vst v5  }
0x165: {  	v4 =	vmul.f32 v4, v6;
	[tilespmem:s10+$0xFFFFFF80] =	vst v7  }
0x166: {  	s16 =	simm.s32 $0x1;
	v3 =	vmul.f32 v3, v6;
	[tilespmem:s10+$0xFFFFFFA0] =	vst v8  }
0x167: {  	v5 =	vmul.f32 v10, v6;
	[tilespmem:s10+$0xFFFFFFB0] =	vst v4;
	v7 =	vmov s16  }
0x168: {  	v1 =	vld [tilespmem:s10+$0x0];
	v4 =	vmul.f32 v63, v6;
	[tilespmem:s10+$0xFFFFFFD0] =	vst v3  }
0x169: {  	v2 =	vld [tilespmem:s10+$0x10];
	v3 =	vmul.f32 v11, v6;
	[tilespmem:s10+$0xFFFFFF90] =	vst v5  }
0x16a: {  	[tilespmem:s10+$0xFFFFFFE0] =	vst v4;
	v5 =	vld [tilespmem:s10+$0x30]  }
0x16b: {  	[tilespmem:s10+$0xFFFFFFC0] =	vst v3;
	v4 =	vld [tilespmem:s10+$0x70]  }
0x16c: {  	s14 =	simm.s32 $0x4C80;
	s16 =	simm.s32 $0x2;
	v3 =	vld.idx.msk [tilespmem:v7+s3+$0x0], $0xffff  }
.LBB2_9:
0x16d: {  	p0 =	slt.u32 s16, $0x3E  }
0x16e: {  	v6 =	vld [tilespmem:s10+$0x20];
	s14 =	sadd.s32 $0x100, s14;
	s0 =	smov.u32 s16;
	s16 =	sadd.s32 $0x2, s16  }
0x16f: {  	v7 =	vld [tilespmem:s10+$0x40]  }
0x170: {  	v8 =	vld [tilespmem:s10+$0x50]  }
0x171: {  	v9 =	vld [tilespmem:s10+$0x60];
	_ =	sdelay $0x1  }
0x172: {  	v1 =	vmul.f32 v1, v3;
	v2 =	vmul.f32 v2, v3  }
0x173: {  	v5 =	vmul.f32 v5, v3;
	v6 =	vmul.f32 v6, v3  }
0x174: {  	v10 =	vmov s0;
	v7 =	vmul.f32 v7, v3;
	[tilespmem:s10+$0x0] =	vst v1;
	v8 =	vmul.f32 v8, v3  }
0x175: {  	v10 =	vand.u32 $0xFFFFFFFE, v10;
	v1 =	vld [tilespmem:s14+$0x0];
	[tilespmem:s10+$0x30] =	vst v5;
	v5 =	vmul.f32 v9, v3;
	v3 =	vmul.f32 v4, v3  }
0x176: {  	v4 =	vbroadcast v10, $0x0;
	[tilespmem:s10+$0x10] =	vst v2  }
0x177: {  	[tilespmem:s10+$0x70] =	vst v3  }
0x178: {  	v3 =	vld [tilespmem:s14+$0xFFFFFFD0];
	[tilespmem:s10+$0x20] =	vst v6  }
0x179: {  	v6 =	vld [tilespmem:s14+$0xFFFFFFB0];
	[tilespmem:s10+$0x60] =	vst v5  }
0x17a: {  	v5 =	vld [tilespmem:s14+$0xFFFFFFE0];
	[tilespmem:s10+$0x40] =	vst v7  }
0x17b: {  	v7 =	vld [tilespmem:s14+$0xFFFFFFF0];
	[tilespmem:s10+$0x50] =	vst v8;
	s10 =	smov.u32 s14  }
0x17c: {  	v4 =	vld.idx.msk [tilespmem:v4+s3+$0x0], $0xffff  }
0x17d: {  	v8 =	vld [tilespmem:s14+$0xFFFFFF80]  }
0x17e: {  	v9 =	vld [tilespmem:s14+$0xFFFFFFA0]  }
0x17f: {  	v10 =	vld [tilespmem:s14+$0xFFFFFF90]  }
0x180: {  	v11 =	vld [tilespmem:s14+$0xFFFFFFC0]  }
0x181: {  	v2 =	vld [tilespmem:s14+$0x10]  }
0x182: {  	v7 =	vmul.f32 v7, v4;
	v8 =	vmul.f32 v8, v4  }
0x183: {  	v5 =	vmul.f32 v5, v4;
	v9 =	vmul.f32 v9, v4  }
0x184: {  	v6 =	vmul.f32 v6, v4;
	v10 =	vmul.f32 v10, v4;
	[tilespmem:s14+$0xFFFFFFF0] =	vst v7  }
0x185: {  	v3 =	vmul.f32 v3, v4;
	[tilespmem:s14+$0xFFFFFF80] =	vst v8;
	v7 =	vmul.f32 v11, v4  }
0x186: {  	s0 =	sadd.s32 $0x1, s0;
	[tilespmem:s14+$0xFFFFFFA0] =	vst v9  }
0x187: {  	[tilespmem:s14+$0xFFFFFFB0] =	vst v6;
	v6 =	vmov s0  }
.Ltmp3:
0x188: {  	[tilespmem:s14+$0xFFFFFFD0] =	vst v3;
	(pc) =	sbr.rel @p0 .LBB2_9-.Ltmp3, $4  }
0x189: {  	[tilespmem:s14+$0xFFFFFF90] =	vst v10  }
0x18a: {  	[tilespmem:s14+$0xFFFFFFE0] =	vst v5;
	v5 =	vld [tilespmem:s14+$0x30]  }
0x18b: {  	[tilespmem:s14+$0xFFFFFFC0] =	vst v7;
	v4 =	vld [tilespmem:s14+$0x70]  }
0x18c: {  	v3 =	vld.idx.msk [tilespmem:v6+s3+$0x0], $0xffff  }
0x18d: {  	_ =	sdelay $0x2  }
0x18e: {  	v6 =	vld [tilespmem:s10+$0x20]  }
0x18f: {  	v7 =	vld [tilespmem:s10+$0x60];
	v1 =	vmul.f32 v1, v3  }
0x190: {  	v8 =	vld [tilespmem:s10+$0x40];
	v5 =	vmul.f32 v5, v3  }
0x191: {  	v9 =	vld [tilespmem:s10+$0x50];
	v2 =	vmul.f32 v2, v3;
	[tilespmem:s10+$0x0] =	vst v1  }
0x192: {  	[tilespmem:s10+$0x30] =	vst v5;
	v1 =	vmul.f32 v4, v3  }
0x193: {  	v4 =	vmul.f32 v6, v3;
	[tilespmem:s10+$0x10] =	vst v2  }
0x194: {  	v2 =	vmul.f32 v7, v3;
	[tilespmem:s10+$0x70] =	vst v1  }
0x195: {  	v1 =	vmul.f32 v8, v3;
	[tilespmem:s10+$0x20] =	vst v4  }
0x196: {  	v3 =	vmul.f32 v9, v3;
	[tilespmem:s10+$0x60] =	vst v2  }
0x197: {  	[tilespmem:s10+$0x40] =	vst v1  }
0x198: {  	s0 =	simm.s32 $0x500;
	[tilespmem:s10+$0x50] =	vst v3  }
0x199: {  	[spmem:s2] =	stream.indirect.scatter.add.f32 [tilespmem:s23], [sflag:$0xF], $0x80, s0, s13, $0xb8;
	[tilespmem:$0x1CC00] =	vst v63  }
0x19a: {  	_ =	swait.ge [sflag:s29], $0x2000  }
0x19b: {  	[sflag:s29] =	ssyncset.done $0x0  }
0x19c: {  	s10 =	simm.s32 $0xE;
	[sflag:s29] =	ssyncadd.s32 $0xFFFFE000  }
0x19d: {  	_ =	swait.ge [sflag:s10], $0x2000  }
0x19e: {  	[sflag:s10] =	ssyncset.done $0x0  }
0x19f: {  	[sflag:s10] =	ssyncadd.s32 $0xFFFFE000  }
0x1a0: {  	_ =	swait.ge [sflag:s17], $0x40  }
0x1a1: {  	[sflag:s17] =	ssyncset.done $0x0  }
0x1a2: {  	[sflag:s17] =	ssyncadd.s32 $0xFFFFFFC0  }
0x1a3: {  	_ =	swait.ge [sflag:s17], $0x40  }
0x1a4: {  	[sflag:s17] =	ssyncset.done $0x0  }
0x1a5: {  	[sflag:s17] =	ssyncadd.s32 $0xFFFFFFC0  }
0x1a6: {  	_ =	swait.ge [sflag:s17], $0x40  }
0x1a7: {  	[sflag:s17] =	ssyncset.done $0x0  }
0x1a8: {  	s14 =	simm.s32 $0x2C00;
	s16 =	simm.s32 $0x280;
	[sflag:s17] =	ssyncadd.s32 $0xFFFFFFC0  }
0x1a9: {  	[tilespmem:s14], [sflag:$0xA] =	stream.indirect.gather [hbm4b:s7+s13], $0x80, s16, s13, $0xb8;
	[tilespmem:$0x1CC00] =	vst v63  }
0x1aa: {  	s14 =	rddreg [dreg:$0x15]  }
0x1ab: {  	s0 =	sadd.s32 s26, s14;
	s14 =	simm.s32 $0x0  }
0x1ac: {  	s0 =	sshrl.u32 s0, $0x3;
	v1 =	vmov s14  }
0x1ad: {  	s16 =	simm.s32 $0x380;
	s10 =	sadd.s32 s5, s0;
	v1 =	vand.u32 $0xFFFFFFFE, v1  }
0x1ae: {  	[tilespmem:s16], [sflag:$0x8] =	stream.linear.gather [hbm4b:s10+s14], $0x40, $0x38;
	v2 =	vbroadcast v1, $0x0;
	[tilespmem:$0x1CC00] =	vst v63  }
0x1af: {  	s10 =	sadd.s32 s1, s0;
	s16 =	simm.s32 $0x780  }
0x1b0: {  	[tilespmem:s16], [sflag:$0x8] =	stream.linear.gather [hbm4b:s10+s14], $0x40, $0x38;
	[tilespmem:$0x1CC00] =	vst v63  }
0x1b1: {  	s0 =	sadd.s32 s6, s0;
	s10 =	simm.s32 $0x6C80  }
0x1b2: {  	[tilespmem:s25], [sflag:$0x8] =	stream.linear.gather [hbm4b:s0+s14], $0x40, $0x38;
	[tilespmem:$0x1CC00] =	vst v63  }
0x1b3: {  	v5 =	vld [tilespmem:s10+$0xFFFFFFF0]  }
0x1b4: {  	v6 =	vld.idx.msk [tilespmem:v2+s11+$0x0], $0xffff  }
0x1b5: {  	v7 =	vld [tilespmem:s10+$0xFFFFFF80]  }
0x1b6: {  	v62 =	vld [tilespmem:s10+$0xFFFFFFA0]  }
0x1b7: {  	v4 =	vld [tilespmem:s10+$0xFFFFFFB0]  }
0x1b8: {  	v3 =	vld [tilespmem:s10+$0xFFFFFFD0]  }
0x1b9: {  	v10 =	vld [tilespmem:s10+$0xFFFFFF90];
	v5 =	vmul.f32 v5, v6  }
0x1ba: {  	v63 =	vld [tilespmem:s10+$0xFFFFFFE0];
	v7 =	vmul.f32 v7, v6  }
0x1bb: {  	v11 =	vld [tilespmem:s10+$0xFFFFFFC0];
	v8 =	vmul.f32 v62, v6;
	[tilespmem:s10+$0xFFFFFFF0] =	vst v5  }
0x1bc: {  	v4 =	vmul.f32 v4, v6;
	[tilespmem:s10+$0xFFFFFF80] =	vst v7  }
0x1bd: {  	s16 =	simm.s32 $0x1;
	v3 =	vmul.f32 v3, v6;
	[tilespmem:s10+$0xFFFFFFA0] =	vst v8  }
0x1be: {  	v5 =	vmul.f32 v10, v6;
	[tilespmem:s10+$0xFFFFFFB0] =	vst v4;
	v7 =	vmov s16  }
0x1bf: {  	v1 =	vld [tilespmem:s10+$0x0];
	v4 =	vmul.f32 v63, v6;
	[tilespmem:s10+$0xFFFFFFD0] =	vst v3  }
0x1c0: {  	v2 =	vld [tilespmem:s10+$0x10];
	v3 =	vmul.f32 v11, v6;
	[tilespmem:s10+$0xFFFFFF90] =	vst v5  }
0x1c1: {  	[tilespmem:s10+$0xFFFFFFE0] =	vst v4;
	v5 =	vld [tilespmem:s10+$0x30]  }
0x1c2: {  	[tilespmem:s10+$0xFFFFFFC0] =	vst v3;
	v4 =	vld [tilespmem:s10+$0x70]  }
0x1c3: {  	s14 =	simm.s32 $0x6C80;
	s16 =	simm.s32 $0x2;
	v3 =	vld.idx.msk [tilespmem:v7+s11+$0x0], $0xffff  }
.LBB2_11:
0x1c4: {  	p0 =	slt.u32 s16, $0x3E  }
0x1c5: {  	v6 =	vld [tilespmem:s10+$0x20];
	s14 =	sadd.s32 $0x100, s14;
	s0 =	smov.u32 s16;
	s16 =	sadd.s32 $0x2, s16  }
0x1c6: {  	v7 =	vld [tilespmem:s10+$0x40]  }
0x1c7: {  	v8 =	vld [tilespmem:s10+$0x50]  }
0x1c8: {  	v9 =	vld [tilespmem:s10+$0x60];
	_ =	sdelay $0x1  }
0x1c9: {  	v1 =	vmul.f32 v1, v3;
	v2 =	vmul.f32 v2, v3  }
0x1ca: {  	v5 =	vmul.f32 v5, v3;
	v6 =	vmul.f32 v6, v3  }
0x1cb: {  	v10 =	vmov s0;
	v7 =	vmul.f32 v7, v3;
	[tilespmem:s10+$0x0] =	vst v1;
	v8 =	vmul.f32 v8, v3  }
0x1cc: {  	v10 =	vand.u32 $0xFFFFFFFE, v10;
	v1 =	vld [tilespmem:s14+$0x0];
	[tilespmem:s10+$0x30] =	vst v5;
	v5 =	vmul.f32 v9, v3;
	v3 =	vmul.f32 v4, v3  }
0x1cd: {  	v4 =	vbroadcast v10, $0x0;
	[tilespmem:s10+$0x10] =	vst v2  }
0x1ce: {  	[tilespmem:s10+$0x70] =	vst v3  }
0x1cf: {  	v3 =	vld [tilespmem:s14+$0xFFFFFFD0];
	[tilespmem:s10+$0x20] =	vst v6  }
0x1d0: {  	v6 =	vld [tilespmem:s14+$0xFFFFFFB0];
	[tilespmem:s10+$0x60] =	vst v5  }
0x1d1: {  	v5 =	vld [tilespmem:s14+$0xFFFFFFE0];
	[tilespmem:s10+$0x40] =	vst v7  }
0x1d2: {  	v7 =	vld [tilespmem:s14+$0xFFFFFFF0];
	[tilespmem:s10+$0x50] =	vst v8;
	s10 =	smov.u32 s14  }
0x1d3: {  	v4 =	vld.idx.msk [tilespmem:v4+s11+$0x0], $0xffff  }
0x1d4: {  	v8 =	vld [tilespmem:s14+$0xFFFFFF80]  }
0x1d5: {  	v9 =	vld [tilespmem:s14+$0xFFFFFFA0]  }
0x1d6: {  	v10 =	vld [tilespmem:s14+$0xFFFFFF90]  }
0x1d7: {  	v11 =	vld [tilespmem:s14+$0xFFFFFFC0]  }
0x1d8: {  	v2 =	vld [tilespmem:s14+$0x10]  }
0x1d9: {  	v7 =	vmul.f32 v7, v4;
	v8 =	vmul.f32 v8, v4  }
0x1da: {  	v5 =	vmul.f32 v5, v4;
	v9 =	vmul.f32 v9, v4  }
0x1db: {  	v6 =	vmul.f32 v6, v4;
	v10 =	vmul.f32 v10, v4;
	[tilespmem:s14+$0xFFFFFFF0] =	vst v7  }
0x1dc: {  	v3 =	vmul.f32 v3, v4;
	[tilespmem:s14+$0xFFFFFF80] =	vst v8;
	v7 =	vmul.f32 v11, v4  }
0x1dd: {  	s0 =	sadd.s32 $0x1, s0;
	[tilespmem:s14+$0xFFFFFFA0] =	vst v9  }
0x1de: {  	[tilespmem:s14+$0xFFFFFFB0] =	vst v6;
	v6 =	vmov s0  }
.Ltmp4:
0x1df: {  	[tilespmem:s14+$0xFFFFFFD0] =	vst v3;
	(pc) =	sbr.rel @p0 .LBB2_11-.Ltmp4, $4  }
0x1e0: {  	[tilespmem:s14+$0xFFFFFF90] =	vst v10  }
0x1e1: {  	[tilespmem:s14+$0xFFFFFFE0] =	vst v5;
	v5 =	vld [tilespmem:s14+$0x30]  }
0x1e2: {  	[tilespmem:s14+$0xFFFFFFC0] =	vst v7;
	v4 =	vld [tilespmem:s14+$0x70]  }
0x1e3: {  	v3 =	vld.idx.msk [tilespmem:v6+s11+$0x0], $0xffff  }
0x1e4: {  	_ =	sdelay $0x2  }
0x1e5: {  	v6 =	vld [tilespmem:s10+$0x20]  }
0x1e6: {  	v7 =	vld [tilespmem:s10+$0x60];
	v1 =	vmul.f32 v1, v3  }
0x1e7: {  	v8 =	vld [tilespmem:s10+$0x40];
	v5 =	vmul.f32 v5, v3  }
0x1e8: {  	v9 =	vld [tilespmem:s10+$0x50];
	v2 =	vmul.f32 v2, v3;
	[tilespmem:s10+$0x0] =	vst v1  }
0x1e9: {  	[tilespmem:s10+$0x30] =	vst v5;
	v1 =	vmul.f32 v4, v3  }
0x1ea: {  	v4 =	vmul.f32 v6, v3;
	[tilespmem:s10+$0x10] =	vst v2  }
0x1eb: {  	v2 =	vmul.f32 v7, v3;
	[tilespmem:s10+$0x70] =	vst v1  }
0x1ec: {  	v1 =	vmul.f32 v8, v3;
	[tilespmem:s10+$0x20] =	vst v4  }
0x1ed: {  	v3 =	vmul.f32 v9, v3;
	[tilespmem:s10+$0x60] =	vst v2  }
0x1ee: {  	[tilespmem:s10+$0x40] =	vst v1  }
0x1ef: {  	s0 =	simm.s32 $0x580;
	s16 =	simm.s32 $0x6C00;
	[tilespmem:s10+$0x50] =	vst v3  }
0x1f0: {  	[spmem:s2] =	stream.indirect.scatter.add.f32 [tilespmem:s16], [sflag:$0x10], $0x80, s0, s13, $0xb8;
	[tilespmem:$0x1CC00] =	vst v63  }
0x1f1: {  	_ =	swait.ge [sflag:s8], $0x2000  }
0x1f2: {  	[sflag:s8] =	ssyncset.done $0x0  }
0x1f3: {  	s14 =	simm.s32 $0xF;
	[sflag:s8] =	ssyncadd.s32 $0xFFFFE000  }
0x1f4: {  	_ =	swait.ge [sflag:s14], $0x2000  }
0x1f5: {  	[sflag:s14] =	ssyncset.done $0x0  }
0x1f6: {  	[sflag:s14] =	ssyncadd.s32 $0xFFFFE000  }
0x1f7: {  	_ =	swait.ge [sflag:s9], $0x40  }
0x1f8: {  	[sflag:s9] =	ssyncset.done $0x0  }
0x1f9: {  	[sflag:s9] =	ssyncadd.s32 $0xFFFFFFC0  }
0x1fa: {  	_ =	swait.ge [sflag:s9], $0x40  }
0x1fb: {  	[sflag:s9] =	ssyncset.done $0x0  }
0x1fc: {  	[sflag:s9] =	ssyncadd.s32 $0xFFFFFFC0  }
0x1fd: {  	_ =	swait.ge [sflag:s9], $0x40  }
0x1fe: {  	p0 =	seq.s32 s4, $0x13;
	[sflag:s9] =	ssyncset.done $0x0;
	s0 =	rddreg [dreg:$0x16]  }
0x1ff: {  	s16 =	simm.s32 $0x300;
	[sflag:s9] =	ssyncadd.s32 $0xFFFFFFC0;
	s0 =	sadd.s32 @!p0 s26, s0  }
0x200: {  	[tilespmem:s23], [sflag:$0xB] =	stream.indirect.gather [hbm4b:s7+s13], $0x80, s16, s13, $0xb8;
	[tilespmem:$0x1CC00] =	vst v63  }
0x201: {  	s0 =	sshrl.u32 @!p0 s0, $0x3;
	s23 =	simm.s32 $0x0  }
0x202: {  	s14 =	simm.s32 @!p0 $0x0;
	s10 =	sadd.s32 @!p0 s5, s0;
	v1 =	vmov s23  }
0x203: {  	[tilespmem:s14], [sflag:$0x1] =	stream.linear.gather @!p0 [hbm4b:s10+s14], $0x40, $0x38;
	v1 =	vand.u32 $0xFFFFFFFE, v1;
	[tilespmem:$0x1CC00] =	vst v63  }
0x204: {  	s16 =	simm.s32 @!p0 $0x400;
	s10 =	sadd.s32 @!p0 s1, s0;
	v2 =	vbroadcast v1, $0x0  }
0x205: {  	[tilespmem:s16], [sflag:$0x1] =	stream.linear.gather @!p0 [hbm4b:s10+s14], $0x40, $0x38;
	[tilespmem:$0x1CC00] =	vst v63  }
0x206: {  	s0 =	sadd.s32 @!p0 s6, s0;
	s10 =	simm.s32 @!p0 $0x800  }
0x207: {  	[tilespmem:s10], [sflag:$0x1] =	stream.linear.gather @!p0 [hbm4b:s0+s14], $0x40, $0x38;
	[tilespmem:$0x1CC00] =	vst v63  }
0x208: {  	s10 =	simm.s32 $0xC80  }
0x209: {  	v5 =	vld [tilespmem:s10+$0xFFFFFFF0]  }
0x20a: {  	v6 =	vld.idx.msk [tilespmem:v2+s18+$0x0], $0xffff  }
0x20b: {  	v7 =	vld [tilespmem:s10+$0xFFFFFF80]  }
0x20c: {  	v62 =	vld [tilespmem:s10+$0xFFFFFFA0]  }
0x20d: {  	v4 =	vld [tilespmem:s10+$0xFFFFFFB0]  }
0x20e: {  	v3 =	vld [tilespmem:s10+$0xFFFFFFD0]  }
0x20f: {  	v10 =	vld [tilespmem:s10+$0xFFFFFF90];
	v5 =	vmul.f32 v5, v6  }
0x210: {  	v63 =	vld [tilespmem:s10+$0xFFFFFFE0];
	v7 =	vmul.f32 v7, v6  }
0x211: {  	v11 =	vld [tilespmem:s10+$0xFFFFFFC0];
	v8 =	vmul.f32 v62, v6;
	[tilespmem:s10+$0xFFFFFFF0] =	vst v5  }
0x212: {  	v4 =	vmul.f32 v4, v6;
	[tilespmem:s10+$0xFFFFFF80] =	vst v7  }
0x213: {  	s23 =	simm.s32 $0x1;
	v3 =	vmul.f32 v3, v6;
	[tilespmem:s10+$0xFFFFFFA0] =	vst v8  }
0x214: {  	v5 =	vmul.f32 v10, v6;
	[tilespmem:s10+$0xFFFFFFB0] =	vst v4;
	v7 =	vmov s23  }
0x215: {  	v1 =	vld [tilespmem:s10+$0x0];
	v4 =	vmul.f32 v63, v6;
	[tilespmem:s10+$0xFFFFFFD0] =	vst v3  }
0x216: {  	v2 =	vld [tilespmem:s10+$0x10];
	v3 =	vmul.f32 v11, v6;
	[tilespmem:s10+$0xFFFFFF90] =	vst v5  }
0x217: {  	[tilespmem:s10+$0xFFFFFFE0] =	vst v4;
	v5 =	vld [tilespmem:s10+$0x30]  }
0x218: {  	[tilespmem:s10+$0xFFFFFFC0] =	vst v3;
	v4 =	vld [tilespmem:s10+$0x70]  }
0x219: {  	s16 =	simm.s32 $0x2;
	s14 =	simm.s32 $0xC80;
	v3 =	vld.idx.msk [tilespmem:v7+s18+$0x0], $0xffff  }
.LBB2_13:
0x21a: {  	p1 =	slt.u32 s16, $0x3E  }
0x21b: {  	v6 =	vld [tilespmem:s10+$0x20];
	s14 =	sadd.s32 $0x100, s14;
	s0 =	smov.u32 s16;
	s16 =	sadd.s32 $0x2, s16  }
0x21c: {  	v7 =	vld [tilespmem:s10+$0x40]  }
0x21d: {  	v8 =	vld [tilespmem:s10+$0x50]  }
0x21e: {  	v9 =	vld [tilespmem:s10+$0x60];
	_ =	sdelay $0x1  }
0x21f: {  	v1 =	vmul.f32 v1, v3;
	v2 =	vmul.f32 v2, v3  }
0x220: {  	v5 =	vmul.f32 v5, v3;
	v6 =	vmul.f32 v6, v3  }
0x221: {  	v10 =	vmov s0;
	v7 =	vmul.f32 v7, v3;
	[tilespmem:s10+$0x0] =	vst v1;
	v8 =	vmul.f32 v8, v3  }
0x222: {  	v10 =	vand.u32 $0xFFFFFFFE, v10;
	v1 =	vld [tilespmem:s14+$0x0];
	[tilespmem:s10+$0x30] =	vst v5;
	v5 =	vmul.f32 v9, v3;
	v3 =	vmul.f32 v4, v3  }
0x223: {  	v4 =	vbroadcast v10, $0x0;
	[tilespmem:s10+$0x10] =	vst v2  }
0x224: {  	[tilespmem:s10+$0x70] =	vst v3  }
0x225: {  	v3 =	vld [tilespmem:s14+$0xFFFFFFD0];
	[tilespmem:s10+$0x20] =	vst v6  }
0x226: {  	v6 =	vld [tilespmem:s14+$0xFFFFFFB0];
	[tilespmem:s10+$0x60] =	vst v5  }
0x227: {  	v5 =	vld [tilespmem:s14+$0xFFFFFFE0];
	[tilespmem:s10+$0x40] =	vst v7  }
0x228: {  	v7 =	vld [tilespmem:s14+$0xFFFFFFF0];
	[tilespmem:s10+$0x50] =	vst v8;
	s10 =	smov.u32 s14  }
0x229: {  	v4 =	vld.idx.msk [tilespmem:v4+s18+$0x0], $0xffff  }
0x22a: {  	v8 =	vld [tilespmem:s14+$0xFFFFFF80]  }
0x22b: {  	v9 =	vld [tilespmem:s14+$0xFFFFFFA0]  }
0x22c: {  	v10 =	vld [tilespmem:s14+$0xFFFFFF90]  }
0x22d: {  	v11 =	vld [tilespmem:s14+$0xFFFFFFC0]  }
0x22e: {  	v2 =	vld [tilespmem:s14+$0x10]  }
0x22f: {  	v7 =	vmul.f32 v7, v4;
	v8 =	vmul.f32 v8, v4  }
0x230: {  	v5 =	vmul.f32 v5, v4;
	v9 =	vmul.f32 v9, v4  }
0x231: {  	v6 =	vmul.f32 v6, v4;
	v10 =	vmul.f32 v10, v4;
	[tilespmem:s14+$0xFFFFFFF0] =	vst v7  }
0x232: {  	v3 =	vmul.f32 v3, v4;
	[tilespmem:s14+$0xFFFFFF80] =	vst v8;
	v7 =	vmul.f32 v11, v4  }
0x233: {  	s0 =	sadd.s32 $0x1, s0;
	[tilespmem:s14+$0xFFFFFFA0] =	vst v9  }
0x234: {  	[tilespmem:s14+$0xFFFFFFB0] =	vst v6;
	v6 =	vmov s0  }
.Ltmp5:
0x235: {  	[tilespmem:s14+$0xFFFFFFD0] =	vst v3;
	(pc) =	sbr.rel @p1 .LBB2_13-.Ltmp5, $4  }
0x236: {  	[tilespmem:s14+$0xFFFFFF90] =	vst v10  }
0x237: {  	[tilespmem:s14+$0xFFFFFFE0] =	vst v5;
	v5 =	vld [tilespmem:s14+$0x30]  }
0x238: {  	[tilespmem:s14+$0xFFFFFFC0] =	vst v7;
	v4 =	vld [tilespmem:s14+$0x70]  }
0x239: {  	v3 =	vld.idx.msk [tilespmem:v6+s18+$0x0], $0xffff  }
0x23a: {  	_ =	sdelay $0x2  }
0x23b: {  	v6 =	vld [tilespmem:s10+$0x20]  }
0x23c: {  	v7 =	vld [tilespmem:s10+$0x60];
	v1 =	vmul.f32 v1, v3  }
0x23d: {  	v8 =	vld [tilespmem:s10+$0x40];
	v5 =	vmul.f32 v5, v3  }
0x23e: {  	v9 =	vld [tilespmem:s10+$0x50];
	v2 =	vmul.f32 v2, v3;
	[tilespmem:s10+$0x0] =	vst v1  }
0x23f: {  	[tilespmem:s10+$0x30] =	vst v5;
	v1 =	vmul.f32 v4, v3  }
0x240: {  	v4 =	vmul.f32 v6, v3;
	[tilespmem:s10+$0x10] =	vst v2  }
0x241: {  	v2 =	vmul.f32 v7, v3;
	[tilespmem:s10+$0x70] =	vst v1  }
0x242: {  	v1 =	vmul.f32 v8, v3;
	[tilespmem:s10+$0x20] =	vst v4  }
0x243: {  	v3 =	vmul.f32 v9, v3;
	[tilespmem:s10+$0x60] =	vst v2  }
0x244: {  	[tilespmem:s10+$0x40] =	vst v1  }
0x245: {  	s0 =	simm.s32 $0xC00;
	s23 =	simm.s32 $0x600;
	[tilespmem:s10+$0x50] =	vst v3  }
0x246: {  	[spmem:s2] =	stream.indirect.scatter.add.f32 [tilespmem:s0], [sflag:$0xD], $0x80, s23, s13, $0xb8;
	[tilespmem:$0x1CC00] =	vst v63  }
0x247: {  	_ =	swait.ge [sflag:s20], $0x2000  }
0x248: {  	[sflag:s20] =	ssyncset.done $0x0  }
0x249: {  	s10 =	simm.s32 $0x10;
	[sflag:s20] =	ssyncadd.s32 $0xFFFFE000  }
0x24a: {  	_ =	swait.ge [sflag:s10], $0x2000  }
0x24b: {  	[sflag:s10] =	ssyncset.done $0x0  }
0x24c: {  	[sflag:s10] =	ssyncadd.s32 $0xFFFFE000  }
0x24d: {  	_ =	swait.ge [sflag:s15], $0x40  }
0x24e: {  	[sflag:s15] =	ssyncset.done $0x0  }
0x24f: {  	[sflag:s15] =	ssyncadd.s32 $0xFFFFFFC0  }
0x250: {  	_ =	swait.ge [sflag:s15], $0x40  }
0x251: {  	[sflag:s15] =	ssyncset.done $0x0  }
0x252: {  	[sflag:s15] =	ssyncadd.s32 $0xFFFFFFC0  }
0x253: {  	_ =	swait.ge [sflag:s15], $0x40  }
0x254: {  	s14 =	simm.s32 $0x6C00;
	[sflag:s15] =	ssyncset.done $0x0;
	s0 =	rddreg [dreg:$0x17]  }
0x255: {  	s16 =	simm.s32 $0x380;
	[sflag:s15] =	ssyncadd.s32 $0xFFFFFFC0;
	s0 =	sadd.s32 @!p0 s26, s0  }
0x256: {  	[tilespmem:s14], [sflag:$0xC] =	stream.indirect.gather [hbm4b:s7+s13], $0x80, s16, s13, $0xb8;
	[tilespmem:$0x1CC00] =	vst v63  }
0x257: {  	s23 =	simm.s32 $0x0;
	s0 =	sshrl.u32 @!p0 s0, $0x3  }
0x258: {  	v1 =	vmov s23;
	s14 =	simm.s32 @!p0 $0x0;
	s16 =	simm.s32 @!p0 $0x80;
	s10 =	sadd.s32 @!p0 s5, s0  }
0x259: {  	v1 =	vand.u32 $0xFFFFFFFE, v1;
	[tilespmem:s16], [sflag:$0x2] =	stream.linear.gather @!p0 [hbm4b:s10+s14], $0x40, $0x38;
	[tilespmem:$0x1CC00] =	vst v63  }
0x25a: {  	v2 =	vbroadcast v1, $0x0;
	s10 =	sadd.s32 @!p0 s1, s0;
	s16 =	simm.s32 @!p0 $0x480  }
0x25b: {  	[tilespmem:s16], [sflag:$0x2] =	stream.linear.gather @!p0 [hbm4b:s10+s14], $0x40, $0x38;
	[tilespmem:$0x1CC00] =	vst v63  }
0x25c: {  	s0 =	sadd.s32 @!p0 s6, s0;
	s10 =	simm.s32 @!p0 $0x880  }
0x25d: {  	[tilespmem:s10], [sflag:$0x2] =	stream.linear.gather @!p0 [hbm4b:s0+s14], $0x40, $0x38;
	[tilespmem:$0x1CC00] =	vst v63  }
0x25e: {  	s10 =	simm.s32 $0x2C80  }
0x25f: {  	v5 =	vld [tilespmem:s10+$0xFFFFFFF0]  }
0x260: {  	v6 =	vld.idx.msk [tilespmem:v2+s21+$0x0], $0xffff  }
0x261: {  	v7 =	vld [tilespmem:s10+$0xFFFFFF80]  }
0x262: {  	v62 =	vld [tilespmem:s10+$0xFFFFFFA0]  }
0x263: {  	v4 =	vld [tilespmem:s10+$0xFFFFFFB0]  }
0x264: {  	v3 =	vld [tilespmem:s10+$0xFFFFFFD0]  }
0x265: {  	v10 =	vld [tilespmem:s10+$0xFFFFFF90];
	v5 =	vmul.f32 v5, v6  }
0x266: {  	v63 =	vld [tilespmem:s10+$0xFFFFFFE0];
	v7 =	vmul.f32 v7, v6  }
0x267: {  	v11 =	vld [tilespmem:s10+$0xFFFFFFC0];
	v8 =	vmul.f32 v62, v6;
	[tilespmem:s10+$0xFFFFFFF0] =	vst v5  }
0x268: {  	v4 =	vmul.f32 v4, v6;
	[tilespmem:s10+$0xFFFFFF80] =	vst v7  }
0x269: {  	s23 =	simm.s32 $0x1;
	v3 =	vmul.f32 v3, v6;
	[tilespmem:s10+$0xFFFFFFA0] =	vst v8  }
0x26a: {  	v5 =	vmul.f32 v10, v6;
	[tilespmem:s10+$0xFFFFFFB0] =	vst v4;
	v7 =	vmov s23  }
0x26b: {  	v1 =	vld [tilespmem:s10+$0x0];
	v4 =	vmul.f32 v63, v6;
	[tilespmem:s10+$0xFFFFFFD0] =	vst v3  }
0x26c: {  	v2 =	vld [tilespmem:s10+$0x10];
	v3 =	vmul.f32 v11, v6;
	[tilespmem:s10+$0xFFFFFF90] =	vst v5  }
0x26d: {  	[tilespmem:s10+$0xFFFFFFE0] =	vst v4;
	v5 =	vld [tilespmem:s10+$0x30]  }
0x26e: {  	[tilespmem:s10+$0xFFFFFFC0] =	vst v3;
	v4 =	vld [tilespmem:s10+$0x70]  }
0x26f: {  	s16 =	simm.s32 $0x2;
	s14 =	simm.s32 $0x2C80;
	v3 =	vld.idx.msk [tilespmem:v7+s21+$0x0], $0xffff  }
.LBB2_15:
0x270: {  	p1 =	slt.u32 s16, $0x3E  }
0x271: {  	v6 =	vld [tilespmem:s10+$0x20];
	s14 =	sadd.s32 $0x100, s14;
	s0 =	smov.u32 s16;
	s16 =	sadd.s32 $0x2, s16  }
0x272: {  	v7 =	vld [tilespmem:s10+$0x40]  }
0x273: {  	v8 =	vld [tilespmem:s10+$0x50]  }
0x274: {  	v9 =	vld [tilespmem:s10+$0x60];
	_ =	sdelay $0x1  }
0x275: {  	v1 =	vmul.f32 v1, v3;
	v2 =	vmul.f32 v2, v3  }
0x276: {  	v5 =	vmul.f32 v5, v3;
	v6 =	vmul.f32 v6, v3  }
0x277: {  	v10 =	vmov s0;
	v7 =	vmul.f32 v7, v3;
	[tilespmem:s10+$0x0] =	vst v1;
	v8 =	vmul.f32 v8, v3  }
0x278: {  	v10 =	vand.u32 $0xFFFFFFFE, v10;
	v1 =	vld [tilespmem:s14+$0x0];
	[tilespmem:s10+$0x30] =	vst v5;
	v5 =	vmul.f32 v9, v3;
	v3 =	vmul.f32 v4, v3  }
0x279: {  	v4 =	vbroadcast v10, $0x0;
	[tilespmem:s10+$0x10] =	vst v2  }
0x27a: {  	[tilespmem:s10+$0x70] =	vst v3  }
0x27b: {  	v3 =	vld [tilespmem:s14+$0xFFFFFFD0];
	[tilespmem:s10+$0x20] =	vst v6  }
0x27c: {  	v6 =	vld [tilespmem:s14+$0xFFFFFFB0];
	[tilespmem:s10+$0x60] =	vst v5  }
0x27d: {  	v5 =	vld [tilespmem:s14+$0xFFFFFFE0];
	[tilespmem:s10+$0x40] =	vst v7  }
0x27e: {  	v7 =	vld [tilespmem:s14+$0xFFFFFFF0];
	[tilespmem:s10+$0x50] =	vst v8;
	s10 =	smov.u32 s14  }
0x27f: {  	v4 =	vld.idx.msk [tilespmem:v4+s21+$0x0], $0xffff  }
0x280: {  	v8 =	vld [tilespmem:s14+$0xFFFFFF80]  }
0x281: {  	v9 =	vld [tilespmem:s14+$0xFFFFFFA0]  }
0x282: {  	v10 =	vld [tilespmem:s14+$0xFFFFFF90]  }
0x283: {  	v11 =	vld [tilespmem:s14+$0xFFFFFFC0]  }
0x284: {  	v2 =	vld [tilespmem:s14+$0x10]  }
0x285: {  	v7 =	vmul.f32 v7, v4;
	v8 =	vmul.f32 v8, v4  }
0x286: {  	v5 =	vmul.f32 v5, v4;
	v9 =	vmul.f32 v9, v4  }
0x287: {  	v6 =	vmul.f32 v6, v4;
	v10 =	vmul.f32 v10, v4;
	[tilespmem:s14+$0xFFFFFFF0] =	vst v7  }
0x288: {  	v3 =	vmul.f32 v3, v4;
	[tilespmem:s14+$0xFFFFFF80] =	vst v8;
	v7 =	vmul.f32 v11, v4  }
0x289: {  	s0 =	sadd.s32 $0x1, s0;
	[tilespmem:s14+$0xFFFFFFA0] =	vst v9  }
0x28a: {  	[tilespmem:s14+$0xFFFFFFB0] =	vst v6;
	v6 =	vmov s0  }
.Ltmp6:
0x28b: {  	[tilespmem:s14+$0xFFFFFFD0] =	vst v3;
	(pc) =	sbr.rel @p1 .LBB2_15-.Ltmp6, $4  }
0x28c: {  	[tilespmem:s14+$0xFFFFFF90] =	vst v10  }
0x28d: {  	[tilespmem:s14+$0xFFFFFFE0] =	vst v5;
	v5 =	vld [tilespmem:s14+$0x30]  }
0x28e: {  	[tilespmem:s14+$0xFFFFFFC0] =	vst v7;
	v4 =	vld [tilespmem:s14+$0x70]  }
0x28f: {  	v3 =	vld.idx.msk [tilespmem:v6+s21+$0x0], $0xffff  }
0x290: {  	_ =	sdelay $0x2  }
0x291: {  	v6 =	vld [tilespmem:s10+$0x20]  }
0x292: {  	v7 =	vld [tilespmem:s10+$0x60];
	v1 =	vmul.f32 v1, v3  }
0x293: {  	v8 =	vld [tilespmem:s10+$0x40];
	v5 =	vmul.f32 v5, v3  }
0x294: {  	v9 =	vld [tilespmem:s10+$0x50];
	v2 =	vmul.f32 v2, v3;
	[tilespmem:s10+$0x0] =	vst v1  }
0x295: {  	[tilespmem:s10+$0x30] =	vst v5;
	v1 =	vmul.f32 v4, v3  }
0x296: {  	v4 =	vmul.f32 v6, v3;
	[tilespmem:s10+$0x10] =	vst v2  }
0x297: {  	v2 =	vmul.f32 v7, v3;
	[tilespmem:s10+$0x70] =	vst v1  }
0x298: {  	v1 =	vmul.f32 v8, v3;
	[tilespmem:s10+$0x20] =	vst v4  }
0x299: {  	v3 =	vmul.f32 v9, v3;
	[tilespmem:s10+$0x60] =	vst v2  }
0x29a: {  	[tilespmem:s10+$0x40] =	vst v1  }
0x29b: {  	s0 =	simm.s32 $0x2C00;
	s16 =	simm.s32 $0x680;
	[tilespmem:s10+$0x50] =	vst v3  }
0x29c: {  	[spmem:s2] =	stream.indirect.scatter.add.f32 [tilespmem:s0], [sflag:$0xE], $0x80, s16, s13, $0xb8;
	[tilespmem:$0x1CC00] =	vst v63  }
0x29d: {  	_ =	swait.ge [sflag:s22], $0x2000  }
0x29e: {  	[sflag:s22] =	ssyncset.done $0x0  }
0x29f: {  	s0 =	simm.s32 @!p0 $0xD;
	[sflag:s22] =	ssyncadd.s32 $0xFFFFE000  }
0x2a0: {  	_ =	swait.ge @!p0 [sflag:s0], $0x2000  }
0x2a1: {  	[sflag:s0] =	ssyncset.done @!p0 $0x0  }
0x2a2: {  	[sflag:s0] =	ssyncadd.s32 @!p0 $0xFFFFE000;
	s0 =	simm.s32 @!p0 $0x1  }
0x2a3: {  	_ =	swait.ge @!p0 [sflag:s0], $0x40  }
0x2a4: {  	[sflag:s0] =	ssyncset.done @!p0 $0x0  }
0x2a5: {  	[sflag:s0] =	ssyncadd.s32 @!p0 $0xFFFFFFC0  }
0x2a6: {  	_ =	swait.ge @!p0 [sflag:s0], $0x40  }
0x2a7: {  	[sflag:s0] =	ssyncset.done @!p0 $0x0  }
0x2a8: {  	[sflag:s0] =	ssyncadd.s32 @!p0 $0xFFFFFFC0  }
0x2a9: {  	_ =	swait.ge @!p0 [sflag:s0], $0x40  }
0x2aa: {  	s14 =	simm.s32 @!p0 $0xC00;
	[sflag:s0] =	ssyncset.done @!p0 $0x0  }
0x2ab: {  	s10 =	simm.s32 @!p0 $0x0;
	[sflag:s0] =	ssyncadd.s32 @!p0 $0xFFFFFFC0;
	s0 =	simm.s32 @!p0 $0x40  }
0x2ac: {  	[tilespmem:s14], [sflag:$0x9] =	stream.indirect.gather @!p0 [hbm4b:s7+s0], $0x80, s10, s0, $0xb8;
	[tilespmem:$0x1CC00] =	vst v63  }
0x2ad: {  	s0 =	rddreg [dreg:$0x18]  }
0x2ae: {  	s0 =	sadd.s32 @!p0 s26, s0  }
0x2af: {  	s23 =	simm.s32 $0x0;
	s0 =	sshrl.u32 @!p0 s0, $0x3  }
0x2b0: {  	v1 =	vmov s23;
	s16 =	simm.s32 @!p0 $0x100;
	s14 =	sadd.s32 @!p0 s5, s0  }
0x2b1: {  	v1 =	vand.u32 $0xFFFFFFFE, v1;
	[tilespmem:s16], [sflag:$0x3] =	stream.linear.gather @!p0 [hbm4b:s14+s10], $0x40, $0x38;
	[tilespmem:$0x1CC00] =	vst v63  }
0x2b2: {  	v2 =	vbroadcast v1, $0x0;
	s14 =	sadd.s32 @!p0 s1, s0;
	s16 =	simm.s32 @!p0 $0x500  }
0x2b3: {  	[tilespmem:s16], [sflag:$0x3] =	stream.linear.gather @!p0 [hbm4b:s14+s10], $0x40, $0x38;
	[tilespmem:$0x1CC00] =	vst v63  }
0x2b4: {  	s0 =	sadd.s32 @!p0 s6, s0;
	s14 =	simm.s32 @!p0 $0x900  }
0x2b5: {  	[tilespmem:s14], [sflag:$0x3] =	stream.linear.gather @!p0 [hbm4b:s0+s10], $0x40, $0x38;
	[tilespmem:$0x1CC00] =	vst v63  }
0x2b6: {  	s10 =	simm.s32 $0x4C80  }
0x2b7: {  	v5 =	vld [tilespmem:s10+$0xFFFFFFF0]  }
0x2b8: {  	v6 =	vld.idx.msk [tilespmem:v2+s28+$0x0], $0xffff  }
0x2b9: {  	v7 =	vld [tilespmem:s10+$0xFFFFFF80]  }
0x2ba: {  	v62 =	vld [tilespmem:s10+$0xFFFFFFA0]  }
0x2bb: {  	v4 =	vld [tilespmem:s10+$0xFFFFFFB0]  }
0x2bc: {  	v3 =	vld [tilespmem:s10+$0xFFFFFFD0]  }
0x2bd: {  	v10 =	vld [tilespmem:s10+$0xFFFFFF90];
	v5 =	vmul.f32 v5, v6  }
0x2be: {  	v63 =	vld [tilespmem:s10+$0xFFFFFFE0];
	v7 =	vmul.f32 v7, v6  }
0x2bf: {  	v11 =	vld [tilespmem:s10+$0xFFFFFFC0];
	v8 =	vmul.f32 v62, v6;
	[tilespmem:s10+$0xFFFFFFF0] =	vst v5  }
0x2c0: {  	v4 =	vmul.f32 v4, v6;
	[tilespmem:s10+$0xFFFFFF80] =	vst v7  }
0x2c1: {  	s23 =	simm.s32 $0x1;
	v3 =	vmul.f32 v3, v6;
	[tilespmem:s10+$0xFFFFFFA0] =	vst v8  }
0x2c2: {  	v5 =	vmul.f32 v10, v6;
	[tilespmem:s10+$0xFFFFFFB0] =	vst v4;
	v7 =	vmov s23  }
0x2c3: {  	v1 =	vld [tilespmem:s10+$0x0];
	v4 =	vmul.f32 v63, v6;
	[tilespmem:s10+$0xFFFFFFD0] =	vst v3  }
0x2c4: {  	v2 =	vld [tilespmem:s10+$0x10];
	v3 =	vmul.f32 v11, v6;
	[tilespmem:s10+$0xFFFFFF90] =	vst v5  }
0x2c5: {  	[tilespmem:s10+$0xFFFFFFE0] =	vst v4;
	v5 =	vld [tilespmem:s10+$0x30]  }
0x2c6: {  	[tilespmem:s10+$0xFFFFFFC0] =	vst v3;
	v4 =	vld [tilespmem:s10+$0x70]  }
0x2c7: {  	s16 =	simm.s32 $0x2;
	s14 =	simm.s32 $0x4C80;
	v3 =	vld.idx.msk [tilespmem:v7+s28+$0x0], $0xffff  }
.LBB2_17:
0x2c8: {  	p1 =	slt.u32 s16, $0x3E  }
0x2c9: {  	v6 =	vld [tilespmem:s10+$0x20];
	s14 =	sadd.s32 $0x100, s14;
	s0 =	smov.u32 s16;
	s16 =	sadd.s32 $0x2, s16  }
0x2ca: {  	v7 =	vld [tilespmem:s10+$0x40]  }
0x2cb: {  	v8 =	vld [tilespmem:s10+$0x50]  }
0x2cc: {  	v9 =	vld [tilespmem:s10+$0x60];
	_ =	sdelay $0x1  }
0x2cd: {  	v1 =	vmul.f32 v1, v3;
	v2 =	vmul.f32 v2, v3  }
0x2ce: {  	v5 =	vmul.f32 v5, v3;
	v6 =	vmul.f32 v6, v3  }
0x2cf: {  	v10 =	vmov s0;
	v7 =	vmul.f32 v7, v3;
	[tilespmem:s10+$0x0] =	vst v1;
	v8 =	vmul.f32 v8, v3  }
0x2d0: {  	v10 =	vand.u32 $0xFFFFFFFE, v10;
	v1 =	vld [tilespmem:s14+$0x0];
	[tilespmem:s10+$0x30] =	vst v5;
	v5 =	vmul.f32 v9, v3;
	v3 =	vmul.f32 v4, v3  }
0x2d1: {  	v4 =	vbroadcast v10, $0x0;
	[tilespmem:s10+$0x10] =	vst v2  }
0x2d2: {  	[tilespmem:s10+$0x70] =	vst v3  }
0x2d3: {  	v3 =	vld [tilespmem:s14+$0xFFFFFFD0];
	[tilespmem:s10+$0x20] =	vst v6  }
0x2d4: {  	v6 =	vld [tilespmem:s14+$0xFFFFFFB0];
	[tilespmem:s10+$0x60] =	vst v5  }
0x2d5: {  	v5 =	vld [tilespmem:s14+$0xFFFFFFE0];
	[tilespmem:s10+$0x40] =	vst v7  }
0x2d6: {  	v7 =	vld [tilespmem:s14+$0xFFFFFFF0];
	[tilespmem:s10+$0x50] =	vst v8;
	s10 =	smov.u32 s14  }
0x2d7: {  	v4 =	vld.idx.msk [tilespmem:v4+s28+$0x0], $0xffff  }
0x2d8: {  	v8 =	vld [tilespmem:s14+$0xFFFFFF80]  }
0x2d9: {  	v9 =	vld [tilespmem:s14+$0xFFFFFFA0]  }
0x2da: {  	v10 =	vld [tilespmem:s14+$0xFFFFFF90]  }
0x2db: {  	v11 =	vld [tilespmem:s14+$0xFFFFFFC0]  }
0x2dc: {  	v2 =	vld [tilespmem:s14+$0x10]  }
0x2dd: {  	v7 =	vmul.f32 v7, v4;
	v8 =	vmul.f32 v8, v4  }
0x2de: {  	v5 =	vmul.f32 v5, v4;
	v9 =	vmul.f32 v9, v4  }
0x2df: {  	v6 =	vmul.f32 v6, v4;
	v10 =	vmul.f32 v10, v4;
	[tilespmem:s14+$0xFFFFFFF0] =	vst v7  }
0x2e0: {  	v3 =	vmul.f32 v3, v4;
	[tilespmem:s14+$0xFFFFFF80] =	vst v8;
	v7 =	vmul.f32 v11, v4  }
0x2e1: {  	s0 =	sadd.s32 $0x1, s0;
	[tilespmem:s14+$0xFFFFFFA0] =	vst v9  }
0x2e2: {  	[tilespmem:s14+$0xFFFFFFB0] =	vst v6;
	v6 =	vmov s0  }
.Ltmp7:
0x2e3: {  	[tilespmem:s14+$0xFFFFFFD0] =	vst v3;
	(pc) =	sbr.rel @p1 .LBB2_17-.Ltmp7, $4  }
0x2e4: {  	[tilespmem:s14+$0xFFFFFF90] =	vst v10  }
0x2e5: {  	[tilespmem:s14+$0xFFFFFFE0] =	vst v5;
	v5 =	vld [tilespmem:s14+$0x30]  }
0x2e6: {  	[tilespmem:s14+$0xFFFFFFC0] =	vst v7;
	v4 =	vld [tilespmem:s14+$0x70]  }
0x2e7: {  	v3 =	vld.idx.msk [tilespmem:v6+s28+$0x0], $0xffff  }
0x2e8: {  	_ =	sdelay $0x2  }
0x2e9: {  	v6 =	vld [tilespmem:s10+$0x20]  }
0x2ea: {  	v7 =	vld [tilespmem:s10+$0x60];
	v1 =	vmul.f32 v1, v3  }
0x2eb: {  	v8 =	vld [tilespmem:s10+$0x40];
	v5 =	vmul.f32 v5, v3  }
0x2ec: {  	v9 =	vld [tilespmem:s10+$0x50];
	v2 =	vmul.f32 v2, v3;
	[tilespmem:s10+$0x0] =	vst v1  }
0x2ed: {  	[tilespmem:s10+$0x30] =	vst v5;
	v1 =	vmul.f32 v4, v3  }
0x2ee: {  	v4 =	vmul.f32 v6, v3;
	[tilespmem:s10+$0x10] =	vst v2  }
0x2ef: {  	v2 =	vmul.f32 v7, v3;
	[tilespmem:s10+$0x70] =	vst v1  }
0x2f0: {  	v1 =	vmul.f32 v8, v3;
	[tilespmem:s10+$0x20] =	vst v4  }
0x2f1: {  	v3 =	vmul.f32 v9, v3;
	[tilespmem:s10+$0x60] =	vst v2  }
0x2f2: {  	[tilespmem:s10+$0x40] =	vst v1  }
0x2f3: {  	s0 =	simm.s32 $0x4C00;
	s23 =	simm.s32 $0x700;
	[tilespmem:s10+$0x50] =	vst v3  }
0x2f4: {  	[spmem:s2] =	stream.indirect.scatter.add.f32 [tilespmem:s0], [sflag:$0xF], $0x80, s23, s13, $0xb8;
	[tilespmem:$0x1CC00] =	vst v63  }
0x2f5: {  	_ =	swait.ge [sflag:s29], $0x2000  }
0x2f6: {  	[sflag:s29] =	ssyncset.done $0x0  }
0x2f7: {  	s0 =	simm.s32 @!p0 $0xE;
	[sflag:s29] =	ssyncadd.s32 $0xFFFFE000  }
0x2f8: {  	_ =	swait.ge @!p0 [sflag:s0], $0x2000  }
0x2f9: {  	[sflag:s0] =	ssyncset.done @!p0 $0x0  }
0x2fa: {  	[sflag:s0] =	ssyncadd.s32 @!p0 $0xFFFFE000;
	s0 =	simm.s32 @!p0 $0x2  }
0x2fb: {  	_ =	swait.ge @!p0 [sflag:s0], $0x40  }
0x2fc: {  	[sflag:s0] =	ssyncset.done @!p0 $0x0  }
0x2fd: {  	[sflag:s0] =	ssyncadd.s32 @!p0 $0xFFFFFFC0  }
0x2fe: {  	_ =	swait.ge @!p0 [sflag:s0], $0x40  }
0x2ff: {  	[sflag:s0] =	ssyncset.done @!p0 $0x0  }
0x300: {  	[sflag:s0] =	ssyncadd.s32 @!p0 $0xFFFFFFC0  }
0x301: {  	_ =	swait.ge @!p0 [sflag:s0], $0x40  }
0x302: {  	s14 =	simm.s32 @!p0 $0x2C00;
	[sflag:s0] =	ssyncset.done @!p0 $0x0  }
0x303: {  	s10 =	simm.s32 @!p0 $0x80;
	[sflag:s0] =	ssyncadd.s32 @!p0 $0xFFFFFFC0;
	s0 =	simm.s32 @!p0 $0x40  }
0x304: {  	[tilespmem:s14], [sflag:$0xA] =	stream.indirect.gather @!p0 [hbm4b:s7+s0], $0x80, s10, s0, $0xb8;
	[tilespmem:$0x1CC00] =	vst v63  }
0x305: {  	s0 =	rddreg [dreg:$0x19]  }
0x306: {  	s0 =	sadd.s32 @!p0 s26, s0  }
0x307: {  	s23 =	simm.s32 $0x0;
	s0 =	sshrl.u32 @!p0 s0, $0x3  }
0x308: {  	s16 =	simm.s32 @!p0 $0x180;
	v1 =	vmov s23;
	s14 =	simm.s32 @!p0 $0x0;
	s10 =	sadd.s32 @!p0 s5, s0  }
0x309: {  	v1 =	vand.u32 $0xFFFFFFFE, v1;
	[tilespmem:s16], [sflag:$0x4] =	stream.linear.gather @!p0 [hbm4b:s10+s14], $0x40, $0x38;
	[tilespmem:$0x1CC00] =	vst v63  }
0x30a: {  	v2 =	vbroadcast v1, $0x0;
	s10 =	sadd.s32 @!p0 s1, s0;
	s16 =	simm.s32 @!p0 $0x580  }
0x30b: {  	[tilespmem:s16], [sflag:$0x4] =	stream.linear.gather @!p0 [hbm4b:s10+s14], $0x40, $0x38;
	[tilespmem:$0x1CC00] =	vst v63  }
0x30c: {  	s0 =	sadd.s32 @!p0 s6, s0;
	s10 =	simm.s32 @!p0 $0x980  }
0x30d: {  	[tilespmem:s10], [sflag:$0x4] =	stream.linear.gather @!p0 [hbm4b:s0+s14], $0x40, $0x38;
	[tilespmem:$0x1CC00] =	vst v63  }
0x30e: {  	s10 =	simm.s32 $0x6C80  }
0x30f: {  	v5 =	vld [tilespmem:s10+$0xFFFFFFF0]  }
0x310: {  	v6 =	vld.idx.msk [tilespmem:v2+s25+$0x0], $0xffff  }
0x311: {  	v7 =	vld [tilespmem:s10+$0xFFFFFF80]  }
0x312: {  	v62 =	vld [tilespmem:s10+$0xFFFFFFA0]  }
0x313: {  	v4 =	vld [tilespmem:s10+$0xFFFFFFB0]  }
0x314: {  	v3 =	vld [tilespmem:s10+$0xFFFFFFD0]  }
0x315: {  	v10 =	vld [tilespmem:s10+$0xFFFFFF90];
	v5 =	vmul.f32 v5, v6  }
0x316: {  	v63 =	vld [tilespmem:s10+$0xFFFFFFE0];
	v7 =	vmul.f32 v7, v6  }
0x317: {  	v11 =	vld [tilespmem:s10+$0xFFFFFFC0];
	v8 =	vmul.f32 v62, v6;
	[tilespmem:s10+$0xFFFFFFF0] =	vst v5  }
0x318: {  	v4 =	vmul.f32 v4, v6;
	[tilespmem:s10+$0xFFFFFF80] =	vst v7  }
0x319: {  	s26 =	simm.s32 $0x1;
	v3 =	vmul.f32 v3, v6;
	[tilespmem:s10+$0xFFFFFFA0] =	vst v8  }
0x31a: {  	v5 =	vmul.f32 v10, v6;
	[tilespmem:s10+$0xFFFFFFB0] =	vst v4;
	v7 =	vmov s26  }
0x31b: {  	v1 =	vld [tilespmem:s10+$0x0];
	v4 =	vmul.f32 v63, v6;
	[tilespmem:s10+$0xFFFFFFD0] =	vst v3  }
0x31c: {  	v2 =	vld [tilespmem:s10+$0x10];
	v3 =	vmul.f32 v11, v6;
	[tilespmem:s10+$0xFFFFFF90] =	vst v5  }
0x31d: {  	[tilespmem:s10+$0xFFFFFFE0] =	vst v4;
	v5 =	vld [tilespmem:s10+$0x30]  }
0x31e: {  	[tilespmem:s10+$0xFFFFFFC0] =	vst v3;
	v4 =	vld [tilespmem:s10+$0x70]  }
0x31f: {  	s16 =	simm.s32 $0x2;
	s14 =	simm.s32 $0x6C80;
	v3 =	vld.idx.msk [tilespmem:v7+s25+$0x0], $0xffff  }
.LBB2_19:
0x320: {  	p0 =	slt.u32 s16, $0x3E  }
0x321: {  	v6 =	vld [tilespmem:s10+$0x20];
	s14 =	sadd.s32 $0x100, s14;
	s0 =	smov.u32 s16;
	s16 =	sadd.s32 $0x2, s16  }
0x322: {  	v7 =	vld [tilespmem:s10+$0x40]  }
0x323: {  	v8 =	vld [tilespmem:s10+$0x50]  }
0x324: {  	v9 =	vld [tilespmem:s10+$0x60];
	_ =	sdelay $0x1  }
0x325: {  	v1 =	vmul.f32 v1, v3;
	v2 =	vmul.f32 v2, v3  }
0x326: {  	v5 =	vmul.f32 v5, v3;
	v6 =	vmul.f32 v6, v3  }
0x327: {  	v10 =	vmov s0;
	v7 =	vmul.f32 v7, v3;
	[tilespmem:s10+$0x0] =	vst v1;
	v8 =	vmul.f32 v8, v3  }
0x328: {  	v10 =	vand.u32 $0xFFFFFFFE, v10;
	v1 =	vld [tilespmem:s14+$0x0];
	[tilespmem:s10+$0x30] =	vst v5;
	v5 =	vmul.f32 v9, v3;
	v3 =	vmul.f32 v4, v3  }
0x329: {  	v4 =	vbroadcast v10, $0x0;
	[tilespmem:s10+$0x10] =	vst v2  }
0x32a: {  	[tilespmem:s10+$0x70] =	vst v3  }
0x32b: {  	v3 =	vld [tilespmem:s14+$0xFFFFFFD0];
	[tilespmem:s10+$0x20] =	vst v6  }
0x32c: {  	v6 =	vld [tilespmem:s14+$0xFFFFFFB0];
	[tilespmem:s10+$0x60] =	vst v5  }
0x32d: {  	v5 =	vld [tilespmem:s14+$0xFFFFFFE0];
	[tilespmem:s10+$0x40] =	vst v7  }
0x32e: {  	v7 =	vld [tilespmem:s14+$0xFFFFFFF0];
	[tilespmem:s10+$0x50] =	vst v8;
	s10 =	smov.u32 s14  }
0x32f: {  	v4 =	vld.idx.msk [tilespmem:v4+s25+$0x0], $0xffff  }
0x330: {  	v8 =	vld [tilespmem:s14+$0xFFFFFF80]  }
0x331: {  	v9 =	vld [tilespmem:s14+$0xFFFFFFA0]  }
0x332: {  	v10 =	vld [tilespmem:s14+$0xFFFFFF90]  }
0x333: {  	v11 =	vld [tilespmem:s14+$0xFFFFFFC0]  }
0x334: {  	v2 =	vld [tilespmem:s14+$0x10]  }
0x335: {  	v7 =	vmul.f32 v7, v4;
	v8 =	vmul.f32 v8, v4  }
0x336: {  	v5 =	vmul.f32 v5, v4;
	v9 =	vmul.f32 v9, v4  }
0x337: {  	v6 =	vmul.f32 v6, v4;
	v10 =	vmul.f32 v10, v4;
	[tilespmem:s14+$0xFFFFFFF0] =	vst v7  }
0x338: {  	v3 =	vmul.f32 v3, v4;
	[tilespmem:s14+$0xFFFFFF80] =	vst v8;
	v7 =	vmul.f32 v11, v4  }
0x339: {  	s0 =	sadd.s32 $0x1, s0;
	[tilespmem:s14+$0xFFFFFFA0] =	vst v9  }
0x33a: {  	[tilespmem:s14+$0xFFFFFFB0] =	vst v6;
	v6 =	vmov s0  }
.Ltmp8:
0x33b: {  	[tilespmem:s14+$0xFFFFFFD0] =	vst v3;
	(pc) =	sbr.rel @p0 .LBB2_19-.Ltmp8, $4  }
0x33c: {  	[tilespmem:s14+$0xFFFFFF90] =	vst v10  }
0x33d: {  	[tilespmem:s14+$0xFFFFFFE0] =	vst v5;
	v5 =	vld [tilespmem:s14+$0x30]  }
0x33e: {  	[tilespmem:s14+$0xFFFFFFC0] =	vst v7;
	v4 =	vld [tilespmem:s14+$0x70]  }
0x33f: {  	v3 =	vld.idx.msk [tilespmem:v6+s25+$0x0], $0xffff  }
0x340: {  	_ =	sdelay $0x1  }
0x341: {  	v6 =	vld [tilespmem:s10+$0x20];
	_ =	sdelay $0x1  }
0x342: {  	v7 =	vld [tilespmem:s10+$0x60];
	v1 =	vmul.f32 v1, v3  }
0x343: {  	v8 =	vld [tilespmem:s10+$0x40];
	v5 =	vmul.f32 v5, v3  }
0x344: {  	v9 =	vld [tilespmem:s10+$0x50];
	v2 =	vmul.f32 v2, v3;
	[tilespmem:s10+$0x0] =	vst v1  }
0x345: {  	v63 =	vmul.f32 v6, v3;
	[tilespmem:s10+$0x30] =	vst v5  }
0x346: {  	s4 =	sadd.s32 $0x1, s4;
	v1 =	vmul.f32 v4, v3;
	[tilespmem:s10+$0x10] =	vst v2  }
0x347: {  	p0 =	sne.s32 s4, $0x14;
	v2 =	vmul.f32 v7, v3;
	[tilespmem:s10+$0x20] =	vst v63  }
.Ltmp9:
0x348: {  	[tilespmem:s10+$0x70] =	vst v1;
	v1 =	vmul.f32 v8, v3;
	(pc) =	sbr.rel @p0 .LBB2_4-.Ltmp9, $4  }
0x349: {  	v3 =	vmul.f32 v9, v3;
	[tilespmem:s10+$0x60] =	vst v2  }
0x34a: {  	[tilespmem:s10+$0x40] =	vst v1  }
0x34b: {  	s0 =	simm.s32 $0x6C00;
	s26 =	simm.s32 $0x780;
	s23 =	simm.s32 $0x4C00;
	[tilespmem:s10+$0x50] =	vst v3  }
0x34c: {  	[spmem:s2] =	stream.indirect.scatter.add.f32 [tilespmem:s0], [sflag:$0x10], $0x80, s26, s13, $0xb8;
	[tilespmem:$0x1CC00] =	vst v63  }
0x34d: {  	s0 =	simm.s32 $0xD  }
0x34e: {  	_ =	swait.ge [sflag:s0], $0x2000  }
0x34f: {  	[sflag:s0] =	ssyncset.done $0x0  }
0x350: {  	s4 =	simm.s32 $0xE;
	[sflag:s0] =	ssyncadd.s32 $0xFFFFE000  }
0x351: {  	_ =	swait.ge [sflag:s4], $0x2000  }
0x352: {  	[sflag:s4] =	ssyncset.done $0x0  }
0x353: {  	s10 =	simm.s32 $0xF;
	[sflag:s4] =	ssyncadd.s32 $0xFFFFE000  }
0x354: {  	_ =	swait.ge [sflag:s10], $0x2000  }
0x355: {  	[sflag:s10] =	ssyncset.done $0x0  }
0x356: {  	s14 =	simm.s32 $0x10;
	[sflag:s10] =	ssyncadd.s32 $0xFFFFE000  }
0x357: {  	_ =	swait.ge [sflag:s14], $0x2000  }
0x358: {  	[sflag:s14] =	ssyncset.done $0x0  }
0x359: {  	[sflag:s14] =	ssyncadd.s32 $0xFFFFE000  }
0x35a: {  	s16 =	stileid.u32;
	[bflag:$0x0] =	sbarrier.arrive $0xFFFF  }
0x35b: {  	s0 =	sshll.u32 s16, $0x6;
	s16 =	rddreg [dreg:$0x5]  }
0x35c: {  	s0 =	sor.u32 $0x1C11, s0;
	s10 =	rddreg [dreg:$0x1a];
	s4 =	sshrl.u32 s16, $0x3  }
0x35d: {  	[hbm:s10], [sflag:s0] =	dma.local [spmem:s4], $0x2800  }
0x35e: {  	s10 =	simm.s32 $0x11  }
0x35f: {  	_ =	swait.ge [sflag:s10], $0x2800  }
0x360: {  	s14 =	rddreg [dreg:$0x4]  }
0x361: {  	s26 =	rddreg [dreg:$0x1b];
	s14 =	sadd.s32 $0x1, s14  }
0x362: {  	p0 =	sne.s32 s14, s26  }
.Ltmp10:
0x363: {  	_ = 	snop;
	(pc) =	sbr.rel @p0 .LBB2_1-.Ltmp10, $3  }
0x364: {  	_ =	sdelay $0x1  }
0x365: {  	[sflag:s10] =	ssyncset.done $0x0  }
0x366: {  	[sflag:s10] =	ssyncadd.s32 $0xFFFFD800  }
0x367: {  	_ =	sfence.sel $0x180000  }
0x368: {  	[bflag:$0x0] =	sbarrier.arrive $0xFFFF  }
0x369: {  	_ =	strace $0x9000004A  }
0x36a: {  	s0 =	stileid.u32;
	[bflag:$0x2] =	sbarrier.arrive $0xFFFF  }
0x36b: {  	p0 =	sne.s32 s0, $0x0;
	s0 =	rddreg [dreg:$0x3]  }
0x36c: {  	s0 =	sadd.s32 @!p0 $0x100000, s0  }
0x36d: {  	[sflag:s0] =	ssyncadd.tile.s32 @!p0 $0x1;
	_ =	shalt  }
.Lfunc_end2:
_tile_overlayer_lowered:
.L_overlay_start_2:
0x36e: {  	(tag) =	ssettag $0x2  }
0x36f: {  	s0 =	rddreg [dreg:$0x0];
	s2 =	stileid.u32  }
0x370: {  	s1 =	rddreg [dreg:$0x1];
	p0 =	sne.s32 s2, $0x0  }
0x371: {  	s3 =	rddreg [dreg:$0x2];
	[bflag:$0x3] =	sbarrier.arrive $0xFFFF;
	s2 =	simm.s32 @!p0 $0x1C11  }
0x372: {  	[timem:s3], [sflag:s2] =	dma.local @!p0 [hbm:s0], s1  }
0x373: {  	s0 =	simm.s32 @!p0 $0x11  }
0x374: {  	_ =	swait.ge @!p0 [sflag:s0], s1  }
0x375: {  	s1 =	ssub.s32 @!p0 $0x0, s1;
	[sflag:s0] =	ssyncset.done @!p0 $0x0  }
0x376: {  	[sflag:s0] =	ssyncadd.s32 @!p0 s1  }
0x377: {  	[bflag:$0x3] =	sbarrier.arrive $0xFFFF  }
0x378: {  	_ =	shalt  }

// kernel: kernel.7.cloned.1.call-start
scs
__scs_entry_jumppad:
0x0: {  	(pc) =	sbr.rel $0x88, $3  }
0x1: {  	(tag) =	ssettag $0x0;
	lr =	simm.s32 $0x1  }
0x2: {  	[smem:$0x3F9C] =	sst lr;
	_ =	strace $0xD0000000  }
0x3: {  	_ = 	snop  }
0x4: {  	_ = 	snop  }
0x5: {  	_ = 	snop  }
0x6: {  	_ = 	snop  }
0x7: {  	_ = 	snop  }
__scs_overlays_trampoline_lowered:
0x8: {  	[smem:$0x3FAB] =	sst s0  }
0x9: {  	[smem:$0x3FAC] =	sst s1  }
0xa: {  	[smem:$0x3FAD] =	sst s2  }
0xb: {  	[smem:$0x3FAE] =	sst s3  }
0xc: {  	[smem:$0x3FAF] =	sst s4  }
0xd: {  	[smem:$0x3FB0] =	sst s5  }
0xe: {  	[smem:$0x3FB1] =	sst s6  }
0xf: {  	[smem:$0x3FB2] =	sst s7  }
0x10: {  	[smem:$0x3FB3] =	sst s8  }
0x11: {  	[smem:$0x3FB4] =	sst s9;
	s0 =	simm.s32 @!p0 $0x0  }
0x12: {  	s1 =	sld [smem:$0x3F9A];
	s0 =	simm.s32 @p0 $0x1  }
0x13: {  	[smem:$0x3FB5] =	sst s0;
	s0 =	simm.s32 @!p1 $0x0  }
0x14: {  	s2 =	sld [smem:$0x3F99];
	s0 =	simm.s32 @p1 $0x1  }
0x15: {  	[smem:$0x3FB6] =	sst s0;
	s0 =	simm.s32 @!p2 $0x0  }
0x16: {  	s3 =	sld [smem:$0x3FDB];
	s0 =	simm.s32 @p2 $0x1  }
0x17: {  	s4 =	simm.s32 $0x1BF5;
	[smem:$0x3FB8] =	sst s0  }
0x18: {  	s0 =	sld [smem:$0x3F9B];
	_ =	swait.ge [sflag:s4], $0x0  }
0x19: {  	s7 =	sld [smem:$0x3F9C]  }
0x1a: {  	s8 =	sadd.s32 $0xFFFFE003, lr  }
0x1b: {  	s9 =	sadd.s32 $0xFFFFFEF7, lr;
	s5 =	simm.s32 $0xFFFFFFFF;
	p2 =	slt.u32 s8, $0xFFFFF086  }
0x1c: {  	p1 =	slt.u32 s9, $0xF7A;
	s5 =	simm.s32 @!p2 $0x0  }
0x1d: {  	s5 =	simm.s32 @p1 $0x1;
	p0 =	seq.s32 s7, s2  }
0x1e: {  	s7 =	smul.u32 @!p0 $0xF7A, s2;
	p2 =	seq.s32 @!p0 s5, $0x0  }
0x1f: {  	s9 =	smul.u32 $0xF7A, s1;
	s8 =	simm.s32 @!p0 $0x1BF5;
	p2 =	por !p2, p0  }
0x20: {  	[sflag:s8] =	ssyncset.s32 @!p0 $0xFFFFF086;
	s6 =	sadd.s32 @!p0 s3, s7;
	s7 =	simm.s32 @!p0 $0x108  }
0x21: {  	s3 =	sadd.s32 s3, s9;
	s6 =	sadd.s32 @!p0 $0x88, s6;
	s7 =	simm.s32 @p2 $0x1082  }
0x22: {  	[simem:s7], [sflag:s8] =	dma.local @!p0 [hbm:s6], $0xF7A  }
0x23: {  	s9 =	sor.u32 $0xD0000000, s2;
	s6 =	simm.s32 $0x108;
	_ =	swait.ge @!p0 [sflag:s8], $0x0  }
0x24: {  	s3 =	sadd.s32 $0x88, s3;
	s6 =	simm.s32 @!p1 $0x1082;
	[sflag:s4] =	ssyncset.s32 $0xFFFFF086  }
0x25: {  	[simem:s6], [sflag:s4] =	dma.local [hbm:s3], $0xF7A  }
0x26: {  	[smem:$0x3F9C] =	sst s1;
	(tag) =	ssettag s2;
	_ =	strace s9  }
0x27: {  	s1 =	sld [smem:$0x3FAC]  }
0x28: {  	s2 =	sld [smem:$0x3FAD]  }
0x29: {  	s4 =	sld [smem:$0x3FAF]  }
0x2a: {  	p0 =	seq.s32 s5, $0x0;
	s5 =	sld [smem:$0x3FB0]  }
0x2b: {  	s6 =	sld [smem:$0x3FB1]  }
0x2c: {  	s7 =	sld [smem:$0x3FB2]  }
0x2d: {  	s3 =	simm.s32 $0x108;
	s8 =	sld [smem:$0x3FB3]  }
0x2e: {  	s3 =	simm.s32 @!p0 $0x1082;
	s9 =	sld [smem:$0x3FB4]  }
0x2f: {  	lr =	sadd.s32 s0, s3;
	s0 =	sld [smem:$0x3FAB]  }
0x30: {  	s3 =	sld [smem:$0x3FAE]  }
0x31: {  	[smem:$0x3FB7] =	sst s10  }
0x32: {  	s10 =	sld [smem:$0x3FB5];
	_ =	sdelay $0x3  }
0x33: {  	p0 =	seq.s32 s10, $0x1;
	s10 =	sld [smem:$0x3FB7];
	_ =	sdelay $0x3  }
0x34: {  	[smem:$0x3FB7] =	sst s10  }
0x35: {  	s10 =	sld [smem:$0x3FB6];
	_ =	sdelay $0x3  }
0x36: {  	p1 =	seq.s32 s10, $0x1;
	s10 =	sld [smem:$0x3FB7];
	_ =	sdelay $0x3  }
0x37: {  	[smem:$0x3FB7] =	sst s10  }
0x38: {  	s10 =	sld [smem:$0x3FB8]  }
0x39: {  	_ = 	snop;
	(pc) =	sbr.ind lr, $3  }
0x3a: {  	_ = 	snop  }
0x3b: {  	_ = 	snop  }
0x3c: {  	p2 =	seq.s32 s10, $0x1;
	s10 =	sld [smem:$0x3FB7]  }
0x3d: {  	_ =	shalt  }
0x3e: {  	_ =	shalt  }
0x3f: {  	_ =	shalt  }
0x40: {  	_ =	shalt  }
0x41: {  	_ =	shalt  }
0x42: {  	_ =	shalt  }
0x43: {  	_ =	shalt  }
0x44: {  	_ =	shalt  }
0x45: {  	_ =	shalt  }
0x46: {  	_ =	shalt  }
0x47: {  	_ =	shalt  }
0x48: {  	_ =	shalt  }
0x49: {  	_ =	shalt  }
0x4a: {  	_ =	shalt  }
0x4b: {  	_ =	shalt  }
0x4c: {  	_ =	shalt  }
0x4d: {  	_ =	shalt  }
0x4e: {  	_ =	shalt  }
0x4f: {  	_ =	shalt  }
0x50: {  	_ =	shalt  }
0x51: {  	_ =	shalt  }
0x52: {  	_ =	shalt  }
0x53: {  	_ =	shalt  }
0x54: {  	_ =	shalt  }
0x55: {  	_ =	shalt  }
0x56: {  	_ =	shalt  }
0x57: {  	_ =	shalt  }
0x58: {  	_ =	shalt  }
0x59: {  	_ =	shalt  }
0x5a: {  	_ =	shalt  }
0x5b: {  	_ =	shalt  }
0x5c: {  	_ =	shalt  }
0x5d: {  	_ =	shalt  }
0x5e: {  	_ =	shalt  }
0x5f: {  	_ =	shalt  }
0x60: {  	_ =	shalt  }
0x61: {  	_ =	shalt  }
0x62: {  	_ =	shalt  }
0x63: {  	_ =	shalt  }
0x64: {  	_ =	shalt  }
0x65: {  	_ =	shalt  }
0x66: {  	_ =	shalt  }
0x67: {  	_ =	shalt  }
0x68: {  	_ =	shalt  }
0x69: {  	_ =	shalt  }
0x6a: {  	_ =	shalt  }
0x6b: {  	_ =	shalt  }
0x6c: {  	_ =	shalt  }
0x6d: {  	_ =	shalt  }
0x6e: {  	_ =	shalt  }
0x6f: {  	_ =	shalt  }
0x70: {  	_ =	shalt  }
0x71: {  	_ =	shalt  }
0x72: {  	_ =	shalt  }
0x73: {  	_ =	shalt  }
0x74: {  	_ =	shalt  }
0x75: {  	_ =	shalt  }
0x76: {  	_ =	shalt  }
0x77: {  	_ =	shalt  }
0x78: {  	_ =	shalt  }
0x79: {  	_ =	shalt  }
0x7a: {  	_ =	shalt  }
0x7b: {  	_ =	shalt  }
0x7c: {  	_ =	shalt  }
0x7d: {  	_ =	shalt  }
0x7e: {  	_ =	shalt  }
0x7f: {  	_ =	shalt  }
0x80: {  	_ =	shalt  }
0x81: {  	_ =	shalt  }
0x82: {  	_ =	shalt  }
0x83: {  	_ =	shalt  }
0x84: {  	_ =	shalt  }
0x85: {  	_ =	shalt  }
0x86: {  	_ =	shalt  }
0x87: {  	_ =	shalt  }
.Lfunc_end0:
.L_simem_size_0:
called_computation_lowered:
.L_overlay_start_0:
0x88: {  	s2 =	sld [smem:$0x3FD9]  }
0x89: {  	s3 =	sld [smem:$0x3FFE];
	_ =	sdelay $0x1  }
0x8a: {  	s1 =	srdreg.scid  }
0x8b: {  	s0 =	sand.u32 $0x1, s1  }
0x8c: {  	s17 =	sshll.u32 s0, $0xA;
	s2 =	sadd.s32 s3, s2  }
0x8d: {  	s2 =	sadd.s32 s2, s17  }
0x8e: {  	[smem:$0x3FC3] =	sst s2  }
0x8f: {  	_ = 	snop  }
0x90: {  	s2 =	sld [smem:$0x3FD0];
	(tm) =	ssettm $0x1  }
0x91: {  	s18 =	sld [smem:$0x3FFB];
	_ =	sdelay $0x3  }
0x92: {  	_ =	strace s18  }
0x93: {  	s3 =	sld [smem:$0x3FFC];
	_ =	sdelay $0x3  }
0x94: {  	_ =	strace s3  }
0x95: {  	s3 =	sld [smem:$0x3FFD];
	_ =	sdelay $0x3  }
0x96: {  	_ =	strace s3  }
0x97: {  	_ =	strace $0x8FFFFFFF  }
0x98: {  	s19 =	sld [smem:$0x3FDB];
	_ =	sdelay $0x1  }
0x99: {  	s4 =	simm.s32 $_scs_section_size  }
0x9a: {  	s5 =	simm.s32 $_size__tile_overlayer_lowered;
	s6 =	simm.s32 $_tile_overlayer_lowered  }
0x9b: {  	s22 =	simm.s32 $0x1BFF;
	s21 =	sshll.u32 s6, $0x1;
	s3 =	sadd.s32 s4, s19  }
0x9c: {  	s7 =	simm.s32 $0x0;
	s20 =	sshll.u32 s5, $0x1;
	s5 =	sadd.s32 s21, s3  }
0x9d: {  	[timem:s7], [sflag:s22] =	dma.local [hbm:s5], s20  }
0x9e: {  	_ =	swait.ge [sflag:s22], s20  }
0x9f: {  	s4 =	ssub.s32 $0x0, s20;
	[sflag:s22] =	ssyncset.done $0x0  }
0xa0: {  	[sflag:s22] =	ssyncadd.s32 s4;
	_ =	sdelay $0x1  }
0xa1: {  	s23 =	simm.s32 $0x1B8B  }
0xa2: {  	_ =	swait.ge [sflag:s23], $0x1  }
0xa3: {  	[sflag:s23] =	ssyncset.done $0x0  }
0xa4: {  	s25 =	simm.s32 $0x1B8E;
	s24 =	sld [smem:$0x3FFE];
	[sflag:s23] =	ssyncadd.s32 $0xFFFFFFFF  }
0xa5: {  	s26 =	simm.s32 $execute0_lowered;
	[smem:$0x3FD2] =	sst s25  }
0xa6: {  	s5 =	sshll.u32 s26, $0x1;
	_ =	strace $0x80000046;
	[dreg:$0x1] =	wrdreg $0xFFFFFFFF  }
0xa7: {  	s28 =	simm.s32 $_size_execute0_lowered;
	s3 =	sadd.s32 s3, s5;
	[dreg:$0x0] =	wrdreg $0x0  }
0xa8: {  	s5 =	sshll.u32 s28, $0x1;
	[dreg:$0x2] =	wrdreg s3  }
0xa9: {  	[dreg:$0x3] =	wrdreg s5  }
0xaa: {  	[dreg:$0x4] =	wrdreg $0xC0  }
0xab: {  	_ =	task [dreg:s7], $0x5FFFF  }
0xac: {  	[dreg:$0x1] =	wrdreg $0xFFFFFFFF  }
0xad: {  	[dreg:$0x0] =	wrdreg $0x60  }
0xae: {  	[dreg:$0x2] =	wrdreg s2  }
0xaf: {  	[dreg:$0x3] =	wrdreg s24  }
0xb0: {  	[dreg:$0x4] =	wrdreg $0x6800  }
0xb1: {  	[dreg:$0x5] =	wrdreg $0x9  }
0xb2: {  	_ =	task.clear_ibuf [dreg:s7], $0x6FFFF;
	_ =	strace $0x90000046  }
0xb3: {  	s29 =	simm.s32 $0x9;
	_ =	strace $0x80000048  }
0xb4: {  	_ =	swait.ge [sflag:s29], $0x1  }
0xb5: {  	[sflag:s29] =	ssyncadd.s32 $0xFFFFFFFF  }
0xb6: {  	_ =	strace $0x90000048  }
0xb7: {  	_ =	sfence  }
0xb8: {  	s30 =	sld [smem:$0x0];
	_ =	sdelay $0x2  }
0xb9: {  	s31 =	sshll.u32 s1, $0xD;
	s1 =	sshrl.u32 s1, $0x2  }
0xba: {  	s3 =	sand.u32 $0x4000, s31;
	s1 =	sadd.s32 s1, s30  }
0xbb: {  	s0 =	sor.u32 s3, s0;
	s1 =	sshll.u32 s1, $0x11  }
0xbc: {  	s0 =	sor.u32 s1, s0  }
0xbd: {  	s0 =	sadd.s32 $0x8F2B, s0  }
0xbe: {  	[sflag:s0] =	ssyncadd.remote.s32 $0x1  }
0xbf: {  	_ =	sfence.sel $0xFFFF  }
0xc0: {  	[dreg:$0x0] =	wrdreg $0xFFFFFFFF;
	(pc) =	sbr.abs _section_cstart, $3  }
0xc1: {  	[dreg:$0x1] =	wrdreg $0xFFFFFFFF  }
0xc2: {  	_ =	task.clear_ibuf [dreg:s7], $0x2FFFF;
	_ =	strace $0x9FFFFFFF  }
0xc3: {  	(tm) =	ssettm $0x7FFFFFFF  }
tec
execute0_lowered:
.L_overlay_start_1:
0x0: {  	(tag) =	ssettag $0x1  }
0x1: {  	s0 =	rddreg [dreg:$0x0]  }
0x2: {  	s4 =	rddreg [dreg:$0x1]  }
0x3: {  	s2 =	rddreg [dreg:$0x2];
	s3 =	simm.s32 $0x0;
	s1 =	stileid.u32  }
0x4: {  	s5 =	srdreg.scid;
	s30 =	simm.s32 $0x100;
	s6 =	smul.u32 $0x500, s1  }
0x5: {  	s28 =	simm.s32 $0x0;
	[smem:$0x7FF] =	sst s3;
	s31 =	smul.u32 $0xA00, s1  }
0x6: {  	s5 =	sand.u32 $0x1, s5;
	s8 =	sadd.s32 $0x2000, s4;
	s11 =	smul.u32 $0x2800, s1  }
0x7: {  	_ =	strace $0x80000047;
	s7 =	sshll.u32 s5, $0x7;
	s9 =	sshll.u32 s5, $0x4  }
0x8: {  	s10 =	smul.u32 $0x28000, s5;
	s5 =	ssub.s32 $0x2, s5;
	[dreg:$0xc] =	wrdreg s30  }
0x9: {  	s6 =	sor.u32 s7, s6;
	s9 =	sor.u32 s1, s9;
	s14 =	sshrl.u32 s5, $0x1  }
0xa: {  	s16 =	sshrl.u32 s31, $0x2;
	s31 =	simm.s32 $0x300;
	s6 =	sshrl.u32 s6, $0x3  }
0xb: {  	s15 =	smul.u32 $0x2800, s9;
	s13 =	ssub.s32 s5, s14;
	s17 =	sadd.s32 s11, s10  }
0xc: {  	[dreg:$0xd] =	wrdreg s31;
	s12 =	sadd.s32 s6, s4;
	s4 =	sadd.s32 s16, s2  }
0xd: {  	s10 =	sor.u32 $0x280, s17;
	s14 =	sor.u32 $0x200, s17;
	s21 =	sor.u32 $0x180, s17  }
0xe: {  	s7 =	sor.u32 $0x100, s17;
	s16 =	simm.s32 $0x1;
	s17 =	simm.s32 $0x180  }
0xf: {  	s9 =	sshrl.u32 s15, $0x3;
	s10 =	sshrl.u32 s10, $0x3;
	s19 =	sshrl.u32 s14, $0x3  }
0x10: {  	s23 =	sshrl.u32 s21, $0x3;
	s26 =	sshrl.u32 s7, $0x3;
	s14 =	simm.s32 $0x80  }
0x11: {  	s15 =	simm.s32 $0x280;
	s21 =	simm.s32 $0x5;
	s18 =	sadd.s32 s10, s8  }
0x12: {  	s5 =	sadd.s32 s0, s9;
	s10 =	sadd.s32 s10, s0;
	[dreg:$0x4] =	wrdreg s18  }
0x13: {  	s6 =	sadd.s32 s8, s9;
	s20 =	sadd.s32 s19, s8;
	[dreg:$0x5] =	wrdreg s10  }
0x14: {  	s9 =	sor.u32 $0x10, s9;
	s22 =	sadd.s32 s19, s0;
	[dreg:$0x6] =	wrdreg s20  }
0x15: {  	s24 =	sadd.s32 s23, s8;
	s25 =	sadd.s32 s23, s0;
	[dreg:$0x7] =	wrdreg s22  }
0x16: {  	s29 =	sadd.s32 s26, s8;
	s19 =	simm.s32 $0x2;
	[dreg:$0x8] =	wrdreg s24  }
0x17: {  	s23 =	simm.s32 $0x7;
	s7 =	sadd.s32 s0, s9;
	[dreg:$0x9] =	wrdreg s25  }
0x18: {  	s8 =	sadd.s32 s8, s9;
	[dreg:$0xa] =	wrdreg s29;
	s0 =	sadd.s32 s26, s0  }
0x19: {  	s9 =	sadd.s32 $0x16000, s12;
	s10 =	smax.u32 s13, $0x1;
	s12 =	simm.s32 $0x9  }
0x1a: {  	s13 =	simm.s32 $0x200;
	s18 =	simm.s32 $0x380;
	s20 =	simm.s32 $0x4  }
0x1b: {  	v0 =	vimm.f32 $0.0e+00;
	s22 =	simm.s32 $0x6;
	s24 =	simm.s32 $0x8;
	[dreg:$0xb] =	wrdreg s0  }
.LBB2_1:
0x1c: {  	[tilespmem:$0x400] =	vst v0  }
0x1d: {  	[tilespmem:$0x410] =	vst v0  }
0x1e: {  	[tilespmem:$0x420] =	vst v0  }
0x1f: {  	[tilespmem:$0x430] =	vst v0  }
0x20: {  	[tilespmem:$0x440] =	vst v0  }
0x21: {  	[tilespmem:$0x450] =	vst v0  }
0x22: {  	[tilespmem:$0x460] =	vst v0  }
0x23: {  	[tilespmem:$0x470] =	vst v0  }
0x24: {  	[tilespmem:$0x480] =	vst v0  }
0x25: {  	[tilespmem:$0x490] =	vst v0  }
0x26: {  	[tilespmem:$0x4A0] =	vst v0  }
0x27: {  	[tilespmem:$0x4B0] =	vst v0  }
0x28: {  	[tilespmem:$0x4C0] =	vst v0  }
0x29: {  	[tilespmem:$0x4D0] =	vst v0  }
0x2a: {  	[tilespmem:$0x4E0] =	vst v0  }
0x2b: {  	[tilespmem:$0x4F0] =	vst v0  }
0x2c: {  	[tilespmem:$0x500] =	vst v0  }
0x2d: {  	[tilespmem:$0x510] =	vst v0  }
0x2e: {  	[tilespmem:$0x520] =	vst v0  }
0x2f: {  	[tilespmem:$0x530] =	vst v0  }
0x30: {  	[tilespmem:$0x540] =	vst v0  }
0x31: {  	[tilespmem:$0x550] =	vst v0  }
0x32: {  	[tilespmem:$0x560] =	vst v0  }
0x33: {  	[tilespmem:$0x570] =	vst v0  }
0x34: {  	[tilespmem:$0x580] =	vst v0  }
0x35: {  	[tilespmem:$0x590] =	vst v0  }
0x36: {  	[tilespmem:$0x5A0] =	vst v0  }
0x37: {  	[tilespmem:$0x5B0] =	vst v0  }
0x38: {  	[tilespmem:$0x5C0] =	vst v0  }
0x39: {  	[tilespmem:$0x5D0] =	vst v0  }
0x3a: {  	[tilespmem:$0x5E0] =	vst v0  }
0x3b: {  	[tilespmem:$0x5F0] =	vst v0  }
0x3c: {  	[tilespmem:$0x600] =	vst v0  }
0x3d: {  	[tilespmem:$0x610] =	vst v0  }
0x3e: {  	[tilespmem:$0x620] =	vst v0  }
0x3f: {  	[tilespmem:$0x630] =	vst v0  }
0x40: {  	[tilespmem:$0x640] =	vst v0  }
0x41: {  	[tilespmem:$0x650] =	vst v0  }
0x42: {  	[tilespmem:$0x660] =	vst v0  }
0x43: {  	[tilespmem:$0x670] =	vst v0;
	s0 =	simm.s32 $0x400  }
0x44: {  	[spmem:s4] =	stream.linear.scatter [tilespmem:s0], [sflag:$0x9], $0x280, $0x38;
	[tilespmem:$0x900] =	vst v63  }
0x45: {  	_ =	swait.ge [sflag:s12], $0x280  }
0x46: {  	[sflag:s12] =	ssyncset.done $0x0  }
0x47: {  	[sflag:s12] =	ssyncadd.s32 $0xFFFFFD80  }
0x48: {  	[bflag:$0x0] =	sbarrier.arrive $0xFFFF  }
0x49: {  	[tilespmem:s3], [sflag:$0x1] =	stream.linear.gather [hbm4b:s5+s3], $0x80, $0x38;
	[tilespmem:$0x900] =	vst v63  }
0x4a: {  	p0 =	por $0x1, $0x1  }
0x4b: {  	[tilespmem:s13], [sflag:$0x1] =	stream.linear.gather [hbm4b:s6+s3], $0x80, $0x38;
	[tilespmem:$0x900] =	vst v63  }
0x4c: {  	p0 =	por p0, p0  }
0x4d: {  	[tilespmem:s14], [sflag:$0x2] =	stream.linear.gather [hbm4b:s7+s3], $0x80, $0x38;
	[tilespmem:$0x900] =	vst v63  }
0x4e: {  	s0 =	simm.s32 @!p0 $0x7  }
0x4f: {  	[tilespmem:s15], [sflag:$0x2] =	stream.linear.gather [hbm4b:s8+s3], $0x80, $0x38;
	[tilespmem:$0x900] =	vst v63  }
0x50: {  	_ =	swait.ge @!p0 [sflag:s0], $0x80  }
0x51: {  	s29 =	rddreg [dreg:$0xb]  }
0x52: {  	s30 =	rddreg [dreg:$0xc];
	[sflag:s0] =	ssyncset.done @!p0 $0x0  }
0x53: {  	s31 =	rddreg [dreg:$0xa];
	[sflag:s0] =	ssyncadd.s32 @!p0 $0xFFFFFF80;
	s11 =	sadd.s32 $0x0, s29  }
0x54: {  	[tilespmem:s30], [sflag:$0x3] =	stream.linear.gather [hbm4b:s11+s3], $0x80, $0x38;
	[tilespmem:$0x900] =	vst v63  }
0x55: {  	s29 =	rddreg [dreg:$0xd];
	s25 =	sadd.s32 $0x0, s31  }
0x56: {  	[tilespmem:s29], [sflag:$0x3] =	stream.linear.gather [hbm4b:s25+s3], $0x80, $0x38;
	[tilespmem:$0x900] =	vst v63  }
0x57: {  	_ =	swait.ge [sflag:s16], $0x80  }
0x58: {  	[sflag:s16] =	ssyncset.done $0x0  }
0x59: {  	[sflag:s16] =	ssyncadd.s32 $0xFFFFFF80  }
0x5a: {  	_ =	swait.ge [sflag:s16], $0x80  }
0x5b: {  	[sflag:s16] =	ssyncset.done $0x0  }
0x5c: {  	s0 =	simm.s32 @!p0 $0x8;
	[sflag:s16] =	ssyncadd.s32 $0xFFFFFF80  }
0x5d: {  	[spmem:s2] =	stream.indirect.scatter.add.f32 [tilespmem:s13], [sflag:$0x5], $0x1, s3, s14, $0xb8;
	[tilespmem:$0x900] =	vst v63  }
0x5e: {  	_ =	swait.ge @!p0 [sflag:s0], $0x80  }
0x5f: {  	s29 =	rddreg [dreg:$0x9];
	[sflag:s0] =	ssyncset.done @!p0 $0x0  }
0x60: {  	s30 =	rddreg [dreg:$0x8];
	[sflag:s0] =	ssyncadd.s32 @!p0 $0xFFFFFF80;
	s26 =	sadd.s32 $0x0, s29  }
0x61: {  	[tilespmem:s17], [sflag:$0x4] =	stream.linear.gather [hbm4b:s26+s3], $0x80, $0x38;
	[tilespmem:$0x900] =	vst v63  }
0x62: {  	s31 =	sadd.s32 $0x0, s30  }
0x63: {  	[tilespmem:s18], [sflag:$0x4] =	stream.linear.gather [hbm4b:s31+s3], $0x80, $0x38;
	[tilespmem:$0x900] =	vst v63  }
0x64: {  	_ =	swait.ge [sflag:s19], $0x80  }
0x65: {  	[sflag:s19] =	ssyncset.done $0x0  }
0x66: {  	[sflag:s19] =	ssyncadd.s32 $0xFFFFFF80  }
0x67: {  	_ =	swait.ge [sflag:s19], $0x80  }
0x68: {  	p0 =	por $0x0, $0x0;
	[sflag:s19] =	ssyncset.done $0x0  }
0x69: {  	s0 =	simm.s32 @p0 $0x3;
	[sflag:s19] =	ssyncadd.s32 $0xFFFFFF80  }
0x6a: {  	[spmem:s2] =	stream.indirect.scatter.add.f32 [tilespmem:s15], [sflag:$0x6], $0x1, s14, s14, $0xb8;
	[tilespmem:$0x900] =	vst v63  }
0x6b: {  	_ =	swait.ge @p0 [sflag:s0], $0x80  }
0x6c: {  	[sflag:s0] =	ssyncset.done @p0 $0x0  }
0x6d: {  	[sflag:s0] =	ssyncadd.s32 @p0 $0xFFFFFF80  }
0x6e: {  	_ =	swait.ge @p0 [sflag:s0], $0x80  }
0x6f: {  	s29 =	simm.s32 @p0 $0x300;
	s30 =	simm.s32 @p0 $0x80;
	[sflag:s0] =	ssyncset.done @p0 $0x0  }
0x70: {  	s31 =	simm.s32 @p0 $0x100;
	[sflag:s0] =	ssyncadd.s32 @p0 $0xFFFFFF80;
	s0 =	simm.s32 @!p0 $0x5  }
0x71: {  	[spmem:s2] =	stream.indirect.scatter.add.f32 @p0 [tilespmem:s29], [sflag:$0x7], $0x1, s31, s30, $0xb8;
	[tilespmem:$0x900] =	vst v63  }
0x72: {  	_ =	swait.ge @!p0 [sflag:s0], $0x80  }
0x73: {  	s29 =	rddreg [dreg:$0x7]  }
0x74: {  	[sflag:s0] =	ssyncset.done @!p0 $0x0;
	s30 =	rddreg [dreg:$0x6]  }
0x75: {  	[sflag:s0] =	ssyncadd.s32 @!p0 $0xFFFFFF80;
	s0 =	sadd.s32 @!p0 $0x0, s29;
	s29 =	simm.s32 @!p0 $0x0  }
0x76: {  	[tilespmem:s29], [sflag:$0x1] =	stream.linear.gather @!p0 [hbm4b:s0+s29], $0x80, $0x38;
	[tilespmem:$0x900] =	vst v63  }
0x77: {  	s31 =	simm.s32 @!p0 $0x3;
	s30 =	sadd.s32 @!p0 $0x0, s30;
	s0 =	simm.s32 @!p0 $0x200  }
0x78: {  	[tilespmem:s0], [sflag:$0x1] =	stream.linear.gather @!p0 [hbm4b:s30+s29], $0x80, $0x38;
	[tilespmem:$0x900] =	vst v63  }
0x79: {  	_ =	swait.ge @!p0 [sflag:s31], $0x80  }
0x7a: {  	[sflag:s31] =	ssyncset.done @!p0 $0x0  }
0x7b: {  	[sflag:s31] =	ssyncadd.s32 @!p0 $0xFFFFFF80  }
0x7c: {  	_ =	swait.ge @!p0 [sflag:s31], $0x80  }
0x7d: {  	s11 =	simm.s32 @!p0 $0x6;
	s0 =	simm.s32 @!p0 $0x100;
	[sflag:s31] =	ssyncset.done @!p0 $0x0  }
0x7e: {  	s30 =	simm.s32 @!p0 $0x300;
	[sflag:s31] =	ssyncadd.s32 @!p0 $0xFFFFFF80;
	s31 =	simm.s32 @!p0 $0x80  }
0x7f: {  	[spmem:s2] =	stream.indirect.scatter.add.f32 @!p0 [tilespmem:s30], [sflag:$0x7], $0x1, s0, s31, $0xb8;
	[tilespmem:$0x900] =	vst v63  }
0x80: {  	_ =	swait.ge @!p0 [sflag:s11], $0x80  }
0x81: {  	s0 =	rddreg [dreg:$0x5];
	[sflag:s11] =	ssyncset.done @!p0 $0x0  }
0x82: {  	s30 =	rddreg [dreg:$0x4];
	[sflag:s11] =	ssyncadd.s32 @!p0 $0xFFFFFF80;
	s0 =	sadd.s32 @!p0 $0x0, s0  }
0x83: {  	[tilespmem:s31], [sflag:$0x2] =	stream.linear.gather @!p0 [hbm4b:s0+s29], $0x80, $0x38;
	[tilespmem:$0x900] =	vst v63  }
0x84: {  	s11 =	sadd.s32 @!p0 $0x0, s30;
	s0 =	simm.s32 @!p0 $0x280  }
0x85: {  	[tilespmem:s0], [sflag:$0x2] =	stream.linear.gather @!p0 [hbm4b:s11+s29], $0x80, $0x38;
	[tilespmem:$0x900] =	vst v63  }
0x86: {  	_ =	swait.ge [sflag:s20], $0x80  }
0x87: {  	[sflag:s20] =	ssyncset.done $0x0  }
0x88: {  	p6 =	por $0x0, $0x0;
	[sflag:s20] =	ssyncadd.s32 $0xFFFFFF80  }
0x89: {  	s30 =	simm.s32 $0x80;
	p0 =	por p6, p6;
	_ =	swait.ge [sflag:s20], $0x80  }
0x8a: {  	s29 =	simm.s32 $0x40;
	s0 =	simm.s32 @!p0 $0x7;
	[sflag:s20] =	ssyncset.done $0x0  }
.LBB2_2:
0x8b: {  	[sflag:s20] =	ssyncadd.s32 $0xFFFFFF80  }
0x8c: {  	[spmem:s2] =	stream.indirect.scatter.add.f32 [tilespmem:s18], [sflag:$0x8], $0x1, s17, s14, $0xb8;
	[tilespmem:$0x900] =	vst v63  }
0x8d: {  	_ =	swait.ge @!p0 [sflag:s0], $0x80  }
0x8e: {  	s11 =	rddreg [dreg:$0xb]  }
0x8f: {  	s1 =	rddreg [dreg:$0xc];
	[sflag:s0] =	ssyncset.done @!p0 $0x0  }
0x90: {  	s25 =	rddreg [dreg:$0xa];
	[sflag:s0] =	ssyncadd.s32 @!p0 $0xFFFFFF80;
	s11 =	sadd.s32 s29, s11  }
0x91: {  	[tilespmem:s1], [sflag:$0x3] =	stream.linear.gather [hbm4b:s11+s3], $0x80, $0x38;
	[tilespmem:$0x900] =	vst v63  }
0x92: {  	s26 =	rddreg [dreg:$0xd];
	s1 =	sadd.s32 s29, s25  }
0x93: {  	[tilespmem:s26], [sflag:$0x3] =	stream.linear.gather [hbm4b:s1+s3], $0x80, $0x38;
	[tilespmem:$0x900] =	vst v63  }
0x94: {  	_ =	swait.ge [sflag:s16], $0x80  }
0x95: {  	[sflag:s16] =	ssyncset.done $0x0  }
0x96: {  	[sflag:s16] =	ssyncadd.s32 $0xFFFFFF80  }
0x97: {  	_ =	swait.ge [sflag:s16], $0x80  }
0x98: {  	[sflag:s16] =	ssyncset.done $0x0  }
0x99: {  	s0 =	simm.s32 @!p0 $0x8;
	[sflag:s16] =	ssyncadd.s32 $0xFFFFFF80  }
0x9a: {  	[spmem:s2] =	stream.indirect.scatter.add.f32 [tilespmem:s13], [sflag:$0x5], $0x1, s3, s14, $0xb8;
	[tilespmem:$0x900] =	vst v63  }
0x9b: {  	_ =	swait.ge @!p0 [sflag:s0], $0x80  }
0x9c: {  	s25 =	rddreg [dreg:$0x9];
	[sflag:s0] =	ssyncset.done @!p0 $0x0  }
0x9d: {  	s26 =	rddreg [dreg:$0x8];
	[sflag:s0] =	ssyncadd.s32 @!p0 $0xFFFFFF80;
	s25 =	sadd.s32 s29, s25  }
0x9e: {  	[tilespmem:s17], [sflag:$0x4] =	stream.linear.gather [hbm4b:s25+s3], $0x80, $0x38;
	[tilespmem:$0x900] =	vst v63  }
0x9f: {  	s26 =	sadd.s32 s29, s26  }
0xa0: {  	[tilespmem:s18], [sflag:$0x4] =	stream.linear.gather [hbm4b:s26+s3], $0x80, $0x38;
	[tilespmem:$0x900] =	vst v63  }
0xa1: {  	_ =	swait.ge [sflag:s19], $0x80  }
0xa2: {  	[sflag:s19] =	ssyncset.done $0x0  }
0xa3: {  	[sflag:s19] =	ssyncadd.s32 $0xFFFFFF80  }
0xa4: {  	p2 =	seq.s32 s30, $0x0;
	_ =	swait.ge [sflag:s19], $0x80  }
0xa5: {  	p0 =	por p2, p2;
	p2 =	seq.s32 s29, $0x4C0;
	[sflag:s19] =	ssyncset.done $0x0  }
0xa6: {  	s0 =	simm.s32 @p2 $0x3;
	[sflag:s19] =	ssyncadd.s32 $0xFFFFFF80  }
0xa7: {  	[spmem:s2] =	stream.indirect.scatter.add.f32 [tilespmem:s15], [sflag:$0x6], $0x1, s14, s14, $0xb8;
	[tilespmem:$0x900] =	vst v63  }
0xa8: {  	_ =	swait.ge @p2 [sflag:s0], $0x80  }
0xa9: {  	[sflag:s0] =	ssyncset.done @p2 $0x0  }
0xaa: {  	[sflag:s0] =	ssyncadd.s32 @p2 $0xFFFFFF80  }
0xab: {  	_ =	swait.ge @p2 [sflag:s0], $0x80  }
0xac: {  	s1 =	simm.s32 @p2 $0x300;
	s11 =	simm.s32 @p2 $0x80;
	[sflag:s0] =	ssyncset.done @p2 $0x0  }
0xad: {  	s25 =	simm.s32 @p2 $0x100;
	[sflag:s0] =	ssyncadd.s32 @p2 $0xFFFFFF80;
	s0 =	simm.s32 @!p2 $0x5  }
0xae: {  	[spmem:s2] =	stream.indirect.scatter.add.f32 @p2 [tilespmem:s1], [sflag:$0x7], $0x1, s25, s11, $0xb8;
	[tilespmem:$0x900] =	vst v63  }
0xaf: {  	_ =	swait.ge @!p2 [sflag:s0], $0x80  }
0xb0: {  	s1 =	rddreg [dreg:$0x7]  }
0xb1: {  	[sflag:s0] =	ssyncset.done @!p2 $0x0;
	s11 =	rddreg [dreg:$0x6]  }
0xb2: {  	[sflag:s0] =	ssyncadd.s32 @!p2 $0xFFFFFF80;
	s0 =	sadd.s32 @!p2 s29, s1;
	s1 =	simm.s32 @!p2 $0x0  }
0xb3: {  	[tilespmem:s1], [sflag:$0x1] =	stream.linear.gather @!p2 [hbm4b:s0+s1], $0x80, $0x38;
	[tilespmem:$0x900] =	vst v63  }
0xb4: {  	s25 =	simm.s32 @!p2 $0x200;
	s0 =	sadd.s32 @!p2 s29, s11;
	s11 =	simm.s32 @!p2 $0x3  }
0xb5: {  	[tilespmem:s25], [sflag:$0x1] =	stream.linear.gather @!p2 [hbm4b:s0+s1], $0x80, $0x38;
	[tilespmem:$0x900] =	vst v63  }
0xb6: {  	_ =	swait.ge @!p2 [sflag:s11], $0x80  }
0xb7: {  	[sflag:s11] =	ssyncset.done @!p2 $0x0  }
0xb8: {  	[sflag:s11] =	ssyncadd.s32 @!p2 $0xFFFFFF80  }
0xb9: {  	_ =	swait.ge @!p2 [sflag:s11], $0x80  }
0xba: {  	s26 =	simm.s32 @!p2 $0x6;
	s0 =	simm.s32 @!p2 $0x100;
	[sflag:s11] =	ssyncset.done @!p2 $0x0  }
0xbb: {  	s25 =	simm.s32 @!p2 $0x300;
	[sflag:s11] =	ssyncadd.s32 @!p2 $0xFFFFFF80;
	s11 =	simm.s32 @!p2 $0x80  }
0xbc: {  	[spmem:s2] =	stream.indirect.scatter.add.f32 @!p2 [tilespmem:s25], [sflag:$0x7], $0x1, s0, s11, $0xb8;
	[tilespmem:$0x900] =	vst v63  }
0xbd: {  	s31 =	smov.u32 s30;
	_ =	swait.ge @!p2 [sflag:s26], $0x80  }
0xbe: {  	s30 =	sadd.s32 $0x40, s30;
	s0 =	rddreg [dreg:$0x5];
	[sflag:s26] =	ssyncset.done @!p2 $0x0  }
0xbf: {  	s25 =	rddreg [dreg:$0x4];
	[sflag:s26] =	ssyncadd.s32 @!p2 $0xFFFFFF80;
	s0 =	sadd.s32 @!p2 s29, s0  }
0xc0: {  	[tilespmem:s11], [sflag:$0x2] =	stream.linear.gather @!p2 [hbm4b:s0+s1], $0x80, $0x38;
	[tilespmem:$0x900] =	vst v63  }
0xc1: {  	p1 =	sne.s32 s30, $0x500;
	s26 =	simm.s32 @!p2 $0x280;
	s0 =	sadd.s32 @!p2 s29, s25  }
0xc2: {  	[tilespmem:s26], [sflag:$0x2] =	stream.linear.gather @!p2 [hbm4b:s0+s1], $0x80, $0x38;
	[tilespmem:$0x900] =	vst v63  }
.Ltmp0:
0xc3: {  	_ =	swait.ge [sflag:s20], $0x80;
	(pc) =	sbr.rel @p1 .LBB2_2-.Ltmp0, $4  }
0xc4: {  	[sflag:s20] =	ssyncset.done $0x0  }
0xc5: {  	[sflag:s20] =	ssyncadd.s32 $0xFFFFFF80  }
0xc6: {  	_ =	swait.ge [sflag:s20], $0x80  }
0xc7: {  	s29 =	smov.u32 s31;
	s0 =	simm.s32 @!p0 $0x7;
	[sflag:s20] =	ssyncset.done $0x0  }
0xc8: {  	[sflag:s20] =	ssyncadd.s32 $0xFFFFFF80  }
0xc9: {  	[spmem:s2] =	stream.indirect.scatter.add.f32 [tilespmem:s18], [sflag:$0x8], $0x1, s17, s14, $0xb8;
	[tilespmem:$0x900] =	vst v63  }
0xca: {  	_ =	swait.ge @!p0 [sflag:s0], $0x80  }
0xcb: {  	s1 =	rddreg [dreg:$0xb]  }
0xcc: {  	s11 =	rddreg [dreg:$0xc];
	[sflag:s0] =	ssyncset.done @!p0 $0x0  }
0xcd: {  	s25 =	rddreg [dreg:$0xa];
	[sflag:s0] =	ssyncadd.s32 @!p0 $0xFFFFFF80;
	s30 =	sadd.s32 s29, s1  }
0xce: {  	[tilespmem:s11], [sflag:$0x3] =	stream.linear.gather [hbm4b:s30+s3], $0x80, $0x38;
	[tilespmem:$0x900] =	vst v63  }
0xcf: {  	s31 =	rddreg [dreg:$0xd];
	s26 =	sadd.s32 s29, s25  }
0xd0: {  	[tilespmem:s31], [sflag:$0x3] =	stream.linear.gather [hbm4b:s26+s3], $0x80, $0x38;
	[tilespmem:$0x900] =	vst v63  }
0xd1: {  	_ =	swait.ge [sflag:s16], $0x80  }
0xd2: {  	[sflag:s16] =	ssyncset.done $0x0  }
0xd3: {  	[sflag:s16] =	ssyncadd.s32 $0xFFFFFF80  }
0xd4: {  	_ =	swait.ge [sflag:s16], $0x80  }
0xd5: {  	[sflag:s16] =	ssyncset.done $0x0  }
0xd6: {  	s0 =	simm.s32 @!p0 $0x8;
	[sflag:s16] =	ssyncadd.s32 $0xFFFFFF80  }
0xd7: {  	[spmem:s2] =	stream.indirect.scatter.add.f32 [tilespmem:s13], [sflag:$0x5], $0x1, s3, s14, $0xb8;
	[tilespmem:$0x900] =	vst v63  }
0xd8: {  	_ =	swait.ge @!p0 [sflag:s0], $0x80  }
0xd9: {  	s30 =	rddreg [dreg:$0x9];
	[sflag:s0] =	ssyncset.done @!p0 $0x0  }
0xda: {  	s31 =	rddreg [dreg:$0x8];
	[sflag:s0] =	ssyncadd.s32 @!p0 $0xFFFFFF80;
	s1 =	sadd.s32 s29, s30  }
0xdb: {  	[tilespmem:s17], [sflag:$0x4] =	stream.linear.gather [hbm4b:s1+s3], $0x80, $0x38;
	[tilespmem:$0x900] =	vst v63  }
0xdc: {  	s25 =	sadd.s32 s29, s31  }
0xdd: {  	[tilespmem:s18], [sflag:$0x4] =	stream.linear.gather [hbm4b:s25+s3], $0x80, $0x38;
	[tilespmem:$0x900] =	vst v63  }
0xde: {  	_ =	swait.ge [sflag:s19], $0x80  }
0xdf: {  	[sflag:s19] =	ssyncset.done $0x0  }
0xe0: {  	[sflag:s19] =	ssyncadd.s32 $0xFFFFFF80  }
0xe1: {  	_ =	swait.ge [sflag:s19], $0x80  }
0xe2: {  	p0 =	seq.s32 s29, $0x4C0;
	[sflag:s19] =	ssyncset.done $0x0  }
0xe3: {  	s0 =	simm.s32 @p0 $0x3;
	[sflag:s19] =	ssyncadd.s32 $0xFFFFFF80  }
0xe4: {  	[spmem:s2] =	stream.indirect.scatter.add.f32 [tilespmem:s15], [sflag:$0x6], $0x1, s14, s14, $0xb8;
	[tilespmem:$0x900] =	vst v63  }
0xe5: {  	_ =	swait.ge @p0 [sflag:s0], $0x80  }
0xe6: {  	[sflag:s0] =	ssyncset.done @p0 $0x0  }
0xe7: {  	[sflag:s0] =	ssyncadd.s32 @p0 $0xFFFFFF80  }
0xe8: {  	_ =	swait.ge @p0 [sflag:s0], $0x80  }
0xe9: {  	s1 =	simm.s32 @p0 $0x300;
	s11 =	simm.s32 @p0 $0x80;
	[sflag:s0] =	ssyncset.done @p0 $0x0  }
0xea: {  	s25 =	simm.s32 @p0 $0x100;
	[sflag:s0] =	ssyncadd.s32 @p0 $0xFFFFFF80;
	s0 =	simm.s32 @!p0 $0x5  }
0xeb: {  	[spmem:s2] =	stream.indirect.scatter.add.f32 @p0 [tilespmem:s1], [sflag:$0x7], $0x1, s25, s11, $0xb8;
	[tilespmem:$0x900] =	vst v63  }
0xec: {  	_ =	swait.ge @!p0 [sflag:s0], $0x80  }
0xed: {  	s1 =	rddreg [dreg:$0x7]  }
0xee: {  	[sflag:s0] =	ssyncset.done @!p0 $0x0;
	s11 =	rddreg [dreg:$0x6]  }
0xef: {  	[sflag:s0] =	ssyncadd.s32 @!p0 $0xFFFFFF80;
	s0 =	sadd.s32 @!p0 s29, s1;
	s1 =	simm.s32 @!p0 $0x0  }
0xf0: {  	[tilespmem:s1], [sflag:$0x1] =	stream.linear.gather @!p0 [hbm4b:s0+s1], $0x80, $0x38;
	[tilespmem:$0x900] =	vst v63  }
0xf1: {  	s25 =	simm.s32 @!p0 $0x3;
	s11 =	sadd.s32 @!p0 s29, s11;
	s0 =	simm.s32 @!p0 $0x200  }
0xf2: {  	[tilespmem:s0], [sflag:$0x1] =	stream.linear.gather @!p0 [hbm4b:s11+s1], $0x80, $0x38;
	[tilespmem:$0x900] =	vst v63  }
0xf3: {  	_ =	swait.ge @!p0 [sflag:s25], $0x80  }
0xf4: {  	[sflag:s25] =	ssyncset.done @!p0 $0x0  }
0xf5: {  	[sflag:s25] =	ssyncadd.s32 @!p0 $0xFFFFFF80  }
0xf6: {  	_ =	swait.ge @!p0 [sflag:s25], $0x80  }
0xf7: {  	s26 =	simm.s32 @!p0 $0x6;
	s0 =	simm.s32 @!p0 $0x100;
	[sflag:s25] =	ssyncset.done @!p0 $0x0  }
0xf8: {  	s11 =	simm.s32 @!p0 $0x300;
	[sflag:s25] =	ssyncadd.s32 @!p0 $0xFFFFFF80;
	s25 =	simm.s32 @!p0 $0x80  }
0xf9: {  	[spmem:s2] =	stream.indirect.scatter.add.f32 @!p0 [tilespmem:s11], [sflag:$0x7], $0x1, s0, s25, $0xb8;
	[tilespmem:$0x900] =	vst v63  }
0xfa: {  	_ =	swait.ge @!p0 [sflag:s26], $0x80  }
0xfb: {  	s0 =	rddreg [dreg:$0x5];
	[sflag:s26] =	ssyncset.done @!p0 $0x0  }
0xfc: {  	s11 =	rddreg [dreg:$0x4];
	[sflag:s26] =	ssyncadd.s32 @!p0 $0xFFFFFF80;
	s0 =	sadd.s32 @!p0 s29, s0  }
0xfd: {  	[tilespmem:s25], [sflag:$0x2] =	stream.linear.gather @!p0 [hbm4b:s0+s1], $0x80, $0x38;
	[tilespmem:$0x900] =	vst v63  }
0xfe: {  	s0 =	sadd.s32 @!p0 s29, s11;
	s11 =	simm.s32 @!p0 $0x280  }
0xff: {  	[tilespmem:s11], [sflag:$0x2] =	stream.linear.gather @!p0 [hbm4b:s0+s1], $0x80, $0x38;
	[tilespmem:$0x900] =	vst v63  }
0x100: {  	_ =	swait.ge [sflag:s20], $0x80  }
0x101: {  	[sflag:s20] =	ssyncset.done $0x0  }
0x102: {  	[sflag:s20] =	ssyncadd.s32 $0xFFFFFF80  }
0x103: {  	_ =	swait.ge [sflag:s20], $0x80  }
0x104: {  	[sflag:s20] =	ssyncset.done $0x0  }
0x105: {  	[sflag:s20] =	ssyncadd.s32 $0xFFFFFF80  }
0x106: {  	[spmem:s2] =	stream.indirect.scatter.add.f32 [tilespmem:s18], [sflag:$0x8], $0x1, s17, s14, $0xb8;
	[tilespmem:$0x900] =	vst v63  }
0x107: {  	_ =	swait.ge [sflag:s21], $0x80  }
0x108: {  	[sflag:s21] =	ssyncset.done $0x0  }
0x109: {  	[sflag:s21] =	ssyncadd.s32 $0xFFFFFF80  }
0x10a: {  	_ =	swait.ge [sflag:s22], $0x80  }
0x10b: {  	[sflag:s22] =	ssyncset.done $0x0  }
0x10c: {  	[sflag:s22] =	ssyncadd.s32 $0xFFFFFF80  }
0x10d: {  	_ =	swait.ge [sflag:s23], $0x80  }
0x10e: {  	[sflag:s23] =	ssyncset.done $0x0  }
0x10f: {  	s28 =	sadd.s32 $0x1, s28;
	[sflag:s23] =	ssyncadd.s32 $0xFFFFFF80  }
0x110: {  	s30 =	simm.s32 $0x20;
	s31 =	simm.s32 $0x10;
	_ =	swait.ge [sflag:s24], $0x80  }
0x111: {  	s26 =	stileid.u32;
	s29 =	sshrl.u32 s4, $0x3;
	[sflag:s24] =	ssyncset.done $0x0  }
0x112: {  	s0 =	sshll.u32 s26, $0x6;
	p0 =	sne.s32 s28, s10;
	[sflag:s24] =	ssyncadd.s32 $0xFFFFFF80  }
.Ltmp1:
0x113: {  	s0 =	sor.u32 $0x1C09, s0;
	[bflag:$0x0] =	sbarrier.arrive $0xFFFF;
	(pc) =	sbr.rel @p0 .LBB2_1-.Ltmp1, $4  }
0x114: {  	[hbm:s9@s30], [sflag:s0] =	dma.strided [spmem:s29@s31], $0x50, s16, $0x10   }
0x115: {  	_ =	swait.ge [sflag:s12], $0x50  }
0x116: {  	[sflag:s12] =	ssyncset.done $0x0  }
0x117: {  	[sflag:s12] =	ssyncadd.s32 $0xFFFFFFB0  }
0x118: {  	_ =	sfence.sel $0x180000  }
0x119: {  	[bflag:$0x0] =	sbarrier.arrive $0xFFFF  }
0x11a: {  	_ =	strace $0x90000047  }
0x11b: {  	s0 =	stileid.u32;
	[bflag:$0x2] =	sbarrier.arrive $0xFFFF  }
0x11c: {  	p0 =	sne.s32 s0, $0x0;
	s0 =	rddreg [dreg:$0x3]  }
0x11d: {  	s0 =	sadd.s32 @!p0 $0x100000, s0  }
0x11e: {  	[sflag:s0] =	ssyncadd.tile.s32 @!p0 $0x1;
	_ =	shalt  }
.Lfunc_end2:
_tile_overlayer_lowered:
.L_overlay_start_2:
0x11f: {  	(tag) =	ssettag $0x2  }
0x120: {  	s0 =	rddreg [dreg:$0x0];
	s2 =	stileid.u32  }
0x121: {  	s1 =	rddreg [dreg:$0x1];
	p0 =	sne.s32 s2, $0x0  }
0x122: {  	s3 =	rddreg [dreg:$0x2];
	[bflag:$0x3] =	sbarrier.arrive $0xFFFF;
	s2 =	simm.s32 @!p0 $0x1C09  }
0x123: {  	[timem:s3], [sflag:s2] =	dma.local @!p0 [hbm:s0], s1  }
0x124: {  	s0 =	simm.s32 @!p0 $0x9  }
0x125: {  	_ =	swait.ge @!p0 [sflag:s0], s1  }
0x126: {  	s1 =	ssub.s32 @!p0 $0x0, s1;
	[sflag:s0] =	ssyncset.done @!p0 $0x0  }
0x127: {  	[sflag:s0] =	ssyncadd.s32 @!p0 s1  }
0x128: {  	[bflag:$0x3] =	sbarrier.arrive $0xFFFF  }
0x129: {  	_ =	shalt  }

</sc_bundles>
